<compile_context>
chip_gen: v7x
topology: tpu7x:2x2x1
jax: 0.10.2.dev20260603
libtpu: 0.0.44.dev20260713+nightly
codegen_flags: <defaults>
</compile_context>

<pallas_src>
import functools

import jax
import jax.numpy as jnp
from jax import lax
from jax.experimental import pallas as pl
from jax.experimental.pallas import tpu as pltpu
from jax.experimental.pallas import tpu_sc as plsc

NC = 2
NS = 16
NW = NC * NS
CW = 128
NBUF = 5
LEAD = 4


def _sc_gather_transposed(idx3, table):
    nw, nh, cw = idx3.shape
    v, d = table.shape
    ndt = d // 8
    nsteps = nh // NBUF
    assert nh % NBUF == 0 and nsteps >= 2 and LEAD < NBUF and cw == CW

    mesh = plsc.VectorSubcoreMesh(core_axis_name="c", subcore_axis_name="s")

    @functools.partial(
        pl.kernel,
        mesh=mesh,
        compiler_params=pltpu.CompilerParams(
            use_tc_tiling_on_sc=False, needs_layout_passes=False),
        out_type=jax.ShapeDtypeStruct((nh, ndt, nw, 8 * cw), jnp.float32),
        scratch_types=(
            [pltpu.VMEM((nh, cw), jnp.int32),
             pltpu.VMEM((NBUF, cw, d), jnp.float32),
             pltpu.VMEM((NBUF, ndt, 8 * cw), jnp.float32)]
            + [pltpu.SemaphoreType.DMA] * (2 * NBUF)
        ),
    )
    def k(idx_hbm, table_hbm, out_hbm, idx_v, rows_v, tr_v, *sems):
        gsem = sems[:NBUF]
        osem = sems[NBUF:]
        wid = lax.axis_index("s") * NC + lax.axis_index("c")
        pltpu.sync_copy(idx_hbm.at[wid], idx_v)

        lane = lax.iota(jnp.int32, 16)
        bidx = [lane + g * 16 for g in range(cw // 16)]

        def start_gather(j, b):
            pltpu.async_copy(table_hbm.at[idx_v.at[j]], rows_v.at[b], gsem[b])

        def wait_gather(j, b):
            pltpu.make_async_copy(
                table_hbm.at[idx_v.at[j]], rows_v.at[b], gsem[b]).wait()

        def out_slice(j):
            return out_hbm.at[j, :, wid]

        def start_ocopy(j, b):
            pltpu.async_copy(tr_v.at[b], out_slice(j), osem[b])

        def wait_ocopy(j, b):
            pltpu.make_async_copy(tr_v.at[b], out_slice(j), osem[b]).wait()

        def transpose(b):
            rows = rows_v.at[b]
            tr = tr_v.at[b]

            @plsc.parallel_loop(0, d, 1, unroll=8)
            def tbody(dd):
                rot = (lane + dd) & (d - 1)
                rot_q = rot >> 3
                rot_low = (rot & 7) * cw
                for g in range(cw // 16):
                    vals = plsc.load_gather(rows, [bidx[g], rot])
                    plsc.store_scatter(tr, [rot_q, rot_low + bidx[g]], vals)

        for bb in range(LEAD):
            start_gather(bb, bb)

        def round_body(s, carry):
            for bb in range(NBUF):
                j = s * NBUF + bb

                wait_gather(j, bb)

                @pl.when(j + LEAD < nh)
                def _():
                    start_gather(j + LEAD, (bb + LEAD) % NBUF)

                @pl.when(j >= NBUF)
                def _():
                    wait_ocopy(j - NBUF, bb)

                transpose(bb)
                start_ocopy(j, bb)
            return carry

        lax.fori_loop(0, nsteps, round_body, 0)

        for bb in range(NBUF):
            wait_ocopy((nsteps - 1) * NBUF + bb, bb)

    return k(idx3, table)


def kernel(x, embedding):
    bsz, hist = x.shape
    d = embedding.shape[1]
    idx3 = x.T.astype(jnp.int32).reshape(hist, NW, bsz // NW).transpose(1, 0, 2)
    out4 = _sc_gather_transposed(idx3, embedding)
    out5 = out4.reshape(hist, d // 8, NW, 8, bsz // NW)
    return out5.transpose(2, 4, 0, 1, 3).reshape(bsz, hist, d)

# --- scband reference (transcript-rebuilt; emitter-appended) ---
"""Pipeline reference for scband-embedding-layer-81939386073320 (READ-ONLY COPY).

The authoritative reference and input builder live on the scoring server;
editing this copy changes nothing except your own understanding.
"""

import jax, jax.numpy as jnp
import numpy as np
import math

VOCAB = 1000000
DIM = 64
BATCH = 4096
HIST = 200

def setup_inputs(seed: int = 0) -> dict:
    key = jax.random.key(seed)
    k_idx, k_emb = jax.random.split(key)
    x = jax.random.randint(k_idx, (BATCH, HIST), 0, VOCAB, dtype=jnp.int64 if jax.config.jax_enable_x64 else jnp.int32)
    # kaiming uniform with a=sqrt(5) on a (vocab, dim) matrix: bound = sqrt(6 / ((1 + a^2) * fan_in)), fan_in = dim
    gain = math.sqrt(2.0 / (1.0 + 5.0))
    bound = gain * math.sqrt(3.0 / DIM)
    embedding = jax.random.uniform(k_emb, (VOCAB, DIM), dtype=jnp.float32, minval=-bound, maxval=bound)
    return {"x": x, "embedding": embedding}

def reference(x, embedding):
    # EmbeddingLayer.forward: return self.embedding[x]
    return jnp.take(embedding, x, axis=0)

if __name__ == "__main__":
    import jax
    _d = setup_inputs()
    print(jax.jit(kernel)(*tuple(_d.values())))

</pallas_src>

<mosaic_0001>
#map = affine_map<(d0, d1) -> (0, 0, 0)>
#map1 = affine_map<(d0, d1) -> (0, 0)>
#map2 = affine_map<(d0, d1) -> (0, 0, 0, 0)>
module attributes {stable_mosaic.version = 14 : i64} {
  func.func @k(%arg0: i32, %arg1: i32, %arg2: memref<32x200x128xi32, #tpu.memory_space<hbm>>, %arg3: memref<1000000x64xf32, #tpu.memory_space<hbm>>, %arg4: memref<200x8x32x1024xf32, #tpu.memory_space<hbm>>, %arg5: memref<200x128xi32, #tpu.memory_space<vmem>>, %arg6: memref<5x128x64xf32, #tpu.memory_space<vmem>>, %arg7: memref<5x8x1024xf32, #tpu.memory_space<vmem>>, %arg8: memref<!tpu.dma_semaphore, #tpu.memory_space<semaphore_mem>>, %arg9: memref<!tpu.dma_semaphore, #tpu.memory_space<semaphore_mem>>, %arg10: memref<!tpu.dma_semaphore, #tpu.memory_space<semaphore_mem>>, %arg11: memref<!tpu.dma_semaphore, #tpu.memory_space<semaphore_mem>>, %arg12: memref<!tpu.dma_semaphore, #tpu.memory_space<semaphore_mem>>, %arg13: memref<!tpu.dma_semaphore, #tpu.memory_space<semaphore_mem>>, %arg14: memref<!tpu.dma_semaphore, #tpu.memory_space<semaphore_mem>>, %arg15: memref<!tpu.dma_semaphore, #tpu.memory_space<semaphore_mem>>, %arg16: memref<!tpu.dma_semaphore, #tpu.memory_space<semaphore_mem>>, %arg17: memref<!tpu.dma_semaphore, #tpu.memory_space<semaphore_mem>>) attributes {dimension_semantics = [#tpu.dimension_semantics<core_parallel>, #tpu.dimension_semantics<subcore_parallel>], iteration_bounds = array<i64: 2, 16>, scalar_prefetch = 0 : i64, scratch_operands = 13 : i64, tpu.core_type = #tpu.core_type<sc_vector_subcore>, window_params = [{transform_indices = #map}, {transform_indices = #map1}, {transform_indices = #map2}]} {
    %mul3A = arith.constant 2 : i32
    %mul3A_0 = arith.muli %arg1, %mul3A : i32
    %add3A = arith.addi %mul3A_0, %arg0 : i32
    "tpu.region"() ({
      %run_scoped3A = tpu.sem_alloc : memref<!tpu.dma_semaphore, #tpu.memory_space<semaphore_mem>>
      %dma_start3A_166 = arith.constant 0 : i32
      %dma_start3A_167 = arith.constant 0 : i32
      %dma_start3A_168 = tpu.memref_slice %arg2[%add3A, %dma_start3A_166, %dma_start3A_167] : memref<32x200x128xi32, #tpu.memory_space<hbm>> -> memref<1x200x128xi32, #tpu.memory_space<hbm>>
      %dma_start3A_169 = tpu.memref_squeeze %dma_start3A_168 : memref<1x200x128xi32, #tpu.memory_space<hbm>> -> memref<200x128xi32, #tpu.memory_space<hbm>>
      %dma_start3A_170 = arith.constant 0 : i32
      %dma_start3A_171 = arith.constant 0 : i32
      %dma_start3A_172 = tpu.memref_slice %arg2[%add3A, %dma_start3A_170, %dma_start3A_171] : memref<32x200x128xi32, #tpu.memory_space<hbm>> -> memref<1x200x128xi32, #tpu.memory_space<hbm>>
      %dma_start3A_173 = tpu.memref_squeeze %dma_start3A_172 : memref<1x200x128xi32, #tpu.memory_space<hbm>> -> memref<200x128xi32, #tpu.memory_space<hbm>>
      tpu.enqueue_dma source(%dma_start3A_173 : memref<200x128xi32, #tpu.memory_space<hbm>>) target(%arg5 : memref<200x128xi32, #tpu.memory_space<vmem>>) target_semaphore(%run_scoped3A : memref<!tpu.dma_semaphore, #tpu.memory_space<semaphore_mem>>)
      %dma_wait3A_174 = arith.constant 0 : i32
      %dma_wait3A_175 = arith.constant 0 : i32
      %dma_wait3A_176 = tpu.memref_slice %arg2[%add3A, %dma_wait3A_174, %dma_wait3A_175] : memref<32x200x128xi32, #tpu.memory_space<hbm>> -> memref<1x200x128xi32, #tpu.memory_space<hbm>>
      %dma_wait3A_177 = tpu.memref_squeeze %dma_wait3A_176 : memref<1x200x128xi32, #tpu.memory_space<hbm>> -> memref<200x128xi32, #tpu.memory_space<hbm>>
      %dma_wait3A_178 = arith.constant 0 : i32
      %dma_wait3A_179 = arith.constant 0 : i32
      %dma_wait3A_180 = tpu.memref_slice %arg2[%add3A, %dma_wait3A_178, %dma_wait3A_179] : memref<32x200x128xi32, #tpu.memory_space<hbm>> -> memref<1x200x128xi32, #tpu.memory_space<hbm>>
      %dma_wait3A_181 = tpu.memref_squeeze %dma_wait3A_180 : memref<1x200x128xi32, #tpu.memory_space<hbm>> -> memref<200x128xi32, #tpu.memory_space<hbm>>
      tpu.wait_dma2 semaphore(%run_scoped3A : memref<!tpu.dma_semaphore, #tpu.memory_space<semaphore_mem>>) src(%dma_wait3A_181 : memref<200x128xi32, #tpu.memory_space<hbm>>) dst(%arg5 : memref<200x128xi32, #tpu.memory_space<vmem>>)
      tpu.yield
    }) : () -> ()
    %iota3A = tpu.iota {dimensions = array<i32: 0>} : vector<16xi32>
    %add3A_1 = arith.constant 0 : i32
    %add3A_2 = vector.broadcast %add3A_1 : i32 to vector<16xi32>
    %add3A_3 = arith.addi %iota3A, %add3A_2 : vector<16xi32>
    %add3A_4 = arith.constant 16 : i32
    %add3A_5 = vector.broadcast %add3A_4 : i32 to vector<16xi32>
    %add3A_6 = arith.addi %iota3A, %add3A_5 : vector<16xi32>
    %add3A_7 = arith.constant 32 : i32
    %add3A_8 = vector.broadcast %add3A_7 : i32 to vector<16xi32>
    %add3A_9 = arith.addi %iota3A, %add3A_8 : vector<16xi32>
    %add3A_10 = arith.constant 48 : i32
    %add3A_11 = vector.broadcast %add3A_10 : i32 to vector<16xi32>
    %add3A_12 = arith.addi %iota3A, %add3A_11 : vector<16xi32>
    %add3A_13 = arith.constant 64 : i32
    %add3A_14 = vector.broadcast %add3A_13 : i32 to vector<16xi32>
    %add3A_15 = arith.addi %iota3A, %add3A_14 : vector<16xi32>
    %add3A_16 = arith.constant 80 : i32
    %add3A_17 = vector.broadcast %add3A_16 : i32 to vector<16xi32>
    %add3A_18 = arith.addi %iota3A, %add3A_17 : vector<16xi32>
    %add3A_19 = arith.constant 96 : i32
    %add3A_20 = vector.broadcast %add3A_19 : i32 to vector<16xi32>
    %add3A_21 = arith.addi %iota3A, %add3A_20 : vector<16xi32>
    %add3A_22 = arith.constant 112 : i32
    %add3A_23 = vector.broadcast %add3A_22 : i32 to vector<16xi32>
    %add3A_24 = arith.addi %iota3A, %add3A_23 : vector<16xi32>
    %dma_start3A = arith.constant 0 : i32
    %dma_start3A_25 = arith.constant 0 : i32
    %dma_start3A_26 = arith.constant 0 : i32
    %dma_start3A_27 = arith.constant 0 : i32
    %dma_start3A_28 = tpu.memref_slice %arg6[%dma_start3A_25, %dma_start3A_26, %dma_start3A_27] : memref<5x128x64xf32, #tpu.memory_space<vmem>> -> memref<1x128x64xf32, #tpu.memory_space<vmem>>
    %dma_start3A_29 = tpu.memref_squeeze %dma_start3A_28 : memref<1x128x64xf32, #tpu.memory_space<vmem>> -> memref<128x64xf32, #tpu.memory_space<vmem>>
    %dma_start3A_30 = arith.constant 0 : i32
    %dma_start3A_31 = tpu.memref_slice %arg5[%dma_start3A, %dma_start3A_30] : memref<200x128xi32, #tpu.memory_space<vmem>> -> memref<1x128xi32, #tpu.memory_space<vmem>>
    %dma_start3A_32 = tpu.memref_squeeze %dma_start3A_31 : memref<1x128xi32, #tpu.memory_space<vmem>> -> memref<128xi32, #tpu.memory_space<vmem>>
    %dma_start3A_33 = arith.constant 0 : i32
    %dma_start3A_34 = arith.constant 0 : i32
    %dma_start3A_35 = tpu.memref_slice %arg3[%dma_start3A_33, %dma_start3A_34] : memref<1000000x64xf32, #tpu.memory_space<hbm>> -> memref<1000000x64xf32, #tpu.memory_space<hbm>>
    tpu.enqueue_indirect_dma source(%dma_start3A_35 : memref<1000000x64xf32, #tpu.memory_space<hbm>>) target(%dma_start3A_29 : memref<128x64xf32, #tpu.memory_space<vmem>>) offsets(%dma_start3A_32 : memref<128xi32, #tpu.memory_space<vmem>>) semaphore(%arg8 : memref<!tpu.dma_semaphore, #tpu.memory_space<semaphore_mem>>)
    %dma_start3A_36 = arith.constant 1 : i32
    %dma_start3A_37 = arith.constant 1 : i32
    %dma_start3A_38 = arith.constant 0 : i32
    %dma_start3A_39 = arith.constant 0 : i32
    %dma_start3A_40 = tpu.memref_slice %arg6[%dma_start3A_37, %dma_start3A_38, %dma_start3A_39] : memref<5x128x64xf32, #tpu.memory_space<vmem>> -> memref<1x128x64xf32, #tpu.memory_space<vmem>>
    %dma_start3A_41 = tpu.memref_squeeze %dma_start3A_40 : memref<1x128x64xf32, #tpu.memory_space<vmem>> -> memref<128x64xf32, #tpu.memory_space<vmem>>
    %dma_start3A_42 = arith.constant 0 : i32
    %dma_start3A_43 = tpu.memref_slice %arg5[%dma_start3A_36, %dma_start3A_42] : memref<200x128xi32, #tpu.memory_space<vmem>> -> memref<1x128xi32, #tpu.memory_space<vmem>>
    %dma_start3A_44 = tpu.memref_squeeze %dma_start3A_43 : memref<1x128xi32, #tpu.memory_space<vmem>> -> memref<128xi32, #tpu.memory_space<vmem>>
    %dma_start3A_45 = arith.constant 0 : i32
    %dma_start3A_46 = arith.constant 0 : i32
    %dma_start3A_47 = tpu.memref_slice %arg3[%dma_start3A_45, %dma_start3A_46] : memref<1000000x64xf32, #tpu.memory_space<hbm>> -> memref<1000000x64xf32, #tpu.memory_space<hbm>>
    tpu.enqueue_indirect_dma source(%dma_start3A_47 : memref<1000000x64xf32, #tpu.memory_space<hbm>>) target(%dma_start3A_41 : memref<128x64xf32, #tpu.memory_space<vmem>>) offsets(%dma_start3A_44 : memref<128xi32, #tpu.memory_space<vmem>>) semaphore(%arg9 : memref<!tpu.dma_semaphore, #tpu.memory_space<semaphore_mem>>)
    %dma_start3A_48 = arith.constant 2 : i32
    %dma_start3A_49 = arith.constant 2 : i32
    %dma_start3A_50 = arith.constant 0 : i32
    %dma_start3A_51 = arith.constant 0 : i32
    %dma_start3A_52 = tpu.memref_slice %arg6[%dma_start3A_49, %dma_start3A_50, %dma_start3A_51] : memref<5x128x64xf32, #tpu.memory_space<vmem>> -> memref<1x128x64xf32, #tpu.memory_space<vmem>>
    %dma_start3A_53 = tpu.memref_squeeze %dma_start3A_52 : memref<1x128x64xf32, #tpu.memory_space<vmem>> -> memref<128x64xf32, #tpu.memory_space<vmem>>
    %dma_start3A_54 = arith.constant 0 : i32
    %dma_start3A_55 = tpu.memref_slice %arg5[%dma_start3A_48, %dma_start3A_54] : memref<200x128xi32, #tpu.memory_space<vmem>> -> memref<1x128xi32, #tpu.memory_space<vmem>>
    %dma_start3A_56 = tpu.memref_squeeze %dma_start3A_55 : memref<1x128xi32, #tpu.memory_space<vmem>> -> memref<128xi32, #tpu.memory_space<vmem>>
    %dma_start3A_57 = arith.constant 0 : i32
    %dma_start3A_58 = arith.constant 0 : i32
    %dma_start3A_59 = tpu.memref_slice %arg3[%dma_start3A_57, %dma_start3A_58] : memref<1000000x64xf32, #tpu.memory_space<hbm>> -> memref<1000000x64xf32, #tpu.memory_space<hbm>>
    tpu.enqueue_indirect_dma source(%dma_start3A_59 : memref<1000000x64xf32, #tpu.memory_space<hbm>>) target(%dma_start3A_53 : memref<128x64xf32, #tpu.memory_space<vmem>>) offsets(%dma_start3A_56 : memref<128xi32, #tpu.memory_space<vmem>>) semaphore(%arg10 : memref<!tpu.dma_semaphore, #tpu.memory_space<semaphore_mem>>)
    %dma_start3A_60 = arith.constant 3 : i32
    %dma_start3A_61 = arith.constant 3 : i32
    %dma_start3A_62 = arith.constant 0 : i32
    %dma_start3A_63 = arith.constant 0 : i32
    %dma_start3A_64 = tpu.memref_slice %arg6[%dma_start3A_61, %dma_start3A_62, %dma_start3A_63] : memref<5x128x64xf32, #tpu.memory_space<vmem>> -> memref<1x128x64xf32, #tpu.memory_space<vmem>>
    %dma_start3A_65 = tpu.memref_squeeze %dma_start3A_64 : memref<1x128x64xf32, #tpu.memory_space<vmem>> -> memref<128x64xf32, #tpu.memory_space<vmem>>
    %dma_start3A_66 = arith.constant 0 : i32
    %dma_start3A_67 = tpu.memref_slice %arg5[%dma_start3A_60, %dma_start3A_66] : memref<200x128xi32, #tpu.memory_space<vmem>> -> memref<1x128xi32, #tpu.memory_space<vmem>>
    %dma_start3A_68 = tpu.memref_squeeze %dma_start3A_67 : memref<1x128xi32, #tpu.memory_space<vmem>> -> memref<128xi32, #tpu.memory_space<vmem>>
    %dma_start3A_69 = arith.constant 0 : i32
    %dma_start3A_70 = arith.constant 0 : i32
    %dma_start3A_71 = tpu.memref_slice %arg3[%dma_start3A_69, %dma_start3A_70] : memref<1000000x64xf32, #tpu.memory_space<hbm>> -> memref<1000000x64xf32, #tpu.memory_space<hbm>>
    tpu.enqueue_indirect_dma source(%dma_start3A_71 : memref<1000000x64xf32, #tpu.memory_space<hbm>>) target(%dma_start3A_65 : memref<128x64xf32, #tpu.memory_space<vmem>>) offsets(%dma_start3A_68 : memref<128xi32, #tpu.memory_space<vmem>>) semaphore(%arg11 : memref<!tpu.dma_semaphore, #tpu.memory_space<semaphore_mem>>)
    %scan3A = arith.constant 0 : i32
    %scan3A_72 = arith.constant 0 : i32
    %scan3A_73 = arith.constant 40 : i32
    %scan3A_74 = arith.addi %scan3A_72, %scan3A_73 : i32
    %scan3A_75 = arith.constant 1 : i32
    scf.for %scan3A_166 = %scan3A_72 to %scan3A_74 step %scan3A_75  : i32 {
      %mul3A_167 = arith.constant 5 : i32
      %mul3A_168 = arith.muli %scan3A_166, %mul3A_167 : i32
      %add3A_169 = arith.constant 0 : i32
      %add3A_170 = arith.addi %mul3A_168, %add3A_169 : i32
      %dma_wait3A_171 = arith.constant 0 : i32
      %dma_wait3A_172 = arith.constant 0 : i32
      %dma_wait3A_173 = arith.constant 0 : i32
      %dma_wait3A_174 = tpu.memref_slice %arg6[%dma_wait3A_171, %dma_wait3A_172, %dma_wait3A_173] : memref<5x128x64xf32, #tpu.memory_space<vmem>> -> memref<1x128x64xf32, #tpu.memory_space<vmem>>
      %dma_wait3A_175 = tpu.memref_squeeze %dma_wait3A_174 : memref<1x128x64xf32, #tpu.memory_space<vmem>> -> memref<128x64xf32, #tpu.memory_space<vmem>>
      %dma_wait3A_176 = arith.constant 0 : i32
      %dma_wait3A_177 = tpu.memref_slice %arg5[%add3A_170, %dma_wait3A_176] : memref<200x128xi32, #tpu.memory_space<vmem>> -> memref<1x128xi32, #tpu.memory_space<vmem>>
      %dma_wait3A_178 = tpu.memref_squeeze %dma_wait3A_177 : memref<1x128xi32, #tpu.memory_space<vmem>> -> memref<128xi32, #tpu.memory_space<vmem>>
      %dma_wait3A_179 = arith.constant 0 : i32
      %dma_wait3A_180 = arith.constant 0 : i32
      %dma_wait3A_181 = tpu.memref_slice %arg3[%dma_wait3A_179, %dma_wait3A_180] : memref<1000000x64xf32, #tpu.memory_space<hbm>> -> memref<1000000x64xf32, #tpu.memory_space<hbm>>
      tpu.wait_indirect_dma semaphore(%arg8 : memref<!tpu.dma_semaphore, #tpu.memory_space<semaphore_mem>>) src(%dma_wait3A_181 : memref<1000000x64xf32, #tpu.memory_space<hbm>>) dst(%dma_wait3A_175 : memref<128x64xf32, #tpu.memory_space<vmem>>)
      %add3A_182 = arith.constant 4 : i32
      %add3A_183 = arith.addi %add3A_170, %add3A_182 : i32
      %lt3A = arith.constant 200 : i32
      %lt3A_184 = arith.cmpi slt, %add3A_183, %lt3A : i32
      %convert_element_type3A = arith.extui %lt3A_184 : i1 to i32
      %cond3A = arith.constant 0 : i32
      %cond3A_185 = arith.cmpi ne, %convert_element_type3A, %cond3A : i32
      scf.if %cond3A_185 {
        %add3A_407 = arith.constant 4 : i32
        %add3A_408 = arith.addi %add3A_170, %add3A_407 : i32
        %dma_start3A_409 = arith.constant 4 : i32
        %dma_start3A_410 = arith.constant 0 : i32
        %dma_start3A_411 = arith.constant 0 : i32
        %dma_start3A_412 = tpu.memref_slice %arg6[%dma_start3A_409, %dma_start3A_410, %dma_start3A_411] : memref<5x128x64xf32, #tpu.memory_space<vmem>> -> memref<1x128x64xf32, #tpu.memory_space<vmem>>
        %dma_start3A_413 = tpu.memref_squeeze %dma_start3A_412 : memref<1x128x64xf32, #tpu.memory_space<vmem>> -> memref<128x64xf32, #tpu.memory_space<vmem>>
        %dma_start3A_414 = arith.constant 0 : i32
        %dma_start3A_415 = tpu.memref_slice %arg5[%add3A_408, %dma_start3A_414] : memref<200x128xi32, #tpu.memory_space<vmem>> -> memref<1x128xi32, #tpu.memory_space<vmem>>
        %dma_start3A_416 = tpu.memref_squeeze %dma_start3A_415 : memref<1x128xi32, #tpu.memory_space<vmem>> -> memref<128xi32, #tpu.memory_space<vmem>>
        %dma_start3A_417 = arith.constant 0 : i32
        %dma_start3A_418 = arith.constant 0 : i32
        %dma_start3A_419 = tpu.memref_slice %arg3[%dma_start3A_417, %dma_start3A_418] : memref<1000000x64xf32, #tpu.memory_space<hbm>> -> memref<1000000x64xf32, #tpu.memory_space<hbm>>
        tpu.enqueue_indirect_dma source(%dma_start3A_419 : memref<1000000x64xf32, #tpu.memory_space<hbm>>) target(%dma_start3A_413 : memref<128x64xf32, #tpu.memory_space<vmem>>) offsets(%dma_start3A_416 : memref<128xi32, #tpu.memory_space<vmem>>) semaphore(%arg12 : memref<!tpu.dma_semaphore, #tpu.memory_space<semaphore_mem>>)
      } else {
      }
      %ge3A = arith.constant 5 : i32
      %ge3A_186 = arith.cmpi sge, %add3A_170, %ge3A : i32
      %convert_element_type3A_187 = arith.extui %ge3A_186 : i1 to i32
      %cond3A_188 = arith.constant 0 : i32
      %cond3A_189 = arith.cmpi ne, %convert_element_type3A_187, %cond3A_188 : i32
      scf.if %cond3A_189 {
        %sub3A = arith.constant 5 : i32
        %sub3A_407 = arith.subi %add3A_170, %sub3A : i32
        %dma_wait3A_408 = arith.constant 0 : i32
        %dma_wait3A_409 = arith.constant 0 : i32
        %dma_wait3A_410 = arith.constant 0 : i32
        %dma_wait3A_411 = tpu.memref_slice %arg7[%dma_wait3A_408, %dma_wait3A_409, %dma_wait3A_410] : memref<5x8x1024xf32, #tpu.memory_space<vmem>> -> memref<1x8x1024xf32, #tpu.memory_space<vmem>>
        %dma_wait3A_412 = tpu.memref_squeeze %dma_wait3A_411 : memref<1x8x1024xf32, #tpu.memory_space<vmem>> -> memref<8x1024xf32, #tpu.memory_space<vmem>>
        %dma_wait3A_413 = arith.constant 0 : i32
        %dma_wait3A_414 = arith.constant 0 : i32
        %dma_wait3A_415 = tpu.memref_slice %arg4[%sub3A_407, %dma_wait3A_413, %add3A, %dma_wait3A_414] : memref<200x8x32x1024xf32, #tpu.memory_space<hbm>> -> memref<1x8x1x1024xf32, #tpu.memory_space<hbm>>
        %dma_wait3A_416 = tpu.memref_squeeze %dma_wait3A_415 : memref<1x8x1x1024xf32, #tpu.memory_space<hbm>> -> memref<8x1024xf32, #tpu.memory_space<hbm>>
        %dma_wait3A_417 = arith.constant 0 : i32
        %dma_wait3A_418 = arith.constant 0 : i32
        %dma_wait3A_419 = tpu.memref_slice %arg4[%sub3A_407, %dma_wait3A_417, %add3A, %dma_wait3A_418] : memref<200x8x32x1024xf32, #tpu.memory_space<hbm>> -> memref<1x8x1x1024xf32, #tpu.memory_space<hbm>>
        %dma_wait3A_420 = tpu.memref_squeeze %dma_wait3A_419 : memref<1x8x1x1024xf32, #tpu.memory_space<hbm>> -> memref<8x1024xf32, #tpu.memory_space<hbm>>
        %dma_wait3A_421 = arith.constant 0 : i32
        %dma_wait3A_422 = arith.constant 0 : i32
        %dma_wait3A_423 = tpu.memref_slice %arg7[%dma_wait3A_408, %dma_wait3A_421, %dma_wait3A_422] : memref<5x8x1024xf32, #tpu.memory_space<vmem>> -> memref<1x8x1024xf32, #tpu.memory_space<vmem>>
        %dma_wait3A_424 = tpu.memref_squeeze %dma_wait3A_423 : memref<1x8x1024xf32, #tpu.memory_space<vmem>> -> memref<8x1024xf32, #tpu.memory_space<vmem>>
        tpu.wait_dma2 semaphore(%arg13 : memref<!tpu.dma_semaphore, #tpu.memory_space<semaphore_mem>>) src(%dma_wait3A_424 : memref<8x1024xf32, #tpu.memory_space<vmem>>) dst(%dma_wait3A_420 : memref<8x1024xf32, #tpu.memory_space<hbm>>)
      } else {
      }
      %parallel_loop3A = arith.constant 0 : i32
      %parallel_loop3A_190 = arith.constant 64 : i32
      %parallel_loop3A_191 = arith.constant 1 : i32
      %parallel_loop3A_192 = arith.constant 0 : i32
      %parallel_loop3A_193 = arith.constant 0 : i32
      scf.for %parallel_loop3A_407 = %parallel_loop3A to %parallel_loop3A_190 step %parallel_loop3A_191  : i32 {
        %parallel_loop3A_408 = vector.broadcast %parallel_loop3A_407 : i32 to vector<16xi32>
        %parallel_loop3A_409 = arith.addi %iota3A, %parallel_loop3A_408 : vector<16xi32>
        %parallel_loop3A_410 = arith.constant 63 : i32
        %parallel_loop3A_411 = vector.broadcast %parallel_loop3A_410 : i32 to vector<16xi32>
        %parallel_loop3A_412 = arith.andi %parallel_loop3A_409, %parallel_loop3A_411 : vector<16xi32>
        %parallel_loop3A_413 = arith.constant 3 : i32
        %parallel_loop3A_414 = vector.broadcast %parallel_loop3A_413 : i32 to vector<16xi32>
        %parallel_loop3A_415 = arith.shrsi %parallel_loop3A_412, %parallel_loop3A_414 : vector<16xi32>
        %parallel_loop3A_416 = arith.constant 7 : i32
        %parallel_loop3A_417 = vector.broadcast %parallel_loop3A_416 : i32 to vector<16xi32>
        %parallel_loop3A_418 = arith.andi %parallel_loop3A_412, %parallel_loop3A_417 : vector<16xi32>
        %parallel_loop3A_419 = arith.constant 128 : i32
        %parallel_loop3A_420 = vector.broadcast %parallel_loop3A_419 : i32 to vector<16xi32>
        %parallel_loop3A_421 = arith.muli %parallel_loop3A_418, %parallel_loop3A_420 : vector<16xi32>
        %parallel_loop3A_422 = arith.constant 0 : i32
        %parallel_loop3A_423 = arith.constant 0 : i32
        %parallel_loop3A_424 = tpu.memref_slice %arg6[%parallel_loop3A_192, %parallel_loop3A_422, %parallel_loop3A_423] : memref<5x128x64xf32, #tpu.memory_space<vmem>> -> memref<1x128x64xf32, #tpu.memory_space<vmem>>
        %parallel_loop3A_425 = tpu.memref_squeeze %parallel_loop3A_424 : memref<1x128x64xf32, #tpu.memory_space<vmem>> -> memref<128x64xf32, #tpu.memory_space<vmem>>
        %parallel_loop3A_426 = tpu.vector_load_idx %parallel_loop3A_425[%add3A_3, %parallel_loop3A_412] : memref<128x64xf32, #tpu.memory_space<vmem>>[vector<16xi32>, vector<16xi32>], vector<16xf32>,
        %parallel_loop3A_427 = arith.addi %parallel_loop3A_421, %add3A_3 : vector<16xi32>
        %parallel_loop3A_428 = arith.constant 0 : i32
        %parallel_loop3A_429 = arith.constant 0 : i32
        %parallel_loop3A_430 = tpu.memref_slice %arg7[%parallel_loop3A_193, %parallel_loop3A_428, %parallel_loop3A_429] : memref<5x8x1024xf32, #tpu.memory_space<vmem>> -> memref<1x8x1024xf32, #tpu.memory_space<vmem>>
        %parallel_loop3A_431 = tpu.memref_squeeze %parallel_loop3A_430 : memref<1x8x1024xf32, #tpu.memory_space<vmem>> -> memref<8x1024xf32, #tpu.memory_space<vmem>>
        tpu.vector_store_idx %parallel_loop3A_431[%parallel_loop3A_415, %parallel_loop3A_427], %parallel_loop3A_426 : memref<8x1024xf32, #tpu.memory_space<vmem>>[vector<16xi32>, vector<16xi32>], vector<16xf32>,
        %parallel_loop3A_432 = arith.constant 0 : i32
        %parallel_loop3A_433 = arith.constant 0 : i32
        %parallel_loop3A_434 = tpu.memref_slice %arg6[%parallel_loop3A_192, %parallel_loop3A_432, %parallel_loop3A_433] : memref<5x128x64xf32, #tpu.memory_space<vmem>> -> memref<1x128x64xf32, #tpu.memory_space<vmem>>
        %parallel_loop3A_435 = tpu.memref_squeeze %parallel_loop3A_434 : memref<1x128x64xf32, #tpu.memory_space<vmem>> -> memref<128x64xf32, #tpu.memory_space<vmem>>
        %parallel_loop3A_436 = tpu.vector_load_idx %parallel_loop3A_435[%add3A_6, %parallel_loop3A_412] : memref<128x64xf32, #tpu.memory_space<vmem>>[vector<16xi32>, vector<16xi32>], vector<16xf32>,
        %parallel_loop3A_437 = arith.addi %parallel_loop3A_421, %add3A_6 : vector<16xi32>
        %parallel_loop3A_438 = arith.constant 0 : i32
        %parallel_loop3A_439 = arith.constant 0 : i32
        %parallel_loop3A_440 = tpu.memref_slice %arg7[%parallel_loop3A_193, %parallel_loop3A_438, %parallel_loop3A_439] : memref<5x8x1024xf32, #tpu.memory_space<vmem>> -> memref<1x8x1024xf32, #tpu.memory_space<vmem>>
        %parallel_loop3A_441 = tpu.memref_squeeze %parallel_loop3A_440 : memref<1x8x1024xf32, #tpu.memory_space<vmem>> -> memref<8x1024xf32, #tpu.memory_space<vmem>>
        tpu.vector_store_idx %parallel_loop3A_441[%parallel_loop3A_415, %parallel_loop3A_437], %parallel_loop3A_436 : memref<8x1024xf32, #tpu.memory_space<vmem>>[vector<16xi32>, vector<16xi32>], vector<16xf32>,
        %parallel_loop3A_442 = arith.constant 0 : i32
        %parallel_loop3A_443 = arith.constant 0 : i32
        %parallel_loop3A_444 = tpu.memref_slice %arg6[%parallel_loop3A_192, %parallel_loop3A_442, %parallel_loop3A_443] : memref<5x128x64xf32, #tpu.memory_space<vmem>> -> memref<1x128x64xf32, #tpu.memory_space<vmem>>
        %parallel_loop3A_445 = tpu.memref_squeeze %parallel_loop3A_444 : memref<1x128x64xf32, #tpu.memory_space<vmem>> -> memref<128x64xf32, #tpu.memory_space<vmem>>
        %parallel_loop3A_446 = tpu.vector_load_idx %parallel_loop3A_445[%add3A_9, %parallel_loop3A_412] : memref<128x64xf32, #tpu.memory_space<vmem>>[vector<16xi32>, vector<16xi32>], vector<16xf32>,
        %parallel_loop3A_447 = arith.addi %parallel_loop3A_421, %add3A_9 : vector<16xi32>
        %parallel_loop3A_448 = arith.constant 0 : i32
        %parallel_loop3A_449 = arith.constant 0 : i32
        %parallel_loop3A_450 = tpu.memref_slice %arg7[%parallel_loop3A_193, %parallel_loop3A_448, %parallel_loop3A_449] : memref<5x8x1024xf32, #tpu.memory_space<vmem>> -> memref<1x8x1024xf32, #tpu.memory_space<vmem>>
        %parallel_loop3A_451 = tpu.memref_squeeze %parallel_loop3A_450 : memref<1x8x1024xf32, #tpu.memory_space<vmem>> -> memref<8x1024xf32, #tpu.memory_space<vmem>>
        tpu.vector_store_idx %parallel_loop3A_451[%parallel_loop3A_415, %parallel_loop3A_447], %parallel_loop3A_446 : memref<8x1024xf32, #tpu.memory_space<vmem>>[vector<16xi32>, vector<16xi32>], vector<16xf32>,
        %parallel_loop3A_452 = arith.constant 0 : i32
        %parallel_loop3A_453 = arith.constant 0 : i32
        %parallel_loop3A_454 = tpu.memref_slice %arg6[%parallel_loop3A_192, %parallel_loop3A_452, %parallel_loop3A_453] : memref<5x128x64xf32, #tpu.memory_space<vmem>> -> memref<1x128x64xf32, #tpu.memory_space<vmem>>
        %parallel_loop3A_455 = tpu.memref_squeeze %parallel_loop3A_454 : memref<1x128x64xf32, #tpu.memory_space<vmem>> -> memref<128x64xf32, #tpu.memory_space<vmem>>
        %parallel_loop3A_456 = tpu.vector_load_idx %parallel_loop3A_455[%add3A_12, %parallel_loop3A_412] : memref<128x64xf32, #tpu.memory_space<vmem>>[vector<16xi32>, vector<16xi32>], vector<16xf32>,
        %parallel_loop3A_457 = arith.addi %parallel_loop3A_421, %add3A_12 : vector<16xi32>
        %parallel_loop3A_458 = arith.constant 0 : i32
        %parallel_loop3A_459 = arith.constant 0 : i32
        %parallel_loop3A_460 = tpu.memref_slice %arg7[%parallel_loop3A_193, %parallel_loop3A_458, %parallel_loop3A_459] : memref<5x8x1024xf32, #tpu.memory_space<vmem>> -> memref<1x8x1024xf32, #tpu.memory_space<vmem>>
        %parallel_loop3A_461 = tpu.memref_squeeze %parallel_loop3A_460 : memref<1x8x1024xf32, #tpu.memory_space<vmem>> -> memref<8x1024xf32, #tpu.memory_space<vmem>>
        tpu.vector_store_idx %parallel_loop3A_461[%parallel_loop3A_415, %parallel_loop3A_457], %parallel_loop3A_456 : memref<8x1024xf32, #tpu.memory_space<vmem>>[vector<16xi32>, vector<16xi32>], vector<16xf32>,
        %parallel_loop3A_462 = arith.constant 0 : i32
        %parallel_loop3A_463 = arith.constant 0 : i32
        %parallel_loop3A_464 = tpu.memref_slice %arg6[%parallel_loop3A_192, %parallel_loop3A_462, %parallel_loop3A_463] : memref<5x128x64xf32, #tpu.memory_space<vmem>> -> memref<1x128x64xf32, #tpu.memory_space<vmem>>
        %parallel_loop3A_465 = tpu.memref_squeeze %parallel_loop3A_464 : memref<1x128x64xf32, #tpu.memory_space<vmem>> -> memref<128x64xf32, #tpu.memory_space<vmem>>
        %parallel_loop3A_466 = tpu.vector_load_idx %parallel_loop3A_465[%add3A_15, %parallel_loop3A_412] : memref<128x64xf32, #tpu.memory_space<vmem>>[vector<16xi32>, vector<16xi32>], vector<16xf32>,
        %parallel_loop3A_467 = arith.addi %parallel_loop3A_421, %add3A_15 : vector<16xi32>
        %parallel_loop3A_468 = arith.constant 0 : i32
        %parallel_loop3A_469 = arith.constant 0 : i32
        %parallel_loop3A_470 = tpu.memref_slice %arg7[%parallel_loop3A_193, %parallel_loop3A_468, %parallel_loop3A_469] : memref<5x8x1024xf32, #tpu.memory_space<vmem>> -> memref<1x8x1024xf32, #tpu.memory_space<vmem>>
        %parallel_loop3A_471 = tpu.memref_squeeze %parallel_loop3A_470 : memref<1x8x1024xf32, #tpu.memory_space<vmem>> -> memref<8x1024xf32, #tpu.memory_space<vmem>>
        tpu.vector_store_idx %parallel_loop3A_471[%parallel_loop3A_415, %parallel_loop3A_467], %parallel_loop3A_466 : memref<8x1024xf32, #tpu.memory_space<vmem>>[vector<16xi32>, vector<16xi32>], vector<16xf32>,
        %parallel_loop3A_472 = arith.constant 0 : i32
        %parallel_loop3A_473 = arith.constant 0 : i32
        %parallel_loop3A_474 = tpu.memref_slice %arg6[%parallel_loop3A_192, %parallel_loop3A_472, %parallel_loop3A_473] : memref<5x128x64xf32, #tpu.memory_space<vmem>> -> memref<1x128x64xf32, #tpu.memory_space<vmem>>
        %parallel_loop3A_475 = tpu.memref_squeeze %parallel_loop3A_474 : memref<1x128x64xf32, #tpu.memory_space<vmem>> -> memref<128x64xf32, #tpu.memory_space<vmem>>
        %parallel_loop3A_476 = tpu.vector_load_idx %parallel_loop3A_475[%add3A_18, %parallel_loop3A_412] : memref<128x64xf32, #tpu.memory_space<vmem>>[vector<16xi32>, vector<16xi32>], vector<16xf32>,
        %parallel_loop3A_477 = arith.addi %parallel_loop3A_421, %add3A_18 : vector<16xi32>
        %parallel_loop3A_478 = arith.constant 0 : i32
        %parallel_loop3A_479 = arith.constant 0 : i32
        %parallel_loop3A_480 = tpu.memref_slice %arg7[%parallel_loop3A_193, %parallel_loop3A_478, %parallel_loop3A_479] : memref<5x8x1024xf32, #tpu.memory_space<vmem>> -> memref<1x8x1024xf32, #tpu.memory_space<vmem>>
        %parallel_loop3A_481 = tpu.memref_squeeze %parallel_loop3A_480 : memref<1x8x1024xf32, #tpu.memory_space<vmem>> -> memref<8x1024xf32, #tpu.memory_space<vmem>>
        tpu.vector_store_idx %parallel_loop3A_481[%parallel_loop3A_415, %parallel_loop3A_477], %parallel_loop3A_476 : memref<8x1024xf32, #tpu.memory_space<vmem>>[vector<16xi32>, vector<16xi32>], vector<16xf32>,
        %parallel_loop3A_482 = arith.constant 0 : i32
        %parallel_loop3A_483 = arith.constant 0 : i32
        %parallel_loop3A_484 = tpu.memref_slice %arg6[%parallel_loop3A_192, %parallel_loop3A_482, %parallel_loop3A_483] : memref<5x128x64xf32, #tpu.memory_space<vmem>> -> memref<1x128x64xf32, #tpu.memory_space<vmem>>
        %parallel_loop3A_485 = tpu.memref_squeeze %parallel_loop3A_484 : memref<1x128x64xf32, #tpu.memory_space<vmem>> -> memref<128x64xf32, #tpu.memory_space<vmem>>
        %parallel_loop3A_486 = tpu.vector_load_idx %parallel_loop3A_485[%add3A_21, %parallel_loop3A_412] : memref<128x64xf32, #tpu.memory_space<vmem>>[vector<16xi32>, vector<16xi32>], vector<16xf32>,
        %parallel_loop3A_487 = arith.addi %parallel_loop3A_421, %add3A_21 : vector<16xi32>
        %parallel_loop3A_488 = arith.constant 0 : i32
        %parallel_loop3A_489 = arith.constant 0 : i32
        %parallel_loop3A_490 = tpu.memref_slice %arg7[%parallel_loop3A_193, %parallel_loop3A_488, %parallel_loop3A_489] : memref<5x8x1024xf32, #tpu.memory_space<vmem>> -> memref<1x8x1024xf32, #tpu.memory_space<vmem>>
        %parallel_loop3A_491 = tpu.memref_squeeze %parallel_loop3A_490 : memref<1x8x1024xf32, #tpu.memory_space<vmem>> -> memref<8x1024xf32, #tpu.memory_space<vmem>>
        tpu.vector_store_idx %parallel_loop3A_491[%parallel_loop3A_415, %parallel_loop3A_487], %parallel_loop3A_486 : memref<8x1024xf32, #tpu.memory_space<vmem>>[vector<16xi32>, vector<16xi32>], vector<16xf32>,
        %parallel_loop3A_492 = arith.constant 0 : i32
        %parallel_loop3A_493 = arith.constant 0 : i32
        %parallel_loop3A_494 = tpu.memref_slice %arg6[%parallel_loop3A_192, %parallel_loop3A_492, %parallel_loop3A_493] : memref<5x128x64xf32, #tpu.memory_space<vmem>> -> memref<1x128x64xf32, #tpu.memory_space<vmem>>
        %parallel_loop3A_495 = tpu.memref_squeeze %parallel_loop3A_494 : memref<1x128x64xf32, #tpu.memory_space<vmem>> -> memref<128x64xf32, #tpu.memory_space<vmem>>
        %parallel_loop3A_496 = tpu.vector_load_idx %parallel_loop3A_495[%add3A_24, %parallel_loop3A_412] : memref<128x64xf32, #tpu.memory_space<vmem>>[vector<16xi32>, vector<16xi32>], vector<16xf32>,
        %parallel_loop3A_497 = arith.addi %parallel_loop3A_421, %add3A_24 : vector<16xi32>
        %parallel_loop3A_498 = arith.constant 0 : i32
        %parallel_loop3A_499 = arith.constant 0 : i32
        %parallel_loop3A_500 = tpu.memref_slice %arg7[%parallel_loop3A_193, %parallel_loop3A_498, %parallel_loop3A_499] : memref<5x8x1024xf32, #tpu.memory_space<vmem>> -> memref<1x8x1024xf32, #tpu.memory_space<vmem>>
        %parallel_loop3A_501 = tpu.memref_squeeze %parallel_loop3A_500 : memref<1x8x1024xf32, #tpu.memory_space<vmem>> -> memref<8x1024xf32, #tpu.memory_space<vmem>>
        tpu.vector_store_idx %parallel_loop3A_501[%parallel_loop3A_415, %parallel_loop3A_497], %parallel_loop3A_496 : memref<8x1024xf32, #tpu.memory_space<vmem>>[vector<16xi32>, vector<16xi32>], vector<16xf32>,
      } {sc.loop_unroll_factor = 8 : i64, sc.parallel_access}
      %dma_start3A_194 = arith.constant 0 : i32
      %dma_start3A_195 = arith.constant 0 : i32
      %dma_start3A_196 = arith.constant 0 : i32
      %dma_start3A_197 = tpu.memref_slice %arg7[%dma_start3A_194, %dma_start3A_195, %dma_start3A_196] : memref<5x8x1024xf32, #tpu.memory_space<vmem>> -> memref<1x8x1024xf32, #tpu.memory_space<vmem>>
      %dma_start3A_198 = tpu.memref_squeeze %dma_start3A_197 : memref<1x8x1024xf32, #tpu.memory_space<vmem>> -> memref<8x1024xf32, #tpu.memory_space<vmem>>
      %dma_start3A_199 = arith.constant 0 : i32
      %dma_start3A_200 = arith.constant 0 : i32
      %dma_start3A_201 = tpu.memref_slice %arg4[%add3A_170, %dma_start3A_199, %add3A, %dma_start3A_200] : memref<200x8x32x1024xf32, #tpu.memory_space<hbm>> -> memref<1x8x1x1024xf32, #tpu.memory_space<hbm>>
      %dma_start3A_202 = tpu.memref_squeeze %dma_start3A_201 : memref<1x8x1x1024xf32, #tpu.memory_space<hbm>> -> memref<8x1024xf32, #tpu.memory_space<hbm>>
      %dma_start3A_203 = arith.constant 0 : i32
      %dma_start3A_204 = arith.constant 0 : i32
      %dma_start3A_205 = tpu.memref_slice %arg4[%add3A_170, %dma_start3A_203, %add3A, %dma_start3A_204] : memref<200x8x32x1024xf32, #tpu.memory_space<hbm>> -> memref<1x8x1x1024xf32, #tpu.memory_space<hbm>>
      %dma_start3A_206 = tpu.memref_squeeze %dma_start3A_205 : memref<1x8x1x1024xf32, #tpu.memory_space<hbm>> -> memref<8x1024xf32, #tpu.memory_space<hbm>>
      %dma_start3A_207 = arith.constant 0 : i32
      %dma_start3A_208 = arith.constant 0 : i32
      %dma_start3A_209 = tpu.memref_slice %arg7[%dma_start3A_194, %dma_start3A_207, %dma_start3A_208] : memref<5x8x1024xf32, #tpu.memory_space<vmem>> -> memref<1x8x1024xf32, #tpu.memory_space<vmem>>
      %dma_start3A_210 = tpu.memref_squeeze %dma_start3A_209 : memref<1x8x1024xf32, #tpu.memory_space<vmem>> -> memref<8x1024xf32, #tpu.memory_space<vmem>>
      tpu.enqueue_dma source(%dma_start3A_210 : memref<8x1024xf32, #tpu.memory_space<vmem>>) target(%dma_start3A_206 : memref<8x1024xf32, #tpu.memory_space<hbm>>) target_semaphore(%arg13 : memref<!tpu.dma_semaphore, #tpu.memory_space<semaphore_mem>>)
      %mul3A_211 = arith.constant 5 : i32
      %mul3A_212 = arith.muli %scan3A_166, %mul3A_211 : i32
      %add3A_213 = arith.constant 1 : i32
      %add3A_214 = arith.addi %mul3A_212, %add3A_213 : i32
      %dma_wait3A_215 = arith.constant 1 : i32
      %dma_wait3A_216 = arith.constant 0 : i32
      %dma_wait3A_217 = arith.constant 0 : i32
      %dma_wait3A_218 = tpu.memref_slice %arg6[%dma_wait3A_215, %dma_wait3A_216, %dma_wait3A_217] : memref<5x128x64xf32, #tpu.memory_space<vmem>> -> memref<1x128x64xf32, #tpu.memory_space<vmem>>
      %dma_wait3A_219 = tpu.memref_squeeze %dma_wait3A_218 : memref<1x128x64xf32, #tpu.memory_space<vmem>> -> memref<128x64xf32, #tpu.memory_space<vmem>>
      %dma_wait3A_220 = arith.constant 0 : i32
      %dma_wait3A_221 = tpu.memref_slice %arg5[%add3A_214, %dma_wait3A_220] : memref<200x128xi32, #tpu.memory_space<vmem>> -> memref<1x128xi32, #tpu.memory_space<vmem>>
      %dma_wait3A_222 = tpu.memref_squeeze %dma_wait3A_221 : memref<1x128xi32, #tpu.memory_space<vmem>> -> memref<128xi32, #tpu.memory_space<vmem>>
      %dma_wait3A_223 = arith.constant 0 : i32
      %dma_wait3A_224 = arith.constant 0 : i32
      %dma_wait3A_225 = tpu.memref_slice %arg3[%dma_wait3A_223, %dma_wait3A_224] : memref<1000000x64xf32, #tpu.memory_space<hbm>> -> memref<1000000x64xf32, #tpu.memory_space<hbm>>
      tpu.wait_indirect_dma semaphore(%arg9 : memref<!tpu.dma_semaphore, #tpu.memory_space<semaphore_mem>>) src(%dma_wait3A_225 : memref<1000000x64xf32, #tpu.memory_space<hbm>>) dst(%dma_wait3A_219 : memref<128x64xf32, #tpu.memory_space<vmem>>)
      %add3A_226 = arith.constant 4 : i32
      %add3A_227 = arith.addi %add3A_214, %add3A_226 : i32
      %lt3A_228 = arith.constant 200 : i32
      %lt3A_229 = arith.cmpi slt, %add3A_227, %lt3A_228 : i32
      %convert_element_type3A_230 = arith.extui %lt3A_229 : i1 to i32
      %cond3A_231 = arith.constant 0 : i32
      %cond3A_232 = arith.cmpi ne, %convert_element_type3A_230, %cond3A_231 : i32
      scf.if %cond3A_232 {
        %add3A_407 = arith.constant 4 : i32
        %add3A_408 = arith.addi %add3A_214, %add3A_407 : i32
        %dma_start3A_409 = arith.constant 0 : i32
        %dma_start3A_410 = arith.constant 0 : i32
        %dma_start3A_411 = arith.constant 0 : i32
        %dma_start3A_412 = tpu.memref_slice %arg6[%dma_start3A_409, %dma_start3A_410, %dma_start3A_411] : memref<5x128x64xf32, #tpu.memory_space<vmem>> -> memref<1x128x64xf32, #tpu.memory_space<vmem>>
        %dma_start3A_413 = tpu.memref_squeeze %dma_start3A_412 : memref<1x128x64xf32, #tpu.memory_space<vmem>> -> memref<128x64xf32, #tpu.memory_space<vmem>>
        %dma_start3A_414 = arith.constant 0 : i32
        %dma_start3A_415 = tpu.memref_slice %arg5[%add3A_408, %dma_start3A_414] : memref<200x128xi32, #tpu.memory_space<vmem>> -> memref<1x128xi32, #tpu.memory_space<vmem>>
        %dma_start3A_416 = tpu.memref_squeeze %dma_start3A_415 : memref<1x128xi32, #tpu.memory_space<vmem>> -> memref<128xi32, #tpu.memory_space<vmem>>
        %dma_start3A_417 = arith.constant 0 : i32
        %dma_start3A_418 = arith.constant 0 : i32
        %dma_start3A_419 = tpu.memref_slice %arg3[%dma_start3A_417, %dma_start3A_418] : memref<1000000x64xf32, #tpu.memory_space<hbm>> -> memref<1000000x64xf32, #tpu.memory_space<hbm>>
        tpu.enqueue_indirect_dma source(%dma_start3A_419 : memref<1000000x64xf32, #tpu.memory_space<hbm>>) target(%dma_start3A_413 : memref<128x64xf32, #tpu.memory_space<vmem>>) offsets(%dma_start3A_416 : memref<128xi32, #tpu.memory_space<vmem>>) semaphore(%arg8 : memref<!tpu.dma_semaphore, #tpu.memory_space<semaphore_mem>>)
      } else {
      }
      %ge3A_233 = arith.constant 5 : i32
      %ge3A_234 = arith.cmpi sge, %add3A_214, %ge3A_233 : i32
      %convert_element_type3A_235 = arith.extui %ge3A_234 : i1 to i32
      %cond3A_236 = arith.constant 0 : i32
      %cond3A_237 = arith.cmpi ne, %convert_element_type3A_235, %cond3A_236 : i32
      scf.if %cond3A_237 {
        %sub3A = arith.constant 5 : i32
        %sub3A_407 = arith.subi %add3A_214, %sub3A : i32
        %dma_wait3A_408 = arith.constant 1 : i32
        %dma_wait3A_409 = arith.constant 0 : i32
        %dma_wait3A_410 = arith.constant 0 : i32
        %dma_wait3A_411 = tpu.memref_slice %arg7[%dma_wait3A_408, %dma_wait3A_409, %dma_wait3A_410] : memref<5x8x1024xf32, #tpu.memory_space<vmem>> -> memref<1x8x1024xf32, #tpu.memory_space<vmem>>
        %dma_wait3A_412 = tpu.memref_squeeze %dma_wait3A_411 : memref<1x8x1024xf32, #tpu.memory_space<vmem>> -> memref<8x1024xf32, #tpu.memory_space<vmem>>
        %dma_wait3A_413 = arith.constant 0 : i32
        %dma_wait3A_414 = arith.constant 0 : i32
        %dma_wait3A_415 = tpu.memref_slice %arg4[%sub3A_407, %dma_wait3A_413, %add3A, %dma_wait3A_414] : memref<200x8x32x1024xf32, #tpu.memory_space<hbm>> -> memref<1x8x1x1024xf32, #tpu.memory_space<hbm>>
        %dma_wait3A_416 = tpu.memref_squeeze %dma_wait3A_415 : memref<1x8x1x1024xf32, #tpu.memory_space<hbm>> -> memref<8x1024xf32, #tpu.memory_space<hbm>>
        %dma_wait3A_417 = arith.constant 0 : i32
        %dma_wait3A_418 = arith.constant 0 : i32
        %dma_wait3A_419 = tpu.memref_slice %arg4[%sub3A_407, %dma_wait3A_417, %add3A, %dma_wait3A_418] : memref<200x8x32x1024xf32, #tpu.memory_space<hbm>> -> memref<1x8x1x1024xf32, #tpu.memory_space<hbm>>
        %dma_wait3A_420 = tpu.memref_squeeze %dma_wait3A_419 : memref<1x8x1x1024xf32, #tpu.memory_space<hbm>> -> memref<8x1024xf32, #tpu.memory_space<hbm>>
        %dma_wait3A_421 = arith.constant 0 : i32
        %dma_wait3A_422 = arith.constant 0 : i32
        %dma_wait3A_423 = tpu.memref_slice %arg7[%dma_wait3A_408, %dma_wait3A_421, %dma_wait3A_422] : memref<5x8x1024xf32, #tpu.memory_space<vmem>> -> memref<1x8x1024xf32, #tpu.memory_space<vmem>>
        %dma_wait3A_424 = tpu.memref_squeeze %dma_wait3A_423 : memref<1x8x1024xf32, #tpu.memory_space<vmem>> -> memref<8x1024xf32, #tpu.memory_space<vmem>>
        tpu.wait_dma2 semaphore(%arg14 : memref<!tpu.dma_semaphore, #tpu.memory_space<semaphore_mem>>) src(%dma_wait3A_424 : memref<8x1024xf32, #tpu.memory_space<vmem>>) dst(%dma_wait3A_420 : memref<8x1024xf32, #tpu.memory_space<hbm>>)
      } else {
      }
      %parallel_loop3A_238 = arith.constant 0 : i32
      %parallel_loop3A_239 = arith.constant 64 : i32
      %parallel_loop3A_240 = arith.constant 1 : i32
      %parallel_loop3A_241 = arith.constant 1 : i32
      %parallel_loop3A_242 = arith.constant 1 : i32
      scf.for %parallel_loop3A_407 = %parallel_loop3A_238 to %parallel_loop3A_239 step %parallel_loop3A_240  : i32 {
        %parallel_loop3A_408 = vector.broadcast %parallel_loop3A_407 : i32 to vector<16xi32>
        %parallel_loop3A_409 = arith.addi %iota3A, %parallel_loop3A_408 : vector<16xi32>
        %parallel_loop3A_410 = arith.constant 63 : i32
        %parallel_loop3A_411 = vector.broadcast %parallel_loop3A_410 : i32 to vector<16xi32>
        %parallel_loop3A_412 = arith.andi %parallel_loop3A_409, %parallel_loop3A_411 : vector<16xi32>
        %parallel_loop3A_413 = arith.constant 3 : i32
        %parallel_loop3A_414 = vector.broadcast %parallel_loop3A_413 : i32 to vector<16xi32>
        %parallel_loop3A_415 = arith.shrsi %parallel_loop3A_412, %parallel_loop3A_414 : vector<16xi32>
        %parallel_loop3A_416 = arith.constant 7 : i32
        %parallel_loop3A_417 = vector.broadcast %parallel_loop3A_416 : i32 to vector<16xi32>
        %parallel_loop3A_418 = arith.andi %parallel_loop3A_412, %parallel_loop3A_417 : vector<16xi32>
        %parallel_loop3A_419 = arith.constant 128 : i32
        %parallel_loop3A_420 = vector.broadcast %parallel_loop3A_419 : i32 to vector<16xi32>
        %parallel_loop3A_421 = arith.muli %parallel_loop3A_418, %parallel_loop3A_420 : vector<16xi32>
        %parallel_loop3A_422 = arith.constant 0 : i32
        %parallel_loop3A_423 = arith.constant 0 : i32
        %parallel_loop3A_424 = tpu.memref_slice %arg6[%parallel_loop3A_241, %parallel_loop3A_422, %parallel_loop3A_423] : memref<5x128x64xf32, #tpu.memory_space<vmem>> -> memref<1x128x64xf32, #tpu.memory_space<vmem>>
        %parallel_loop3A_425 = tpu.memref_squeeze %parallel_loop3A_424 : memref<1x128x64xf32, #tpu.memory_space<vmem>> -> memref<128x64xf32, #tpu.memory_space<vmem>>
        %parallel_loop3A_426 = tpu.vector_load_idx %parallel_loop3A_425[%add3A_3, %parallel_loop3A_412] : memref<128x64xf32, #tpu.memory_space<vmem>>[vector<16xi32>, vector<16xi32>], vector<16xf32>,
        %parallel_loop3A_427 = arith.addi %parallel_loop3A_421, %add3A_3 : vector<16xi32>
        %parallel_loop3A_428 = arith.constant 0 : i32
        %parallel_loop3A_429 = arith.constant 0 : i32
        %parallel_loop3A_430 = tpu.memref_slice %arg7[%parallel_loop3A_242, %parallel_loop3A_428, %parallel_loop3A_429] : memref<5x8x1024xf32, #tpu.memory_space<vmem>> -> memref<1x8x1024xf32, #tpu.memory_space<vmem>>
        %parallel_loop3A_431 = tpu.memref_squeeze %parallel_loop3A_430 : memref<1x8x1024xf32, #tpu.memory_space<vmem>> -> memref<8x1024xf32, #tpu.memory_space<vmem>>
        tpu.vector_store_idx %parallel_loop3A_431[%parallel_loop3A_415, %parallel_loop3A_427], %parallel_loop3A_426 : memref<8x1024xf32, #tpu.memory_space<vmem>>[vector<16xi32>, vector<16xi32>], vector<16xf32>,
        %parallel_loop3A_432 = arith.constant 0 : i32
        %parallel_loop3A_433 = arith.constant 0 : i32
        %parallel_loop3A_434 = tpu.memref_slice %arg6[%parallel_loop3A_241, %parallel_loop3A_432, %parallel_loop3A_433] : memref<5x128x64xf32, #tpu.memory_space<vmem>> -> memref<1x128x64xf32, #tpu.memory_space<vmem>>
        %parallel_loop3A_435 = tpu.memref_squeeze %parallel_loop3A_434 : memref<1x128x64xf32, #tpu.memory_space<vmem>> -> memref<128x64xf32, #tpu.memory_space<vmem>>
        %parallel_loop3A_436 = tpu.vector_load_idx %parallel_loop3A_435[%add3A_6, %parallel_loop3A_412] : memref<128x64xf32, #tpu.memory_space<vmem>>[vector<16xi32>, vector<16xi32>], vector<16xf32>,
        %parallel_loop3A_437 = arith.addi %parallel_loop3A_421, %add3A_6 : vector<16xi32>
        %parallel_loop3A_438 = arith.constant 0 : i32
        %parallel_loop3A_439 = arith.constant 0 : i32
        %parallel_loop3A_440 = tpu.memref_slice %arg7[%parallel_loop3A_242, %parallel_loop3A_438, %parallel_loop3A_439] : memref<5x8x1024xf32, #tpu.memory_space<vmem>> -> memref<1x8x1024xf32, #tpu.memory_space<vmem>>
        %parallel_loop3A_441 = tpu.memref_squeeze %parallel_loop3A_440 : memref<1x8x1024xf32, #tpu.memory_space<vmem>> -> memref<8x1024xf32, #tpu.memory_space<vmem>>
        tpu.vector_store_idx %parallel_loop3A_441[%parallel_loop3A_415, %parallel_loop3A_437], %parallel_loop3A_436 : memref<8x1024xf32, #tpu.memory_space<vmem>>[vector<16xi32>, vector<16xi32>], vector<16xf32>,
        %parallel_loop3A_442 = arith.constant 0 : i32
        %parallel_loop3A_443 = arith.constant 0 : i32
        %parallel_loop3A_444 = tpu.memref_slice %arg6[%parallel_loop3A_241, %parallel_loop3A_442, %parallel_loop3A_443] : memref<5x128x64xf32, #tpu.memory_space<vmem>> -> memref<1x128x64xf32, #tpu.memory_space<vmem>>
        %parallel_loop3A_445 = tpu.memref_squeeze %parallel_loop3A_444 : memref<1x128x64xf32, #tpu.memory_space<vmem>> -> memref<128x64xf32, #tpu.memory_space<vmem>>
        %parallel_loop3A_446 = tpu.vector_load_idx %parallel_loop3A_445[%add3A_9, %parallel_loop3A_412] : memref<128x64xf32, #tpu.memory_space<vmem>>[vector<16xi32>, vector<16xi32>], vector<16xf32>,
        %parallel_loop3A_447 = arith.addi %parallel_loop3A_421, %add3A_9 : vector<16xi32>
        %parallel_loop3A_448 = arith.constant 0 : i32
        %parallel_loop3A_449 = arith.constant 0 : i32
        %parallel_loop3A_450 = tpu.memref_slice %arg7[%parallel_loop3A_242, %parallel_loop3A_448, %parallel_loop3A_449] : memref<5x8x1024xf32, #tpu.memory_space<vmem>> -> memref<1x8x1024xf32, #tpu.memory_space<vmem>>
        %parallel_loop3A_451 = tpu.memref_squeeze %parallel_loop3A_450 : memref<1x8x1024xf32, #tpu.memory_space<vmem>> -> memref<8x1024xf32, #tpu.memory_space<vmem>>
        tpu.vector_store_idx %parallel_loop3A_451[%parallel_loop3A_415, %parallel_loop3A_447], %parallel_loop3A_446 : memref<8x1024xf32, #tpu.memory_space<vmem>>[vector<16xi32>, vector<16xi32>], vector<16xf32>,
        %parallel_loop3A_452 = arith.constant 0 : i32
        %parallel_loop3A_453 = arith.constant 0 : i32
        %parallel_loop3A_454 = tpu.memref_slice %arg6[%parallel_loop3A_241, %parallel_loop3A_452, %parallel_loop3A_453] : memref<5x128x64xf32, #tpu.memory_space<vmem>> -> memref<1x128x64xf32, #tpu.memory_space<vmem>>
        %parallel_loop3A_455 = tpu.memref_squeeze %parallel_loop3A_454 : memref<1x128x64xf32, #tpu.memory_space<vmem>> -> memref<128x64xf32, #tpu.memory_space<vmem>>
        %parallel_loop3A_456 = tpu.vector_load_idx %parallel_loop3A_455[%add3A_12, %parallel_loop3A_412] : memref<128x64xf32, #tpu.memory_space<vmem>>[vector<16xi32>, vector<16xi32>], vector<16xf32>,
        %parallel_loop3A_457 = arith.addi %parallel_loop3A_421, %add3A_12 : vector<16xi32>
        %parallel_loop3A_458 = arith.constant 0 : i32
        %parallel_loop3A_459 = arith.constant 0 : i32
        %parallel_loop3A_460 = tpu.memref_slice %arg7[%parallel_loop3A_242, %parallel_loop3A_458, %parallel_loop3A_459] : memref<5x8x1024xf32, #tpu.memory_space<vmem>> -> memref<1x8x1024xf32, #tpu.memory_space<vmem>>
        %parallel_loop3A_461 = tpu.memref_squeeze %parallel_loop3A_460 : memref<1x8x1024xf32, #tpu.memory_space<vmem>> -> memref<8x1024xf32, #tpu.memory_space<vmem>>
        tpu.vector_store_idx %parallel_loop3A_461[%parallel_loop3A_415, %parallel_loop3A_457], %parallel_loop3A_456 : memref<8x1024xf32, #tpu.memory_space<vmem>>[vector<16xi32>, vector<16xi32>], vector<16xf32>,
        %parallel_loop3A_462 = arith.constant 0 : i32
        %parallel_loop3A_463 = arith.constant 0 : i32
        %parallel_loop3A_464 = tpu.memref_slice %arg6[%parallel_loop3A_241, %parallel_loop3A_462, %parallel_loop3A_463] : memref<5x128x64xf32, #tpu.memory_space<vmem>> -> memref<1x128x64xf32, #tpu.memory_space<vmem>>
        %parallel_loop3A_465 = tpu.memref_squeeze %parallel_loop3A_464 : memref<1x128x64xf32, #tpu.memory_space<vmem>> -> memref<128x64xf32, #tpu.memory_space<vmem>>
        %parallel_loop3A_466 = tpu.vector_load_idx %parallel_loop3A_465[%add3A_15, %parallel_loop3A_412] : memref<128x64xf32, #tpu.memory_space<vmem>>[vector<16xi32>, vector<16xi32>], vector<16xf32>,
        %parallel_loop3A_467 = arith.addi %parallel_loop3A_421, %add3A_15 : vector<16xi32>
        %parallel_loop3A_468 = arith.constant 0 : i32
        %parallel_loop3A_469 = arith.constant 0 : i32
        %parallel_loop3A_470 = tpu.memref_slice %arg7[%parallel_loop3A_242, %parallel_loop3A_468, %parallel_loop3A_469] : memref<5x8x1024xf32, #tpu.memory_space<vmem>> -> memref<1x8x1024xf32, #tpu.memory_space<vmem>>
        %parallel_loop3A_471 = tpu.memref_squeeze %parallel_loop3A_470 : memref<1x8x1024xf32, #tpu.memory_space<vmem>> -> memref<8x1024xf32, #tpu.memory_space<vmem>>
        tpu.vector_store_idx %parallel_loop3A_471[%parallel_loop3A_415, %parallel_loop3A_467], %parallel_loop3A_466 : memref<8x1024xf32, #tpu.memory_space<vmem>>[vector<16xi32>, vector<16xi32>], vector<16xf32>,
        %parallel_loop3A_472 = arith.constant 0 : i32
        %parallel_loop3A_473 = arith.constant 0 : i32
        %parallel_loop3A_474 = tpu.memref_slice %arg6[%parallel_loop3A_241, %parallel_loop3A_472, %parallel_loop3A_473] : memref<5x128x64xf32, #tpu.memory_space<vmem>> -> memref<1x128x64xf32, #tpu.memory_space<vmem>>
        %parallel_loop3A_475 = tpu.memref_squeeze %parallel_loop3A_474 : memref<1x128x64xf32, #tpu.memory_space<vmem>> -> memref<128x64xf32, #tpu.memory_space<vmem>>
        %parallel_loop3A_476 = tpu.vector_load_idx %parallel_loop3A_475[%add3A_18, %parallel_loop3A_412] : memref<128x64xf32, #tpu.memory_space<vmem>>[vector<16xi32>, vector<16xi32>], vector<16xf32>,
        %parallel_loop3A_477 = arith.addi %parallel_loop3A_421, %add3A_18 : vector<16xi32>
        %parallel_loop3A_478 = arith.constant 0 : i32
        %parallel_loop3A_479 = arith.constant 0 : i32
        %parallel_loop3A_480 = tpu.memref_slice %arg7[%parallel_loop3A_242, %parallel_loop3A_478, %parallel_loop3A_479] : memref<5x8x1024xf32, #tpu.memory_space<vmem>> -> memref<1x8x1024xf32, #tpu.memory_space<vmem>>
        %parallel_loop3A_481 = tpu.memref_squeeze %parallel_loop3A_480 : memref<1x8x1024xf32, #tpu.memory_space<vmem>> -> memref<8x1024xf32, #tpu.memory_space<vmem>>
        tpu.vector_store_idx %parallel_loop3A_481[%parallel_loop3A_415, %parallel_loop3A_477], %parallel_loop3A_476 : memref<8x1024xf32, #tpu.memory_space<vmem>>[vector<16xi32>, vector<16xi32>], vector<16xf32>,
        %parallel_loop3A_482 = arith.constant 0 : i32
        %parallel_loop3A_483 = arith.constant 0 : i32
        %parallel_loop3A_484 = tpu.memref_slice %arg6[%parallel_loop3A_241, %parallel_loop3A_482, %parallel_loop3A_483] : memref<5x128x64xf32, #tpu.memory_space<vmem>> -> memref<1x128x64xf32, #tpu.memory_space<vmem>>
        %parallel_loop3A_485 = tpu.memref_squeeze %parallel_loop3A_484 : memref<1x128x64xf32, #tpu.memory_space<vmem>> -> memref<128x64xf32, #tpu.memory_space<vmem>>
        %parallel_loop3A_486 = tpu.vector_load_idx %parallel_loop3A_485[%add3A_21, %parallel_loop3A_412] : memref<128x64xf32, #tpu.memory_space<vmem>>[vector<16xi32>, vector<16xi32>], vector<16xf32>,
        %parallel_loop3A_487 = arith.addi %parallel_loop3A_421, %add3A_21 : vector<16xi32>
        %parallel_loop3A_488 = arith.constant 0 : i32
        %parallel_loop3A_489 = arith.constant 0 : i32
        %parallel_loop3A_490 = tpu.memref_slice %arg7[%parallel_loop3A_242, %parallel_loop3A_488, %parallel_loop3A_489] : memref<5x8x1024xf32, #tpu.memory_space<vmem>> -> memref<1x8x1024xf32, #tpu.memory_space<vmem>>
        %parallel_loop3A_491 = tpu.memref_squeeze %parallel_loop3A_490 : memref<1x8x1024xf32, #tpu.memory_space<vmem>> -> memref<8x1024xf32, #tpu.memory_space<vmem>>
        tpu.vector_store_idx %parallel_loop3A_491[%parallel_loop3A_415, %parallel_loop3A_487], %parallel_loop3A_486 : memref<8x1024xf32, #tpu.memory_space<vmem>>[vector<16xi32>, vector<16xi32>], vector<16xf32>,
        %parallel_loop3A_492 = arith.constant 0 : i32
        %parallel_loop3A_493 = arith.constant 0 : i32
        %parallel_loop3A_494 = tpu.memref_slice %arg6[%parallel_loop3A_241, %parallel_loop3A_492, %parallel_loop3A_493] : memref<5x128x64xf32, #tpu.memory_space<vmem>> -> memref<1x128x64xf32, #tpu.memory_space<vmem>>
        %parallel_loop3A_495 = tpu.memref_squeeze %parallel_loop3A_494 : memref<1x128x64xf32, #tpu.memory_space<vmem>> -> memref<128x64xf32, #tpu.memory_space<vmem>>
        %parallel_loop3A_496 = tpu.vector_load_idx %parallel_loop3A_495[%add3A_24, %parallel_loop3A_412] : memref<128x64xf32, #tpu.memory_space<vmem>>[vector<16xi32>, vector<16xi32>], vector<16xf32>,
        %parallel_loop3A_497 = arith.addi %parallel_loop3A_421, %add3A_24 : vector<16xi32>
        %parallel_loop3A_498 = arith.constant 0 : i32
        %parallel_loop3A_499 = arith.constant 0 : i32
        %parallel_loop3A_500 = tpu.memref_slice %arg7[%parallel_loop3A_242, %parallel_loop3A_498, %parallel_loop3A_499] : memref<5x8x1024xf32, #tpu.memory_space<vmem>> -> memref<1x8x1024xf32, #tpu.memory_space<vmem>>
        %parallel_loop3A_501 = tpu.memref_squeeze %parallel_loop3A_500 : memref<1x8x1024xf32, #tpu.memory_space<vmem>> -> memref<8x1024xf32, #tpu.memory_space<vmem>>
        tpu.vector_store_idx %parallel_loop3A_501[%parallel_loop3A_415, %parallel_loop3A_497], %parallel_loop3A_496 : memref<8x1024xf32, #tpu.memory_space<vmem>>[vector<16xi32>, vector<16xi32>], vector<16xf32>,
      } {sc.loop_unroll_factor = 8 : i64, sc.parallel_access}
      %dma_start3A_243 = arith.constant 1 : i32
      %dma_start3A_244 = arith.constant 0 : i32
      %dma_start3A_245 = arith.constant 0 : i32
      %dma_start3A_246 = tpu.memref_slice %arg7[%dma_start3A_243, %dma_start3A_244, %dma_start3A_245] : memref<5x8x1024xf32, #tpu.memory_space<vmem>> -> memref<1x8x1024xf32, #tpu.memory_space<vmem>>
      %dma_start3A_247 = tpu.memref_squeeze %dma_start3A_246 : memref<1x8x1024xf32, #tpu.memory_space<vmem>> -> memref<8x1024xf32, #tpu.memory_space<vmem>>
      %dma_start3A_248 = arith.constant 0 : i32
      %dma_start3A_249 = arith.constant 0 : i32
      %dma_start3A_250 = tpu.memref_slice %arg4[%add3A_214, %dma_start3A_248, %add3A, %dma_start3A_249] : memref<200x8x32x1024xf32, #tpu.memory_space<hbm>> -> memref<1x8x1x1024xf32, #tpu.memory_space<hbm>>
      %dma_start3A_251 = tpu.memref_squeeze %dma_start3A_250 : memref<1x8x1x1024xf32, #tpu.memory_space<hbm>> -> memref<8x1024xf32, #tpu.memory_space<hbm>>
      %dma_start3A_252 = arith.constant 0 : i32
      %dma_start3A_253 = arith.constant 0 : i32
      %dma_start3A_254 = tpu.memref_slice %arg4[%add3A_214, %dma_start3A_252, %add3A, %dma_start3A_253] : memref<200x8x32x1024xf32, #tpu.memory_space<hbm>> -> memref<1x8x1x1024xf32, #tpu.memory_space<hbm>>
      %dma_start3A_255 = tpu.memref_squeeze %dma_start3A_254 : memref<1x8x1x1024xf32, #tpu.memory_space<hbm>> -> memref<8x1024xf32, #tpu.memory_space<hbm>>
      %dma_start3A_256 = arith.constant 0 : i32
      %dma_start3A_257 = arith.constant 0 : i32
      %dma_start3A_258 = tpu.memref_slice %arg7[%dma_start3A_243, %dma_start3A_256, %dma_start3A_257] : memref<5x8x1024xf32, #tpu.memory_space<vmem>> -> memref<1x8x1024xf32, #tpu.memory_space<vmem>>
      %dma_start3A_259 = tpu.memref_squeeze %dma_start3A_258 : memref<1x8x1024xf32, #tpu.memory_space<vmem>> -> memref<8x1024xf32, #tpu.memory_space<vmem>>
      tpu.enqueue_dma source(%dma_start3A_259 : memref<8x1024xf32, #tpu.memory_space<vmem>>) target(%dma_start3A_255 : memref<8x1024xf32, #tpu.memory_space<hbm>>) target_semaphore(%arg14 : memref<!tpu.dma_semaphore, #tpu.memory_space<semaphore_mem>>)
      %mul3A_260 = arith.constant 5 : i32
      %mul3A_261 = arith.muli %scan3A_166, %mul3A_260 : i32
      %add3A_262 = arith.constant 2 : i32
      %add3A_263 = arith.addi %mul3A_261, %add3A_262 : i32
      %dma_wait3A_264 = arith.constant 2 : i32
      %dma_wait3A_265 = arith.constant 0 : i32
      %dma_wait3A_266 = arith.constant 0 : i32
      %dma_wait3A_267 = tpu.memref_slice %arg6[%dma_wait3A_264, %dma_wait3A_265, %dma_wait3A_266] : memref<5x128x64xf32, #tpu.memory_space<vmem>> -> memref<1x128x64xf32, #tpu.memory_space<vmem>>
      %dma_wait3A_268 = tpu.memref_squeeze %dma_wait3A_267 : memref<1x128x64xf32, #tpu.memory_space<vmem>> -> memref<128x64xf32, #tpu.memory_space<vmem>>
      %dma_wait3A_269 = arith.constant 0 : i32
      %dma_wait3A_270 = tpu.memref_slice %arg5[%add3A_263, %dma_wait3A_269] : memref<200x128xi32, #tpu.memory_space<vmem>> -> memref<1x128xi32, #tpu.memory_space<vmem>>
      %dma_wait3A_271 = tpu.memref_squeeze %dma_wait3A_270 : memref<1x128xi32, #tpu.memory_space<vmem>> -> memref<128xi32, #tpu.memory_space<vmem>>
      %dma_wait3A_272 = arith.constant 0 : i32
      %dma_wait3A_273 = arith.constant 0 : i32
      %dma_wait3A_274 = tpu.memref_slice %arg3[%dma_wait3A_272, %dma_wait3A_273] : memref<1000000x64xf32, #tpu.memory_space<hbm>> -> memref<1000000x64xf32, #tpu.memory_space<hbm>>
      tpu.wait_indirect_dma semaphore(%arg10 : memref<!tpu.dma_semaphore, #tpu.memory_space<semaphore_mem>>) src(%dma_wait3A_274 : memref<1000000x64xf32, #tpu.memory_space<hbm>>) dst(%dma_wait3A_268 : memref<128x64xf32, #tpu.memory_space<vmem>>)
      %add3A_275 = arith.constant 4 : i32
      %add3A_276 = arith.addi %add3A_263, %add3A_275 : i32
      %lt3A_277 = arith.constant 200 : i32
      %lt3A_278 = arith.cmpi slt, %add3A_276, %lt3A_277 : i32
      %convert_element_type3A_279 = arith.extui %lt3A_278 : i1 to i32
      %cond3A_280 = arith.constant 0 : i32
      %cond3A_281 = arith.cmpi ne, %convert_element_type3A_279, %cond3A_280 : i32
      scf.if %cond3A_281 {
        %add3A_407 = arith.constant 4 : i32
        %add3A_408 = arith.addi %add3A_263, %add3A_407 : i32
        %dma_start3A_409 = arith.constant 1 : i32
        %dma_start3A_410 = arith.constant 0 : i32
        %dma_start3A_411 = arith.constant 0 : i32
        %dma_start3A_412 = tpu.memref_slice %arg6[%dma_start3A_409, %dma_start3A_410, %dma_start3A_411] : memref<5x128x64xf32, #tpu.memory_space<vmem>> -> memref<1x128x64xf32, #tpu.memory_space<vmem>>
        %dma_start3A_413 = tpu.memref_squeeze %dma_start3A_412 : memref<1x128x64xf32, #tpu.memory_space<vmem>> -> memref<128x64xf32, #tpu.memory_space<vmem>>
        %dma_start3A_414 = arith.constant 0 : i32
        %dma_start3A_415 = tpu.memref_slice %arg5[%add3A_408, %dma_start3A_414] : memref<200x128xi32, #tpu.memory_space<vmem>> -> memref<1x128xi32, #tpu.memory_space<vmem>>
        %dma_start3A_416 = tpu.memref_squeeze %dma_start3A_415 : memref<1x128xi32, #tpu.memory_space<vmem>> -> memref<128xi32, #tpu.memory_space<vmem>>
        %dma_start3A_417 = arith.constant 0 : i32
        %dma_start3A_418 = arith.constant 0 : i32
        %dma_start3A_419 = tpu.memref_slice %arg3[%dma_start3A_417, %dma_start3A_418] : memref<1000000x64xf32, #tpu.memory_space<hbm>> -> memref<1000000x64xf32, #tpu.memory_space<hbm>>
        tpu.enqueue_indirect_dma source(%dma_start3A_419 : memref<1000000x64xf32, #tpu.memory_space<hbm>>) target(%dma_start3A_413 : memref<128x64xf32, #tpu.memory_space<vmem>>) offsets(%dma_start3A_416 : memref<128xi32, #tpu.memory_space<vmem>>) semaphore(%arg9 : memref<!tpu.dma_semaphore, #tpu.memory_space<semaphore_mem>>)
      } else {
      }
      %ge3A_282 = arith.constant 5 : i32
      %ge3A_283 = arith.cmpi sge, %add3A_263, %ge3A_282 : i32
      %convert_element_type3A_284 = arith.extui %ge3A_283 : i1 to i32
      %cond3A_285 = arith.constant 0 : i32
      %cond3A_286 = arith.cmpi ne, %convert_element_type3A_284, %cond3A_285 : i32
      scf.if %cond3A_286 {
        %sub3A = arith.constant 5 : i32
        %sub3A_407 = arith.subi %add3A_263, %sub3A : i32
        %dma_wait3A_408 = arith.constant 2 : i32
        %dma_wait3A_409 = arith.constant 0 : i32
        %dma_wait3A_410 = arith.constant 0 : i32
        %dma_wait3A_411 = tpu.memref_slice %arg7[%dma_wait3A_408, %dma_wait3A_409, %dma_wait3A_410] : memref<5x8x1024xf32, #tpu.memory_space<vmem>> -> memref<1x8x1024xf32, #tpu.memory_space<vmem>>
        %dma_wait3A_412 = tpu.memref_squeeze %dma_wait3A_411 : memref<1x8x1024xf32, #tpu.memory_space<vmem>> -> memref<8x1024xf32, #tpu.memory_space<vmem>>
        %dma_wait3A_413 = arith.constant 0 : i32
        %dma_wait3A_414 = arith.constant 0 : i32
        %dma_wait3A_415 = tpu.memref_slice %arg4[%sub3A_407, %dma_wait3A_413, %add3A, %dma_wait3A_414] : memref<200x8x32x1024xf32, #tpu.memory_space<hbm>> -> memref<1x8x1x1024xf32, #tpu.memory_space<hbm>>
        %dma_wait3A_416 = tpu.memref_squeeze %dma_wait3A_415 : memref<1x8x1x1024xf32, #tpu.memory_space<hbm>> -> memref<8x1024xf32, #tpu.memory_space<hbm>>
        %dma_wait3A_417 = arith.constant 0 : i32
        %dma_wait3A_418 = arith.constant 0 : i32
        %dma_wait3A_419 = tpu.memref_slice %arg4[%sub3A_407, %dma_wait3A_417, %add3A, %dma_wait3A_418] : memref<200x8x32x1024xf32, #tpu.memory_space<hbm>> -> memref<1x8x1x1024xf32, #tpu.memory_space<hbm>>
        %dma_wait3A_420 = tpu.memref_squeeze %dma_wait3A_419 : memref<1x8x1x1024xf32, #tpu.memory_space<hbm>> -> memref<8x1024xf32, #tpu.memory_space<hbm>>
        %dma_wait3A_421 = arith.constant 0 : i32
        %dma_wait3A_422 = arith.constant 0 : i32
        %dma_wait3A_423 = tpu.memref_slice %arg7[%dma_wait3A_408, %dma_wait3A_421, %dma_wait3A_422] : memref<5x8x1024xf32, #tpu.memory_space<vmem>> -> memref<1x8x1024xf32, #tpu.memory_space<vmem>>
        %dma_wait3A_424 = tpu.memref_squeeze %dma_wait3A_423 : memref<1x8x1024xf32, #tpu.memory_space<vmem>> -> memref<8x1024xf32, #tpu.memory_space<vmem>>
        tpu.wait_dma2 semaphore(%arg15 : memref<!tpu.dma_semaphore, #tpu.memory_space<semaphore_mem>>) src(%dma_wait3A_424 : memref<8x1024xf32, #tpu.memory_space<vmem>>) dst(%dma_wait3A_420 : memref<8x1024xf32, #tpu.memory_space<hbm>>)
      } else {
      }
      %parallel_loop3A_287 = arith.constant 0 : i32
      %parallel_loop3A_288 = arith.constant 64 : i32
      %parallel_loop3A_289 = arith.constant 1 : i32
      %parallel_loop3A_290 = arith.constant 2 : i32
      %parallel_loop3A_291 = arith.constant 2 : i32
      scf.for %parallel_loop3A_407 = %parallel_loop3A_287 to %parallel_loop3A_288 step %parallel_loop3A_289  : i32 {
        %parallel_loop3A_408 = vector.broadcast %parallel_loop3A_407 : i32 to vector<16xi32>
        %parallel_loop3A_409 = arith.addi %iota3A, %parallel_loop3A_408 : vector<16xi32>
        %parallel_loop3A_410 = arith.constant 63 : i32
        %parallel_loop3A_411 = vector.broadcast %parallel_loop3A_410 : i32 to vector<16xi32>
        %parallel_loop3A_412 = arith.andi %parallel_loop3A_409, %parallel_loop3A_411 : vector<16xi32>
        %parallel_loop3A_413 = arith.constant 3 : i32
        %parallel_loop3A_414 = vector.broadcast %parallel_loop3A_413 : i32 to vector<16xi32>
        %parallel_loop3A_415 = arith.shrsi %parallel_loop3A_412, %parallel_loop3A_414 : vector<16xi32>
        %parallel_loop3A_416 = arith.constant 7 : i32
        %parallel_loop3A_417 = vector.broadcast %parallel_loop3A_416 : i32 to vector<16xi32>
        %parallel_loop3A_418 = arith.andi %parallel_loop3A_412, %parallel_loop3A_417 : vector<16xi32>
        %parallel_loop3A_419 = arith.constant 128 : i32
        %parallel_loop3A_420 = vector.broadcast %parallel_loop3A_419 : i32 to vector<16xi32>
        %parallel_loop3A_421 = arith.muli %parallel_loop3A_418, %parallel_loop3A_420 : vector<16xi32>
        %parallel_loop3A_422 = arith.constant 0 : i32
        %parallel_loop3A_423 = arith.constant 0 : i32
        %parallel_loop3A_424 = tpu.memref_slice %arg6[%parallel_loop3A_290, %parallel_loop3A_422, %parallel_loop3A_423] : memref<5x128x64xf32, #tpu.memory_space<vmem>> -> memref<1x128x64xf32, #tpu.memory_space<vmem>>
        %parallel_loop3A_425 = tpu.memref_squeeze %parallel_loop3A_424 : memref<1x128x64xf32, #tpu.memory_space<vmem>> -> memref<128x64xf32, #tpu.memory_space<vmem>>
        %parallel_loop3A_426 = tpu.vector_load_idx %parallel_loop3A_425[%add3A_3, %parallel_loop3A_412] : memref<128x64xf32, #tpu.memory_space<vmem>>[vector<16xi32>, vector<16xi32>], vector<16xf32>,
        %parallel_loop3A_427 = arith.addi %parallel_loop3A_421, %add3A_3 : vector<16xi32>
        %parallel_loop3A_428 = arith.constant 0 : i32
        %parallel_loop3A_429 = arith.constant 0 : i32
        %parallel_loop3A_430 = tpu.memref_slice %arg7[%parallel_loop3A_291, %parallel_loop3A_428, %parallel_loop3A_429] : memref<5x8x1024xf32, #tpu.memory_space<vmem>> -> memref<1x8x1024xf32, #tpu.memory_space<vmem>>
        %parallel_loop3A_431 = tpu.memref_squeeze %parallel_loop3A_430 : memref<1x8x1024xf32, #tpu.memory_space<vmem>> -> memref<8x1024xf32, #tpu.memory_space<vmem>>
        tpu.vector_store_idx %parallel_loop3A_431[%parallel_loop3A_415, %parallel_loop3A_427], %parallel_loop3A_426 : memref<8x1024xf32, #tpu.memory_space<vmem>>[vector<16xi32>, vector<16xi32>], vector<16xf32>,
        %parallel_loop3A_432 = arith.constant 0 : i32
        %parallel_loop3A_433 = arith.constant 0 : i32
        %parallel_loop3A_434 = tpu.memref_slice %arg6[%parallel_loop3A_290, %parallel_loop3A_432, %parallel_loop3A_433] : memref<5x128x64xf32, #tpu.memory_space<vmem>> -> memref<1x128x64xf32, #tpu.memory_space<vmem>>
        %parallel_loop3A_435 = tpu.memref_squeeze %parallel_loop3A_434 : memref<1x128x64xf32, #tpu.memory_space<vmem>> -> memref<128x64xf32, #tpu.memory_space<vmem>>
        %parallel_loop3A_436 = tpu.vector_load_idx %parallel_loop3A_435[%add3A_6, %parallel_loop3A_412] : memref<128x64xf32, #tpu.memory_space<vmem>>[vector<16xi32>, vector<16xi32>], vector<16xf32>,
        %parallel_loop3A_437 = arith.addi %parallel_loop3A_421, %add3A_6 : vector<16xi32>
        %parallel_loop3A_438 = arith.constant 0 : i32
        %parallel_loop3A_439 = arith.constant 0 : i32
        %parallel_loop3A_440 = tpu.memref_slice %arg7[%parallel_loop3A_291, %parallel_loop3A_438, %parallel_loop3A_439] : memref<5x8x1024xf32, #tpu.memory_space<vmem>> -> memref<1x8x1024xf32, #tpu.memory_space<vmem>>
        %parallel_loop3A_441 = tpu.memref_squeeze %parallel_loop3A_440 : memref<1x8x1024xf32, #tpu.memory_space<vmem>> -> memref<8x1024xf32, #tpu.memory_space<vmem>>
        tpu.vector_store_idx %parallel_loop3A_441[%parallel_loop3A_415, %parallel_loop3A_437], %parallel_loop3A_436 : memref<8x1024xf32, #tpu.memory_space<vmem>>[vector<16xi32>, vector<16xi32>], vector<16xf32>,
        %parallel_loop3A_442 = arith.constant 0 : i32
        %parallel_loop3A_443 = arith.constant 0 : i32
        %parallel_loop3A_444 = tpu.memref_slice %arg6[%parallel_loop3A_290, %parallel_loop3A_442, %parallel_loop3A_443] : memref<5x128x64xf32, #tpu.memory_space<vmem>> -> memref<1x128x64xf32, #tpu.memory_space<vmem>>
        %parallel_loop3A_445 = tpu.memref_squeeze %parallel_loop3A_444 : memref<1x128x64xf32, #tpu.memory_space<vmem>> -> memref<128x64xf32, #tpu.memory_space<vmem>>
        %parallel_loop3A_446 = tpu.vector_load_idx %parallel_loop3A_445[%add3A_9, %parallel_loop3A_412] : memref<128x64xf32, #tpu.memory_space<vmem>>[vector<16xi32>, vector<16xi32>], vector<16xf32>,
        %parallel_loop3A_447 = arith.addi %parallel_loop3A_421, %add3A_9 : vector<16xi32>
        %parallel_loop3A_448 = arith.constant 0 : i32
        %parallel_loop3A_449 = arith.constant 0 : i32
        %parallel_loop3A_450 = tpu.memref_slice %arg7[%parallel_loop3A_291, %parallel_loop3A_448, %parallel_loop3A_449] : memref<5x8x1024xf32, #tpu.memory_space<vmem>> -> memref<1x8x1024xf32, #tpu.memory_space<vmem>>
        %parallel_loop3A_451 = tpu.memref_squeeze %parallel_loop3A_450 : memref<1x8x1024xf32, #tpu.memory_space<vmem>> -> memref<8x1024xf32, #tpu.memory_space<vmem>>
        tpu.vector_store_idx %parallel_loop3A_451[%parallel_loop3A_415, %parallel_loop3A_447], %parallel_loop3A_446 : memref<8x1024xf32, #tpu.memory_space<vmem>>[vector<16xi32>, vector<16xi32>], vector<16xf32>,
        %parallel_loop3A_452 = arith.constant 0 : i32
        %parallel_loop3A_453 = arith.constant 0 : i32
        %parallel_loop3A_454 = tpu.memref_slice %arg6[%parallel_loop3A_290, %parallel_loop3A_452, %parallel_loop3A_453] : memref<5x128x64xf32, #tpu.memory_space<vmem>> -> memref<1x128x64xf32, #tpu.memory_space<vmem>>
        %parallel_loop3A_455 = tpu.memref_squeeze %parallel_loop3A_454 : memref<1x128x64xf32, #tpu.memory_space<vmem>> -> memref<128x64xf32, #tpu.memory_space<vmem>>
        %parallel_loop3A_456 = tpu.vector_load_idx %parallel_loop3A_455[%add3A_12, %parallel_loop3A_412] : memref<128x64xf32, #tpu.memory_space<vmem>>[vector<16xi32>, vector<16xi32>], vector<16xf32>,
        %parallel_loop3A_457 = arith.addi %parallel_loop3A_421, %add3A_12 : vector<16xi32>
        %parallel_loop3A_458 = arith.constant 0 : i32
        %parallel_loop3A_459 = arith.constant 0 : i32
        %parallel_loop3A_460 = tpu.memref_slice %arg7[%parallel_loop3A_291, %parallel_loop3A_458, %parallel_loop3A_459] : memref<5x8x1024xf32, #tpu.memory_space<vmem>> -> memref<1x8x1024xf32, #tpu.memory_space<vmem>>
        %parallel_loop3A_461 = tpu.memref_squeeze %parallel_loop3A_460 : memref<1x8x1024xf32, #tpu.memory_space<vmem>> -> memref<8x1024xf32, #tpu.memory_space<vmem>>
        tpu.vector_store_idx %parallel_loop3A_461[%parallel_loop3A_415, %parallel_loop3A_457], %parallel_loop3A_456 : memref<8x1024xf32, #tpu.memory_space<vmem>>[vector<16xi32>, vector<16xi32>], vector<16xf32>,
        %parallel_loop3A_462 = arith.constant 0 : i32
        %parallel_loop3A_463 = arith.constant 0 : i32
        %parallel_loop3A_464 = tpu.memref_slice %arg6[%parallel_loop3A_290, %parallel_loop3A_462, %parallel_loop3A_463] : memref<5x128x64xf32, #tpu.memory_space<vmem>> -> memref<1x128x64xf32, #tpu.memory_space<vmem>>
        %parallel_loop3A_465 = tpu.memref_squeeze %parallel_loop3A_464 : memref<1x128x64xf32, #tpu.memory_space<vmem>> -> memref<128x64xf32, #tpu.memory_space<vmem>>
        %parallel_loop3A_466 = tpu.vector_load_idx %parallel_loop3A_465[%add3A_15, %parallel_loop3A_412] : memref<128x64xf32, #tpu.memory_space<vmem>>[vector<16xi32>, vector<16xi32>], vector<16xf32>,
        %parallel_loop3A_467 = arith.addi %parallel_loop3A_421, %add3A_15 : vector<16xi32>
        %parallel_loop3A_468 = arith.constant 0 : i32
        %parallel_loop3A_469 = arith.constant 0 : i32
        %parallel_loop3A_470 = tpu.memref_slice %arg7[%parallel_loop3A_291, %parallel_loop3A_468, %parallel_loop3A_469] : memref<5x8x1024xf32, #tpu.memory_space<vmem>> -> memref<1x8x1024xf32, #tpu.memory_space<vmem>>
        %parallel_loop3A_471 = tpu.memref_squeeze %parallel_loop3A_470 : memref<1x8x1024xf32, #tpu.memory_space<vmem>> -> memref<8x1024xf32, #tpu.memory_space<vmem>>
        tpu.vector_store_idx %parallel_loop3A_471[%parallel_loop3A_415, %parallel_loop3A_467], %parallel_loop3A_466 : memref<8x1024xf32, #tpu.memory_space<vmem>>[vector<16xi32>, vector<16xi32>], vector<16xf32>,
        %parallel_loop3A_472 = arith.constant 0 : i32
        %parallel_loop3A_473 = arith.constant 0 : i32
        %parallel_loop3A_474 = tpu.memref_slice %arg6[%parallel_loop3A_290, %parallel_loop3A_472, %parallel_loop3A_473] : memref<5x128x64xf32, #tpu.memory_space<vmem>> -> memref<1x128x64xf32, #tpu.memory_space<vmem>>
        %parallel_loop3A_475 = tpu.memref_squeeze %parallel_loop3A_474 : memref<1x128x64xf32, #tpu.memory_space<vmem>> -> memref<128x64xf32, #tpu.memory_space<vmem>>
        %parallel_loop3A_476 = tpu.vector_load_idx %parallel_loop3A_475[%add3A_18, %parallel_loop3A_412] : memref<128x64xf32, #tpu.memory_space<vmem>>[vector<16xi32>, vector<16xi32>], vector<16xf32>,
        %parallel_loop3A_477 = arith.addi %parallel_loop3A_421, %add3A_18 : vector<16xi32>
        %parallel_loop3A_478 = arith.constant 0 : i32
        %parallel_loop3A_479 = arith.constant 0 : i32
        %parallel_loop3A_480 = tpu.memref_slice %arg7[%parallel_loop3A_291, %parallel_loop3A_478, %parallel_loop3A_479] : memref<5x8x1024xf32, #tpu.memory_space<vmem>> -> memref<1x8x1024xf32, #tpu.memory_space<vmem>>
        %parallel_loop3A_481 = tpu.memref_squeeze %parallel_loop3A_480 : memref<1x8x1024xf32, #tpu.memory_space<vmem>> -> memref<8x1024xf32, #tpu.memory_space<vmem>>
        tpu.vector_store_idx %parallel_loop3A_481[%parallel_loop3A_415, %parallel_loop3A_477], %parallel_loop3A_476 : memref<8x1024xf32, #tpu.memory_space<vmem>>[vector<16xi32>, vector<16xi32>], vector<16xf32>,
        %parallel_loop3A_482 = arith.constant 0 : i32
        %parallel_loop3A_483 = arith.constant 0 : i32
        %parallel_loop3A_484 = tpu.memref_slice %arg6[%parallel_loop3A_290, %parallel_loop3A_482, %parallel_loop3A_483] : memref<5x128x64xf32, #tpu.memory_space<vmem>> -> memref<1x128x64xf32, #tpu.memory_space<vmem>>
        %parallel_loop3A_485 = tpu.memref_squeeze %parallel_loop3A_484 : memref<1x128x64xf32, #tpu.memory_space<vmem>> -> memref<128x64xf32, #tpu.memory_space<vmem>>
        %parallel_loop3A_486 = tpu.vector_load_idx %parallel_loop3A_485[%add3A_21, %parallel_loop3A_412] : memref<128x64xf32, #tpu.memory_space<vmem>>[vector<16xi32>, vector<16xi32>], vector<16xf32>,
        %parallel_loop3A_487 = arith.addi %parallel_loop3A_421, %add3A_21 : vector<16xi32>
        %parallel_loop3A_488 = arith.constant 0 : i32
        %parallel_loop3A_489 = arith.constant 0 : i32
        %parallel_loop3A_490 = tpu.memref_slice %arg7[%parallel_loop3A_291, %parallel_loop3A_488, %parallel_loop3A_489] : memref<5x8x1024xf32, #tpu.memory_space<vmem>> -> memref<1x8x1024xf32, #tpu.memory_space<vmem>>
        %parallel_loop3A_491 = tpu.memref_squeeze %parallel_loop3A_490 : memref<1x8x1024xf32, #tpu.memory_space<vmem>> -> memref<8x1024xf32, #tpu.memory_space<vmem>>
        tpu.vector_store_idx %parallel_loop3A_491[%parallel_loop3A_415, %parallel_loop3A_487], %parallel_loop3A_486 : memref<8x1024xf32, #tpu.memory_space<vmem>>[vector<16xi32>, vector<16xi32>], vector<16xf32>,
        %parallel_loop3A_492 = arith.constant 0 : i32
        %parallel_loop3A_493 = arith.constant 0 : i32
        %parallel_loop3A_494 = tpu.memref_slice %arg6[%parallel_loop3A_290, %parallel_loop3A_492, %parallel_loop3A_493] : memref<5x128x64xf32, #tpu.memory_space<vmem>> -> memref<1x128x64xf32, #tpu.memory_space<vmem>>
        %parallel_loop3A_495 = tpu.memref_squeeze %parallel_loop3A_494 : memref<1x128x64xf32, #tpu.memory_space<vmem>> -> memref<128x64xf32, #tpu.memory_space<vmem>>
        %parallel_loop3A_496 = tpu.vector_load_idx %parallel_loop3A_495[%add3A_24, %parallel_loop3A_412] : memref<128x64xf32, #tpu.memory_space<vmem>>[vector<16xi32>, vector<16xi32>], vector<16xf32>,
        %parallel_loop3A_497 = arith.addi %parallel_loop3A_421, %add3A_24 : vector<16xi32>
        %parallel_loop3A_498 = arith.constant 0 : i32
        %parallel_loop3A_499 = arith.constant 0 : i32
        %parallel_loop3A_500 = tpu.memref_slice %arg7[%parallel_loop3A_291, %parallel_loop3A_498, %parallel_loop3A_499] : memref<5x8x1024xf32, #tpu.memory_space<vmem>> -> memref<1x8x1024xf32, #tpu.memory_space<vmem>>
        %parallel_loop3A_501 = tpu.memref_squeeze %parallel_loop3A_500 : memref<1x8x1024xf32, #tpu.memory_space<vmem>> -> memref<8x1024xf32, #tpu.memory_space<vmem>>
        tpu.vector_store_idx %parallel_loop3A_501[%parallel_loop3A_415, %parallel_loop3A_497], %parallel_loop3A_496 : memref<8x1024xf32, #tpu.memory_space<vmem>>[vector<16xi32>, vector<16xi32>], vector<16xf32>,
      } {sc.loop_unroll_factor = 8 : i64, sc.parallel_access}
      %dma_start3A_292 = arith.constant 2 : i32
      %dma_start3A_293 = arith.constant 0 : i32
      %dma_start3A_294 = arith.constant 0 : i32
      %dma_start3A_295 = tpu.memref_slice %arg7[%dma_start3A_292, %dma_start3A_293, %dma_start3A_294] : memref<5x8x1024xf32, #tpu.memory_space<vmem>> -> memref<1x8x1024xf32, #tpu.memory_space<vmem>>
      %dma_start3A_296 = tpu.memref_squeeze %dma_start3A_295 : memref<1x8x1024xf32, #tpu.memory_space<vmem>> -> memref<8x1024xf32, #tpu.memory_space<vmem>>
      %dma_start3A_297 = arith.constant 0 : i32
      %dma_start3A_298 = arith.constant 0 : i32
      %dma_start3A_299 = tpu.memref_slice %arg4[%add3A_263, %dma_start3A_297, %add3A, %dma_start3A_298] : memref<200x8x32x1024xf32, #tpu.memory_space<hbm>> -> memref<1x8x1x1024xf32, #tpu.memory_space<hbm>>
      %dma_start3A_300 = tpu.memref_squeeze %dma_start3A_299 : memref<1x8x1x1024xf32, #tpu.memory_space<hbm>> -> memref<8x1024xf32, #tpu.memory_space<hbm>>
      %dma_start3A_301 = arith.constant 0 : i32
      %dma_start3A_302 = arith.constant 0 : i32
      %dma_start3A_303 = tpu.memref_slice %arg4[%add3A_263, %dma_start3A_301, %add3A, %dma_start3A_302] : memref<200x8x32x1024xf32, #tpu.memory_space<hbm>> -> memref<1x8x1x1024xf32, #tpu.memory_space<hbm>>
      %dma_start3A_304 = tpu.memref_squeeze %dma_start3A_303 : memref<1x8x1x1024xf32, #tpu.memory_space<hbm>> -> memref<8x1024xf32, #tpu.memory_space<hbm>>
      %dma_start3A_305 = arith.constant 0 : i32
      %dma_start3A_306 = arith.constant 0 : i32
      %dma_start3A_307 = tpu.memref_slice %arg7[%dma_start3A_292, %dma_start3A_305, %dma_start3A_306] : memref<5x8x1024xf32, #tpu.memory_space<vmem>> -> memref<1x8x1024xf32, #tpu.memory_space<vmem>>
      %dma_start3A_308 = tpu.memref_squeeze %dma_start3A_307 : memref<1x8x1024xf32, #tpu.memory_space<vmem>> -> memref<8x1024xf32, #tpu.memory_space<vmem>>
      tpu.enqueue_dma source(%dma_start3A_308 : memref<8x1024xf32, #tpu.memory_space<vmem>>) target(%dma_start3A_304 : memref<8x1024xf32, #tpu.memory_space<hbm>>) target_semaphore(%arg15 : memref<!tpu.dma_semaphore, #tpu.memory_space<semaphore_mem>>)
      %mul3A_309 = arith.constant 5 : i32
      %mul3A_310 = arith.muli %scan3A_166, %mul3A_309 : i32
      %add3A_311 = arith.constant 3 : i32
      %add3A_312 = arith.addi %mul3A_310, %add3A_311 : i32
      %dma_wait3A_313 = arith.constant 3 : i32
      %dma_wait3A_314 = arith.constant 0 : i32
      %dma_wait3A_315 = arith.constant 0 : i32
      %dma_wait3A_316 = tpu.memref_slice %arg6[%dma_wait3A_313, %dma_wait3A_314, %dma_wait3A_315] : memref<5x128x64xf32, #tpu.memory_space<vmem>> -> memref<1x128x64xf32, #tpu.memory_space<vmem>>
      %dma_wait3A_317 = tpu.memref_squeeze %dma_wait3A_316 : memref<1x128x64xf32, #tpu.memory_space<vmem>> -> memref<128x64xf32, #tpu.memory_space<vmem>>
      %dma_wait3A_318 = arith.constant 0 : i32
      %dma_wait3A_319 = tpu.memref_slice %arg5[%add3A_312, %dma_wait3A_318] : memref<200x128xi32, #tpu.memory_space<vmem>> -> memref<1x128xi32, #tpu.memory_space<vmem>>
      %dma_wait3A_320 = tpu.memref_squeeze %dma_wait3A_319 : memref<1x128xi32, #tpu.memory_space<vmem>> -> memref<128xi32, #tpu.memory_space<vmem>>
      %dma_wait3A_321 = arith.constant 0 : i32
      %dma_wait3A_322 = arith.constant 0 : i32
      %dma_wait3A_323 = tpu.memref_slice %arg3[%dma_wait3A_321, %dma_wait3A_322] : memref<1000000x64xf32, #tpu.memory_space<hbm>> -> memref<1000000x64xf32, #tpu.memory_space<hbm>>
      tpu.wait_indirect_dma semaphore(%arg11 : memref<!tpu.dma_semaphore, #tpu.memory_space<semaphore_mem>>) src(%dma_wait3A_323 : memref<1000000x64xf32, #tpu.memory_space<hbm>>) dst(%dma_wait3A_317 : memref<128x64xf32, #tpu.memory_space<vmem>>)
      %add3A_324 = arith.constant 4 : i32
      %add3A_325 = arith.addi %add3A_312, %add3A_324 : i32
      %lt3A_326 = arith.constant 200 : i32
      %lt3A_327 = arith.cmpi slt, %add3A_325, %lt3A_326 : i32
      %convert_element_type3A_328 = arith.extui %lt3A_327 : i1 to i32
      %cond3A_329 = arith.constant 0 : i32
      %cond3A_330 = arith.cmpi ne, %convert_element_type3A_328, %cond3A_329 : i32
      scf.if %cond3A_330 {
        %add3A_407 = arith.constant 4 : i32
        %add3A_408 = arith.addi %add3A_312, %add3A_407 : i32
        %dma_start3A_409 = arith.constant 2 : i32
        %dma_start3A_410 = arith.constant 0 : i32
        %dma_start3A_411 = arith.constant 0 : i32
        %dma_start3A_412 = tpu.memref_slice %arg6[%dma_start3A_409, %dma_start3A_410, %dma_start3A_411] : memref<5x128x64xf32, #tpu.memory_space<vmem>> -> memref<1x128x64xf32, #tpu.memory_space<vmem>>
        %dma_start3A_413 = tpu.memref_squeeze %dma_start3A_412 : memref<1x128x64xf32, #tpu.memory_space<vmem>> -> memref<128x64xf32, #tpu.memory_space<vmem>>
        %dma_start3A_414 = arith.constant 0 : i32
        %dma_start3A_415 = tpu.memref_slice %arg5[%add3A_408, %dma_start3A_414] : memref<200x128xi32, #tpu.memory_space<vmem>> -> memref<1x128xi32, #tpu.memory_space<vmem>>
        %dma_start3A_416 = tpu.memref_squeeze %dma_start3A_415 : memref<1x128xi32, #tpu.memory_space<vmem>> -> memref<128xi32, #tpu.memory_space<vmem>>
        %dma_start3A_417 = arith.constant 0 : i32
        %dma_start3A_418 = arith.constant 0 : i32
        %dma_start3A_419 = tpu.memref_slice %arg3[%dma_start3A_417, %dma_start3A_418] : memref<1000000x64xf32, #tpu.memory_space<hbm>> -> memref<1000000x64xf32, #tpu.memory_space<hbm>>
        tpu.enqueue_indirect_dma source(%dma_start3A_419 : memref<1000000x64xf32, #tpu.memory_space<hbm>>) target(%dma_start3A_413 : memref<128x64xf32, #tpu.memory_space<vmem>>) offsets(%dma_start3A_416 : memref<128xi32, #tpu.memory_space<vmem>>) semaphore(%arg10 : memref<!tpu.dma_semaphore, #tpu.memory_space<semaphore_mem>>)
      } else {
      }
      %ge3A_331 = arith.constant 5 : i32
      %ge3A_332 = arith.cmpi sge, %add3A_312, %ge3A_331 : i32
      %convert_element_type3A_333 = arith.extui %ge3A_332 : i1 to i32
      %cond3A_334 = arith.constant 0 : i32
      %cond3A_335 = arith.cmpi ne, %convert_element_type3A_333, %cond3A_334 : i32
      scf.if %cond3A_335 {
        %sub3A = arith.constant 5 : i32
        %sub3A_407 = arith.subi %add3A_312, %sub3A : i32
        %dma_wait3A_408 = arith.constant 3 : i32
        %dma_wait3A_409 = arith.constant 0 : i32
        %dma_wait3A_410 = arith.constant 0 : i32
        %dma_wait3A_411 = tpu.memref_slice %arg7[%dma_wait3A_408, %dma_wait3A_409, %dma_wait3A_410] : memref<5x8x1024xf32, #tpu.memory_space<vmem>> -> memref<1x8x1024xf32, #tpu.memory_space<vmem>>
        %dma_wait3A_412 = tpu.memref_squeeze %dma_wait3A_411 : memref<1x8x1024xf32, #tpu.memory_space<vmem>> -> memref<8x1024xf32, #tpu.memory_space<vmem>>
        %dma_wait3A_413 = arith.constant 0 : i32
        %dma_wait3A_414 = arith.constant 0 : i32
        %dma_wait3A_415 = tpu.memref_slice %arg4[%sub3A_407, %dma_wait3A_413, %add3A, %dma_wait3A_414] : memref<200x8x32x1024xf32, #tpu.memory_space<hbm>> -> memref<1x8x1x1024xf32, #tpu.memory_space<hbm>>
        %dma_wait3A_416 = tpu.memref_squeeze %dma_wait3A_415 : memref<1x8x1x1024xf32, #tpu.memory_space<hbm>> -> memref<8x1024xf32, #tpu.memory_space<hbm>>
        %dma_wait3A_417 = arith.constant 0 : i32
        %dma_wait3A_418 = arith.constant 0 : i32
        %dma_wait3A_419 = tpu.memref_slice %arg4[%sub3A_407, %dma_wait3A_417, %add3A, %dma_wait3A_418] : memref<200x8x32x1024xf32, #tpu.memory_space<hbm>> -> memref<1x8x1x1024xf32, #tpu.memory_space<hbm>>
        %dma_wait3A_420 = tpu.memref_squeeze %dma_wait3A_419 : memref<1x8x1x1024xf32, #tpu.memory_space<hbm>> -> memref<8x1024xf32, #tpu.memory_space<hbm>>
        %dma_wait3A_421 = arith.constant 0 : i32
        %dma_wait3A_422 = arith.constant 0 : i32
        %dma_wait3A_423 = tpu.memref_slice %arg7[%dma_wait3A_408, %dma_wait3A_421, %dma_wait3A_422] : memref<5x8x1024xf32, #tpu.memory_space<vmem>> -> memref<1x8x1024xf32, #tpu.memory_space<vmem>>
        %dma_wait3A_424 = tpu.memref_squeeze %dma_wait3A_423 : memref<1x8x1024xf32, #tpu.memory_space<vmem>> -> memref<8x1024xf32, #tpu.memory_space<vmem>>
        tpu.wait_dma2 semaphore(%arg16 : memref<!tpu.dma_semaphore, #tpu.memory_space<semaphore_mem>>) src(%dma_wait3A_424 : memref<8x1024xf32, #tpu.memory_space<vmem>>) dst(%dma_wait3A_420 : memref<8x1024xf32, #tpu.memory_space<hbm>>)
      } else {
      }
      %parallel_loop3A_336 = arith.constant 0 : i32
      %parallel_loop3A_337 = arith.constant 64 : i32
      %parallel_loop3A_338 = arith.constant 1 : i32
      %parallel_loop3A_339 = arith.constant 3 : i32
      %parallel_loop3A_340 = arith.constant 3 : i32
      scf.for %parallel_loop3A_407 = %parallel_loop3A_336 to %parallel_loop3A_337 step %parallel_loop3A_338  : i32 {
        %parallel_loop3A_408 = vector.broadcast %parallel_loop3A_407 : i32 to vector<16xi32>
        %parallel_loop3A_409 = arith.addi %iota3A, %parallel_loop3A_408 : vector<16xi32>
        %parallel_loop3A_410 = arith.constant 63 : i32
        %parallel_loop3A_411 = vector.broadcast %parallel_loop3A_410 : i32 to vector<16xi32>
        %parallel_loop3A_412 = arith.andi %parallel_loop3A_409, %parallel_loop3A_411 : vector<16xi32>
        %parallel_loop3A_413 = arith.constant 3 : i32
        %parallel_loop3A_414 = vector.broadcast %parallel_loop3A_413 : i32 to vector<16xi32>
        %parallel_loop3A_415 = arith.shrsi %parallel_loop3A_412, %parallel_loop3A_414 : vector<16xi32>
        %parallel_loop3A_416 = arith.constant 7 : i32
        %parallel_loop3A_417 = vector.broadcast %parallel_loop3A_416 : i32 to vector<16xi32>
        %parallel_loop3A_418 = arith.andi %parallel_loop3A_412, %parallel_loop3A_417 : vector<16xi32>
        %parallel_loop3A_419 = arith.constant 128 : i32
        %parallel_loop3A_420 = vector.broadcast %parallel_loop3A_419 : i32 to vector<16xi32>
        %parallel_loop3A_421 = arith.muli %parallel_loop3A_418, %parallel_loop3A_420 : vector<16xi32>
        %parallel_loop3A_422 = arith.constant 0 : i32
        %parallel_loop3A_423 = arith.constant 0 : i32
        %parallel_loop3A_424 = tpu.memref_slice %arg6[%parallel_loop3A_339, %parallel_loop3A_422, %parallel_loop3A_423] : memref<5x128x64xf32, #tpu.memory_space<vmem>> -> memref<1x128x64xf32, #tpu.memory_space<vmem>>
        %parallel_loop3A_425 = tpu.memref_squeeze %parallel_loop3A_424 : memref<1x128x64xf32, #tpu.memory_space<vmem>> -> memref<128x64xf32, #tpu.memory_space<vmem>>
        %parallel_loop3A_426 = tpu.vector_load_idx %parallel_loop3A_425[%add3A_3, %parallel_loop3A_412] : memref<128x64xf32, #tpu.memory_space<vmem>>[vector<16xi32>, vector<16xi32>], vector<16xf32>,
        %parallel_loop3A_427 = arith.addi %parallel_loop3A_421, %add3A_3 : vector<16xi32>
        %parallel_loop3A_428 = arith.constant 0 : i32
        %parallel_loop3A_429 = arith.constant 0 : i32
        %parallel_loop3A_430 = tpu.memref_slice %arg7[%parallel_loop3A_340, %parallel_loop3A_428, %parallel_loop3A_429] : memref<5x8x1024xf32, #tpu.memory_space<vmem>> -> memref<1x8x1024xf32, #tpu.memory_space<vmem>>
        %parallel_loop3A_431 = tpu.memref_squeeze %parallel_loop3A_430 : memref<1x8x1024xf32, #tpu.memory_space<vmem>> -> memref<8x1024xf32, #tpu.memory_space<vmem>>
        tpu.vector_store_idx %parallel_loop3A_431[%parallel_loop3A_415, %parallel_loop3A_427], %parallel_loop3A_426 : memref<8x1024xf32, #tpu.memory_space<vmem>>[vector<16xi32>, vector<16xi32>], vector<16xf32>,
        %parallel_loop3A_432 = arith.constant 0 : i32
        %parallel_loop3A_433 = arith.constant 0 : i32
        %parallel_loop3A_434 = tpu.memref_slice %arg6[%parallel_loop3A_339, %parallel_loop3A_432, %parallel_loop3A_433] : memref<5x128x64xf32, #tpu.memory_space<vmem>> -> memref<1x128x64xf32, #tpu.memory_space<vmem>>
        %parallel_loop3A_435 = tpu.memref_squeeze %parallel_loop3A_434 : memref<1x128x64xf32, #tpu.memory_space<vmem>> -> memref<128x64xf32, #tpu.memory_space<vmem>>
        %parallel_loop3A_436 = tpu.vector_load_idx %parallel_loop3A_435[%add3A_6, %parallel_loop3A_412] : memref<128x64xf32, #tpu.memory_space<vmem>>[vector<16xi32>, vector<16xi32>], vector<16xf32>,
        %parallel_loop3A_437 = arith.addi %parallel_loop3A_421, %add3A_6 : vector<16xi32>
        %parallel_loop3A_438 = arith.constant 0 : i32
        %parallel_loop3A_439 = arith.constant 0 : i32
        %parallel_loop3A_440 = tpu.memref_slice %arg7[%parallel_loop3A_340, %parallel_loop3A_438, %parallel_loop3A_439] : memref<5x8x1024xf32, #tpu.memory_space<vmem>> -> memref<1x8x1024xf32, #tpu.memory_space<vmem>>
        %parallel_loop3A_441 = tpu.memref_squeeze %parallel_loop3A_440 : memref<1x8x1024xf32, #tpu.memory_space<vmem>> -> memref<8x1024xf32, #tpu.memory_space<vmem>>
        tpu.vector_store_idx %parallel_loop3A_441[%parallel_loop3A_415, %parallel_loop3A_437], %parallel_loop3A_436 : memref<8x1024xf32, #tpu.memory_space<vmem>>[vector<16xi32>, vector<16xi32>], vector<16xf32>,
        %parallel_loop3A_442 = arith.constant 0 : i32
        %parallel_loop3A_443 = arith.constant 0 : i32
        %parallel_loop3A_444 = tpu.memref_slice %arg6[%parallel_loop3A_339, %parallel_loop3A_442, %parallel_loop3A_443] : memref<5x128x64xf32, #tpu.memory_space<vmem>> -> memref<1x128x64xf32, #tpu.memory_space<vmem>>
        %parallel_loop3A_445 = tpu.memref_squeeze %parallel_loop3A_444 : memref<1x128x64xf32, #tpu.memory_space<vmem>> -> memref<128x64xf32, #tpu.memory_space<vmem>>
        %parallel_loop3A_446 = tpu.vector_load_idx %parallel_loop3A_445[%add3A_9, %parallel_loop3A_412] : memref<128x64xf32, #tpu.memory_space<vmem>>[vector<16xi32>, vector<16xi32>], vector<16xf32>,
        %parallel_loop3A_447 = arith.addi %parallel_loop3A_421, %add3A_9 : vector<16xi32>
        %parallel_loop3A_448 = arith.constant 0 : i32
        %parallel_loop3A_449 = arith.constant 0 : i32
        %parallel_loop3A_450 = tpu.memref_slice %arg7[%parallel_loop3A_340, %parallel_loop3A_448, %parallel_loop3A_449] : memref<5x8x1024xf32, #tpu.memory_space<vmem>> -> memref<1x8x1024xf32, #tpu.memory_space<vmem>>
        %parallel_loop3A_451 = tpu.memref_squeeze %parallel_loop3A_450 : memref<1x8x1024xf32, #tpu.memory_space<vmem>> -> memref<8x1024xf32, #tpu.memory_space<vmem>>
        tpu.vector_store_idx %parallel_loop3A_451[%parallel_loop3A_415, %parallel_loop3A_447], %parallel_loop3A_446 : memref<8x1024xf32, #tpu.memory_space<vmem>>[vector<16xi32>, vector<16xi32>], vector<16xf32>,
        %parallel_loop3A_452 = arith.constant 0 : i32
        %parallel_loop3A_453 = arith.constant 0 : i32
        %parallel_loop3A_454 = tpu.memref_slice %arg6[%parallel_loop3A_339, %parallel_loop3A_452, %parallel_loop3A_453] : memref<5x128x64xf32, #tpu.memory_space<vmem>> -> memref<1x128x64xf32, #tpu.memory_space<vmem>>
        %parallel_loop3A_455 = tpu.memref_squeeze %parallel_loop3A_454 : memref<1x128x64xf32, #tpu.memory_space<vmem>> -> memref<128x64xf32, #tpu.memory_space<vmem>>
        %parallel_loop3A_456 = tpu.vector_load_idx %parallel_loop3A_455[%add3A_12, %parallel_loop3A_412] : memref<128x64xf32, #tpu.memory_space<vmem>>[vector<16xi32>, vector<16xi32>], vector<16xf32>,
        %parallel_loop3A_457 = arith.addi %parallel_loop3A_421, %add3A_12 : vector<16xi32>
        %parallel_loop3A_458 = arith.constant 0 : i32
        %parallel_loop3A_459 = arith.constant 0 : i32
        %parallel_loop3A_460 = tpu.memref_slice %arg7[%parallel_loop3A_340, %parallel_loop3A_458, %parallel_loop3A_459] : memref<5x8x1024xf32, #tpu.memory_space<vmem>> -> memref<1x8x1024xf32, #tpu.memory_space<vmem>>
        %parallel_loop3A_461 = tpu.memref_squeeze %parallel_loop3A_460 : memref<1x8x1024xf32, #tpu.memory_space<vmem>> -> memref<8x1024xf32, #tpu.memory_space<vmem>>
        tpu.vector_store_idx %parallel_loop3A_461[%parallel_loop3A_415, %parallel_loop3A_457], %parallel_loop3A_456 : memref<8x1024xf32, #tpu.memory_space<vmem>>[vector<16xi32>, vector<16xi32>], vector<16xf32>,
        %parallel_loop3A_462 = arith.constant 0 : i32
        %parallel_loop3A_463 = arith.constant 0 : i32
        %parallel_loop3A_464 = tpu.memref_slice %arg6[%parallel_loop3A_339, %parallel_loop3A_462, %parallel_loop3A_463] : memref<5x128x64xf32, #tpu.memory_space<vmem>> -> memref<1x128x64xf32, #tpu.memory_space<vmem>>
        %parallel_loop3A_465 = tpu.memref_squeeze %parallel_loop3A_464 : memref<1x128x64xf32, #tpu.memory_space<vmem>> -> memref<128x64xf32, #tpu.memory_space<vmem>>
        %parallel_loop3A_466 = tpu.vector_load_idx %parallel_loop3A_465[%add3A_15, %parallel_loop3A_412] : memref<128x64xf32, #tpu.memory_space<vmem>>[vector<16xi32>, vector<16xi32>], vector<16xf32>,
        %parallel_loop3A_467 = arith.addi %parallel_loop3A_421, %add3A_15 : vector<16xi32>
        %parallel_loop3A_468 = arith.constant 0 : i32
        %parallel_loop3A_469 = arith.constant 0 : i32
        %parallel_loop3A_470 = tpu.memref_slice %arg7[%parallel_loop3A_340, %parallel_loop3A_468, %parallel_loop3A_469] : memref<5x8x1024xf32, #tpu.memory_space<vmem>> -> memref<1x8x1024xf32, #tpu.memory_space<vmem>>
        %parallel_loop3A_471 = tpu.memref_squeeze %parallel_loop3A_470 : memref<1x8x1024xf32, #tpu.memory_space<vmem>> -> memref<8x1024xf32, #tpu.memory_space<vmem>>
        tpu.vector_store_idx %parallel_loop3A_471[%parallel_loop3A_415, %parallel_loop3A_467], %parallel_loop3A_466 : memref<8x1024xf32, #tpu.memory_space<vmem>>[vector<16xi32>, vector<16xi32>], vector<16xf32>,
        %parallel_loop3A_472 = arith.constant 0 : i32
        %parallel_loop3A_473 = arith.constant 0 : i32
        %parallel_loop3A_474 = tpu.memref_slice %arg6[%parallel_loop3A_339, %parallel_loop3A_472, %parallel_loop3A_473] : memref<5x128x64xf32, #tpu.memory_space<vmem>> -> memref<1x128x64xf32, #tpu.memory_space<vmem>>
        %parallel_loop3A_475 = tpu.memref_squeeze %parallel_loop3A_474 : memref<1x128x64xf32, #tpu.memory_space<vmem>> -> memref<128x64xf32, #tpu.memory_space<vmem>>
        %parallel_loop3A_476 = tpu.vector_load_idx %parallel_loop3A_475[%add3A_18, %parallel_loop3A_412] : memref<128x64xf32, #tpu.memory_space<vmem>>[vector<16xi32>, vector<16xi32>], vector<16xf32>,
        %parallel_loop3A_477 = arith.addi %parallel_loop3A_421, %add3A_18 : vector<16xi32>
        %parallel_loop3A_478 = arith.constant 0 : i32
        %parallel_loop3A_479 = arith.constant 0 : i32
        %parallel_loop3A_480 = tpu.memref_slice %arg7[%parallel_loop3A_340, %parallel_loop3A_478, %parallel_loop3A_479] : memref<5x8x1024xf32, #tpu.memory_space<vmem>> -> memref<1x8x1024xf32, #tpu.memory_space<vmem>>
        %parallel_loop3A_481 = tpu.memref_squeeze %parallel_loop3A_480 : memref<1x8x1024xf32, #tpu.memory_space<vmem>> -> memref<8x1024xf32, #tpu.memory_space<vmem>>
        tpu.vector_store_idx %parallel_loop3A_481[%parallel_loop3A_415, %parallel_loop3A_477], %parallel_loop3A_476 : memref<8x1024xf32, #tpu.memory_space<vmem>>[vector<16xi32>, vector<16xi32>], vector<16xf32>,
        %parallel_loop3A_482 = arith.constant 0 : i32
        %parallel_loop3A_483 = arith.constant 0 : i32
        %parallel_loop3A_484 = tpu.memref_slice %arg6[%parallel_loop3A_339, %parallel_loop3A_482, %parallel_loop3A_483] : memref<5x128x64xf32, #tpu.memory_space<vmem>> -> memref<1x128x64xf32, #tpu.memory_space<vmem>>
        %parallel_loop3A_485 = tpu.memref_squeeze %parallel_loop3A_484 : memref<1x128x64xf32, #tpu.memory_space<vmem>> -> memref<128x64xf32, #tpu.memory_space<vmem>>
        %parallel_loop3A_486 = tpu.vector_load_idx %parallel_loop3A_485[%add3A_21, %parallel_loop3A_412] : memref<128x64xf32, #tpu.memory_space<vmem>>[vector<16xi32>, vector<16xi32>], vector<16xf32>,
        %parallel_loop3A_487 = arith.addi %parallel_loop3A_421, %add3A_21 : vector<16xi32>
        %parallel_loop3A_488 = arith.constant 0 : i32
        %parallel_loop3A_489 = arith.constant 0 : i32
        %parallel_loop3A_490 = tpu.memref_slice %arg7[%parallel_loop3A_340, %parallel_loop3A_488, %parallel_loop3A_489] : memref<5x8x1024xf32, #tpu.memory_space<vmem>> -> memref<1x8x1024xf32, #tpu.memory_space<vmem>>
        %parallel_loop3A_491 = tpu.memref_squeeze %parallel_loop3A_490 : memref<1x8x1024xf32, #tpu.memory_space<vmem>> -> memref<8x1024xf32, #tpu.memory_space<vmem>>
        tpu.vector_store_idx %parallel_loop3A_491[%parallel_loop3A_415, %parallel_loop3A_487], %parallel_loop3A_486 : memref<8x1024xf32, #tpu.memory_space<vmem>>[vector<16xi32>, vector<16xi32>], vector<16xf32>,
        %parallel_loop3A_492 = arith.constant 0 : i32
        %parallel_loop3A_493 = arith.constant 0 : i32
        %parallel_loop3A_494 = tpu.memref_slice %arg6[%parallel_loop3A_339, %parallel_loop3A_492, %parallel_loop3A_493] : memref<5x128x64xf32, #tpu.memory_space<vmem>> -> memref<1x128x64xf32, #tpu.memory_space<vmem>>
        %parallel_loop3A_495 = tpu.memref_squeeze %parallel_loop3A_494 : memref<1x128x64xf32, #tpu.memory_space<vmem>> -> memref<128x64xf32, #tpu.memory_space<vmem>>
        %parallel_loop3A_496 = tpu.vector_load_idx %parallel_loop3A_495[%add3A_24, %parallel_loop3A_412] : memref<128x64xf32, #tpu.memory_space<vmem>>[vector<16xi32>, vector<16xi32>], vector<16xf32>,
        %parallel_loop3A_497 = arith.addi %parallel_loop3A_421, %add3A_24 : vector<16xi32>
        %parallel_loop3A_498 = arith.constant 0 : i32
        %parallel_loop3A_499 = arith.constant 0 : i32
        %parallel_loop3A_500 = tpu.memref_slice %arg7[%parallel_loop3A_340, %parallel_loop3A_498, %parallel_loop3A_499] : memref<5x8x1024xf32, #tpu.memory_space<vmem>> -> memref<1x8x1024xf32, #tpu.memory_space<vmem>>
        %parallel_loop3A_501 = tpu.memref_squeeze %parallel_loop3A_500 : memref<1x8x1024xf32, #tpu.memory_space<vmem>> -> memref<8x1024xf32, #tpu.memory_space<vmem>>
        tpu.vector_store_idx %parallel_loop3A_501[%parallel_loop3A_415, %parallel_loop3A_497], %parallel_loop3A_496 : memref<8x1024xf32, #tpu.memory_space<vmem>>[vector<16xi32>, vector<16xi32>], vector<16xf32>,
      } {sc.loop_unroll_factor = 8 : i64, sc.parallel_access}
      %dma_start3A_341 = arith.constant 3 : i32
      %dma_start3A_342 = arith.constant 0 : i32
      %dma_start3A_343 = arith.constant 0 : i32
      %dma_start3A_344 = tpu.memref_slice %arg7[%dma_start3A_341, %dma_start3A_342, %dma_start3A_343] : memref<5x8x1024xf32, #tpu.memory_space<vmem>> -> memref<1x8x1024xf32, #tpu.memory_space<vmem>>
      %dma_start3A_345 = tpu.memref_squeeze %dma_start3A_344 : memref<1x8x1024xf32, #tpu.memory_space<vmem>> -> memref<8x1024xf32, #tpu.memory_space<vmem>>
      %dma_start3A_346 = arith.constant 0 : i32
      %dma_start3A_347 = arith.constant 0 : i32
      %dma_start3A_348 = tpu.memref_slice %arg4[%add3A_312, %dma_start3A_346, %add3A, %dma_start3A_347] : memref<200x8x32x1024xf32, #tpu.memory_space<hbm>> -> memref<1x8x1x1024xf32, #tpu.memory_space<hbm>>
      %dma_start3A_349 = tpu.memref_squeeze %dma_start3A_348 : memref<1x8x1x1024xf32, #tpu.memory_space<hbm>> -> memref<8x1024xf32, #tpu.memory_space<hbm>>
      %dma_start3A_350 = arith.constant 0 : i32
      %dma_start3A_351 = arith.constant 0 : i32
      %dma_start3A_352 = tpu.memref_slice %arg4[%add3A_312, %dma_start3A_350, %add3A, %dma_start3A_351] : memref<200x8x32x1024xf32, #tpu.memory_space<hbm>> -> memref<1x8x1x1024xf32, #tpu.memory_space<hbm>>
      %dma_start3A_353 = tpu.memref_squeeze %dma_start3A_352 : memref<1x8x1x1024xf32, #tpu.memory_space<hbm>> -> memref<8x1024xf32, #tpu.memory_space<hbm>>
      %dma_start3A_354 = arith.constant 0 : i32
      %dma_start3A_355 = arith.constant 0 : i32
      %dma_start3A_356 = tpu.memref_slice %arg7[%dma_start3A_341, %dma_start3A_354, %dma_start3A_355] : memref<5x8x1024xf32, #tpu.memory_space<vmem>> -> memref<1x8x1024xf32, #tpu.memory_space<vmem>>
      %dma_start3A_357 = tpu.memref_squeeze %dma_start3A_356 : memref<1x8x1024xf32, #tpu.memory_space<vmem>> -> memref<8x1024xf32, #tpu.memory_space<vmem>>
      tpu.enqueue_dma source(%dma_start3A_357 : memref<8x1024xf32, #tpu.memory_space<vmem>>) target(%dma_start3A_353 : memref<8x1024xf32, #tpu.memory_space<hbm>>) target_semaphore(%arg16 : memref<!tpu.dma_semaphore, #tpu.memory_space<semaphore_mem>>)
      %mul3A_358 = arith.constant 5 : i32
      %mul3A_359 = arith.muli %scan3A_166, %mul3A_358 : i32
      %add3A_360 = arith.constant 4 : i32
      %add3A_361 = arith.addi %mul3A_359, %add3A_360 : i32
      %dma_wait3A_362 = arith.constant 4 : i32
      %dma_wait3A_363 = arith.constant 0 : i32
      %dma_wait3A_364 = arith.constant 0 : i32
      %dma_wait3A_365 = tpu.memref_slice %arg6[%dma_wait3A_362, %dma_wait3A_363, %dma_wait3A_364] : memref<5x128x64xf32, #tpu.memory_space<vmem>> -> memref<1x128x64xf32, #tpu.memory_space<vmem>>
      %dma_wait3A_366 = tpu.memref_squeeze %dma_wait3A_365 : memref<1x128x64xf32, #tpu.memory_space<vmem>> -> memref<128x64xf32, #tpu.memory_space<vmem>>
      %dma_wait3A_367 = arith.constant 0 : i32
      %dma_wait3A_368 = tpu.memref_slice %arg5[%add3A_361, %dma_wait3A_367] : memref<200x128xi32, #tpu.memory_space<vmem>> -> memref<1x128xi32, #tpu.memory_space<vmem>>
      %dma_wait3A_369 = tpu.memref_squeeze %dma_wait3A_368 : memref<1x128xi32, #tpu.memory_space<vmem>> -> memref<128xi32, #tpu.memory_space<vmem>>
      %dma_wait3A_370 = arith.constant 0 : i32
      %dma_wait3A_371 = arith.constant 0 : i32
      %dma_wait3A_372 = tpu.memref_slice %arg3[%dma_wait3A_370, %dma_wait3A_371] : memref<1000000x64xf32, #tpu.memory_space<hbm>> -> memref<1000000x64xf32, #tpu.memory_space<hbm>>
      tpu.wait_indirect_dma semaphore(%arg12 : memref<!tpu.dma_semaphore, #tpu.memory_space<semaphore_mem>>) src(%dma_wait3A_372 : memref<1000000x64xf32, #tpu.memory_space<hbm>>) dst(%dma_wait3A_366 : memref<128x64xf32, #tpu.memory_space<vmem>>)
      %add3A_373 = arith.constant 4 : i32
      %add3A_374 = arith.addi %add3A_361, %add3A_373 : i32
      %lt3A_375 = arith.constant 200 : i32
      %lt3A_376 = arith.cmpi slt, %add3A_374, %lt3A_375 : i32
      %convert_element_type3A_377 = arith.extui %lt3A_376 : i1 to i32
      %cond3A_378 = arith.constant 0 : i32
      %cond3A_379 = arith.cmpi ne, %convert_element_type3A_377, %cond3A_378 : i32
      scf.if %cond3A_379 {
        %add3A_407 = arith.constant 4 : i32
        %add3A_408 = arith.addi %add3A_361, %add3A_407 : i32
        %dma_start3A_409 = arith.constant 3 : i32
        %dma_start3A_410 = arith.constant 0 : i32
        %dma_start3A_411 = arith.constant 0 : i32
        %dma_start3A_412 = tpu.memref_slice %arg6[%dma_start3A_409, %dma_start3A_410, %dma_start3A_411] : memref<5x128x64xf32, #tpu.memory_space<vmem>> -> memref<1x128x64xf32, #tpu.memory_space<vmem>>
        %dma_start3A_413 = tpu.memref_squeeze %dma_start3A_412 : memref<1x128x64xf32, #tpu.memory_space<vmem>> -> memref<128x64xf32, #tpu.memory_space<vmem>>
        %dma_start3A_414 = arith.constant 0 : i32
        %dma_start3A_415 = tpu.memref_slice %arg5[%add3A_408, %dma_start3A_414] : memref<200x128xi32, #tpu.memory_space<vmem>> -> memref<1x128xi32, #tpu.memory_space<vmem>>
        %dma_start3A_416 = tpu.memref_squeeze %dma_start3A_415 : memref<1x128xi32, #tpu.memory_space<vmem>> -> memref<128xi32, #tpu.memory_space<vmem>>
        %dma_start3A_417 = arith.constant 0 : i32
        %dma_start3A_418 = arith.constant 0 : i32
        %dma_start3A_419 = tpu.memref_slice %arg3[%dma_start3A_417, %dma_start3A_418] : memref<1000000x64xf32, #tpu.memory_space<hbm>> -> memref<1000000x64xf32, #tpu.memory_space<hbm>>
        tpu.enqueue_indirect_dma source(%dma_start3A_419 : memref<1000000x64xf32, #tpu.memory_space<hbm>>) target(%dma_start3A_413 : memref<128x64xf32, #tpu.memory_space<vmem>>) offsets(%dma_start3A_416 : memref<128xi32, #tpu.memory_space<vmem>>) semaphore(%arg11 : memref<!tpu.dma_semaphore, #tpu.memory_space<semaphore_mem>>)
      } else {
      }
      %ge3A_380 = arith.constant 5 : i32
      %ge3A_381 = arith.cmpi sge, %add3A_361, %ge3A_380 : i32
      %convert_element_type3A_382 = arith.extui %ge3A_381 : i1 to i32
      %cond3A_383 = arith.constant 0 : i32
      %cond3A_384 = arith.cmpi ne, %convert_element_type3A_382, %cond3A_383 : i32
      scf.if %cond3A_384 {
        %sub3A = arith.constant 5 : i32
        %sub3A_407 = arith.subi %add3A_361, %sub3A : i32
        %dma_wait3A_408 = arith.constant 4 : i32
        %dma_wait3A_409 = arith.constant 0 : i32
        %dma_wait3A_410 = arith.constant 0 : i32
        %dma_wait3A_411 = tpu.memref_slice %arg7[%dma_wait3A_408, %dma_wait3A_409, %dma_wait3A_410] : memref<5x8x1024xf32, #tpu.memory_space<vmem>> -> memref<1x8x1024xf32, #tpu.memory_space<vmem>>
        %dma_wait3A_412 = tpu.memref_squeeze %dma_wait3A_411 : memref<1x8x1024xf32, #tpu.memory_space<vmem>> -> memref<8x1024xf32, #tpu.memory_space<vmem>>
        %dma_wait3A_413 = arith.constant 0 : i32
        %dma_wait3A_414 = arith.constant 0 : i32
        %dma_wait3A_415 = tpu.memref_slice %arg4[%sub3A_407, %dma_wait3A_413, %add3A, %dma_wait3A_414] : memref<200x8x32x1024xf32, #tpu.memory_space<hbm>> -> memref<1x8x1x1024xf32, #tpu.memory_space<hbm>>
        %dma_wait3A_416 = tpu.memref_squeeze %dma_wait3A_415 : memref<1x8x1x1024xf32, #tpu.memory_space<hbm>> -> memref<8x1024xf32, #tpu.memory_space<hbm>>
        %dma_wait3A_417 = arith.constant 0 : i32
        %dma_wait3A_418 = arith.constant 0 : i32
        %dma_wait3A_419 = tpu.memref_slice %arg4[%sub3A_407, %dma_wait3A_417, %add3A, %dma_wait3A_418] : memref<200x8x32x1024xf32, #tpu.memory_space<hbm>> -> memref<1x8x1x1024xf32, #tpu.memory_space<hbm>>
        %dma_wait3A_420 = tpu.memref_squeeze %dma_wait3A_419 : memref<1x8x1x1024xf32, #tpu.memory_space<hbm>> -> memref<8x1024xf32, #tpu.memory_space<hbm>>
        %dma_wait3A_421 = arith.constant 0 : i32
        %dma_wait3A_422 = arith.constant 0 : i32
        %dma_wait3A_423 = tpu.memref_slice %arg7[%dma_wait3A_408, %dma_wait3A_421, %dma_wait3A_422] : memref<5x8x1024xf32, #tpu.memory_space<vmem>> -> memref<1x8x1024xf32, #tpu.memory_space<vmem>>
        %dma_wait3A_424 = tpu.memref_squeeze %dma_wait3A_423 : memref<1x8x1024xf32, #tpu.memory_space<vmem>> -> memref<8x1024xf32, #tpu.memory_space<vmem>>
        tpu.wait_dma2 semaphore(%arg17 : memref<!tpu.dma_semaphore, #tpu.memory_space<semaphore_mem>>) src(%dma_wait3A_424 : memref<8x1024xf32, #tpu.memory_space<vmem>>) dst(%dma_wait3A_420 : memref<8x1024xf32, #tpu.memory_space<hbm>>)
      } else {
      }
      %parallel_loop3A_385 = arith.constant 0 : i32
      %parallel_loop3A_386 = arith.constant 64 : i32
      %parallel_loop3A_387 = arith.constant 1 : i32
      %parallel_loop3A_388 = arith.constant 4 : i32
      %parallel_loop3A_389 = arith.constant 4 : i32
      scf.for %parallel_loop3A_407 = %parallel_loop3A_385 to %parallel_loop3A_386 step %parallel_loop3A_387  : i32 {
        %parallel_loop3A_408 = vector.broadcast %parallel_loop3A_407 : i32 to vector<16xi32>
        %parallel_loop3A_409 = arith.addi %iota3A, %parallel_loop3A_408 : vector<16xi32>
        %parallel_loop3A_410 = arith.constant 63 : i32
        %parallel_loop3A_411 = vector.broadcast %parallel_loop3A_410 : i32 to vector<16xi32>
        %parallel_loop3A_412 = arith.andi %parallel_loop3A_409, %parallel_loop3A_411 : vector<16xi32>
        %parallel_loop3A_413 = arith.constant 3 : i32
        %parallel_loop3A_414 = vector.broadcast %parallel_loop3A_413 : i32 to vector<16xi32>
        %parallel_loop3A_415 = arith.shrsi %parallel_loop3A_412, %parallel_loop3A_414 : vector<16xi32>
        %parallel_loop3A_416 = arith.constant 7 : i32
        %parallel_loop3A_417 = vector.broadcast %parallel_loop3A_416 : i32 to vector<16xi32>
        %parallel_loop3A_418 = arith.andi %parallel_loop3A_412, %parallel_loop3A_417 : vector<16xi32>
        %parallel_loop3A_419 = arith.constant 128 : i32
        %parallel_loop3A_420 = vector.broadcast %parallel_loop3A_419 : i32 to vector<16xi32>
        %parallel_loop3A_421 = arith.muli %parallel_loop3A_418, %parallel_loop3A_420 : vector<16xi32>
        %parallel_loop3A_422 = arith.constant 0 : i32
        %parallel_loop3A_423 = arith.constant 0 : i32
        %parallel_loop3A_424 = tpu.memref_slice %arg6[%parallel_loop3A_388, %parallel_loop3A_422, %parallel_loop3A_423] : memref<5x128x64xf32, #tpu.memory_space<vmem>> -> memref<1x128x64xf32, #tpu.memory_space<vmem>>
        %parallel_loop3A_425 = tpu.memref_squeeze %parallel_loop3A_424 : memref<1x128x64xf32, #tpu.memory_space<vmem>> -> memref<128x64xf32, #tpu.memory_space<vmem>>
        %parallel_loop3A_426 = tpu.vector_load_idx %parallel_loop3A_425[%add3A_3, %parallel_loop3A_412] : memref<128x64xf32, #tpu.memory_space<vmem>>[vector<16xi32>, vector<16xi32>], vector<16xf32>,
        %parallel_loop3A_427 = arith.addi %parallel_loop3A_421, %add3A_3 : vector<16xi32>
        %parallel_loop3A_428 = arith.constant 0 : i32
        %parallel_loop3A_429 = arith.constant 0 : i32
        %parallel_loop3A_430 = tpu.memref_slice %arg7[%parallel_loop3A_389, %parallel_loop3A_428, %parallel_loop3A_429] : memref<5x8x1024xf32, #tpu.memory_space<vmem>> -> memref<1x8x1024xf32, #tpu.memory_space<vmem>>
        %parallel_loop3A_431 = tpu.memref_squeeze %parallel_loop3A_430 : memref<1x8x1024xf32, #tpu.memory_space<vmem>> -> memref<8x1024xf32, #tpu.memory_space<vmem>>
        tpu.vector_store_idx %parallel_loop3A_431[%parallel_loop3A_415, %parallel_loop3A_427], %parallel_loop3A_426 : memref<8x1024xf32, #tpu.memory_space<vmem>>[vector<16xi32>, vector<16xi32>], vector<16xf32>,
        %parallel_loop3A_432 = arith.constant 0 : i32
        %parallel_loop3A_433 = arith.constant 0 : i32
        %parallel_loop3A_434 = tpu.memref_slice %arg6[%parallel_loop3A_388, %parallel_loop3A_432, %parallel_loop3A_433] : memref<5x128x64xf32, #tpu.memory_space<vmem>> -> memref<1x128x64xf32, #tpu.memory_space<vmem>>
        %parallel_loop3A_435 = tpu.memref_squeeze %parallel_loop3A_434 : memref<1x128x64xf32, #tpu.memory_space<vmem>> -> memref<128x64xf32, #tpu.memory_space<vmem>>
        %parallel_loop3A_436 = tpu.vector_load_idx %parallel_loop3A_435[%add3A_6, %parallel_loop3A_412] : memref<128x64xf32, #tpu.memory_space<vmem>>[vector<16xi32>, vector<16xi32>], vector<16xf32>,
        %parallel_loop3A_437 = arith.addi %parallel_loop3A_421, %add3A_6 : vector<16xi32>
        %parallel_loop3A_438 = arith.constant 0 : i32
        %parallel_loop3A_439 = arith.constant 0 : i32
        %parallel_loop3A_440 = tpu.memref_slice %arg7[%parallel_loop3A_389, %parallel_loop3A_438, %parallel_loop3A_439] : memref<5x8x1024xf32, #tpu.memory_space<vmem>> -> memref<1x8x1024xf32, #tpu.memory_space<vmem>>
        %parallel_loop3A_441 = tpu.memref_squeeze %parallel_loop3A_440 : memref<1x8x1024xf32, #tpu.memory_space<vmem>> -> memref<8x1024xf32, #tpu.memory_space<vmem>>
        tpu.vector_store_idx %parallel_loop3A_441[%parallel_loop3A_415, %parallel_loop3A_437], %parallel_loop3A_436 : memref<8x1024xf32, #tpu.memory_space<vmem>>[vector<16xi32>, vector<16xi32>], vector<16xf32>,
        %parallel_loop3A_442 = arith.constant 0 : i32
        %parallel_loop3A_443 = arith.constant 0 : i32
        %parallel_loop3A_444 = tpu.memref_slice %arg6[%parallel_loop3A_388, %parallel_loop3A_442, %parallel_loop3A_443] : memref<5x128x64xf32, #tpu.memory_space<vmem>> -> memref<1x128x64xf32, #tpu.memory_space<vmem>>
        %parallel_loop3A_445 = tpu.memref_squeeze %parallel_loop3A_444 : memref<1x128x64xf32, #tpu.memory_space<vmem>> -> memref<128x64xf32, #tpu.memory_space<vmem>>
        %parallel_loop3A_446 = tpu.vector_load_idx %parallel_loop3A_445[%add3A_9, %parallel_loop3A_412] : memref<128x64xf32, #tpu.memory_space<vmem>>[vector<16xi32>, vector<16xi32>], vector<16xf32>,
        %parallel_loop3A_447 = arith.addi %parallel_loop3A_421, %add3A_9 : vector<16xi32>
        %parallel_loop3A_448 = arith.constant 0 : i32
        %parallel_loop3A_449 = arith.constant 0 : i32
        %parallel_loop3A_450 = tpu.memref_slice %arg7[%parallel_loop3A_389, %parallel_loop3A_448, %parallel_loop3A_449] : memref<5x8x1024xf32, #tpu.memory_space<vmem>> -> memref<1x8x1024xf32, #tpu.memory_space<vmem>>
        %parallel_loop3A_451 = tpu.memref_squeeze %parallel_loop3A_450 : memref<1x8x1024xf32, #tpu.memory_space<vmem>> -> memref<8x1024xf32, #tpu.memory_space<vmem>>
        tpu.vector_store_idx %parallel_loop3A_451[%parallel_loop3A_415, %parallel_loop3A_447], %parallel_loop3A_446 : memref<8x1024xf32, #tpu.memory_space<vmem>>[vector<16xi32>, vector<16xi32>], vector<16xf32>,
        %parallel_loop3A_452 = arith.constant 0 : i32
        %parallel_loop3A_453 = arith.constant 0 : i32
        %parallel_loop3A_454 = tpu.memref_slice %arg6[%parallel_loop3A_388, %parallel_loop3A_452, %parallel_loop3A_453] : memref<5x128x64xf32, #tpu.memory_space<vmem>> -> memref<1x128x64xf32, #tpu.memory_space<vmem>>
        %parallel_loop3A_455 = tpu.memref_squeeze %parallel_loop3A_454 : memref<1x128x64xf32, #tpu.memory_space<vmem>> -> memref<128x64xf32, #tpu.memory_space<vmem>>
        %parallel_loop3A_456 = tpu.vector_load_idx %parallel_loop3A_455[%add3A_12, %parallel_loop3A_412] : memref<128x64xf32, #tpu.memory_space<vmem>>[vector<16xi32>, vector<16xi32>], vector<16xf32>,
        %parallel_loop3A_457 = arith.addi %parallel_loop3A_421, %add3A_12 : vector<16xi32>
        %parallel_loop3A_458 = arith.constant 0 : i32
        %parallel_loop3A_459 = arith.constant 0 : i32
        %parallel_loop3A_460 = tpu.memref_slice %arg7[%parallel_loop3A_389, %parallel_loop3A_458, %parallel_loop3A_459] : memref<5x8x1024xf32, #tpu.memory_space<vmem>> -> memref<1x8x1024xf32, #tpu.memory_space<vmem>>
        %parallel_loop3A_461 = tpu.memref_squeeze %parallel_loop3A_460 : memref<1x8x1024xf32, #tpu.memory_space<vmem>> -> memref<8x1024xf32, #tpu.memory_space<vmem>>
        tpu.vector_store_idx %parallel_loop3A_461[%parallel_loop3A_415, %parallel_loop3A_457], %parallel_loop3A_456 : memref<8x1024xf32, #tpu.memory_space<vmem>>[vector<16xi32>, vector<16xi32>], vector<16xf32>,
        %parallel_loop3A_462 = arith.constant 0 : i32
        %parallel_loop3A_463 = arith.constant 0 : i32
        %parallel_loop3A_464 = tpu.memref_slice %arg6[%parallel_loop3A_388, %parallel_loop3A_462, %parallel_loop3A_463] : memref<5x128x64xf32, #tpu.memory_space<vmem>> -> memref<1x128x64xf32, #tpu.memory_space<vmem>>
        %parallel_loop3A_465 = tpu.memref_squeeze %parallel_loop3A_464 : memref<1x128x64xf32, #tpu.memory_space<vmem>> -> memref<128x64xf32, #tpu.memory_space<vmem>>
        %parallel_loop3A_466 = tpu.vector_load_idx %parallel_loop3A_465[%add3A_15, %parallel_loop3A_412] : memref<128x64xf32, #tpu.memory_space<vmem>>[vector<16xi32>, vector<16xi32>], vector<16xf32>,
        %parallel_loop3A_467 = arith.addi %parallel_loop3A_421, %add3A_15 : vector<16xi32>
        %parallel_loop3A_468 = arith.constant 0 : i32
        %parallel_loop3A_469 = arith.constant 0 : i32
        %parallel_loop3A_470 = tpu.memref_slice %arg7[%parallel_loop3A_389, %parallel_loop3A_468, %parallel_loop3A_469] : memref<5x8x1024xf32, #tpu.memory_space<vmem>> -> memref<1x8x1024xf32, #tpu.memory_space<vmem>>
        %parallel_loop3A_471 = tpu.memref_squeeze %parallel_loop3A_470 : memref<1x8x1024xf32, #tpu.memory_space<vmem>> -> memref<8x1024xf32, #tpu.memory_space<vmem>>
        tpu.vector_store_idx %parallel_loop3A_471[%parallel_loop3A_415, %parallel_loop3A_467], %parallel_loop3A_466 : memref<8x1024xf32, #tpu.memory_space<vmem>>[vector<16xi32>, vector<16xi32>], vector<16xf32>,
        %parallel_loop3A_472 = arith.constant 0 : i32
        %parallel_loop3A_473 = arith.constant 0 : i32
        %parallel_loop3A_474 = tpu.memref_slice %arg6[%parallel_loop3A_388, %parallel_loop3A_472, %parallel_loop3A_473] : memref<5x128x64xf32, #tpu.memory_space<vmem>> -> memref<1x128x64xf32, #tpu.memory_space<vmem>>
        %parallel_loop3A_475 = tpu.memref_squeeze %parallel_loop3A_474 : memref<1x128x64xf32, #tpu.memory_space<vmem>> -> memref<128x64xf32, #tpu.memory_space<vmem>>
        %parallel_loop3A_476 = tpu.vector_load_idx %parallel_loop3A_475[%add3A_18, %parallel_loop3A_412] : memref<128x64xf32, #tpu.memory_space<vmem>>[vector<16xi32>, vector<16xi32>], vector<16xf32>,
        %parallel_loop3A_477 = arith.addi %parallel_loop3A_421, %add3A_18 : vector<16xi32>
        %parallel_loop3A_478 = arith.constant 0 : i32
        %parallel_loop3A_479 = arith.constant 0 : i32
        %parallel_loop3A_480 = tpu.memref_slice %arg7[%parallel_loop3A_389, %parallel_loop3A_478, %parallel_loop3A_479] : memref<5x8x1024xf32, #tpu.memory_space<vmem>> -> memref<1x8x1024xf32, #tpu.memory_space<vmem>>
        %parallel_loop3A_481 = tpu.memref_squeeze %parallel_loop3A_480 : memref<1x8x1024xf32, #tpu.memory_space<vmem>> -> memref<8x1024xf32, #tpu.memory_space<vmem>>
        tpu.vector_store_idx %parallel_loop3A_481[%parallel_loop3A_415, %parallel_loop3A_477], %parallel_loop3A_476 : memref<8x1024xf32, #tpu.memory_space<vmem>>[vector<16xi32>, vector<16xi32>], vector<16xf32>,
        %parallel_loop3A_482 = arith.constant 0 : i32
        %parallel_loop3A_483 = arith.constant 0 : i32
        %parallel_loop3A_484 = tpu.memref_slice %arg6[%parallel_loop3A_388, %parallel_loop3A_482, %parallel_loop3A_483] : memref<5x128x64xf32, #tpu.memory_space<vmem>> -> memref<1x128x64xf32, #tpu.memory_space<vmem>>
        %parallel_loop3A_485 = tpu.memref_squeeze %parallel_loop3A_484 : memref<1x128x64xf32, #tpu.memory_space<vmem>> -> memref<128x64xf32, #tpu.memory_space<vmem>>
        %parallel_loop3A_486 = tpu.vector_load_idx %parallel_loop3A_485[%add3A_21, %parallel_loop3A_412] : memref<128x64xf32, #tpu.memory_space<vmem>>[vector<16xi32>, vector<16xi32>], vector<16xf32>,
        %parallel_loop3A_487 = arith.addi %parallel_loop3A_421, %add3A_21 : vector<16xi32>
        %parallel_loop3A_488 = arith.constant 0 : i32
        %parallel_loop3A_489 = arith.constant 0 : i32
        %parallel_loop3A_490 = tpu.memref_slice %arg7[%parallel_loop3A_389, %parallel_loop3A_488, %parallel_loop3A_489] : memref<5x8x1024xf32, #tpu.memory_space<vmem>> -> memref<1x8x1024xf32, #tpu.memory_space<vmem>>
        %parallel_loop3A_491 = tpu.memref_squeeze %parallel_loop3A_490 : memref<1x8x1024xf32, #tpu.memory_space<vmem>> -> memref<8x1024xf32, #tpu.memory_space<vmem>>
        tpu.vector_store_idx %parallel_loop3A_491[%parallel_loop3A_415, %parallel_loop3A_487], %parallel_loop3A_486 : memref<8x1024xf32, #tpu.memory_space<vmem>>[vector<16xi32>, vector<16xi32>], vector<16xf32>,
        %parallel_loop3A_492 = arith.constant 0 : i32
        %parallel_loop3A_493 = arith.constant 0 : i32
        %parallel_loop3A_494 = tpu.memref_slice %arg6[%parallel_loop3A_388, %parallel_loop3A_492, %parallel_loop3A_493] : memref<5x128x64xf32, #tpu.memory_space<vmem>> -> memref<1x128x64xf32, #tpu.memory_space<vmem>>
        %parallel_loop3A_495 = tpu.memref_squeeze %parallel_loop3A_494 : memref<1x128x64xf32, #tpu.memory_space<vmem>> -> memref<128x64xf32, #tpu.memory_space<vmem>>
        %parallel_loop3A_496 = tpu.vector_load_idx %parallel_loop3A_495[%add3A_24, %parallel_loop3A_412] : memref<128x64xf32, #tpu.memory_space<vmem>>[vector<16xi32>, vector<16xi32>], vector<16xf32>,
        %parallel_loop3A_497 = arith.addi %parallel_loop3A_421, %add3A_24 : vector<16xi32>
        %parallel_loop3A_498 = arith.constant 0 : i32
        %parallel_loop3A_499 = arith.constant 0 : i32
        %parallel_loop3A_500 = tpu.memref_slice %arg7[%parallel_loop3A_389, %parallel_loop3A_498, %parallel_loop3A_499] : memref<5x8x1024xf32, #tpu.memory_space<vmem>> -> memref<1x8x1024xf32, #tpu.memory_space<vmem>>
        %parallel_loop3A_501 = tpu.memref_squeeze %parallel_loop3A_500 : memref<1x8x1024xf32, #tpu.memory_space<vmem>> -> memref<8x1024xf32, #tpu.memory_space<vmem>>
        tpu.vector_store_idx %parallel_loop3A_501[%parallel_loop3A_415, %parallel_loop3A_497], %parallel_loop3A_496 : memref<8x1024xf32, #tpu.memory_space<vmem>>[vector<16xi32>, vector<16xi32>], vector<16xf32>,
      } {sc.loop_unroll_factor = 8 : i64, sc.parallel_access}
      %dma_start3A_390 = arith.constant 4 : i32
      %dma_start3A_391 = arith.constant 0 : i32
      %dma_start3A_392 = arith.constant 0 : i32
      %dma_start3A_393 = tpu.memref_slice %arg7[%dma_start3A_390, %dma_start3A_391, %dma_start3A_392] : memref<5x8x1024xf32, #tpu.memory_space<vmem>> -> memref<1x8x1024xf32, #tpu.memory_space<vmem>>
      %dma_start3A_394 = tpu.memref_squeeze %dma_start3A_393 : memref<1x8x1024xf32, #tpu.memory_space<vmem>> -> memref<8x1024xf32, #tpu.memory_space<vmem>>
      %dma_start3A_395 = arith.constant 0 : i32
      %dma_start3A_396 = arith.constant 0 : i32
      %dma_start3A_397 = tpu.memref_slice %arg4[%add3A_361, %dma_start3A_395, %add3A, %dma_start3A_396] : memref<200x8x32x1024xf32, #tpu.memory_space<hbm>> -> memref<1x8x1x1024xf32, #tpu.memory_space<hbm>>
      %dma_start3A_398 = tpu.memref_squeeze %dma_start3A_397 : memref<1x8x1x1024xf32, #tpu.memory_space<hbm>> -> memref<8x1024xf32, #tpu.memory_space<hbm>>
      %dma_start3A_399 = arith.constant 0 : i32
      %dma_start3A_400 = arith.constant 0 : i32
      %dma_start3A_401 = tpu.memref_slice %arg4[%add3A_361, %dma_start3A_399, %add3A, %dma_start3A_400] : memref<200x8x32x1024xf32, #tpu.memory_space<hbm>> -> memref<1x8x1x1024xf32, #tpu.memory_space<hbm>>
      %dma_start3A_402 = tpu.memref_squeeze %dma_start3A_401 : memref<1x8x1x1024xf32, #tpu.memory_space<hbm>> -> memref<8x1024xf32, #tpu.memory_space<hbm>>
      %dma_start3A_403 = arith.constant 0 : i32
      %dma_start3A_404 = arith.constant 0 : i32
      %dma_start3A_405 = tpu.memref_slice %arg7[%dma_start3A_390, %dma_start3A_403, %dma_start3A_404] : memref<5x8x1024xf32, #tpu.memory_space<vmem>> -> memref<1x8x1024xf32, #tpu.memory_space<vmem>>
      %dma_start3A_406 = tpu.memref_squeeze %dma_start3A_405 : memref<1x8x1024xf32, #tpu.memory_space<vmem>> -> memref<8x1024xf32, #tpu.memory_space<vmem>>
      tpu.enqueue_dma source(%dma_start3A_406 : memref<8x1024xf32, #tpu.memory_space<vmem>>) target(%dma_start3A_402 : memref<8x1024xf32, #tpu.memory_space<hbm>>) target_semaphore(%arg17 : memref<!tpu.dma_semaphore, #tpu.memory_space<semaphore_mem>>)
    }
    %scan3A_76 = arith.constant 40 : i32
    %dma_wait3A = arith.constant 0 : i32
    %dma_wait3A_77 = arith.constant 195 : i32
    %dma_wait3A_78 = arith.constant 0 : i32
    %dma_wait3A_79 = arith.constant 0 : i32
    %dma_wait3A_80 = tpu.memref_slice %arg7[%dma_wait3A, %dma_wait3A_78, %dma_wait3A_79] : memref<5x8x1024xf32, #tpu.memory_space<vmem>> -> memref<1x8x1024xf32, #tpu.memory_space<vmem>>
    %dma_wait3A_81 = tpu.memref_squeeze %dma_wait3A_80 : memref<1x8x1024xf32, #tpu.memory_space<vmem>> -> memref<8x1024xf32, #tpu.memory_space<vmem>>
    %dma_wait3A_82 = arith.constant 0 : i32
    %dma_wait3A_83 = arith.constant 0 : i32
    %dma_wait3A_84 = tpu.memref_slice %arg4[%dma_wait3A_77, %dma_wait3A_82, %add3A, %dma_wait3A_83] : memref<200x8x32x1024xf32, #tpu.memory_space<hbm>> -> memref<1x8x1x1024xf32, #tpu.memory_space<hbm>>
    %dma_wait3A_85 = tpu.memref_squeeze %dma_wait3A_84 : memref<1x8x1x1024xf32, #tpu.memory_space<hbm>> -> memref<8x1024xf32, #tpu.memory_space<hbm>>
    %dma_wait3A_86 = arith.constant 0 : i32
    %dma_wait3A_87 = arith.constant 0 : i32
    %dma_wait3A_88 = tpu.memref_slice %arg4[%dma_wait3A_77, %dma_wait3A_86, %add3A, %dma_wait3A_87] : memref<200x8x32x1024xf32, #tpu.memory_space<hbm>> -> memref<1x8x1x1024xf32, #tpu.memory_space<hbm>>
    %dma_wait3A_89 = tpu.memref_squeeze %dma_wait3A_88 : memref<1x8x1x1024xf32, #tpu.memory_space<hbm>> -> memref<8x1024xf32, #tpu.memory_space<hbm>>
    %dma_wait3A_90 = arith.constant 0 : i32
    %dma_wait3A_91 = arith.constant 0 : i32
    %dma_wait3A_92 = tpu.memref_slice %arg7[%dma_wait3A, %dma_wait3A_90, %dma_wait3A_91] : memref<5x8x1024xf32, #tpu.memory_space<vmem>> -> memref<1x8x1024xf32, #tpu.memory_space<vmem>>
    %dma_wait3A_93 = tpu.memref_squeeze %dma_wait3A_92 : memref<1x8x1024xf32, #tpu.memory_space<vmem>> -> memref<8x1024xf32, #tpu.memory_space<vmem>>
    tpu.wait_dma2 semaphore(%arg13 : memref<!tpu.dma_semaphore, #tpu.memory_space<semaphore_mem>>) src(%dma_wait3A_93 : memref<8x1024xf32, #tpu.memory_space<vmem>>) dst(%dma_wait3A_89 : memref<8x1024xf32, #tpu.memory_space<hbm>>)
    %dma_wait3A_94 = arith.constant 1 : i32
    %dma_wait3A_95 = arith.constant 196 : i32
    %dma_wait3A_96 = arith.constant 0 : i32
    %dma_wait3A_97 = arith.constant 0 : i32
    %dma_wait3A_98 = tpu.memref_slice %arg7[%dma_wait3A_94, %dma_wait3A_96, %dma_wait3A_97] : memref<5x8x1024xf32, #tpu.memory_space<vmem>> -> memref<1x8x1024xf32, #tpu.memory_space<vmem>>
    %dma_wait3A_99 = tpu.memref_squeeze %dma_wait3A_98 : memref<1x8x1024xf32, #tpu.memory_space<vmem>> -> memref<8x1024xf32, #tpu.memory_space<vmem>>
    %dma_wait3A_100 = arith.constant 0 : i32
    %dma_wait3A_101 = arith.constant 0 : i32
    %dma_wait3A_102 = tpu.memref_slice %arg4[%dma_wait3A_95, %dma_wait3A_100, %add3A, %dma_wait3A_101] : memref<200x8x32x1024xf32, #tpu.memory_space<hbm>> -> memref<1x8x1x1024xf32, #tpu.memory_space<hbm>>
    %dma_wait3A_103 = tpu.memref_squeeze %dma_wait3A_102 : memref<1x8x1x1024xf32, #tpu.memory_space<hbm>> -> memref<8x1024xf32, #tpu.memory_space<hbm>>
    %dma_wait3A_104 = arith.constant 0 : i32
    %dma_wait3A_105 = arith.constant 0 : i32
    %dma_wait3A_106 = tpu.memref_slice %arg4[%dma_wait3A_95, %dma_wait3A_104, %add3A, %dma_wait3A_105] : memref<200x8x32x1024xf32, #tpu.memory_space<hbm>> -> memref<1x8x1x1024xf32, #tpu.memory_space<hbm>>
    %dma_wait3A_107 = tpu.memref_squeeze %dma_wait3A_106 : memref<1x8x1x1024xf32, #tpu.memory_space<hbm>> -> memref<8x1024xf32, #tpu.memory_space<hbm>>
    %dma_wait3A_108 = arith.constant 0 : i32
    %dma_wait3A_109 = arith.constant 0 : i32
    %dma_wait3A_110 = tpu.memref_slice %arg7[%dma_wait3A_94, %dma_wait3A_108, %dma_wait3A_109] : memref<5x8x1024xf32, #tpu.memory_space<vmem>> -> memref<1x8x1024xf32, #tpu.memory_space<vmem>>
    %dma_wait3A_111 = tpu.memref_squeeze %dma_wait3A_110 : memref<1x8x1024xf32, #tpu.memory_space<vmem>> -> memref<8x1024xf32, #tpu.memory_space<vmem>>
    tpu.wait_dma2 semaphore(%arg14 : memref<!tpu.dma_semaphore, #tpu.memory_space<semaphore_mem>>) src(%dma_wait3A_111 : memref<8x1024xf32, #tpu.memory_space<vmem>>) dst(%dma_wait3A_107 : memref<8x1024xf32, #tpu.memory_space<hbm>>)
    %dma_wait3A_112 = arith.constant 2 : i32
    %dma_wait3A_113 = arith.constant 197 : i32
    %dma_wait3A_114 = arith.constant 0 : i32
    %dma_wait3A_115 = arith.constant 0 : i32
    %dma_wait3A_116 = tpu.memref_slice %arg7[%dma_wait3A_112, %dma_wait3A_114, %dma_wait3A_115] : memref<5x8x1024xf32, #tpu.memory_space<vmem>> -> memref<1x8x1024xf32, #tpu.memory_space<vmem>>
    %dma_wait3A_117 = tpu.memref_squeeze %dma_wait3A_116 : memref<1x8x1024xf32, #tpu.memory_space<vmem>> -> memref<8x1024xf32, #tpu.memory_space<vmem>>
    %dma_wait3A_118 = arith.constant 0 : i32
    %dma_wait3A_119 = arith.constant 0 : i32
    %dma_wait3A_120 = tpu.memref_slice %arg4[%dma_wait3A_113, %dma_wait3A_118, %add3A, %dma_wait3A_119] : memref<200x8x32x1024xf32, #tpu.memory_space<hbm>> -> memref<1x8x1x1024xf32, #tpu.memory_space<hbm>>
    %dma_wait3A_121 = tpu.memref_squeeze %dma_wait3A_120 : memref<1x8x1x1024xf32, #tpu.memory_space<hbm>> -> memref<8x1024xf32, #tpu.memory_space<hbm>>
    %dma_wait3A_122 = arith.constant 0 : i32
    %dma_wait3A_123 = arith.constant 0 : i32
    %dma_wait3A_124 = tpu.memref_slice %arg4[%dma_wait3A_113, %dma_wait3A_122, %add3A, %dma_wait3A_123] : memref<200x8x32x1024xf32, #tpu.memory_space<hbm>> -> memref<1x8x1x1024xf32, #tpu.memory_space<hbm>>
    %dma_wait3A_125 = tpu.memref_squeeze %dma_wait3A_124 : memref<1x8x1x1024xf32, #tpu.memory_space<hbm>> -> memref<8x1024xf32, #tpu.memory_space<hbm>>
    %dma_wait3A_126 = arith.constant 0 : i32
    %dma_wait3A_127 = arith.constant 0 : i32
    %dma_wait3A_128 = tpu.memref_slice %arg7[%dma_wait3A_112, %dma_wait3A_126, %dma_wait3A_127] : memref<5x8x1024xf32, #tpu.memory_space<vmem>> -> memref<1x8x1024xf32, #tpu.memory_space<vmem>>
    %dma_wait3A_129 = tpu.memref_squeeze %dma_wait3A_128 : memref<1x8x1024xf32, #tpu.memory_space<vmem>> -> memref<8x1024xf32, #tpu.memory_space<vmem>>
    tpu.wait_dma2 semaphore(%arg15 : memref<!tpu.dma_semaphore, #tpu.memory_space<semaphore_mem>>) src(%dma_wait3A_129 : memref<8x1024xf32, #tpu.memory_space<vmem>>) dst(%dma_wait3A_125 : memref<8x1024xf32, #tpu.memory_space<hbm>>)
    %dma_wait3A_130 = arith.constant 3 : i32
    %dma_wait3A_131 = arith.constant 198 : i32
    %dma_wait3A_132 = arith.constant 0 : i32
    %dma_wait3A_133 = arith.constant 0 : i32
    %dma_wait3A_134 = tpu.memref_slice %arg7[%dma_wait3A_130, %dma_wait3A_132, %dma_wait3A_133] : memref<5x8x1024xf32, #tpu.memory_space<vmem>> -> memref<1x8x1024xf32, #tpu.memory_space<vmem>>
    %dma_wait3A_135 = tpu.memref_squeeze %dma_wait3A_134 : memref<1x8x1024xf32, #tpu.memory_space<vmem>> -> memref<8x1024xf32, #tpu.memory_space<vmem>>
    %dma_wait3A_136 = arith.constant 0 : i32
    %dma_wait3A_137 = arith.constant 0 : i32
    %dma_wait3A_138 = tpu.memref_slice %arg4[%dma_wait3A_131, %dma_wait3A_136, %add3A, %dma_wait3A_137] : memref<200x8x32x1024xf32, #tpu.memory_space<hbm>> -> memref<1x8x1x1024xf32, #tpu.memory_space<hbm>>
    %dma_wait3A_139 = tpu.memref_squeeze %dma_wait3A_138 : memref<1x8x1x1024xf32, #tpu.memory_space<hbm>> -> memref<8x1024xf32, #tpu.memory_space<hbm>>
    %dma_wait3A_140 = arith.constant 0 : i32
    %dma_wait3A_141 = arith.constant 0 : i32
    %dma_wait3A_142 = tpu.memref_slice %arg4[%dma_wait3A_131, %dma_wait3A_140, %add3A, %dma_wait3A_141] : memref<200x8x32x1024xf32, #tpu.memory_space<hbm>> -> memref<1x8x1x1024xf32, #tpu.memory_space<hbm>>
    %dma_wait3A_143 = tpu.memref_squeeze %dma_wait3A_142 : memref<1x8x1x1024xf32, #tpu.memory_space<hbm>> -> memref<8x1024xf32, #tpu.memory_space<hbm>>
    %dma_wait3A_144 = arith.constant 0 : i32
    %dma_wait3A_145 = arith.constant 0 : i32
    %dma_wait3A_146 = tpu.memref_slice %arg7[%dma_wait3A_130, %dma_wait3A_144, %dma_wait3A_145] : memref<5x8x1024xf32, #tpu.memory_space<vmem>> -> memref<1x8x1024xf32, #tpu.memory_space<vmem>>
    %dma_wait3A_147 = tpu.memref_squeeze %dma_wait3A_146 : memref<1x8x1024xf32, #tpu.memory_space<vmem>> -> memref<8x1024xf32, #tpu.memory_space<vmem>>
    tpu.wait_dma2 semaphore(%arg16 : memref<!tpu.dma_semaphore, #tpu.memory_space<semaphore_mem>>) src(%dma_wait3A_147 : memref<8x1024xf32, #tpu.memory_space<vmem>>) dst(%dma_wait3A_143 : memref<8x1024xf32, #tpu.memory_space<hbm>>)
    %dma_wait3A_148 = arith.constant 4 : i32
    %dma_wait3A_149 = arith.constant 199 : i32
    %dma_wait3A_150 = arith.constant 0 : i32
    %dma_wait3A_151 = arith.constant 0 : i32
    %dma_wait3A_152 = tpu.memref_slice %arg7[%dma_wait3A_148, %dma_wait3A_150, %dma_wait3A_151] : memref<5x8x1024xf32, #tpu.memory_space<vmem>> -> memref<1x8x1024xf32, #tpu.memory_space<vmem>>
    %dma_wait3A_153 = tpu.memref_squeeze %dma_wait3A_152 : memref<1x8x1024xf32, #tpu.memory_space<vmem>> -> memref<8x1024xf32, #tpu.memory_space<vmem>>
    %dma_wait3A_154 = arith.constant 0 : i32
    %dma_wait3A_155 = arith.constant 0 : i32
    %dma_wait3A_156 = tpu.memref_slice %arg4[%dma_wait3A_149, %dma_wait3A_154, %add3A, %dma_wait3A_155] : memref<200x8x32x1024xf32, #tpu.memory_space<hbm>> -> memref<1x8x1x1024xf32, #tpu.memory_space<hbm>>
    %dma_wait3A_157 = tpu.memref_squeeze %dma_wait3A_156 : memref<1x8x1x1024xf32, #tpu.memory_space<hbm>> -> memref<8x1024xf32, #tpu.memory_space<hbm>>
    %dma_wait3A_158 = arith.constant 0 : i32
    %dma_wait3A_159 = arith.constant 0 : i32
    %dma_wait3A_160 = tpu.memref_slice %arg4[%dma_wait3A_149, %dma_wait3A_158, %add3A, %dma_wait3A_159] : memref<200x8x32x1024xf32, #tpu.memory_space<hbm>> -> memref<1x8x1x1024xf32, #tpu.memory_space<hbm>>
    %dma_wait3A_161 = tpu.memref_squeeze %dma_wait3A_160 : memref<1x8x1x1024xf32, #tpu.memory_space<hbm>> -> memref<8x1024xf32, #tpu.memory_space<hbm>>
    %dma_wait3A_162 = arith.constant 0 : i32
    %dma_wait3A_163 = arith.constant 0 : i32
    %dma_wait3A_164 = tpu.memref_slice %arg7[%dma_wait3A_148, %dma_wait3A_162, %dma_wait3A_163] : memref<5x8x1024xf32, #tpu.memory_space<vmem>> -> memref<1x8x1024xf32, #tpu.memory_space<vmem>>
    %dma_wait3A_165 = tpu.memref_squeeze %dma_wait3A_164 : memref<1x8x1024xf32, #tpu.memory_space<vmem>> -> memref<8x1024xf32, #tpu.memory_space<vmem>>
    tpu.wait_dma2 semaphore(%arg17 : memref<!tpu.dma_semaphore, #tpu.memory_space<semaphore_mem>>) src(%dma_wait3A_165 : memref<8x1024xf32, #tpu.memory_space<vmem>>) dst(%dma_wait3A_161 : memref<8x1024xf32, #tpu.memory_space<hbm>>)
    return
  }
}

</mosaic_0001>

<sc_bundles>
// kernel: kernel.3.cloned.1.call-start
scs
__scs_entry_jumppad:
0x0: {  	(pc) =	sbr.rel $0x88, $3  }
0x1: {  	(tag) =	ssettag $0x0;
	lr =	simm.s32 $0x1  }
0x2: {  	[smem:$0x3F9F] =	sst lr;
	_ =	strace $0xD0000000  }
0x3: {  	_ = 	snop  }
0x4: {  	_ = 	snop  }
0x5: {  	_ = 	snop  }
0x6: {  	_ = 	snop  }
0x7: {  	_ = 	snop  }
__scs_overlays_trampoline_lowered:
0x8: {  	[smem:$0x3FAE] =	sst s0  }
0x9: {  	[smem:$0x3FAF] =	sst s1  }
0xa: {  	[smem:$0x3FB0] =	sst s2  }
0xb: {  	[smem:$0x3FB1] =	sst s3  }
0xc: {  	[smem:$0x3FB2] =	sst s4  }
0xd: {  	[smem:$0x3FB3] =	sst s5  }
0xe: {  	[smem:$0x3FB4] =	sst s6  }
0xf: {  	[smem:$0x3FB5] =	sst s7  }
0x10: {  	[smem:$0x3FB6] =	sst s8  }
0x11: {  	[smem:$0x3FB7] =	sst s9;
	s0 =	simm.s32 @!p0 $0x0  }
0x12: {  	s1 =	sld [smem:$0x3F9D];
	s0 =	simm.s32 @p0 $0x1  }
0x13: {  	[smem:$0x3FB8] =	sst s0;
	s0 =	simm.s32 @!p1 $0x0  }
0x14: {  	s2 =	sld [smem:$0x3F9C];
	s0 =	simm.s32 @p1 $0x1  }
0x15: {  	[smem:$0x3FB9] =	sst s0;
	s0 =	simm.s32 @!p2 $0x0  }
0x16: {  	s3 =	sld [smem:$0x3FDB];
	s0 =	simm.s32 @p2 $0x1  }
0x17: {  	s4 =	simm.s32 $0x1BF5;
	[smem:$0x3FBB] =	sst s0  }
0x18: {  	s0 =	sld [smem:$0x3F9E];
	_ =	swait.ge [sflag:s4], $0x0  }
0x19: {  	s7 =	sld [smem:$0x3F9F]  }
0x1a: {  	s8 =	sadd.s32 $0xFFFFE003, lr  }
0x1b: {  	s9 =	sadd.s32 $0xFFFFFEF7, lr;
	s5 =	simm.s32 $0xFFFFFFFF;
	p2 =	slt.u32 s8, $0xFFFFF086  }
0x1c: {  	p1 =	slt.u32 s9, $0xF7A;
	s5 =	simm.s32 @!p2 $0x0  }
0x1d: {  	s5 =	simm.s32 @p1 $0x1;
	p0 =	seq.s32 s7, s2  }
0x1e: {  	s7 =	smul.u32 @!p0 $0xF7A, s2;
	p2 =	seq.s32 @!p0 s5, $0x0  }
0x1f: {  	s9 =	smul.u32 $0xF7A, s1;
	s8 =	simm.s32 @!p0 $0x1BF5;
	p2 =	por !p2, p0  }
0x20: {  	[sflag:s8] =	ssyncset.s32 @!p0 $0xFFFFF086;
	s6 =	sadd.s32 @!p0 s3, s7;
	s7 =	simm.s32 @!p0 $0x108  }
0x21: {  	s3 =	sadd.s32 s3, s9;
	s6 =	sadd.s32 @!p0 $0x88, s6;
	s7 =	simm.s32 @p2 $0x1082  }
0x22: {  	[simem:s7], [sflag:s8] =	dma.local @!p0 [hbm:s6], $0xF7A  }
0x23: {  	s9 =	sor.u32 $0xD0000000, s2;
	s6 =	simm.s32 $0x108;
	_ =	swait.ge @!p0 [sflag:s8], $0x0  }
0x24: {  	s3 =	sadd.s32 $0x88, s3;
	s6 =	simm.s32 @!p1 $0x1082;
	[sflag:s4] =	ssyncset.s32 $0xFFFFF086  }
0x25: {  	[simem:s6], [sflag:s4] =	dma.local [hbm:s3], $0xF7A  }
0x26: {  	[smem:$0x3F9F] =	sst s1;
	(tag) =	ssettag s2;
	_ =	strace s9  }
0x27: {  	s1 =	sld [smem:$0x3FAF]  }
0x28: {  	s2 =	sld [smem:$0x3FB0]  }
0x29: {  	s4 =	sld [smem:$0x3FB2]  }
0x2a: {  	p0 =	seq.s32 s5, $0x0;
	s5 =	sld [smem:$0x3FB3]  }
0x2b: {  	s6 =	sld [smem:$0x3FB4]  }
0x2c: {  	s7 =	sld [smem:$0x3FB5]  }
0x2d: {  	s3 =	simm.s32 $0x108;
	s8 =	sld [smem:$0x3FB6]  }
0x2e: {  	s3 =	simm.s32 @!p0 $0x1082;
	s9 =	sld [smem:$0x3FB7]  }
0x2f: {  	lr =	sadd.s32 s0, s3;
	s0 =	sld [smem:$0x3FAE]  }
0x30: {  	s3 =	sld [smem:$0x3FB1]  }
0x31: {  	[smem:$0x3FBA] =	sst s10  }
0x32: {  	s10 =	sld [smem:$0x3FB8];
	_ =	sdelay $0x3  }
0x33: {  	p0 =	seq.s32 s10, $0x1;
	s10 =	sld [smem:$0x3FBA];
	_ =	sdelay $0x3  }
0x34: {  	[smem:$0x3FBA] =	sst s10  }
0x35: {  	s10 =	sld [smem:$0x3FB9];
	_ =	sdelay $0x3  }
0x36: {  	p1 =	seq.s32 s10, $0x1;
	s10 =	sld [smem:$0x3FBA];
	_ =	sdelay $0x3  }
0x37: {  	[smem:$0x3FBA] =	sst s10  }
0x38: {  	s10 =	sld [smem:$0x3FBB]  }
0x39: {  	_ = 	snop;
	(pc) =	sbr.ind lr, $3  }
0x3a: {  	_ = 	snop  }
0x3b: {  	_ = 	snop  }
0x3c: {  	p2 =	seq.s32 s10, $0x1;
	s10 =	sld [smem:$0x3FBA]  }
0x3d: {  	_ =	shalt  }
0x3e: {  	_ =	shalt  }
0x3f: {  	_ =	shalt  }
0x40: {  	_ =	shalt  }
0x41: {  	_ =	shalt  }
0x42: {  	_ =	shalt  }
0x43: {  	_ =	shalt  }
0x44: {  	_ =	shalt  }
0x45: {  	_ =	shalt  }
0x46: {  	_ =	shalt  }
0x47: {  	_ =	shalt  }
0x48: {  	_ =	shalt  }
0x49: {  	_ =	shalt  }
0x4a: {  	_ =	shalt  }
0x4b: {  	_ =	shalt  }
0x4c: {  	_ =	shalt  }
0x4d: {  	_ =	shalt  }
0x4e: {  	_ =	shalt  }
0x4f: {  	_ =	shalt  }
0x50: {  	_ =	shalt  }
0x51: {  	_ =	shalt  }
0x52: {  	_ =	shalt  }
0x53: {  	_ =	shalt  }
0x54: {  	_ =	shalt  }
0x55: {  	_ =	shalt  }
0x56: {  	_ =	shalt  }
0x57: {  	_ =	shalt  }
0x58: {  	_ =	shalt  }
0x59: {  	_ =	shalt  }
0x5a: {  	_ =	shalt  }
0x5b: {  	_ =	shalt  }
0x5c: {  	_ =	shalt  }
0x5d: {  	_ =	shalt  }
0x5e: {  	_ =	shalt  }
0x5f: {  	_ =	shalt  }
0x60: {  	_ =	shalt  }
0x61: {  	_ =	shalt  }
0x62: {  	_ =	shalt  }
0x63: {  	_ =	shalt  }
0x64: {  	_ =	shalt  }
0x65: {  	_ =	shalt  }
0x66: {  	_ =	shalt  }
0x67: {  	_ =	shalt  }
0x68: {  	_ =	shalt  }
0x69: {  	_ =	shalt  }
0x6a: {  	_ =	shalt  }
0x6b: {  	_ =	shalt  }
0x6c: {  	_ =	shalt  }
0x6d: {  	_ =	shalt  }
0x6e: {  	_ =	shalt  }
0x6f: {  	_ =	shalt  }
0x70: {  	_ =	shalt  }
0x71: {  	_ =	shalt  }
0x72: {  	_ =	shalt  }
0x73: {  	_ =	shalt  }
0x74: {  	_ =	shalt  }
0x75: {  	_ =	shalt  }
0x76: {  	_ =	shalt  }
0x77: {  	_ =	shalt  }
0x78: {  	_ =	shalt  }
0x79: {  	_ =	shalt  }
0x7a: {  	_ =	shalt  }
0x7b: {  	_ =	shalt  }
0x7c: {  	_ =	shalt  }
0x7d: {  	_ =	shalt  }
0x7e: {  	_ =	shalt  }
0x7f: {  	_ =	shalt  }
0x80: {  	_ =	shalt  }
0x81: {  	_ =	shalt  }
0x82: {  	_ =	shalt  }
0x83: {  	_ =	shalt  }
0x84: {  	_ =	shalt  }
0x85: {  	_ =	shalt  }
0x86: {  	_ =	shalt  }
0x87: {  	_ =	shalt  }
.Lfunc_end0:
.L_simem_size_0:
called_computation_lowered:
.L_overlay_start_0:
0x88: {  	s2 =	sld [smem:$0x3FD9]  }
0x89: {  	s3 =	sld [smem:$0x3FFE];
	_ =	sdelay $0x1  }
0x8a: {  	s1 =	srdreg.scid  }
0x8b: {  	s0 =	sand.u32 $0x1, s1  }
0x8c: {  	s17 =	sshll.u32 s0, $0xA;
	s2 =	sadd.s32 s3, s2  }
0x8d: {  	s2 =	sadd.s32 s2, s17  }
0x8e: {  	[smem:$0x3FC6] =	sst s2  }
0x8f: {  	_ = 	snop  }
0x90: {  	s2 =	sld [smem:$0x3FD0];
	(tm) =	ssettm $0x1  }
0x91: {  	s18 =	sld [smem:$0x3FFB];
	_ =	sdelay $0x3  }
0x92: {  	_ =	strace s18  }
0x93: {  	s3 =	sld [smem:$0x3FFC];
	_ =	sdelay $0x3  }
0x94: {  	_ =	strace s3  }
0x95: {  	s3 =	sld [smem:$0x3FFD];
	_ =	sdelay $0x3  }
0x96: {  	_ =	strace s3  }
0x97: {  	_ =	strace $0x8FFFFFFF  }
0x98: {  	s19 =	sld [smem:$0x3FDB];
	_ =	sdelay $0x1  }
0x99: {  	s4 =	simm.s32 $_scs_section_size  }
0x9a: {  	s5 =	simm.s32 $_size__tile_overlayer_lowered;
	s6 =	simm.s32 $_tile_overlayer_lowered  }
0x9b: {  	s22 =	simm.s32 $0x1BFF;
	s21 =	sshll.u32 s6, $0x1;
	s3 =	sadd.s32 s4, s19  }
0x9c: {  	s7 =	simm.s32 $0x0;
	s20 =	sshll.u32 s5, $0x1;
	s5 =	sadd.s32 s21, s3  }
0x9d: {  	[timem:s7], [sflag:s22] =	dma.local [hbm:s5], s20  }
0x9e: {  	_ =	swait.ge [sflag:s22], s20  }
0x9f: {  	s4 =	ssub.s32 $0x0, s20;
	[sflag:s22] =	ssyncset.done $0x0  }
0xa0: {  	[sflag:s22] =	ssyncadd.s32 s4;
	_ =	sdelay $0x1  }
0xa1: {  	s23 =	simm.s32 $0x1B8B  }
0xa2: {  	_ =	swait.ge [sflag:s23], $0x1  }
0xa3: {  	[sflag:s23] =	ssyncset.done $0x0  }
0xa4: {  	s25 =	simm.s32 $0x1B8E;
	s24 =	sld [smem:$0x3FFE];
	[sflag:s23] =	ssyncadd.s32 $0xFFFFFFFF  }
0xa5: {  	s26 =	simm.s32 $execute0_lowered;
	[smem:$0x3FD2] =	sst s25  }
0xa6: {  	s5 =	sshll.u32 s26, $0x1;
	_ =	strace $0x80000046;
	[dreg:$0x1] =	wrdreg $0xFFFFFFFF  }
0xa7: {  	s28 =	simm.s32 $_size_execute0_lowered;
	s3 =	sadd.s32 s3, s5;
	[dreg:$0x0] =	wrdreg $0x0  }
0xa8: {  	s5 =	sshll.u32 s28, $0x1;
	[dreg:$0x2] =	wrdreg s3  }
0xa9: {  	[dreg:$0x3] =	wrdreg s5  }
0xaa: {  	[dreg:$0x4] =	wrdreg $0xC0  }
0xab: {  	_ =	task [dreg:s7], $0x5FFFF  }
0xac: {  	[dreg:$0x1] =	wrdreg $0xFFFFFFFF  }
0xad: {  	[dreg:$0x0] =	wrdreg $0x60  }
0xae: {  	[dreg:$0x2] =	wrdreg s24  }
0xaf: {  	[dreg:$0x3] =	wrdreg s2  }
0xb0: {  	[dreg:$0x4] =	wrdreg $0x9  }
0xb1: {  	_ =	task.clear_ibuf [dreg:s7], $0x5FFFF;
	_ =	strace $0x90000046  }
0xb2: {  	s29 =	simm.s32 $0x9;
	_ =	strace $0x80000048  }
0xb3: {  	_ =	swait.ge [sflag:s29], $0x1  }
0xb4: {  	[sflag:s29] =	ssyncadd.s32 $0xFFFFFFFF  }
0xb5: {  	_ =	strace $0x90000048  }
0xb6: {  	_ =	sfence  }
0xb7: {  	s30 =	sld [smem:$0x0];
	_ =	sdelay $0x2  }
0xb8: {  	s31 =	sshll.u32 s1, $0xD;
	s1 =	sshrl.u32 s1, $0x2  }
0xb9: {  	s3 =	sand.u32 $0x4000, s31;
	s1 =	sadd.s32 s1, s30  }
0xba: {  	s0 =	sor.u32 s3, s0;
	s1 =	sshll.u32 s1, $0x11  }
0xbb: {  	s0 =	sor.u32 s1, s0  }
0xbc: {  	s0 =	sadd.s32 $0x8F2B, s0  }
0xbd: {  	[sflag:s0] =	ssyncadd.remote.s32 $0x1  }
0xbe: {  	_ =	sfence.sel $0xFFFF  }
0xbf: {  	[dreg:$0x0] =	wrdreg $0xFFFFFFFF;
	(pc) =	sbr.abs _section_cstart, $3  }
0xc0: {  	[dreg:$0x1] =	wrdreg $0xFFFFFFFF  }
0xc1: {  	_ =	task.clear_ibuf [dreg:s7], $0x2FFFF;
	_ =	strace $0x9FFFFFFF  }
0xc2: {  	(tm) =	ssettm $0x7FFFFFFF  }
0xc3: {  	_ =	shalt  }
tec
execute0_lowered:
.L_overlay_start_1:
0x0: {  	(tag) =	ssettag $0x1  }
0x1: {  	v0 =	vimm.s32 $0xC3824100  }
0x2: {  	v0 =	vunpack.c.0.s8.s32 v0  }
0x3: {  	vm0 =	vcmask $0xF00;
	vm10 =	vcmask $0x1310  }
0x4: {  	vm9 =	vcmask $0x1714;
	vm8 =	vcmask $0x1B18;
	v0 =	vand.u32 $0xFF, v0  }
0x5: {  	vm7 =	vcmask $0x1F1C;
	vm6 =	vcmask $0x2320;
	v0 =	vnsel vm0, $0x3C7, v0  }
0x6: {  	vm13 =	vcmask $0x300;
	v3 =	vimm.s32 $0x39F;
	v0 =	vsel vm10, $0x104, v0  }
0x7: {  	vm14 =	vcmask $0x704;
	v3 =	vsel vm13, $0x10, v3;
	v0 =	vsel vm9, $0x145, v0  }
0x8: {  	vm11 =	vcmask $0xB08;
	v3 =	vsel vm14, $0x91, v3;
	v0 =	vsel vm8, $0x186, v0  }
0x9: {  	vm12 =	vcmask $0xF0C;
	v3 =	vsel vm11, $0x112, v3;
	v0 =	vsel vm7, $0x1C7, v0  }
0xa: {  	vm5 =	vcmask $0x2724;
	v3 =	vsel vm12, $0x193, v3;
	v0 =	vsel vm6, $0x200, v0  }
0xb: {  	vm4 =	vcmask $0x2B28;
	v3 =	vsel vm10, $0x214, v3;
	v0 =	vsel vm5, $0x241, v0  }
0xc: {  	vm3 =	vcmask $0x2F2C;
	v3 =	vsel vm9, $0x295, v3;
	v0 =	vsel vm4, $0x282, v0  }
0xd: {  	vm2 =	vcmask $0x3330;
	v3 =	vsel vm8, $0x316, v3;
	v0 =	vsel vm3, $0x2C3, v0  }
0xe: {  	vm1 =	vcmask $0x3734;
	v3 =	vsel vm7, $0x397, v3;
	v0 =	vsel vm2, $0x304, v0  }
0xf: {  	v3 =	vsel vm6, $0x18, v3;
	v1 =	vsel vm1, $0x345, v0;
	v0 =	vimm.s32 $0x38F  }
0x10: {  	vm0 =	vcmask $0x3B38;
	v3 =	vsel vm5, $0x99, v3;
	v2 =	vsel vm13, $0x0, v0  }
0x11: {  	v4 =	vsel vm0, $0x386, v1;
	v1 =	vsel vm14, $0x81, v2;
	v2 =	vimm.s32 $0x7C7  }
0x12: {  	v3 =	vsel vm4, $0x11A, v3;
	v2 =	vsel vm13, $0x400, v2  }
0x13: {  	v3 =	vsel vm3, $0x19B, v3;
	v1 =	vsel vm11, $0x102, v1;
	v2 =	vsel vm14, $0x441, v2  }
0x14: {  	v3 =	vsel vm2, $0x21C, v3;
	v1 =	vsel vm12, $0x183, v1;
	v2 =	vsel vm11, $0x482, v2  }
0x15: {  	v0 =	vlaneseq.u32;
	v1 =	vsel vm10, $0x204, v1;
	v2 =	vsel vm12, $0x4C3, v2  }
0x16: {  	v14 =	vmul.u32 $0x40, v0;
	v1 =	vsel vm9, $0x285, v1;
	v2 =	vsel vm10, $0x504, v2  }
0x17: {  	v18 =	vand.u32 $0x7, v0;
	v1 =	vsel vm8, $0x306, v1;
	v2 =	vsel vm9, $0x545, v2  }
0x18: {  	v20 =	vor.u32 $0x10, v0;
	v1 =	vsel vm7, $0x387, v1;
	v2 =	vsel vm8, $0x586, v2  }
0x19: {  	v22 =	vor.u32 $0x20, v0;
	v1 =	vsel vm6, $0x8, v1;
	v2 =	vsel vm7, $0x5C7, v2  }
0x1a: {  	v24 =	vor.u32 $0x30, v0;
	v1 =	vsel vm5, $0x89, v1;
	v2 =	vsel vm6, $0x600, v2  }
0x1b: {  	v26 =	vor.u32 $0x40, v0;
	v1 =	vsel vm4, $0x10A, v1;
	v2 =	vsel vm5, $0x641, v2  }
0x1c: {  	v28 =	vor.u32 $0x50, v0;
	v1 =	vsel vm3, $0x18B, v1;
	v2 =	vsel vm4, $0x682, v2  }
0x1d: {  	v30 =	vor.u32 $0x60, v0;
	v1 =	vsel vm2, $0x20C, v1;
	v2 =	vsel vm3, $0x6C3, v2  }
0x1e: {  	v32 =	vor.u32 $0x70, v0;
	v1 =	vsel vm1, $0x28D, v1;
	v2 =	vsel vm2, $0x704, v2  }
0x1f: {  	v19 =	vor.u32 $0x400, v14;
	v5 =	vsel vm0, $0x30E, v1;
	v1 =	vsel vm1, $0x745, v2  }
0x20: {  	v2 =	vsel vm1, $0x29D, v3;
	v6 =	vsel vm0, $0x786, v1;
	v1 =	vimm.s32 $0xBC7  }
0x21: {  	v36 =	vsel vm0, $0x31E, v2;
	v2 =	vimm.s32 $0x3AF;
	v1 =	vsel vm13, $0x800, v1  }
0x22: {  	v3 =	vimm.s32 $0xFC7;
	v2 =	vsel vm13, $0x20, v2;
	v1 =	vsel vm14, $0x841, v1  }
0x23: {  	v3 =	vsel vm13, $0xC00, v3;
	v2 =	vsel vm14, $0xA1, v2;
	v1 =	vsel vm11, $0x882, v1  }
0x24: {  	v3 =	vsel vm14, $0xC41, v3;
	v2 =	vsel vm11, $0x122, v2;
	v1 =	vsel vm12, $0x8C3, v1  }
0x25: {  	v3 =	vsel vm11, $0xC82, v3;
	v2 =	vsel vm12, $0x1A3, v2;
	v1 =	vsel vm10, $0x904, v1  }
0x26: {  	v3 =	vsel vm12, $0xCC3, v3;
	v2 =	vsel vm10, $0x224, v2;
	v1 =	vsel vm9, $0x945, v1  }
0x27: {  	v3 =	vsel vm10, $0xD04, v3;
	v2 =	vsel vm9, $0x2A5, v2;
	v1 =	vsel vm8, $0x986, v1  }
0x28: {  	v3 =	vsel vm9, $0xD45, v3;
	v2 =	vsel vm8, $0x326, v2;
	v1 =	vsel vm7, $0x9C7, v1  }
0x29: {  	v3 =	vsel vm8, $0xD86, v3;
	v2 =	vsel vm7, $0x3A7, v2;
	v1 =	vsel vm6, $0xA00, v1  }
0x2a: {  	v3 =	vsel vm7, $0xDC7, v3;
	v2 =	vsel vm6, $0x28, v2;
	v1 =	vsel vm5, $0xA41, v1  }
0x2b: {  	v3 =	vsel vm6, $0xE00, v3;
	v2 =	vsel vm5, $0xA9, v2;
	v1 =	vsel vm4, $0xA82, v1  }
0x2c: {  	v3 =	vsel vm5, $0xE41, v3;
	v2 =	vsel vm4, $0x12A, v2;
	v1 =	vsel vm3, $0xAC3, v1  }
0x2d: {  	v3 =	vsel vm4, $0xE82, v3;
	v2 =	vsel vm3, $0x1AB, v2;
	v1 =	vsel vm2, $0xB04, v1  }
0x2e: {  	v3 =	vsel vm3, $0xEC3, v3;
	v2 =	vsel vm2, $0x22C, v2;
	v1 =	vsel vm1, $0xB45, v1  }
0x2f: {  	v3 =	vsel vm2, $0xF04, v3;
	v10 =	vsel vm0, $0xB86, v1;
	v1 =	vsel vm1, $0x2AD, v2  }
0x30: {  	v2 =	vsel vm1, $0xF45, v3;
	v9 =	vsel vm0, $0x32E, v1;
	v1 =	vimm.s32 $0x3BF  }
0x31: {  	v11 =	vsel vm0, $0xF86, v2;
	v2 =	vimm.s32 $0x13C7;
	v1 =	vsel vm13, $0x30, v1  }
0x32: {  	v3 =	vimm.s32 $0x3CF;
	v2 =	vsel vm13, $0x1000, v2;
	v1 =	vsel vm14, $0xB1, v1  }
0x33: {  	v3 =	vsel vm13, $0x40, v3;
	v2 =	vsel vm14, $0x1041, v2;
	v1 =	vsel vm11, $0x132, v1  }
0x34: {  	v3 =	vsel vm14, $0xC1, v3;
	v2 =	vsel vm11, $0x1082, v2;
	v1 =	vsel vm12, $0x1B3, v1  }
0x35: {  	v3 =	vsel vm11, $0x142, v3;
	v2 =	vsel vm12, $0x10C3, v2;
	v1 =	vsel vm10, $0x234, v1  }
0x36: {  	v3 =	vsel vm12, $0x1C3, v3;
	v2 =	vsel vm10, $0x1104, v2;
	v1 =	vsel vm9, $0x2B5, v1  }
0x37: {  	v3 =	vsel vm10, $0x244, v3;
	v2 =	vsel vm9, $0x1145, v2;
	v1 =	vsel vm8, $0x336, v1  }
0x38: {  	v3 =	vsel vm9, $0x2C5, v3;
	v2 =	vsel vm8, $0x1186, v2;
	v1 =	vsel vm7, $0x3B7, v1  }
0x39: {  	v3 =	vsel vm8, $0x346, v3;
	v2 =	vsel vm7, $0x11C7, v2;
	v1 =	vsel vm6, $0x38, v1  }
0x3a: {  	v3 =	vsel vm7, $0x3C7, v3;
	v2 =	vsel vm6, $0x1200, v2;
	v1 =	vsel vm5, $0xB9, v1  }
0x3b: {  	v3 =	vsel vm6, $0x48, v3;
	v2 =	vsel vm5, $0x1241, v2;
	v1 =	vsel vm4, $0x13A, v1  }
0x3c: {  	v3 =	vsel vm5, $0xC9, v3;
	v2 =	vsel vm4, $0x1282, v2;
	v1 =	vsel vm3, $0x1BB, v1  }
0x3d: {  	v3 =	vsel vm4, $0x14A, v3;
	v2 =	vsel vm3, $0x12C3, v2;
	v1 =	vsel vm2, $0x23C, v1  }
0x3e: {  	v3 =	vsel vm3, $0x1CB, v3;
	v2 =	vsel vm2, $0x1304, v2;
	v1 =	vsel vm1, $0x2BD, v1  }
0x3f: {  	v3 =	vsel vm2, $0x24C, v3;
	v12 =	vsel vm0, $0x33E, v1;
	v1 =	vsel vm1, $0x1345, v2  }
0x40: {  	v2 =	vsel vm1, $0x2CD, v3;
	v13 =	vsel vm0, $0x1386, v1;
	v1 =	vimm.s32 $0x17C7  }
0x41: {  	v15 =	vsel vm0, $0x34E, v2;
	v2 =	vimm.s32 $0x3DF;
	v1 =	vsel vm13, $0x1400, v1  }
0x42: {  	v3 =	vimm.s32 $0x1BC7;
	v2 =	vsel vm13, $0x50, v2;
	v1 =	vsel vm14, $0x1441, v1  }
0x43: {  	v3 =	vsel vm13, $0x1800, v3;
	v2 =	vsel vm14, $0xD1, v2;
	v1 =	vsel vm11, $0x1482, v1  }
0x44: {  	v3 =	vsel vm14, $0x1841, v3;
	v2 =	vsel vm11, $0x152, v2;
	v1 =	vsel vm12, $0x14C3, v1  }
0x45: {  	v3 =	vsel vm11, $0x1882, v3;
	v2 =	vsel vm12, $0x1D3, v2;
	v1 =	vsel vm10, $0x1504, v1  }
0x46: {  	v3 =	vsel vm12, $0x18C3, v3;
	v2 =	vsel vm10, $0x254, v2;
	v1 =	vsel vm9, $0x1545, v1  }
0x47: {  	v3 =	vsel vm10, $0x1904, v3;
	v2 =	vsel vm9, $0x2D5, v2;
	v1 =	vsel vm8, $0x1586, v1  }
0x48: {  	v3 =	vsel vm9, $0x1945, v3;
	v2 =	vsel vm8, $0x356, v2;
	v1 =	vsel vm7, $0x15C7, v1  }
0x49: {  	v3 =	vsel vm8, $0x1986, v3;
	v2 =	vsel vm7, $0x3D7, v2;
	v1 =	vsel vm6, $0x1600, v1  }
0x4a: {  	v3 =	vsel vm7, $0x19C7, v3;
	v2 =	vsel vm6, $0x58, v2;
	v1 =	vsel vm5, $0x1641, v1  }
0x4b: {  	v3 =	vsel vm6, $0x1A00, v3;
	v2 =	vsel vm5, $0xD9, v2;
	v1 =	vsel vm4, $0x1682, v1  }
0x4c: {  	v3 =	vsel vm5, $0x1A41, v3;
	v2 =	vsel vm4, $0x15A, v2;
	v1 =	vsel vm3, $0x16C3, v1  }
0x4d: {  	v3 =	vsel vm4, $0x1A82, v3;
	v2 =	vsel vm3, $0x1DB, v2;
	v1 =	vsel vm2, $0x1704, v1  }
0x4e: {  	v3 =	vsel vm3, $0x1AC3, v3;
	v2 =	vsel vm2, $0x25C, v2;
	v1 =	vsel vm1, $0x1745, v1  }
0x4f: {  	v3 =	vsel vm2, $0x1B04, v3;
	v8 =	vsel vm0, $0x1786, v1;
	v1 =	vsel vm1, $0x2DD, v2  }
0x50: {  	v2 =	vsel vm1, $0x1B45, v3;
	v3 =	vimm.s32 $0x3FF;
	v16 =	vsel vm0, $0x35E, v1  }
0x51: {  	s1 =	rddreg [dreg:$0x0];
	s5 =	simm.s32 $0x0;
	v44 =	vsel vm0, $0x1B86, v2;
	v1 =	vimm.s32 $0x3EF;
	v3 =	vsel vm13, $0x70, v3  }
0x52: {  	s2 =	stileid.u32;
	[smem:$0x7FF] =	sst s5;
	v2 =	vimm.s32 $0x1FC7;
	v1 =	vsel vm13, $0x60, v1;
	v3 =	vsel vm14, $0xF1, v3  }
0x53: {  	s3 =	sshll.u32 s2, $0x1;
	s2 =	rddreg [dreg:$0x1];
	_ =	strace $0x80000047;
	[tilespmem:$0x1FF00] =	vst v4;
	v2 =	vsel vm13, $0x1C00, v2;
	v1 =	vsel vm14, $0xE1, v1;
	v3 =	vsel vm11, $0x172, v3  }
0x54: {  	[tilespmem:$0x1FF10] =	vst v5;
	v2 =	vsel vm14, $0x1C41, v2;
	v1 =	vsel vm11, $0x162, v1;
	v3 =	vsel vm12, $0x1F3, v3  }
0x55: {  	[tilespmem:$0x1FF20] =	vst v6;
	v2 =	vsel vm11, $0x1C82, v2;
	v1 =	vsel vm12, $0x1E3, v1;
	v3 =	vsel vm10, $0x274, v3  }
0x56: {  	[tilespmem:$0x1FF30] =	vst v36;
	v2 =	vsel vm12, $0x1CC3, v2;
	v1 =	vsel vm10, $0x264, v1;
	v3 =	vsel vm9, $0x2F5, v3  }
0x57: {  	s13 =	simm.s32 $0x6400;
	s14 =	simm.s32 $0x8400;
	[tilespmem:$0x1FF40] =	vst v10;
	v2 =	vsel vm10, $0x1D04, v2;
	v1 =	vsel vm9, $0x2E5, v1;
	v3 =	vsel vm8, $0x376, v3  }
0x58: {  	s0 =	srdreg.scid;
	s16 =	simm.s32 $0xA400;
	s18 =	simm.s32 $0xC400;
	[tilespmem:$0x1FF50] =	vst v9;
	v2 =	vsel vm9, $0x1D45, v2;
	v1 =	vsel vm8, $0x366, v1;
	v3 =	vsel vm7, $0x3F7, v3  }
0x59: {  	s19 =	simm.s32 $0x1;
	s20 =	simm.s32 $0xE400;
	s21 =	simm.s32 $0x10400;
	[tilespmem:$0x1FF60] =	vst v11;
	v2 =	vsel vm8, $0x1D86, v2;
	v1 =	vsel vm7, $0x3E7, v1;
	v3 =	vsel vm6, $0x78, v3  }
0x5a: {  	s22 =	simm.s32 $0x400;
	s23 =	simm.s32 $0x8000;
	s24 =	simm.s32 $0x2;
	[tilespmem:$0x1FF70] =	vst v12;
	v2 =	vsel vm7, $0x1DC7, v2;
	v1 =	vsel vm6, $0x68, v1;
	v3 =	vsel vm5, $0xF9, v3  }
0x5b: {  	s28 =	simm.s32 $0x14400;
	s29 =	simm.s32 $0x4;
	s0 =	sand.u32 $0x1, s0;
	[tilespmem:$0x1FF80] =	vst v13;
	v2 =	vsel vm6, $0x1E00, v2;
	v1 =	vsel vm5, $0xE9, v1;
	v3 =	vsel vm4, $0x17A, v3  }
0x5c: {  	s30 =	simm.s32 $0x16400;
	s31 =	simm.s32 $0x5;
	s3 =	sor.u32 s0, s3;
	[tilespmem:$0x1FF90] =	vst v15;
	v2 =	vsel vm5, $0x1E41, v2;
	v1 =	vsel vm4, $0x16A, v1;
	v3 =	vsel vm3, $0x1FB, v3  }
0x5d: {  	s0 =	ssub.s32 $0x2, s0;
	s4 =	smul.u32 $0xC80, s3;
	s5 =	sshll.u32 s3, $0xA;
	[tilespmem:$0x1FFA0] =	vst v8;
	v2 =	vsel vm4, $0x1E82, v2;
	v1 =	vsel vm3, $0x1EB, v1;
	v3 =	vsel vm2, $0x27C, v3  }
0x5e: {  	s25 =	sshrl.u32 s0, $0x1;
	s7 =	sor.u32 $0x40000, s5;
	s8 =	sor.u32 $0x80000, s5;
	[tilespmem:$0x1FFB0] =	vst v16;
	v2 =	vsel vm3, $0x1EC3, v2;
	v1 =	vsel vm2, $0x26C, v1;
	v3 =	vsel vm1, $0x2FD, v3  }
0x5f: {  	s0 =	ssub.s32 s0, s25;
	s9 =	sor.u32 $0xC0000, s5;
	s25 =	simm.s32 $0x12400;
	[tilespmem:$0x1FFC0] =	vst v44;
	v2 =	vsel vm2, $0x1F04, v2;
	v1 =	vsel vm1, $0x2ED, v1;
	v46 =	vsel vm0, $0x37E, v3  }
0x60: {  	s6 =	sadd.s32 s4, s1;
	s4 =	sadd.s32 $0xF42A00, s1;
	s0 =	smax.u32 s0, $0x1;
	v21 =	vor.u32 $0x800, v14;
	v2 =	vsel vm1, $0x1F45, v2;
	v17 =	vsel vm0, $0x36E, v1;
	[tilespmem:$0x1FFF0] =	vst v46  }
0x61: {  	s1 =	simm.s32 $0x18400;
	s26 =	sadd.s32 $0x600, s6;
	[dreg:$0x4] =	wrdreg s0;
	v23 =	vor.u32 $0xC00, v14;
	v25 =	vor.u32 $0x1000, v14;
	v45 =	vsel vm0, $0x1F86, v2;
	[tilespmem:$0x1FFD0] =	vst v17  }
0x62: {  	s6 =	simm.s32 $0x0;
	[dreg:$0x3] =	wrdreg s26;
	s26 =	simm.s32 $0x3;
	v27 =	vor.u32 $0x1400, v14;
	v29 =	vor.u32 $0x1800, v14;
	v31 =	vor.u32 $0x1C00, v14;
	[tilespmem:$0x1FFE0] =	vst v45  }
.LBB2_1:
0x63: {  	[dreg:$0x5] =	wrdreg s6  }
0x64: {  	s0 =	simm.s32 $0x0;
	s3 =	rddreg [dreg:$0x3];
	s11 =	simm.s32 $0xB  }
0x65: {  	[tilespmem:s0], [sflag:$0xB] =	stream.linear.gather [hbm4b:s3+s0], $0x6400, $0x38;
	[tilespmem:$0x1A400] =	vst v63  }
0x66: {  	_ =	swait.ge [sflag:s11], $0x6400  }
0x67: {  	[sflag:s11] =	ssyncset.done $0x0  }
0x68: {  	s12 =	simm.s32 $0x80;
	[sflag:s11] =	ssyncadd.s32 $0xFFFF9C00  }
0x69: {  	[tilespmem:s13], [sflag:$0x1] =	stream.indirect.gather [hbm4b:s4+s12], $0x40, s0, s12, $0xb8;
	[tilespmem:$0x1A400] =	vst v63  }
0x6a: {  	_ = 	snop  }
0x6b: {  	[tilespmem:s14], [sflag:$0x2] =	stream.indirect.gather [hbm4b:s4+s12], $0x40, s12, s12, $0xb8;
	[tilespmem:$0x1A400] =	vst v63  }
0x6c: {  	s15 =	simm.s32 $0x100  }
0x6d: {  	[tilespmem:s16], [sflag:$0x3] =	stream.indirect.gather [hbm4b:s4+s12], $0x40, s15, s12, $0xb8;
	[tilespmem:$0x1A400] =	vst v63  }
0x6e: {  	s17 =	simm.s32 $0x180;
	s11 =	simm.s32 $0x0  }
0x6f: {  	[tilespmem:s18], [sflag:$0x4] =	stream.indirect.gather [hbm4b:s4+s12], $0x40, s17, s12, $0xb8;
	[tilespmem:$0x1A400] =	vst v63  }
.LBB2_2:
0x70: {  	s0 =	smul.u32 $0x5, s11;
	_ =	sdelay $0x1  }
0x71: {  	_ =	swait.ge [sflag:s19], $0x2000;
	s12 =	simm.s32 $0x0;
	s0 =	sadd.s32 $0x4, s0  }
0x72: {  	s3 =	simm.s32 $0x80;
	[sflag:s19] =	ssyncset.done $0x0;
	v1 =	vadd.s32 s12, v0;
	s10 =	sshll.u32 s0, $0x7  }
0x73: {  	p0 =	seq.s32 s11, $0x0;
	[sflag:s19] =	ssyncadd.s32 $0xFFFFE000;
	v2 =	vand.u32 $0x38, v1;
	s10 =	sand.u32 $0x3FFFFF80, s10  }
0x74: {  	v3 =	vor.u32 v4, v2;
	[tilespmem:s20], [sflag:$0x5] =	stream.indirect.gather [hbm4b:s4+s3], $0x40, s10, s3, $0xb8;
	[tilespmem:$0x1A400] =	vst v63  }
0x75: {  	s10 =	simm.s32 @!p0 $0x6  }
0x76: {  	_ =	swait.ge @!p0 [sflag:s10], $0x2000  }
0x77: {  	v1 =	vshll.u32 v1, $0x7;
	[sflag:s10] =	ssyncset.done @!p0 $0x0  }
0x78: {  	v1 =	vand.u32 $0x1C00, v1;
	[sflag:s10] =	ssyncadd.s32 @!p0 $0xFFFFE000  }
0x79: {  	v4 =	vor.u32 v5, v1;
	v3 =	vld.idx.msk [tilespmem:v3+s13+$0x0], $0xffff  }
0x7a: {  	v5 =	vor.u32 v6, v2;
	s3 =	simm.s32 $0x7  }
0x7b: {  	s6 =	simm.s32 $0x6;
	v6 =	vadd.s32 s3, v0  }
0x7c: {  	v7 =	vadd.s32 s6, v0;
	v33 =	vand.u32 $0x3F, v6  }
0x7d: {  	v35 =	vand.u32 $0x3F, v7;
	v34 =	vor.u32 v14, v33  }
0x7e: {  	v7 =	vshll.u32 v7, $0x7;
	[tilespmem:v4+s21+$0x0] =	vst.idx.msk $0xffff, v3;
	v3 =	vor.u32 v14, v35  }
0x7f: {  	v55 =	vor.u32 v10, v2;
	v4 =	vshll.u32 v6, $0x7;
	v6 =	vor.u32 v36, v1;
	v5 =	vld.idx.msk [tilespmem:v5+s13+$0x0], $0xffff  }
0x80: {  	v39 =	vor.u32 v0, v7;
	v37 =	vor.u32 v0, v4;
	v38 =	vand.u32 $0x1C00, v4  }
0x81: {  	v40 =	vand.u32 $0x1C00, v7;
	v37 =	vand.u32 $0x388, v37;
	v38 =	vor.u32 v18, v38  }
0x82: {  	v39 =	vand.u32 $0x388, v39;
	v40 =	vor.u32 v18, v40;
	v34 =	vld.idx.msk [tilespmem:v34+s13+$0x0], $0xffff;
	v37 =	vor.u32 v37, v38  }
0x83: {  	v39 =	vor.u32 v39, v40;
	v41 =	vor.u32 v19, v33;
	v3 =	vld.idx.msk [tilespmem:v3+s13+$0x0], $0xffff  }
0x84: {  	v42 =	vor.u32 v19, v35;
	[tilespmem:v6+s21+$0x0] =	vst.idx.msk $0xffff, v5  }
0x85: {  	v6 =	vor.u32 v9, v1;
	v5 =	vld.idx.msk [tilespmem:v55+s13+$0x0], $0xffff  }
0x86: {  	v43 =	vor.u32 v11, v2;
	v56 =	vor.u32 v20, v4  }
0x87: {  	v57 =	vor.u32 v20, v7;
	v36 =	vand.u32 $0x398, v56;
	[tilespmem:v37+s21+$0x0] =	vst.idx.msk $0xffff, v34  }
0x88: {  	v36 =	vor.u32 v36, v38;
	v34 =	vand.u32 $0x398, v57;
	[tilespmem:v39+s21+$0x0] =	vst.idx.msk $0xffff, v3;
	v3 =	vld.idx.msk [tilespmem:v41+s13+$0x0], $0xffff  }
0x89: {  	v59 =	vor.u32 v21, v33;
	v34 =	vor.u32 v34, v40;
	v58 =	vld.idx.msk [tilespmem:v42+s13+$0x0], $0xffff  }
0x8a: {  	v60 =	vor.u32 v21, v35;
	[tilespmem:v6+s21+$0x0] =	vst.idx.msk $0xffff, v5  }
0x8b: {  	v62 =	vor.u32 v13, v2;
	v45 =	vor.u32 v45, v2;
	v6 =	vor.u32 v12, v1;
	v5 =	vld.idx.msk [tilespmem:v43+s13+$0x0], $0xffff  }
0x8c: {  	v11 =	vor.u32 v15, v1;
	v53 =	vor.u32 v46, v1;
	v61 =	vor.u32 v22, v4  }
0x8d: {  	v10 =	vor.u32 v23, v33;
	v63 =	vand.u32 $0x3A8, v61;
	[tilespmem:v36+s21+$0x0] =	vst.idx.msk $0xffff, v3;
	v3 =	vor.u32 v22, v7  }
0x8e: {  	v36 =	vor.u32 v63, v38;
	[tilespmem:v34+s21+$0x0] =	vst.idx.msk $0xffff, v58;
	v9 =	vld.idx.msk [tilespmem:v59+s13+$0x0], $0xffff;
	v3 =	vand.u32 $0x3A8, v3  }
0x8f: {  	v49 =	vor.u32 v25, v33;
	v52 =	vor.u32 v27, v33;
	v37 =	vld.idx.msk [tilespmem:v60+s13+$0x0], $0xffff;
	v3 =	vor.u32 v3, v40  }
0x90: {  	v47 =	vor.u32 v24, v4;
	v50 =	vor.u32 v30, v4;
	[tilespmem:v6+s21+$0x0] =	vst.idx.msk $0xffff, v5  }
0x91: {  	v61 =	vor.u32 v28, v4;
	v57 =	vor.u32 v29, v33;
	v5 =	vor.u32 v23, v35;
	v6 =	vld.idx.msk [tilespmem:v62+s13+$0x0], $0xffff  }
0x92: {  	v39 =	vor.u32 v17, v1;
	v43 =	vor.u32 v44, v2;
	v2 =	vor.u32 v8, v2  }
0x93: {  	v1 =	vor.u32 v16, v1;
	v34 =	vand.u32 $0x3B8, v47;
	v58 =	vor.u32 v29, v35;
	[tilespmem:v36+s21+$0x0] =	vst.idx.msk $0xffff, v9  }
0x94: {  	v48 =	vor.u32 v34, v38;
	[tilespmem:v3+s21+$0x0] =	vst.idx.msk $0xffff, v37;
	v3 =	vor.u32 v24, v7  }
0x95: {  	v34 =	vor.u32 v31, v33;
	v60 =	vor.u32 v32, v4;
	v36 =	vld.idx.msk [tilespmem:v10+s13+$0x0], $0xffff;
	v3 =	vand.u32 $0x3B8, v3  }
0x96: {  	v4 =	vor.u32 v26, v4;
	v5 =	vld.idx.msk [tilespmem:v5+s13+$0x0], $0xffff;
	v3 =	vor.u32 v3, v40;
	[tilespmem:v11+s21+$0x0] =	vst.idx.msk $0xffff, v6  }
0x97: {  	v63 =	vand.u32 $0x3F8, v60;
	v4 =	vand.u32 $0x3C8, v4;
	v62 =	vand.u32 $0x3E8, v50;
	v2 =	vld.idx.msk [tilespmem:v2+s13+$0x0], $0xffff  }
0x98: {  	v4 =	vor.u32 v4, v38;
	v33 =	vor.u32 v63, v38;
	v62 =	vor.u32 v62, v38  }
0x99: {  	v9 =	vor.u32 v30, v7;
	v10 =	vor.u32 v32, v7;
	v6 =	vor.u32 v25, v35  }
0x9a: {  	v11 =	vor.u32 v27, v35;
	[tilespmem:v48+s21+$0x0] =	vst.idx.msk $0xffff, v36;
	v36 =	vor.u32 v31, v35  }
0x9b: {  	[tilespmem:v3+s21+$0x0] =	vst.idx.msk $0xffff, v5;
	v3 =	vor.u32 v26, v7;
	v7 =	vor.u32 v28, v7  }
0x9c: {  	s12 =	simm.s32 $0x5;
	v37 =	vld.idx.msk [tilespmem:v49+s13+$0x0], $0xffff;
	v5 =	vand.u32 $0x3D8, v61;
	v3 =	vand.u32 $0x3C8, v3;
	[tilespmem:v1+s21+$0x0] =	vst.idx.msk $0xffff, v2;
	v1 =	vand.u32 $0x3D8, v7  }
0x9d: {  	v2 =	vand.u32 $0x3E8, v9;
	v7 =	vand.u32 $0x3F8, v10;
	v9 =	vadd.s32 s12, v0  }
0x9e: {  	v6 =	vld.idx.msk [tilespmem:v6+s13+$0x0], $0xffff;
	v3 =	vor.u32 v3, v40;
	v35 =	vor.u32 v7, v40;
	v7 =	vand.u32 $0x3F, v9  }
0x9f: {  	v5 =	vor.u32 v5, v38;
	v50 =	vor.u32 v2, v40;
	v46 =	vor.u32 v27, v7  }
0xa0: {  	v48 =	vor.u32 v25, v7;
	v60 =	vor.u32 v21, v7;
	v63 =	vor.u32 v19, v7  }
0xa1: {  	v54 =	vor.u32 v14, v7;
	[tilespmem:v4+s21+$0x0] =	vst.idx.msk $0xffff, v37;
	v4 =	vshll.u32 v9, $0x7;
	v37 =	vor.u32 v31, v7  }
0xa2: {  	v42 =	vor.u32 v30, v4;
	v38 =	vor.u32 v32, v4;
	v47 =	vor.u32 v28, v4;
	v10 =	vld.idx.msk [tilespmem:v52+s13+$0x0], $0xffff  }
0xa3: {  	v51 =	vor.u32 v24, v4;
	[tilespmem:v3+s21+$0x0] =	vst.idx.msk $0xffff, v6;
	v6 =	vor.u32 v1, v40;
	v1 =	vld.idx.msk [tilespmem:v43+s13+$0x0], $0xffff  }
0xa4: {  	v49 =	vor.u32 v26, v4;
	v61 =	vor.u32 v22, v4;
	v52 =	vor.u32 v23, v7  }
0xa5: {  	s15 =	simm.s32 $0x4;
	s17 =	simm.s32 $0x3;
	v2 =	vor.u32 v20, v4;
	v43 =	vor.u32 v29, v7;
	v3 =	vor.u32 v0, v4;
	v59 =	vld.idx.msk [tilespmem:v11+s13+$0x0], $0xffff  }
0xa6: {  	v4 =	vand.u32 $0x1C00, v4;
	v7 =	vadd.s32 s17, v0;
	v11 =	vadd.s32 s15, v0  }
0xa7: {  	v3 =	vand.u32 $0x388, v3;
	v44 =	vand.u32 $0x3F, v11;
	v40 =	vshll.u32 v11, $0x7;
	[tilespmem:v5+s21+$0x0] =	vst.idx.msk $0xffff, v10  }
0xa8: {  	v55 =	vor.u32 v14, v44;
	v5 =	vld.idx.msk [tilespmem:v57+s13+$0x0], $0xffff;
	[tilespmem:v39+s21+$0x0] =	vst.idx.msk $0xffff, v1;
	v39 =	vor.u32 v18, v4  }
0xa9: {  	v1 =	vor.u32 v19, v44;
	v4 =	vor.u32 v0, v40;
	v56 =	vld.idx.msk [tilespmem:v45+s13+$0x0], $0xffff;
	v45 =	vand.u32 $0x1C00, v40  }
0xaa: {  	s15 =	simm.s32 $0x2;
	v3 =	vor.u32 v3, v39;
	v4 =	vand.u32 $0x388, v4;
	[tilespmem:v6+s21+$0x0] =	vst.idx.msk $0xffff, v59;
	v41 =	vor.u32 v18, v45  }
0xab: {  	s10 =	simm.s32 $0x8;
	v17 =	vmovc v8;
	s12 =	simm.s32 $0x1;
	v6 =	vadd.s32 s15, v0;
	v45 =	vand.u32 $0x3F, v7;
	v57 =	vld.idx.msk [tilespmem:v58+s13+$0x0], $0xffff;
	v4 =	vor.u32 v4, v41  }
.LBB2_3:
0xac: {  	v8 =	vadd.s32 s12, v0  }
0xad: {  	v59 =	vand.u32 $0x3F, v6;
	v9 =	vor.u32 v14, v45;
	v2 =	vand.u32 $0x398, v2  }
0xae: {  	v58 =	vand.u32 $0x3F, v8;
	v10 =	vor.u32 v14, v59;
	[tilespmem:v53+s21+$0x0] =	vst.idx.msk $0xffff, v56;
	v56 =	vshll.u32 v7, $0x7  }
0xaf: {  	v7 =	vor.u32 v14, v58;
	v11 =	vor.u32 v0, v56;
	v12 =	vand.u32 $0x1C00, v56  }
0xb0: {  	v13 =	vld.idx.msk [tilespmem:v54+s13+$0x0], $0xffff;
	v53 =	vshll.u32 v6, $0x7;
	v6 =	vand.u32 $0x388, v11;
	v54 =	vor.u32 v18, v12;
	[tilespmem:v62+s21+$0x0] =	vst.idx.msk $0xffff, v5  }
0xb1: {  	v5 =	vor.u32 v0, v53;
	v11 =	vor.u32 v19, v45;
	v12 =	vld.idx.msk [tilespmem:v55+s13+$0x0], $0xffff;
	v55 =	vshll.u32 v8, $0x7  }
0xb2: {  	v8 =	vand.u32 $0x1C00, v53;
	[tilespmem:v50+s21+$0x0] =	vst.idx.msk $0xffff, v57;
	v6 =	vor.u32 v6, v54;
	v5 =	vand.u32 $0x388, v5  }
0xb3: {  	v9 =	vld.idx.msk [tilespmem:v9+s13+$0x0], $0xffff;
	v50 =	vor.u32 v0, v55;
	v62 =	vand.u32 $0x1C00, v55;
	v57 =	vor.u32 v18, v8  }
0xb4: {  	v10 =	vld.idx.msk [tilespmem:v10+s13+$0x0], $0xffff;
	v8 =	vand.u32 $0x388, v50;
	v50 =	vor.u32 v18, v62;
	v5 =	vor.u32 v5, v57  }
0xb5: {  	v2 =	vor.u32 v2, v39;
	v7 =	vld.idx.msk [tilespmem:v7+s13+$0x0], $0xffff;
	v8 =	vor.u32 v8, v50  }
0xb6: {  	v15 =	vor.u32 v20, v56;
	[tilespmem:v3+s21+$0x0] =	vst.idx.msk $0xffff, v13;
	v62 =	vor.u32 v19, v59  }
0xb7: {  	v3 =	vor.u32 v19, v58;
	v13 =	vor.u32 v20, v40;
	v63 =	vld.idx.msk [tilespmem:v63+s13+$0x0], $0xffff;
	[tilespmem:v4+s21+$0x0] =	vst.idx.msk $0xffff, v12  }
0xb8: {  	v4 =	vand.u32 $0x398, v13;
	v12 =	vor.u32 v21, v44;
	[tilespmem:v6+s21+$0x0] =	vst.idx.msk $0xffff, v9;
	v6 =	vand.u32 $0x398, v15;
	v1 =	vld.idx.msk [tilespmem:v1+s13+$0x0], $0xffff  }
0xb9: {  	v4 =	vor.u32 v4, v41;
	[tilespmem:v5+s21+$0x0] =	vst.idx.msk $0xffff, v10;
	v5 =	vor.u32 v20, v53;
	v9 =	vld.idx.msk [tilespmem:v11+s13+$0x0], $0xffff  }
0xba: {  	v6 =	vor.u32 v6, v54;
	[tilespmem:v8+s21+$0x0] =	vst.idx.msk $0xffff, v7;
	v7 =	vor.u32 v20, v55;
	v5 =	vand.u32 $0x398, v5  }
0xbb: {  	v13 =	vor.u32 v21, v58;
	v8 =	vld.idx.msk [tilespmem:v62+s13+$0x0], $0xffff;
	v7 =	vand.u32 $0x398, v7;
	v5 =	vor.u32 v5, v57  }
0xbc: {  	v15 =	vor.u32 v22, v40;
	v10 =	vor.u32 v21, v45;
	v3 =	vld.idx.msk [tilespmem:v3+s13+$0x0], $0xffff;
	v7 =	vor.u32 v7, v50  }
0xbd: {  	v11 =	vor.u32 v21, v59;
	[tilespmem:v2+s21+$0x0] =	vst.idx.msk $0xffff, v63;
	v2 =	vand.u32 $0x3A8, v61;
	v61 =	vor.u32 v22, v56  }
0xbe: {  	v60 =	vld.idx.msk [tilespmem:v60+s13+$0x0], $0xffff;
	v2 =	vor.u32 v2, v39;
	[tilespmem:v4+s21+$0x0] =	vst.idx.msk $0xffff, v1;
	v1 =	vand.u32 $0x3A8, v15  }
0xbf: {  	v62 =	vor.u32 v24, v56;
	[tilespmem:v6+s21+$0x0] =	vst.idx.msk $0xffff, v9;
	v6 =	vand.u32 $0x3A8, v61;
	v1 =	vor.u32 v1, v41  }
0xc0: {  	v63 =	vld.idx.msk [tilespmem:v12+s13+$0x0], $0xffff;
	v6 =	vor.u32 v6, v54;
	[tilespmem:v5+s21+$0x0] =	vst.idx.msk $0xffff, v8;
	v5 =	vor.u32 v22, v53  }
0xc1: {  	v8 =	vld.idx.msk [tilespmem:v10+s13+$0x0], $0xffff;
	[tilespmem:v7+s21+$0x0] =	vst.idx.msk $0xffff, v3;
	v3 =	vor.u32 v22, v55;
	v5 =	vand.u32 $0x3A8, v5  }
0xc2: {  	v4 =	vor.u32 v23, v44;
	v7 =	vld.idx.msk [tilespmem:v11+s13+$0x0], $0xffff;
	v3 =	vand.u32 $0x3A8, v3;
	v5 =	vor.u32 v5, v57  }
0xc3: {  	[tilespmem:v2+s21+$0x0] =	vst.idx.msk $0xffff, v60;
	v11 =	vor.u32 v23, v45;
	v10 =	vld.idx.msk [tilespmem:v13+s13+$0x0], $0xffff;
	v3 =	vor.u32 v3, v50  }
0xc4: {  	v15 =	vor.u32 v24, v40;
	v12 =	vor.u32 v23, v59;
	v2 =	vand.u32 $0x3B8, v51;
	v61 =	vld.idx.msk [tilespmem:v52+s13+$0x0], $0xffff  }
0xc5: {  	v2 =	vor.u32 v2, v39;
	v13 =	vor.u32 v23, v58;
	[tilespmem:v1+s21+$0x0] =	vst.idx.msk $0xffff, v63;
	v1 =	vand.u32 $0x3B8, v15  }
0xc6: {  	v63 =	vor.u32 v25, v44;
	v1 =	vor.u32 v1, v41;
	[tilespmem:v6+s21+$0x0] =	vst.idx.msk $0xffff, v8;
	v6 =	vand.u32 $0x3B8, v62  }
0xc7: {  	v4 =	vld.idx.msk [tilespmem:v4+s13+$0x0], $0xffff;
	v6 =	vor.u32 v6, v54;
	[tilespmem:v5+s21+$0x0] =	vst.idx.msk $0xffff, v7;
	v5 =	vor.u32 v24, v53  }
0xc8: {  	v7 =	vld.idx.msk [tilespmem:v11+s13+$0x0], $0xffff;
	[tilespmem:v3+s21+$0x0] =	vst.idx.msk $0xffff, v10;
	v3 =	vor.u32 v24, v55;
	v5 =	vand.u32 $0x3B8, v5  }
0xc9: {  	v8 =	vld.idx.msk [tilespmem:v12+s13+$0x0], $0xffff;
	v3 =	vand.u32 $0x3B8, v3;
	v5 =	vor.u32 v5, v57  }
0xca: {  	[tilespmem:v2+s21+$0x0] =	vst.idx.msk $0xffff, v61;
	v10 =	vld.idx.msk [tilespmem:v13+s13+$0x0], $0xffff;
	v3 =	vor.u32 v3, v50  }
0xcb: {  	v15 =	vor.u32 v26, v40;
	v2 =	vand.u32 $0x3C8, v49;
	v48 =	vld.idx.msk [tilespmem:v48+s13+$0x0], $0xffff;
	v12 =	vor.u32 v25, v59  }
0xcc: {  	v2 =	vor.u32 v2, v39;
	v13 =	vor.u32 v25, v58;
	[tilespmem:v1+s21+$0x0] =	vst.idx.msk $0xffff, v4;
	v1 =	vand.u32 $0x3C8, v15  }
0xcd: {  	v1 =	vor.u32 v1, v41;
	[tilespmem:v6+s21+$0x0] =	vst.idx.msk $0xffff, v7;
	v7 =	vld.idx.msk [tilespmem:v63+s13+$0x0], $0xffff  }
0xce: {  	v4 =	vor.u32 v27, v44;
	[tilespmem:v5+s21+$0x0] =	vst.idx.msk $0xffff, v8;
	v5 =	vor.u32 v26, v53  }
0xcf: {  	v60 =	vor.u32 v25, v45;
	[tilespmem:v3+s21+$0x0] =	vst.idx.msk $0xffff, v10;
	v3 =	vor.u32 v26, v55;
	v5 =	vand.u32 $0x3C8, v5  }
0xd0: {  	v61 =	vor.u32 v26, v56;
	v62 =	vld.idx.msk [tilespmem:v12+s13+$0x0], $0xffff;
	v3 =	vand.u32 $0x3C8, v3;
	v5 =	vor.u32 v5, v57  }
0xd1: {  	v15 =	vor.u32 v28, v40;
	[tilespmem:v2+s21+$0x0] =	vst.idx.msk $0xffff, v48;
	v10 =	vld.idx.msk [tilespmem:v13+s13+$0x0], $0xffff;
	v3 =	vor.u32 v3, v50  }
0xd2: {  	v2 =	vand.u32 $0x3D8, v47;
	v12 =	vor.u32 v27, v59;
	[tilespmem:v1+s21+$0x0] =	vst.idx.msk $0xffff, v7;
	v1 =	vand.u32 $0x3D8, v15  }
0xd3: {  	v6 =	vand.u32 $0x3C8, v61;
	v13 =	vor.u32 v27, v58;
	v4 =	vld.idx.msk [tilespmem:v4+s13+$0x0], $0xffff;
	v1 =	vor.u32 v1, v41  }
0xd4: {  	v63 =	vor.u32 v27, v45;
	v46 =	vld.idx.msk [tilespmem:v46+s13+$0x0], $0xffff;
	v2 =	vor.u32 v2, v39;
	v7 =	vor.u32 v29, v44  }
0xd5: {  	v6 =	vor.u32 v6, v54;
	[tilespmem:v5+s21+$0x0] =	vst.idx.msk $0xffff, v62;
	v5 =	vor.u32 v28, v53  }
0xd6: {  	v8 =	vld.idx.msk [tilespmem:v60+s13+$0x0], $0xffff;
	[tilespmem:v3+s21+$0x0] =	vst.idx.msk $0xffff, v10;
	v3 =	vor.u32 v28, v55;
	v5 =	vand.u32 $0x3D8, v5  }
0xd7: {  	v15 =	vor.u32 v30, v40;
	v9 =	vld.idx.msk [tilespmem:v12+s13+$0x0], $0xffff;
	v3 =	vand.u32 $0x3D8, v3;
	v5 =	vor.u32 v5, v57  }
0xd8: {  	v10 =	vld.idx.msk [tilespmem:v13+s13+$0x0], $0xffff;
	[tilespmem:v1+s21+$0x0] =	vst.idx.msk $0xffff, v4;
	v1 =	vand.u32 $0x3E8, v15;
	v3 =	vor.u32 v3, v50  }
0xd9: {  	[tilespmem:v2+s21+$0x0] =	vst.idx.msk $0xffff, v46;
	v12 =	vor.u32 v29, v59;
	v7 =	vld.idx.msk [tilespmem:v7+s13+$0x0], $0xffff;
	v1 =	vor.u32 v1, v41  }
0xda: {  	v51 =	vor.u32 v29, v45;
	v49 =	vor.u32 v28, v56;
	v52 =	vld.idx.msk [tilespmem:v43+s13+$0x0], $0xffff;
	v4 =	vor.u32 v31, v44  }
0xdb: {  	v43 =	vor.u32 v32, v40;
	[tilespmem:v6+s21+$0x0] =	vst.idx.msk $0xffff, v8;
	v6 =	vand.u32 $0x3D8, v49;
	v13 =	vor.u32 v29, v58  }
0xdc: {  	v8 =	vld.idx.msk [tilespmem:v63+s13+$0x0], $0xffff;
	v6 =	vor.u32 v6, v54;
	[tilespmem:v5+s21+$0x0] =	vst.idx.msk $0xffff, v9;
	v5 =	vor.u32 v30, v53  }
0xdd: {  	v15 =	vld.idx.msk [tilespmem:v34+s13+$0x0], $0xffff;
	[tilespmem:v3+s21+$0x0] =	vst.idx.msk $0xffff, v10;
	v3 =	vor.u32 v30, v55;
	v5 =	vand.u32 $0x3E8, v5  }
0xde: {  	v9 =	vld.idx.msk [tilespmem:v12+s13+$0x0], $0xffff;
	[tilespmem:v1+s21+$0x0] =	vst.idx.msk $0xffff, v7;
	v1 =	vand.u32 $0x3F8, v43;
	v5 =	vor.u32 v5, v57  }
0xdf: {  	v3 =	vand.u32 $0x3E8, v3;
	v4 =	vld.idx.msk [tilespmem:v4+s13+$0x0], $0xffff;
	v1 =	vor.u32 v1, v41  }
0xe0: {  	v62 =	vld.idx.msk [tilespmem:v13+s13+$0x0], $0xffff;
	v13 =	vor.u32 v31, v59;
	v3 =	vor.u32 v3, v50  }
0xe1: {  	[tilespmem:v6+s21+$0x0] =	vst.idx.msk $0xffff, v8  }
0xe2: {  	v60 =	vor.u32 v30, v56;
	v63 =	vor.u32 v31, v58;
	[tilespmem:v33+s21+$0x0] =	vst.idx.msk $0xffff, v15  }
0xe3: {  	v6 =	vand.u32 $0x3E8, v60;
	v8 =	vld.idx.msk [tilespmem:v51+s13+$0x0], $0xffff;
	[tilespmem:v5+s21+$0x0] =	vst.idx.msk $0xffff, v9  }
0xe4: {  	v6 =	vor.u32 v6, v54;
	v15 =	vld [tilespmem:$0x1FF00];
	v12 =	vor.u32 v31, v45;
	v45 =	vadd.s32 s10, v0;
	[tilespmem:v1+s21+$0x0] =	vst.idx.msk $0xffff, v4  }
0xe5: {  	v2 =	vand.u32 $0x3E8, v42;
	v1 =	vshll.u32 v45, $0x7;
	[tilespmem:v3+s21+$0x0] =	vst.idx.msk $0xffff, v62;
	v3 =	vor.u32 v32, v55;
	v46 =	vld.idx.msk [tilespmem:v13+s13+$0x0], $0xffff  }
0xe6: {  	v2 =	vor.u32 v2, v39;
	v4 =	vand.u32 $0x1C00, v1;
	v1 =	vld [tilespmem:$0x1FF10];
	v3 =	vand.u32 $0x3F8, v3  }
0xe7: {  	v13 =	vld.idx.msk [tilespmem:v63+s13+$0x0], $0xffff;
	v3 =	vor.u32 v3, v50;
	_ =	sdelay $0x1  }
0xe8: {  	[tilespmem:v6+s21+$0x0] =	vst.idx.msk $0xffff, v8  }
0xe9: {  	v8 =	vld.idx.msk [tilespmem:v12+s13+$0x0], $0xffff;
	v12 =	vand.u32 $0x38, v45;
	v5 =	vor.u32 v32, v53  }
0xea: {  	[tilespmem:v2+s21+$0x0] =	vst.idx.msk $0xffff, v52;
	v2 =	vld.idx.msk [tilespmem:v36+s13+$0x0], $0xffff;
	v15 =	vor.u32 v15, v12;
	v5 =	vand.u32 $0x3F8, v5  }
0xeb: {  	v5 =	vor.u32 v5, v57;
	[tilespmem:v3+s21+$0x0] =	vst.idx.msk $0xffff, v13;
	v3 =	vor.u32 v1, v4;
	v1 =	vld [tilespmem:$0x1FF20];
	_ =	sdelay $0x2  }
0xec: {  	v44 =	vor.u32 v32, v56  }
0xed: {  	[tilespmem:v35+s21+$0x0] =	vst.idx.msk $0xffff, v2;
	v6 =	vand.u32 $0x3F8, v44;
	v2 =	vld.idx.msk [tilespmem:v15+s13+$0x0], $0xffff  }
0xee: {  	v6 =	vor.u32 v6, v54;
	[tilespmem:v5+s21+$0x0] =	vst.idx.msk $0xffff, v46;
	v5 =	vor.u32 v1, v12  }
0xef: {  	v61 =	vand.u32 $0x3F8, v38  }
0xf0: {  	v10 =	vor.u32 v61, v39;
	v7 =	vld.idx.msk [tilespmem:v37+s13+$0x0], $0xffff;
	_ =	sdelay $0x1  }
0xf1: {  	s17 =	sadd.s32 $0x7, s10;
	v48 =	vld [tilespmem:$0x1FF40];
	[tilespmem:v3+s21+$0x0] =	vst.idx.msk $0xffff, v2  }
0xf2: {  	[tilespmem:v6+s21+$0x0] =	vst.idx.msk $0xffff, v8;
	v6 =	vadd.s32 s17, v0;
	v3 =	vld.idx.msk [tilespmem:v5+s13+$0x0], $0xffff  }
0xf3: {  	s15 =	sadd.s32 $0x6, s10;
	v8 =	vand.u32 $0x3F, v6;
	v5 =	vshll.u32 v6, $0x7;
	v6 =	vld [tilespmem:$0x1FF30]  }
0xf4: {  	[tilespmem:v10+s21+$0x0] =	vst.idx.msk $0xffff, v7;
	v7 =	vadd.s32 s15, v0  }
0xf5: {  	v47 =	vor.u32 v14, v8;
	v1 =	vand.u32 $0x3F, v7  }
0xf6: {  	v2 =	vor.u32 v14, v1;
	_ =	sdelay $0x1  }
0xf7: {  	v54 =	vld [tilespmem:$0x1FF60];
	v10 =	vor.u32 v48, v12;
	v7 =	vshll.u32 v7, $0x7;
	v6 =	vor.u32 v6, v4  }
0xf8: {  	v53 =	vld [tilespmem:$0x1FF50];
	v15 =	vor.u32 v0, v7;
	v49 =	vor.u32 v0, v5;
	v13 =	vand.u32 $0x1C00, v5  }
0xf9: {  	v9 =	vld.idx.msk [tilespmem:v47+s13+$0x0], $0xffff;
	v50 =	vand.u32 $0x1C00, v7;
	v11 =	vand.u32 $0x388, v49;
	v13 =	vor.u32 v18, v13  }
0xfa: {  	v15 =	vand.u32 $0x388, v15;
	v51 =	vld.idx.msk [tilespmem:v2+s13+$0x0], $0xffff;
	v2 =	vor.u32 v18, v50;
	v11 =	vor.u32 v11, v13  }
0xfb: {  	v52 =	vor.u32 v19, v8;
	v15 =	vor.u32 v15, v2  }
0xfc: {  	v58 =	vld [tilespmem:$0x1FF70];
	[tilespmem:v6+s21+$0x0] =	vst.idx.msk $0xffff, v3;
	v3 =	vor.u32 v19, v1  }
0xfd: {  	v43 =	vld [tilespmem:$0x1FFC0]  }
0xfe: {  	v55 =	vor.u32 v20, v5;
	v6 =	vld.idx.msk [tilespmem:v10+s13+$0x0], $0xffff;
	v10 =	vor.u32 v53, v4  }
0xff: {  	v59 =	vld [tilespmem:$0x1FF80];
	v35 =	vor.u32 v54, v12;
	v56 =	vor.u32 v20, v7;
	[tilespmem:v11+s21+$0x0] =	vst.idx.msk $0xffff, v9;
	v9 =	vand.u32 $0x398, v55  }
0x100: {  	[tilespmem:v15+s21+$0x0] =	vst.idx.msk $0xffff, v51;
	v11 =	vand.u32 $0x398, v56;
	v15 =	vld.idx.msk [tilespmem:v52+s13+$0x0], $0xffff;
	v9 =	vor.u32 v9, v13  }
0x101: {  	v11 =	vor.u32 v11, v2;
	v3 =	vld.idx.msk [tilespmem:v3+s13+$0x0], $0xffff  }
0x102: {  	v44 =	vld [tilespmem:$0x1FFE0];
	v57 =	vor.u32 v21, v8  }
0x103: {  	[tilespmem:v10+s21+$0x0] =	vst.idx.msk $0xffff, v6;
	v6 =	vor.u32 v21, v1  }
0x104: {  	v37 =	vor.u32 v43, v12  }
0x105: {  	v34 =	vor.u32 v58, v4;
	v60 =	vor.u32 v22, v5;
	[tilespmem:v9+s21+$0x0] =	vst.idx.msk $0xffff, v15;
	v10 =	vld.idx.msk [tilespmem:v35+s13+$0x0], $0xffff  }
0x106: {  	v42 =	vld [tilespmem:$0x1FF90];
	v9 =	vand.u32 $0x3A8, v60;
	v35 =	vor.u32 v59, v12;
	[tilespmem:v11+s21+$0x0] =	vst.idx.msk $0xffff, v3;
	v3 =	vor.u32 v22, v7  }
0x107: {  	v39 =	vor.u32 v44, v12;
	v61 =	vld.idx.msk [tilespmem:v57+s13+$0x0], $0xffff;
	v9 =	vor.u32 v9, v13;
	v3 =	vand.u32 $0x3A8, v3  }
0x108: {  	v40 =	vor.u32 v27, v8;
	v15 =	vor.u32 v23, v8;
	v6 =	vld.idx.msk [tilespmem:v6+s13+$0x0], $0xffff;
	v3 =	vor.u32 v3, v2  }
0x109: {  	v62 =	vor.u32 v23, v1;
	v48 =	vor.u32 v25, v1;
	v36 =	vor.u32 v31, v1  }
0x10a: {  	v46 =	vld [tilespmem:$0x1FFF0];
	v45 =	vor.u32 v24, v5;
	v50 =	vor.u32 v32, v5;
	[tilespmem:v34+s21+$0x0] =	vst.idx.msk $0xffff, v10  }
0x10b: {  	v49 =	vor.u32 v30, v5;
	v51 =	vor.u32 v28, v5;
	v34 =	vor.u32 v42, v4;
	v63 =	vld.idx.msk [tilespmem:v35+s13+$0x0], $0xffff  }
0x10c: {  	v47 =	vld [tilespmem:$0x1FFD0];
	v5 =	vor.u32 v26, v5;
	v12 =	vor.u32 v17, v12;
	[tilespmem:v9+s21+$0x0] =	vst.idx.msk $0xffff, v61;
	v9 =	vand.u32 $0x3B8, v45  }
0x10d: {  	v9 =	vor.u32 v9, v13;
	[tilespmem:v3+s21+$0x0] =	vst.idx.msk $0xffff, v6;
	v3 =	vor.u32 v24, v7;
	v6 =	vld.idx.msk [tilespmem:v15+s13+$0x0], $0xffff  }
0x10e: {  	v5 =	vand.u32 $0x3C8, v5;
	v15 =	vor.u32 v25, v8;
	v3 =	vand.u32 $0x3B8, v3  }
0x10f: {  	v52 =	vand.u32 $0x3F8, v50;
	v5 =	vor.u32 v5, v13;
	v10 =	vld.idx.msk [tilespmem:v62+s13+$0x0], $0xffff;
	v3 =	vor.u32 v3, v2  }
0x110: {  	v33 =	vor.u32 v52, v13;
	v53 =	vor.u32 v46, v4;
	[tilespmem:v34+s21+$0x0] =	vst.idx.msk $0xffff, v63  }
0x111: {  	v57 =	vor.u32 v29, v1;
	v11 =	vor.u32 v47, v4;
	v4 =	vor.u32 v16, v4;
	v12 =	vld.idx.msk [tilespmem:v12+s13+$0x0], $0xffff  }
0x112: {  	v34 =	vor.u32 v31, v8;
	v8 =	vor.u32 v29, v8;
	[tilespmem:v9+s21+$0x0] =	vst.idx.msk $0xffff, v6;
	v6 =	vand.u32 $0x3E8, v49  }
0x113: {  	v54 =	vld.idx.msk [tilespmem:v15+s13+$0x0], $0xffff;
	v15 =	vand.u32 $0x3D8, v51;
	v62 =	vor.u32 v6, v13;
	v6 =	vor.u32 v30, v7  }
0x114: {  	[tilespmem:v3+s21+$0x0] =	vst.idx.msk $0xffff, v10;
	v3 =	vor.u32 v26, v7;
	v9 =	vor.u32 v15, v13  }
0x115: {  	v13 =	vor.u32 v32, v7;
	v15 =	vor.u32 v27, v1;
	v7 =	vor.u32 v28, v7  }
0x116: {  	s3 =	sadd.s32 $0x5, s10;
	[tilespmem:v4+s21+$0x0] =	vst.idx.msk $0xffff, v12;
	v4 =	vand.u32 $0x3E8, v6;
	v3 =	vand.u32 $0x3C8, v3;
	v1 =	vand.u32 $0x3D8, v7  }
0x117: {  	v6 =	vand.u32 $0x3F8, v13;
	v7 =	vadd.s32 s3, v0;
	v50 =	vor.u32 v4, v2  }
0x118: {  	v55 =	vld.idx.msk [tilespmem:v48+s13+$0x0], $0xffff;
	v3 =	vor.u32 v3, v2;
	v35 =	vor.u32 v6, v2;
	v6 =	vand.u32 $0x3F, v7  }
0x119: {  	v4 =	vld.idx.msk [tilespmem:v37+s13+$0x0], $0xffff;
	v10 =	vor.u32 v1, v2;
	v37 =	vor.u32 v31, v6;
	v46 =	vor.u32 v27, v6  }
0x11a: {  	v43 =	vor.u32 v29, v6;
	v48 =	vor.u32 v25, v6;
	v60 =	vor.u32 v21, v6  }
0x11b: {  	v52 =	vor.u32 v23, v6;
	v63 =	vor.u32 v19, v6;
	[tilespmem:v5+s21+$0x0] =	vst.idx.msk $0xffff, v54;
	v5 =	vshll.u32 v7, $0x7  }
0x11c: {  	v54 =	vor.u32 v14, v6;
	v42 =	vor.u32 v30, v5;
	v38 =	vor.u32 v32, v5  }
0x11d: {  	v47 =	vor.u32 v28, v5;
	v7 =	vld.idx.msk [tilespmem:v40+s13+$0x0], $0xffff;
	v51 =	vor.u32 v24, v5;
	[tilespmem:v3+s21+$0x0] =	vst.idx.msk $0xffff, v55  }
0x11e: {  	s6 =	sadd.s32 $0x4, s10;
	v49 =	vor.u32 v26, v5;
	v61 =	vor.u32 v22, v5;
	v1 =	vor.u32 v0, v5;
	v12 =	vld.idx.msk [tilespmem:v15+s13+$0x0], $0xffff  }
0x11f: {  	p0 =	slt.u32 s10, $0x38;
	v2 =	vor.u32 v20, v5;
	[tilespmem:v11+s21+$0x0] =	vst.idx.msk $0xffff, v4;
	v4 =	vand.u32 $0x1C00, v5;
	v3 =	vadd.s32 s6, v0  }
.Ltmp0:
0x120: {  	v5 =	vand.u32 $0x388, v1;
	v56 =	vld.idx.msk [tilespmem:v39+s13+$0x0], $0xffff;
	v39 =	vor.u32 v18, v4;
	v44 =	vand.u32 $0x3F, v3;
	(pc) =	sbr.rel @p0 .LBB2_3-.Ltmp0, $4  }
0x121: {  	v40 =	vshll.u32 v3, $0x7;
	v3 =	vor.u32 v5, v39;
	v1 =	vor.u32 v19, v44  }
0x122: {  	s15 =	sadd.s32 $0x3, s10;
	v55 =	vor.u32 v14, v44;
	v4 =	vor.u32 v0, v40;
	v6 =	vand.u32 $0x1C00, v40;
	[tilespmem:v9+s21+$0x0] =	vst.idx.msk $0xffff, v7  }
0x123: {  	s17 =	sadd.s32 $0x2, s10;
	v7 =	vadd.s32 s15, v0;
	v4 =	vand.u32 $0x388, v4;
	v41 =	vor.u32 v18, v6;
	v5 =	vld.idx.msk [tilespmem:v8+s13+$0x0], $0xffff;
	[tilespmem:v10+s21+$0x0] =	vst.idx.msk $0xffff, v12  }
0x124: {  	s12 =	sadd.s32 $0x1, s10;
	s10 =	sadd.s32 $0x8, s10;
	v6 =	vadd.s32 s17, v0;
	v45 =	vand.u32 $0x3F, v7;
	v4 =	vor.u32 v4, v41;
	v57 =	vld.idx.msk [tilespmem:v57+s13+$0x0], $0xffff  }
0x125: {  	_ =	sdelay $0x1  }
0x126: {  	v8 =	vadd.s32 s12, v0  }
0x127: {  	v17 =	vand.u32 $0x3F, v6;
	v9 =	vor.u32 v14, v45;
	v58 =	vshll.u32 v7, $0x7  }
0x128: {  	[tilespmem:v53+s21+$0x0] =	vst.idx.msk $0xffff, v56;
	v53 =	vshll.u32 v6, $0x7;
	v2 =	vand.u32 $0x398, v2;
	v59 =	vand.u32 $0x3F, v8  }
0x129: {  	v13 =	vld.idx.msk [tilespmem:v54+s13+$0x0], $0xffff;
	v10 =	vor.u32 v14, v17;
	v11 =	vor.u32 v0, v58;
	v12 =	vand.u32 $0x1C00, v58  }
0x12a: {  	v56 =	vshll.u32 v8, $0x7;
	v8 =	vand.u32 $0x1C00, v53;
	v2 =	vor.u32 v2, v39  }
0x12b: {  	v15 =	vld.idx.msk [tilespmem:v55+s13+$0x0], $0xffff;
	v7 =	vor.u32 v14, v59;
	v6 =	vand.u32 $0x388, v11;
	v16 =	vor.u32 v18, v12  }
0x12c: {  	v11 =	vor.u32 v0, v53;
	v12 =	vor.u32 v19, v45;
	v6 =	vor.u32 v6, v16  }
0x12d: {  	v54 =	vand.u32 $0x1C00, v56;
	[tilespmem:v62+s21+$0x0] =	vst.idx.msk $0xffff, v5;
	v5 =	vand.u32 $0x388, v11;
	v62 =	vor.u32 v18, v8;
	v9 =	vld.idx.msk [tilespmem:v9+s13+$0x0], $0xffff  }
0x12e: {  	v11 =	vor.u32 v0, v56;
	v5 =	vor.u32 v5, v62;
	[tilespmem:v3+s21+$0x0] =	vst.idx.msk $0xffff, v13;
	v10 =	vld.idx.msk [tilespmem:v10+s13+$0x0], $0xffff  }
0x12f: {  	v54 =	vor.u32 v18, v54;
	v8 =	vand.u32 $0x388, v11;
	v3 =	vor.u32 v19, v17;
	v13 =	vld.idx.msk [tilespmem:v63+s13+$0x0], $0xffff  }
0x130: {  	v8 =	vor.u32 v8, v54;
	[tilespmem:v4+s21+$0x0] =	vst.idx.msk $0xffff, v15;
	v4 =	vor.u32 v20, v40;
	v7 =	vld.idx.msk [tilespmem:v7+s13+$0x0], $0xffff  }
0x131: {  	v11 =	vor.u32 v19, v59;
	v15 =	vor.u32 v20, v58;
	v4 =	vand.u32 $0x398, v4  }
0x132: {  	v55 =	vand.u32 $0x398, v15;
	v1 =	vld.idx.msk [tilespmem:v1+s13+$0x0], $0xffff;
	v4 =	vor.u32 v4, v41;
	[tilespmem:v6+s21+$0x0] =	vst.idx.msk $0xffff, v9  }
0x133: {  	v6 =	vor.u32 v21, v44;
	v9 =	vor.u32 v55, v16;
	[tilespmem:v5+s21+$0x0] =	vst.idx.msk $0xffff, v10;
	v10 =	vld.idx.msk [tilespmem:v12+s13+$0x0], $0xffff  }
0x134: {  	v5 =	vor.u32 v20, v53;
	[tilespmem:v2+s21+$0x0] =	vst.idx.msk $0xffff, v13;
	v2 =	vand.u32 $0x3A8, v61;
	v3 =	vld.idx.msk [tilespmem:v3+s13+$0x0], $0xffff  }
0x135: {  	[tilespmem:v8+s21+$0x0] =	vst.idx.msk $0xffff, v7;
	v5 =	vand.u32 $0x398, v5;
	v55 =	vld.idx.msk [tilespmem:v60+s13+$0x0], $0xffff;
	v2 =	vor.u32 v2, v39  }
0x136: {  	v7 =	vor.u32 v20, v56;
	v8 =	vld.idx.msk [tilespmem:v11+s13+$0x0], $0xffff;
	v5 =	vor.u32 v5, v62;
	v11 =	vor.u32 v21, v45  }
0x137: {  	v15 =	vor.u32 v22, v40;
	v7 =	vand.u32 $0x398, v7  }
0x138: {  	v12 =	vor.u32 v21, v17;
	[tilespmem:v4+s21+$0x0] =	vst.idx.msk $0xffff, v1;
	v7 =	vor.u32 v7, v54  }
0x139: {  	v13 =	vor.u32 v21, v59;
	v60 =	vor.u32 v22, v58;
	[tilespmem:v9+s21+$0x0] =	vst.idx.msk $0xffff, v10  }
0x13a: {  	v1 =	vand.u32 $0x3A8, v15;
	v4 =	vor.u32 v23, v44;
	v6 =	vld.idx.msk [tilespmem:v6+s13+$0x0], $0xffff;
	[tilespmem:v2+s21+$0x0] =	vst.idx.msk $0xffff, v55  }
0x13b: {  	v63 =	vand.u32 $0x3A8, v60;
	v1 =	vor.u32 v1, v41;
	[tilespmem:v5+s21+$0x0] =	vst.idx.msk $0xffff, v3;
	v5 =	vld.idx.msk [tilespmem:v11+s13+$0x0], $0xffff  }
0x13c: {  	v9 =	vor.u32 v63, v16;
	v2 =	vand.u32 $0x3B8, v51;
	v3 =	vor.u32 v22, v53;
	v51 =	vld.idx.msk [tilespmem:v52+s13+$0x0], $0xffff  }
0x13d: {  	v2 =	vor.u32 v2, v39;
	[tilespmem:v7+s21+$0x0] =	vst.idx.msk $0xffff, v8;
	v7 =	vor.u32 v22, v56;
	v3 =	vand.u32 $0x3A8, v3  }
0x13e: {  	v61 =	vor.u32 v23, v45;
	v8 =	vld.idx.msk [tilespmem:v12+s13+$0x0], $0xffff;
	v7 =	vand.u32 $0x3A8, v7;
	v3 =	vor.u32 v3, v62  }
0x13f: {  	v15 =	vor.u32 v24, v40;
	v63 =	vor.u32 v24, v58;
	v60 =	vld.idx.msk [tilespmem:v13+s13+$0x0], $0xffff;
	v7 =	vor.u32 v7, v54  }
0x140: {  	v12 =	vor.u32 v23, v17;
	v13 =	vor.u32 v23, v59;
	[tilespmem:v1+s21+$0x0] =	vst.idx.msk $0xffff, v6  }
0x141: {  	v1 =	vand.u32 $0x3B8, v15;
	v6 =	vor.u32 v25, v44;
	v4 =	vld.idx.msk [tilespmem:v4+s13+$0x0], $0xffff;
	[tilespmem:v9+s21+$0x0] =	vst.idx.msk $0xffff, v5;
	v5 =	vand.u32 $0x3B8, v63  }
0x142: {  	v1 =	vor.u32 v1, v41;
	[tilespmem:v2+s21+$0x0] =	vst.idx.msk $0xffff, v51;
	v2 =	vand.u32 $0x3C8, v49;
	v5 =	vor.u32 v5, v16  }
0x143: {  	v48 =	vld.idx.msk [tilespmem:v48+s13+$0x0], $0xffff;
	v2 =	vor.u32 v2, v39;
	[tilespmem:v3+s21+$0x0] =	vst.idx.msk $0xffff, v8;
	v3 =	vor.u32 v24, v53  }
0x144: {  	v8 =	vld.idx.msk [tilespmem:v61+s13+$0x0], $0xffff;
	[tilespmem:v7+s21+$0x0] =	vst.idx.msk $0xffff, v60;
	v7 =	vor.u32 v24, v56;
	v3 =	vand.u32 $0x3B8, v3  }
0x145: {  	v61 =	vor.u32 v25, v45;
	v60 =	vld.idx.msk [tilespmem:v12+s13+$0x0], $0xffff;
	v7 =	vand.u32 $0x3B8, v7;
	v3 =	vor.u32 v3, v62  }
0x146: {  	v15 =	vor.u32 v26, v40;
	v10 =	vld.idx.msk [tilespmem:v13+s13+$0x0], $0xffff;
	v7 =	vor.u32 v7, v54  }
0x147: {  	v63 =	vor.u32 v26, v58;
	v12 =	vor.u32 v25, v17;
	[tilespmem:v1+s21+$0x0] =	vst.idx.msk $0xffff, v4;
	v1 =	vand.u32 $0x3C8, v15  }
0x148: {  	v4 =	vor.u32 v27, v44;
	v13 =	vor.u32 v25, v59;
	v6 =	vld.idx.msk [tilespmem:v6+s13+$0x0], $0xffff;
	[tilespmem:v2+s21+$0x0] =	vst.idx.msk $0xffff, v48  }
0x149: {  	v1 =	vor.u32 v1, v41;
	v2 =	vand.u32 $0x3D8, v47;
	[tilespmem:v5+s21+$0x0] =	vst.idx.msk $0xffff, v8;
	v5 =	vand.u32 $0x3C8, v63;
	v46 =	vld.idx.msk [tilespmem:v46+s13+$0x0], $0xffff  }
0x14a: {  	v2 =	vor.u32 v2, v39;
	v8 =	vld.idx.msk [tilespmem:v61+s13+$0x0], $0xffff;
	[tilespmem:v3+s21+$0x0] =	vst.idx.msk $0xffff, v60;
	v3 =	vor.u32 v26, v53  }
0x14b: {  	v5 =	vor.u32 v5, v16;
	[tilespmem:v7+s21+$0x0] =	vst.idx.msk $0xffff, v10;
	v7 =	vor.u32 v26, v56;
	v3 =	vand.u32 $0x3C8, v3  }
0x14c: {  	v52 =	vor.u32 v27, v45;
	v9 =	vld.idx.msk [tilespmem:v12+s13+$0x0], $0xffff;
	v7 =	vand.u32 $0x3C8, v7;
	v3 =	vor.u32 v3, v62  }
0x14d: {  	v15 =	vor.u32 v28, v40;
	v10 =	vld.idx.msk [tilespmem:v13+s13+$0x0], $0xffff;
	v7 =	vor.u32 v7, v54  }
0x14e: {  	v55 =	vor.u32 v28, v58;
	[tilespmem:v1+s21+$0x0] =	vst.idx.msk $0xffff, v6;
	v1 =	vand.u32 $0x3D8, v15;
	v12 =	vor.u32 v27, v17  }
0x14f: {  	v6 =	vor.u32 v29, v44;
	v4 =	vld.idx.msk [tilespmem:v4+s13+$0x0], $0xffff;
	v13 =	vor.u32 v27, v59;
	[tilespmem:v2+s21+$0x0] =	vst.idx.msk $0xffff, v46  }
0x150: {  	v1 =	vor.u32 v1, v41;
	v2 =	vand.u32 $0x3E8, v42;
	[tilespmem:v5+s21+$0x0] =	vst.idx.msk $0xffff, v8;
	v5 =	vand.u32 $0x3D8, v55;
	v61 =	vld.idx.msk [tilespmem:v43+s13+$0x0], $0xffff  }
0x151: {  	v2 =	vor.u32 v2, v39;
	v8 =	vld.idx.msk [tilespmem:v52+s13+$0x0], $0xffff;
	[tilespmem:v3+s21+$0x0] =	vst.idx.msk $0xffff, v9;
	v3 =	vor.u32 v28, v53  }
0x152: {  	v5 =	vor.u32 v5, v16;
	[tilespmem:v7+s21+$0x0] =	vst.idx.msk $0xffff, v10;
	v7 =	vor.u32 v28, v56;
	v3 =	vand.u32 $0x3D8, v3  }
0x153: {  	v60 =	vor.u32 v29, v45;
	v9 =	vld.idx.msk [tilespmem:v12+s13+$0x0], $0xffff;
	v7 =	vand.u32 $0x3D8, v7;
	v3 =	vor.u32 v3, v62  }
0x154: {  	[tilespmem:v50+s21+$0x0] =	vst.idx.msk $0xffff, v57;
	v63 =	vor.u32 v30, v58;
	v10 =	vld.idx.msk [tilespmem:v13+s13+$0x0], $0xffff;
	v7 =	vor.u32 v7, v54  }
0x155: {  	v15 =	vor.u32 v30, v40;
	[tilespmem:v1+s21+$0x0] =	vst.idx.msk $0xffff, v4;
	v12 =	vor.u32 v29, v17  }
0x156: {  	v1 =	vand.u32 $0x3E8, v15;
	v6 =	vld.idx.msk [tilespmem:v6+s13+$0x0], $0xffff;
	v13 =	vor.u32 v29, v59;
	[tilespmem:v2+s21+$0x0] =	vst.idx.msk $0xffff, v61  }
0x157: {  	v4 =	vor.u32 v31, v44;
	v1 =	vor.u32 v1, v41;
	v2 =	vld.idx.msk [tilespmem:v36+s13+$0x0], $0xffff;
	[tilespmem:v5+s21+$0x0] =	vst.idx.msk $0xffff, v8  }
0x158: {  	v5 =	vand.u32 $0x3E8, v63;
	v8 =	vld.idx.msk [tilespmem:v60+s13+$0x0], $0xffff;
	[tilespmem:v3+s21+$0x0] =	vst.idx.msk $0xffff, v9;
	v3 =	vor.u32 v30, v53  }
0x159: {  	v5 =	vor.u32 v5, v16;
	[tilespmem:v7+s21+$0x0] =	vst.idx.msk $0xffff, v10;
	v7 =	vor.u32 v30, v56;
	v3 =	vand.u32 $0x3E8, v3  }
0x15a: {  	v43 =	vor.u32 v31, v45;
	v9 =	vld.idx.msk [tilespmem:v12+s13+$0x0], $0xffff;
	v7 =	vand.u32 $0x3E8, v7;
	v3 =	vor.u32 v3, v62  }
0x15b: {  	v10 =	vld.idx.msk [tilespmem:v13+s13+$0x0], $0xffff;
	v7 =	vor.u32 v7, v54  }
0x15c: {  	v46 =	vor.u32 v32, v58;
	v15 =	vor.u32 v31, v17;
	[tilespmem:v1+s21+$0x0] =	vst.idx.msk $0xffff, v6;
	v1 =	vld.idx.msk [tilespmem:v37+s13+$0x0], $0xffff  }
0x15d: {  	v45 =	vor.u32 v32, v40;
	v44 =	vor.u32 v31, v59;
	v12 =	vand.u32 $0x3F8, v38;
	v13 =	vld.idx.msk [tilespmem:v34+s13+$0x0], $0xffff  }
0x15e: {  	v4 =	vld.idx.msk [tilespmem:v4+s13+$0x0], $0xffff;
	v6 =	vor.u32 v12, v39;
	v12 =	vand.u32 $0x3F8, v45;
	[tilespmem:v5+s21+$0x0] =	vst.idx.msk $0xffff, v8;
	v5 =	vand.u32 $0x3F8, v46  }
0x15f: {  	v8 =	vor.u32 v12, v41;
	v47 =	vld.idx.msk [tilespmem:v43+s13+$0x0], $0xffff;
	[tilespmem:v3+s21+$0x0] =	vst.idx.msk $0xffff, v9;
	v3 =	vor.u32 v32, v53  }
0x160: {  	v5 =	vor.u32 v5, v16;
	[tilespmem:v7+s21+$0x0] =	vst.idx.msk $0xffff, v10;
	v7 =	vor.u32 v32, v56;
	v3 =	vand.u32 $0x3F8, v3  }
0x161: {  	[tilespmem:v35+s21+$0x0] =	vst.idx.msk $0xffff, v2;
	v48 =	vld.idx.msk [tilespmem:v15+s13+$0x0], $0xffff;
	v7 =	vand.u32 $0x3F8, v7;
	v3 =	vor.u32 v3, v62  }
0x162: {  	[tilespmem:v33+s21+$0x0] =	vst.idx.msk $0xffff, v13;
	v49 =	vld.idx.msk [tilespmem:v44+s13+$0x0], $0xffff;
	v7 =	vor.u32 v7, v54  }
0x163: {  	s10 =	smul.u32 $0x140000, s11;
	[tilespmem:v6+s21+$0x0] =	vst.idx.msk $0xffff, v1  }
0x164: {  	[tilespmem:v8+s21+$0x0] =	vst.idx.msk $0xffff, v4  }
0x165: {  	s3 =	sor.u32 s5, s10;
	[tilespmem:v5+s21+$0x0] =	vst.idx.msk $0xffff, v47  }
0x166: {  	s12 =	sshrl.u32 s3, $0x3;
	[tilespmem:v3+s21+$0x0] =	vst.idx.msk $0xffff, v48  }
0x167: {  	p0 =	seq.s32 s11, $0x27;
	s12 =	sadd.s32 s2, s12;
	[tilespmem:v7+s21+$0x0] =	vst.idx.msk $0xffff, v49  }
0x168: {  	[hbm4b:s12+s22] =	stream.strided.scatter [tilespmem:s21], [sflag:$0x6], $0x2000, s23, s22, $0x38;
	[tilespmem:$0x1A400] =	vst v63  }
0x169: {  	s12 =	smul.u32 @!p0 $0xA00, s11  }
0x16a: {  	p1 =	seq.s32 @!p0 s11, $0x0;
	s17 =	simm.s32 @!p0 $0x80;
	_ =	swait.ge [sflag:s24], $0x2000  }
0x16b: {  	p1 =	por p0, !p1;
	[sflag:s24] =	ssyncset.done $0x0;
	s12 =	sshra.s32 @!p0 s12, $0x2  }
0x16c: {  	s3 =	simm.s32 @!p0 $0x6400;
	[sflag:s24] =	ssyncadd.s32 $0xFFFFE000;
	s15 =	sadd.s32 @!p0 $0x280, s12  }
0x16d: {  	[tilespmem:s3], [sflag:$0x1] =	stream.indirect.gather @!p0 [hbm4b:s4+s17], $0x40, s15, s17, $0xb8;
	[tilespmem:$0x1A400] =	vst v63  }
0x16e: {  	s3 =	simm.s32 @p1 $0x7  }
0x16f: {  	_ =	swait.ge @p1 [sflag:s3], $0x2000  }
0x170: {  	v3 =	vld [tilespmem:$0x1FF00];
	_ =	sdelay $0x1  }
0x171: {  	s6 =	simm.s32 $0x0  }
0x172: {  	v1 =	vadd.s32 s6, v0  }
0x173: {  	v2 =	vand.u32 $0x38, v1  }
0x174: {  	v4 =	vld [tilespmem:$0x1FF10];
	v3 =	vor.u32 v3, v2;
	_ =	sdelay $0x2  }
0x175: {  	v1 =	vshll.u32 v1, $0x7;
	[sflag:s3] =	ssyncset.done @p1 $0x0  }
0x176: {  	v1 =	vand.u32 $0x1C00, v1;
	[sflag:s3] =	ssyncadd.s32 @p1 $0xFFFFE000  }
0x177: {  	v4 =	vor.u32 v4, v1;
	v3 =	vld.idx.msk [tilespmem:v3+s14+$0x0], $0xffff  }
0x178: {  	v5 =	vld [tilespmem:$0x1FF20];
	_ =	sdelay $0x2  }
0x179: {  	s15 =	simm.s32 $0x7  }
0x17a: {  	v6 =	vadd.s32 s15, v0;
	[tilespmem:v4+s25+$0x0] =	vst.idx.msk $0xffff, v3  }
0x17b: {  	v8 =	vand.u32 $0x3F, v6;
	v5 =	vor.u32 v5, v2;
	v4 =	vshll.u32 v6, $0x7;
	v6 =	vld [tilespmem:$0x1FF30];
	_ =	sdelay $0x4  }
0x17c: {  	v5 =	vld.idx.msk [tilespmem:v5+s14+$0x0], $0xffff;
	v6 =	vor.u32 v6, v1  }
0x17d: {  	v61 =	vld [tilespmem:$0x1FF40]  }
0x17e: {  	s17 =	simm.s32 $0x6  }
0x17f: {  	v7 =	vadd.s32 s17, v0  }
0x180: {  	v50 =	vand.u32 $0x3F, v7;
	v60 =	vor.u32 v14, v8  }
0x181: {  	v3 =	vor.u32 v14, v50;
	[tilespmem:v6+s25+$0x0] =	vst.idx.msk $0xffff, v5  }
0x182: {  	v7 =	vshll.u32 v7, $0x7;
	v11 =	vor.u32 v61, v2;
	v6 =	vld [tilespmem:$0x1FF50]  }
0x183: {  	v15 =	vor.u32 v0, v7;
	v12 =	vor.u32 v0, v4;
	v13 =	vand.u32 $0x1C00, v4  }
0x184: {  	v62 =	vand.u32 $0x1C00, v7;
	v12 =	vand.u32 $0x388, v12;
	v13 =	vor.u32 v18, v13  }
0x185: {  	v15 =	vand.u32 $0x388, v15;
	v37 =	vor.u32 v18, v62;
	v10 =	vld.idx.msk [tilespmem:v60+s14+$0x0], $0xffff;
	v12 =	vor.u32 v12, v13  }
0x186: {  	v15 =	vor.u32 v15, v37;
	v3 =	vld.idx.msk [tilespmem:v3+s14+$0x0], $0xffff  }
0x187: {  	v5 =	vld.idx.msk [tilespmem:v11+s14+$0x0], $0xffff;
	v6 =	vor.u32 v6, v1  }
0x188: {  	v16 =	vld [tilespmem:$0x1FF60];
	_ =	sdelay $0x1  }
0x189: {  	[tilespmem:v12+s25+$0x0] =	vst.idx.msk $0xffff, v10  }
0x18a: {  	v63 =	vor.u32 v19, v8;
	[tilespmem:v15+s25+$0x0] =	vst.idx.msk $0xffff, v3  }
0x18b: {  	v36 =	vor.u32 v19, v50;
	[tilespmem:v6+s25+$0x0] =	vst.idx.msk $0xffff, v5  }
0x18c: {  	v39 =	vor.u32 v16, v2;
	v6 =	vld [tilespmem:$0x1FF70]  }
0x18d: {  	v38 =	vor.u32 v20, v4  }
0x18e: {  	v40 =	vor.u32 v20, v7;
	v11 =	vand.u32 $0x398, v38  }
0x18f: {  	v10 =	vand.u32 $0x398, v40;
	v3 =	vld.idx.msk [tilespmem:v63+s14+$0x0], $0xffff;
	v11 =	vor.u32 v11, v13  }
0x190: {  	v12 =	vld.idx.msk [tilespmem:v36+s14+$0x0], $0xffff;
	v10 =	vor.u32 v10, v37  }
0x191: {  	v5 =	vld.idx.msk [tilespmem:v39+s14+$0x0], $0xffff;
	v6 =	vor.u32 v6, v1  }
0x192: {  	v16 =	vld [tilespmem:$0x1FF80];
	_ =	sdelay $0x1  }
0x193: {  	[tilespmem:v11+s25+$0x0] =	vst.idx.msk $0xffff, v3  }
0x194: {  	[tilespmem:v10+s25+$0x0] =	vst.idx.msk $0xffff, v12  }
0x195: {  	v15 =	vor.u32 v21, v8;
	[tilespmem:v6+s25+$0x0] =	vst.idx.msk $0xffff, v5  }
0x196: {  	v43 =	vor.u32 v16, v2;
	v16 =	vld [tilespmem:$0x1FF90]  }
0x197: {  	v41 =	vor.u32 v21, v50;
	_ =	sdelay $0x1  }
0x198: {  	v42 =	vor.u32 v22, v4  }
0x199: {  	v44 =	vand.u32 $0x3A8, v42;
	v3 =	vor.u32 v22, v7;
	v45 =	vld.idx.msk [tilespmem:v15+s14+$0x0], $0xffff  }
0x19a: {  	v11 =	vor.u32 v44, v13;
	v3 =	vand.u32 $0x3A8, v3;
	v46 =	vor.u32 v16, v1;
	v16 =	vld [tilespmem:$0x1FFC0]  }
0x19b: {  	v12 =	vld.idx.msk [tilespmem:v41+s14+$0x0], $0xffff;
	v3 =	vor.u32 v3, v37  }
0x19c: {  	v15 =	vor.u32 v23, v8  }
0x19d: {  	v5 =	vor.u32 v23, v50  }
0x19e: {  	v6 =	vld.idx.msk [tilespmem:v43+s14+$0x0], $0xffff  }
0x19f: {  	v55 =	vor.u32 v24, v4;
	v47 =	vor.u32 v16, v2;
	v16 =	vld [tilespmem:$0x1FFE0];
	[tilespmem:v11+s25+$0x0] =	vst.idx.msk $0xffff, v45  }
0x1a0: {  	v34 =	vor.u32 v31, v8;
	v10 =	vand.u32 $0x3B8, v55;
	v11 =	vld [tilespmem:$0x1FFA0];
	[tilespmem:v3+s25+$0x0] =	vst.idx.msk $0xffff, v12;
	v3 =	vor.u32 v24, v7  }
0x1a1: {  	v59 =	vor.u32 v27, v8;
	v10 =	vor.u32 v10, v13;
	v56 =	vld.idx.msk [tilespmem:v15+s14+$0x0], $0xffff;
	v3 =	vand.u32 $0x3B8, v3  }
0x1a2: {  	v57 =	vor.u32 v30, v4;
	v15 =	vor.u32 v25, v8;
	v5 =	vld.idx.msk [tilespmem:v5+s14+$0x0], $0xffff;
	v3 =	vor.u32 v3, v37  }
0x1a3: {  	v58 =	vor.u32 v32, v4;
	v52 =	vor.u32 v28, v4;
	v4 =	vor.u32 v26, v4;
	v12 =	vld [tilespmem:$0x1FFF0]  }
0x1a4: {  	v40 =	vor.u32 v16, v2;
	v16 =	vld [tilespmem:$0x1FFD0];
	[tilespmem:v46+s25+$0x0] =	vst.idx.msk $0xffff, v6;
	v6 =	vor.u32 v25, v50  }
0x1a5: {  	v9 =	vor.u32 v29, v50;
	v4 =	vand.u32 $0x3C8, v4;
	v2 =	vor.u32 v11, v2;
	v17 =	vld [tilespmem:$0x1FFB0]  }
0x1a6: {  	v54 =	vand.u32 $0x3E8, v57;
	v57 =	vor.u32 v32, v7;
	v4 =	vor.u32 v4, v13;
	[tilespmem:v10+s25+$0x0] =	vst.idx.msk $0xffff, v56  }
0x1a7: {  	v62 =	vor.u32 v54, v13;
	v15 =	vld.idx.msk [tilespmem:v15+s14+$0x0], $0xffff;
	[tilespmem:v3+s25+$0x0] =	vst.idx.msk $0xffff, v5;
	v3 =	vor.u32 v26, v7  }
0x1a8: {  	s6 =	simm.s32 $0x5;
	v36 =	vor.u32 v31, v50;
	v55 =	vand.u32 $0x3F8, v58;
	v3 =	vand.u32 $0x3C8, v3  }
0x1a9: {  	v58 =	vadd.s32 s6, v0;
	v53 =	vor.u32 v12, v1;
	v6 =	vld.idx.msk [tilespmem:v6+s14+$0x0], $0xffff;
	v3 =	vor.u32 v3, v37  }
0x1aa: {  	v5 =	vand.u32 $0x3D8, v52;
	v12 =	vor.u32 v16, v1;
	v1 =	vor.u32 v17, v1;
	v2 =	vld.idx.msk [tilespmem:v2+s14+$0x0], $0xffff  }
0x1ab: {  	v33 =	vor.u32 v55, v13;
	v5 =	vor.u32 v5, v13;
	v13 =	vor.u32 v27, v50  }
0x1ac: {  	v8 =	vor.u32 v29, v8;
	v56 =	vor.u32 v30, v7;
	[tilespmem:v4+s25+$0x0] =	vst.idx.msk $0xffff, v15;
	v4 =	vshll.u32 v58, $0x7  }
0x1ad: {  	v7 =	vor.u32 v28, v7;
	v42 =	vor.u32 v30, v4;
	v38 =	vor.u32 v32, v4  }
0x1ae: {  	v51 =	vor.u32 v24, v4;
	v49 =	vor.u32 v26, v4;
	[tilespmem:v3+s25+$0x0] =	vst.idx.msk $0xffff, v6  }
0x1af: {  	s15 =	simm.s32 $0x4;
	v61 =	vor.u32 v22, v4;
	v3 =	vor.u32 v0, v4;
	[tilespmem:v1+s25+$0x0] =	vst.idx.msk $0xffff, v2;
	v1 =	vand.u32 $0x3D8, v7  }
0x1b0: {  	v2 =	vand.u32 $0x3E8, v56;
	v7 =	vand.u32 $0x3F8, v57;
	v11 =	vld.idx.msk [tilespmem:v13+s14+$0x0], $0xffff;
	v13 =	vadd.s32 s15, v0  }
0x1b1: {  	v3 =	vand.u32 $0x388, v3;
	v50 =	vor.u32 v2, v37;
	v6 =	vor.u32 v1, v37;
	v1 =	vld.idx.msk [tilespmem:v47+s14+$0x0], $0xffff  }
0x1b2: {  	v35 =	vor.u32 v7, v37;
	v7 =	vand.u32 $0x3F, v58;
	v47 =	vor.u32 v28, v4  }
0x1b3: {  	v10 =	vld.idx.msk [tilespmem:v59+s14+$0x0], $0xffff;
	v2 =	vor.u32 v20, v4;
	v4 =	vand.u32 $0x1C00, v4;
	v37 =	vor.u32 v31, v7  }
0x1b4: {  	v46 =	vor.u32 v27, v7;
	v43 =	vor.u32 v29, v7;
	v48 =	vor.u32 v25, v7  }
0x1b5: {  	v60 =	vor.u32 v21, v7;
	v52 =	vor.u32 v23, v7;
	v63 =	vor.u32 v19, v7  }
0x1b6: {  	s17 =	simm.s32 $0x3;
	v44 =	vand.u32 $0x3F, v13;
	v54 =	vor.u32 v14, v7;
	v39 =	vor.u32 v18, v4;
	[tilespmem:v12+s25+$0x0] =	vst.idx.msk $0xffff, v1  }
0x1b7: {  	v55 =	vor.u32 v14, v44;
	v7 =	vadd.s32 s17, v0;
	v56 =	vld.idx.msk [tilespmem:v40+s14+$0x0], $0xffff;
	v40 =	vshll.u32 v13, $0x7  }
0x1b8: {  	[tilespmem:v5+s25+$0x0] =	vst.idx.msk $0xffff, v10;
	v3 =	vor.u32 v3, v39;
	v4 =	vor.u32 v0, v40;
	v59 =	vand.u32 $0x1C00, v40  }
0x1b9: {  	s6 =	simm.s32 $0x2;
	v5 =	vld.idx.msk [tilespmem:v8+s14+$0x0], $0xffff;
	v45 =	vand.u32 $0x3F, v7;
	[tilespmem:v6+s25+$0x0] =	vst.idx.msk $0xffff, v11;
	v4 =	vand.u32 $0x388, v4;
	v41 =	vor.u32 v18, v59  }
0x1ba: {  	s15 =	simm.s32 $0x8;
	s17 =	simm.s32 $0x1;
	v1 =	vor.u32 v19, v44;
	v6 =	vadd.s32 s6, v0;
	v57 =	vld.idx.msk [tilespmem:v9+s14+$0x0], $0xffff;
	v4 =	vor.u32 v4, v41  }
.LBB2_5:
0x1bb: {  	v8 =	vadd.s32 s17, v0  }
0x1bc: {  	v59 =	vand.u32 $0x3F, v6;
	v9 =	vor.u32 v14, v45;
	v2 =	vand.u32 $0x398, v2  }
0x1bd: {  	v58 =	vand.u32 $0x3F, v8;
	v10 =	vor.u32 v14, v59;
	[tilespmem:v53+s25+$0x0] =	vst.idx.msk $0xffff, v56;
	v56 =	vshll.u32 v7, $0x7  }
0x1be: {  	v7 =	vor.u32 v14, v58;
	v11 =	vor.u32 v0, v56;
	v12 =	vand.u32 $0x1C00, v56  }
0x1bf: {  	v13 =	vld.idx.msk [tilespmem:v54+s14+$0x0], $0xffff;
	v53 =	vshll.u32 v6, $0x7;
	v6 =	vand.u32 $0x388, v11;
	v54 =	vor.u32 v18, v12;
	[tilespmem:v62+s25+$0x0] =	vst.idx.msk $0xffff, v5  }
0x1c0: {  	v5 =	vor.u32 v0, v53;
	v11 =	vor.u32 v19, v45;
	v12 =	vld.idx.msk [tilespmem:v55+s14+$0x0], $0xffff;
	v55 =	vshll.u32 v8, $0x7  }
0x1c1: {  	v8 =	vand.u32 $0x1C00, v53;
	[tilespmem:v50+s25+$0x0] =	vst.idx.msk $0xffff, v57;
	v6 =	vor.u32 v6, v54;
	v5 =	vand.u32 $0x388, v5  }
0x1c2: {  	v9 =	vld.idx.msk [tilespmem:v9+s14+$0x0], $0xffff;
	v15 =	vor.u32 v0, v55;
	v62 =	vand.u32 $0x1C00, v55;
	v57 =	vor.u32 v18, v8  }
0x1c3: {  	v10 =	vld.idx.msk [tilespmem:v10+s14+$0x0], $0xffff;
	v8 =	vand.u32 $0x388, v15;
	v50 =	vor.u32 v18, v62;
	v5 =	vor.u32 v5, v57  }
0x1c4: {  	v2 =	vor.u32 v2, v39;
	v7 =	vld.idx.msk [tilespmem:v7+s14+$0x0], $0xffff;
	v8 =	vor.u32 v8, v50  }
0x1c5: {  	[tilespmem:v3+s25+$0x0] =	vst.idx.msk $0xffff, v13;
	v3 =	vor.u32 v19, v58;
	v15 =	vor.u32 v19, v59  }
0x1c6: {  	v13 =	vor.u32 v20, v40;
	v62 =	vld.idx.msk [tilespmem:v63+s14+$0x0], $0xffff;
	v63 =	vor.u32 v20, v56;
	[tilespmem:v4+s25+$0x0] =	vst.idx.msk $0xffff, v12  }
0x1c7: {  	v4 =	vand.u32 $0x398, v13;
	v12 =	vor.u32 v21, v44;
	[tilespmem:v6+s25+$0x0] =	vst.idx.msk $0xffff, v9;
	v6 =	vand.u32 $0x398, v63;
	v1 =	vld.idx.msk [tilespmem:v1+s14+$0x0], $0xffff  }
0x1c8: {  	v4 =	vor.u32 v4, v41;
	[tilespmem:v5+s25+$0x0] =	vst.idx.msk $0xffff, v10;
	v5 =	vor.u32 v20, v53;
	v9 =	vld.idx.msk [tilespmem:v11+s14+$0x0], $0xffff  }
0x1c9: {  	v6 =	vor.u32 v6, v54;
	[tilespmem:v8+s25+$0x0] =	vst.idx.msk $0xffff, v7;
	v7 =	vor.u32 v20, v55;
	v5 =	vand.u32 $0x398, v5  }
0x1ca: {  	v13 =	vor.u32 v21, v58;
	v8 =	vld.idx.msk [tilespmem:v15+s14+$0x0], $0xffff;
	v7 =	vand.u32 $0x398, v7;
	v5 =	vor.u32 v5, v57  }
0x1cb: {  	v10 =	vor.u32 v21, v45;
	v11 =	vor.u32 v21, v59;
	v3 =	vld.idx.msk [tilespmem:v3+s14+$0x0], $0xffff;
	v7 =	vor.u32 v7, v50  }
0x1cc: {  	[tilespmem:v2+s25+$0x0] =	vst.idx.msk $0xffff, v62;
	v2 =	vand.u32 $0x3A8, v61;
	v61 =	vor.u32 v22, v56;
	v15 =	vor.u32 v22, v40  }
0x1cd: {  	v60 =	vld.idx.msk [tilespmem:v60+s14+$0x0], $0xffff;
	v2 =	vor.u32 v2, v39;
	[tilespmem:v4+s25+$0x0] =	vst.idx.msk $0xffff, v1;
	v1 =	vand.u32 $0x3A8, v15  }
0x1ce: {  	v62 =	vor.u32 v24, v56;
	[tilespmem:v6+s25+$0x0] =	vst.idx.msk $0xffff, v9;
	v6 =	vand.u32 $0x3A8, v61;
	v1 =	vor.u32 v1, v41  }
0x1cf: {  	v63 =	vld.idx.msk [tilespmem:v12+s14+$0x0], $0xffff;
	v6 =	vor.u32 v6, v54;
	[tilespmem:v5+s25+$0x0] =	vst.idx.msk $0xffff, v8;
	v5 =	vor.u32 v22, v53  }
0x1d0: {  	v8 =	vld.idx.msk [tilespmem:v10+s14+$0x0], $0xffff;
	[tilespmem:v7+s25+$0x0] =	vst.idx.msk $0xffff, v3;
	v3 =	vor.u32 v22, v55;
	v5 =	vand.u32 $0x3A8, v5  }
0x1d1: {  	v4 =	vor.u32 v23, v44;
	v7 =	vld.idx.msk [tilespmem:v11+s14+$0x0], $0xffff;
	v3 =	vand.u32 $0x3A8, v3;
	v5 =	vor.u32 v5, v57  }
0x1d2: {  	[tilespmem:v2+s25+$0x0] =	vst.idx.msk $0xffff, v60;
	v11 =	vor.u32 v23, v45;
	v10 =	vld.idx.msk [tilespmem:v13+s14+$0x0], $0xffff;
	v3 =	vor.u32 v3, v50  }
0x1d3: {  	v15 =	vor.u32 v24, v40;
	v12 =	vor.u32 v23, v59;
	v2 =	vand.u32 $0x3B8, v51;
	v61 =	vld.idx.msk [tilespmem:v52+s14+$0x0], $0xffff  }
0x1d4: {  	v2 =	vor.u32 v2, v39;
	v13 =	vor.u32 v23, v58;
	[tilespmem:v1+s25+$0x0] =	vst.idx.msk $0xffff, v63;
	v1 =	vand.u32 $0x3B8, v15  }
0x1d5: {  	v63 =	vor.u32 v25, v44;
	v1 =	vor.u32 v1, v41;
	[tilespmem:v6+s25+$0x0] =	vst.idx.msk $0xffff, v8;
	v6 =	vand.u32 $0x3B8, v62  }
0x1d6: {  	v4 =	vld.idx.msk [tilespmem:v4+s14+$0x0], $0xffff;
	v6 =	vor.u32 v6, v54;
	[tilespmem:v5+s25+$0x0] =	vst.idx.msk $0xffff, v7;
	v5 =	vor.u32 v24, v53  }
0x1d7: {  	v7 =	vld.idx.msk [tilespmem:v11+s14+$0x0], $0xffff;
	[tilespmem:v3+s25+$0x0] =	vst.idx.msk $0xffff, v10;
	v3 =	vor.u32 v24, v55;
	v5 =	vand.u32 $0x3B8, v5  }
0x1d8: {  	v8 =	vld.idx.msk [tilespmem:v12+s14+$0x0], $0xffff;
	v3 =	vand.u32 $0x3B8, v3;
	v5 =	vor.u32 v5, v57  }
0x1d9: {  	[tilespmem:v2+s25+$0x0] =	vst.idx.msk $0xffff, v61;
	v10 =	vld.idx.msk [tilespmem:v13+s14+$0x0], $0xffff;
	v3 =	vor.u32 v3, v50  }
0x1da: {  	v15 =	vor.u32 v26, v40;
	v2 =	vand.u32 $0x3C8, v49;
	v48 =	vld.idx.msk [tilespmem:v48+s14+$0x0], $0xffff;
	v12 =	vor.u32 v25, v59  }
0x1db: {  	v2 =	vor.u32 v2, v39;
	v13 =	vor.u32 v25, v58;
	[tilespmem:v1+s25+$0x0] =	vst.idx.msk $0xffff, v4;
	v1 =	vand.u32 $0x3C8, v15  }
0x1dc: {  	v1 =	vor.u32 v1, v41;
	[tilespmem:v6+s25+$0x0] =	vst.idx.msk $0xffff, v7;
	v7 =	vld.idx.msk [tilespmem:v63+s14+$0x0], $0xffff  }
0x1dd: {  	v4 =	vor.u32 v27, v44;
	[tilespmem:v5+s25+$0x0] =	vst.idx.msk $0xffff, v8;
	v5 =	vor.u32 v26, v53  }
0x1de: {  	v60 =	vor.u32 v25, v45;
	[tilespmem:v3+s25+$0x0] =	vst.idx.msk $0xffff, v10;
	v3 =	vor.u32 v26, v55;
	v5 =	vand.u32 $0x3C8, v5  }
0x1df: {  	v61 =	vor.u32 v26, v56;
	v62 =	vld.idx.msk [tilespmem:v12+s14+$0x0], $0xffff;
	v3 =	vand.u32 $0x3C8, v3;
	v5 =	vor.u32 v5, v57  }
0x1e0: {  	v15 =	vor.u32 v28, v40;
	[tilespmem:v2+s25+$0x0] =	vst.idx.msk $0xffff, v48;
	v10 =	vld.idx.msk [tilespmem:v13+s14+$0x0], $0xffff;
	v3 =	vor.u32 v3, v50  }
0x1e1: {  	v2 =	vand.u32 $0x3D8, v47;
	v12 =	vor.u32 v27, v59;
	[tilespmem:v1+s25+$0x0] =	vst.idx.msk $0xffff, v7;
	v1 =	vand.u32 $0x3D8, v15  }
0x1e2: {  	v6 =	vand.u32 $0x3C8, v61;
	v13 =	vor.u32 v27, v58;
	v4 =	vld.idx.msk [tilespmem:v4+s14+$0x0], $0xffff;
	v1 =	vor.u32 v1, v41  }
0x1e3: {  	v63 =	vor.u32 v27, v45;
	v46 =	vld.idx.msk [tilespmem:v46+s14+$0x0], $0xffff;
	v2 =	vor.u32 v2, v39;
	v7 =	vor.u32 v29, v44  }
0x1e4: {  	v6 =	vor.u32 v6, v54;
	[tilespmem:v5+s25+$0x0] =	vst.idx.msk $0xffff, v62;
	v5 =	vor.u32 v28, v53  }
0x1e5: {  	v8 =	vld.idx.msk [tilespmem:v60+s14+$0x0], $0xffff;
	[tilespmem:v3+s25+$0x0] =	vst.idx.msk $0xffff, v10;
	v3 =	vor.u32 v28, v55;
	v5 =	vand.u32 $0x3D8, v5  }
0x1e6: {  	v15 =	vor.u32 v30, v40;
	v9 =	vld.idx.msk [tilespmem:v12+s14+$0x0], $0xffff;
	v3 =	vand.u32 $0x3D8, v3;
	v5 =	vor.u32 v5, v57  }
0x1e7: {  	v10 =	vld.idx.msk [tilespmem:v13+s14+$0x0], $0xffff;
	[tilespmem:v1+s25+$0x0] =	vst.idx.msk $0xffff, v4;
	v1 =	vand.u32 $0x3E8, v15;
	v3 =	vor.u32 v3, v50  }
0x1e8: {  	[tilespmem:v2+s25+$0x0] =	vst.idx.msk $0xffff, v46;
	v12 =	vor.u32 v29, v59;
	v7 =	vld.idx.msk [tilespmem:v7+s14+$0x0], $0xffff;
	v1 =	vor.u32 v1, v41  }
0x1e9: {  	v51 =	vor.u32 v29, v45;
	v49 =	vor.u32 v28, v56;
	v52 =	vld.idx.msk [tilespmem:v43+s14+$0x0], $0xffff;
	v4 =	vor.u32 v31, v44  }
0x1ea: {  	v43 =	vor.u32 v32, v40;
	[tilespmem:v6+s25+$0x0] =	vst.idx.msk $0xffff, v8;
	v6 =	vand.u32 $0x3D8, v49;
	v13 =	vor.u32 v29, v58  }
0x1eb: {  	v8 =	vld.idx.msk [tilespmem:v63+s14+$0x0], $0xffff;
	v6 =	vor.u32 v6, v54;
	[tilespmem:v5+s25+$0x0] =	vst.idx.msk $0xffff, v9;
	v5 =	vor.u32 v30, v53  }
0x1ec: {  	v15 =	vld.idx.msk [tilespmem:v34+s14+$0x0], $0xffff;
	[tilespmem:v3+s25+$0x0] =	vst.idx.msk $0xffff, v10;
	v3 =	vor.u32 v30, v55;
	v5 =	vand.u32 $0x3E8, v5  }
0x1ed: {  	v9 =	vld.idx.msk [tilespmem:v12+s14+$0x0], $0xffff;
	[tilespmem:v1+s25+$0x0] =	vst.idx.msk $0xffff, v7;
	v1 =	vand.u32 $0x3F8, v43;
	v5 =	vor.u32 v5, v57  }
0x1ee: {  	v3 =	vand.u32 $0x3E8, v3;
	v4 =	vld.idx.msk [tilespmem:v4+s14+$0x0], $0xffff;
	v1 =	vor.u32 v1, v41  }
0x1ef: {  	v62 =	vld.idx.msk [tilespmem:v13+s14+$0x0], $0xffff;
	v13 =	vor.u32 v31, v59;
	v3 =	vor.u32 v3, v50  }
0x1f0: {  	[tilespmem:v6+s25+$0x0] =	vst.idx.msk $0xffff, v8  }
0x1f1: {  	v60 =	vor.u32 v30, v56;
	v63 =	vor.u32 v31, v58;
	[tilespmem:v33+s25+$0x0] =	vst.idx.msk $0xffff, v15  }
0x1f2: {  	v6 =	vand.u32 $0x3E8, v60;
	v8 =	vld.idx.msk [tilespmem:v51+s14+$0x0], $0xffff;
	[tilespmem:v5+s25+$0x0] =	vst.idx.msk $0xffff, v9  }
0x1f3: {  	v6 =	vor.u32 v6, v54;
	v15 =	vld [tilespmem:$0x1FF00];
	v12 =	vor.u32 v31, v45;
	v45 =	vadd.s32 s15, v0;
	[tilespmem:v1+s25+$0x0] =	vst.idx.msk $0xffff, v4  }
0x1f4: {  	v2 =	vand.u32 $0x3E8, v42;
	v1 =	vshll.u32 v45, $0x7;
	[tilespmem:v3+s25+$0x0] =	vst.idx.msk $0xffff, v62;
	v3 =	vor.u32 v32, v55;
	v46 =	vld.idx.msk [tilespmem:v13+s14+$0x0], $0xffff  }
0x1f5: {  	v2 =	vor.u32 v2, v39;
	v4 =	vand.u32 $0x1C00, v1;
	v1 =	vld [tilespmem:$0x1FF10];
	v3 =	vand.u32 $0x3F8, v3  }
0x1f6: {  	v13 =	vld.idx.msk [tilespmem:v63+s14+$0x0], $0xffff;
	v3 =	vor.u32 v3, v50;
	_ =	sdelay $0x1  }
0x1f7: {  	[tilespmem:v6+s25+$0x0] =	vst.idx.msk $0xffff, v8  }
0x1f8: {  	v8 =	vld.idx.msk [tilespmem:v12+s14+$0x0], $0xffff;
	v12 =	vand.u32 $0x38, v45;
	v5 =	vor.u32 v32, v53  }
0x1f9: {  	[tilespmem:v2+s25+$0x0] =	vst.idx.msk $0xffff, v52;
	v2 =	vld.idx.msk [tilespmem:v36+s14+$0x0], $0xffff;
	v15 =	vor.u32 v15, v12;
	v5 =	vand.u32 $0x3F8, v5  }
0x1fa: {  	v5 =	vor.u32 v5, v57;
	[tilespmem:v3+s25+$0x0] =	vst.idx.msk $0xffff, v13;
	v3 =	vor.u32 v1, v4;
	v1 =	vld [tilespmem:$0x1FF20];
	_ =	sdelay $0x2  }
0x1fb: {  	v44 =	vor.u32 v32, v56  }
0x1fc: {  	[tilespmem:v35+s25+$0x0] =	vst.idx.msk $0xffff, v2;
	v6 =	vand.u32 $0x3F8, v44;
	v2 =	vld.idx.msk [tilespmem:v15+s14+$0x0], $0xffff  }
0x1fd: {  	v6 =	vor.u32 v6, v54;
	[tilespmem:v5+s25+$0x0] =	vst.idx.msk $0xffff, v46;
	v5 =	vor.u32 v1, v12  }
0x1fe: {  	v61 =	vand.u32 $0x3F8, v38  }
0x1ff: {  	v10 =	vor.u32 v61, v39;
	v7 =	vld.idx.msk [tilespmem:v37+s14+$0x0], $0xffff;
	_ =	sdelay $0x1  }
0x200: {  	s3 =	sadd.s32 $0x7, s15;
	v48 =	vld [tilespmem:$0x1FF40];
	[tilespmem:v3+s25+$0x0] =	vst.idx.msk $0xffff, v2  }
0x201: {  	[tilespmem:v6+s25+$0x0] =	vst.idx.msk $0xffff, v8;
	v6 =	vadd.s32 s3, v0;
	v3 =	vld.idx.msk [tilespmem:v5+s14+$0x0], $0xffff  }
0x202: {  	s6 =	sadd.s32 $0x6, s15;
	v8 =	vand.u32 $0x3F, v6;
	v5 =	vshll.u32 v6, $0x7;
	v6 =	vld [tilespmem:$0x1FF30]  }
0x203: {  	[tilespmem:v10+s25+$0x0] =	vst.idx.msk $0xffff, v7;
	v7 =	vadd.s32 s6, v0  }
0x204: {  	v47 =	vor.u32 v14, v8;
	v1 =	vand.u32 $0x3F, v7  }
0x205: {  	v2 =	vor.u32 v14, v1;
	_ =	sdelay $0x1  }
0x206: {  	v54 =	vld [tilespmem:$0x1FF60];
	v10 =	vor.u32 v48, v12;
	v7 =	vshll.u32 v7, $0x7;
	v6 =	vor.u32 v6, v4  }
0x207: {  	v53 =	vld [tilespmem:$0x1FF50];
	v15 =	vor.u32 v0, v7;
	v49 =	vor.u32 v0, v5;
	v13 =	vand.u32 $0x1C00, v5  }
0x208: {  	v9 =	vld.idx.msk [tilespmem:v47+s14+$0x0], $0xffff;
	v50 =	vand.u32 $0x1C00, v7;
	v11 =	vand.u32 $0x388, v49;
	v13 =	vor.u32 v18, v13  }
0x209: {  	v15 =	vand.u32 $0x388, v15;
	v51 =	vld.idx.msk [tilespmem:v2+s14+$0x0], $0xffff;
	v2 =	vor.u32 v18, v50;
	v11 =	vor.u32 v11, v13  }
0x20a: {  	v52 =	vor.u32 v19, v8;
	v15 =	vor.u32 v15, v2  }
0x20b: {  	v58 =	vld [tilespmem:$0x1FF70];
	[tilespmem:v6+s25+$0x0] =	vst.idx.msk $0xffff, v3;
	v3 =	vor.u32 v19, v1  }
0x20c: {  	v43 =	vld [tilespmem:$0x1FFC0]  }
0x20d: {  	v55 =	vor.u32 v20, v5;
	v6 =	vld.idx.msk [tilespmem:v10+s14+$0x0], $0xffff;
	v10 =	vor.u32 v53, v4  }
0x20e: {  	v59 =	vld [tilespmem:$0x1FF80];
	v35 =	vor.u32 v54, v12;
	v56 =	vor.u32 v20, v7;
	[tilespmem:v11+s25+$0x0] =	vst.idx.msk $0xffff, v9;
	v9 =	vand.u32 $0x398, v55  }
0x20f: {  	[tilespmem:v15+s25+$0x0] =	vst.idx.msk $0xffff, v51;
	v11 =	vand.u32 $0x398, v56;
	v15 =	vld.idx.msk [tilespmem:v52+s14+$0x0], $0xffff;
	v9 =	vor.u32 v9, v13  }
0x210: {  	v11 =	vor.u32 v11, v2;
	v3 =	vld.idx.msk [tilespmem:v3+s14+$0x0], $0xffff  }
0x211: {  	v44 =	vld [tilespmem:$0x1FFE0];
	v57 =	vor.u32 v21, v8  }
0x212: {  	[tilespmem:v10+s25+$0x0] =	vst.idx.msk $0xffff, v6;
	v6 =	vor.u32 v21, v1  }
0x213: {  	v42 =	vld [tilespmem:$0x1FF90];
	v37 =	vor.u32 v43, v12  }
0x214: {  	v34 =	vor.u32 v58, v4;
	v60 =	vor.u32 v22, v5;
	[tilespmem:v9+s25+$0x0] =	vst.idx.msk $0xffff, v15;
	v10 =	vld.idx.msk [tilespmem:v35+s14+$0x0], $0xffff  }
0x215: {  	v45 =	vld [tilespmem:$0x1FFA0];
	v9 =	vand.u32 $0x3A8, v60;
	v35 =	vor.u32 v59, v12;
	[tilespmem:v11+s25+$0x0] =	vst.idx.msk $0xffff, v3;
	v3 =	vor.u32 v22, v7  }
0x216: {  	v39 =	vor.u32 v44, v12;
	v61 =	vld.idx.msk [tilespmem:v57+s14+$0x0], $0xffff;
	v9 =	vor.u32 v9, v13;
	v3 =	vand.u32 $0x3A8, v3  }
0x217: {  	v40 =	vor.u32 v27, v8;
	v15 =	vor.u32 v23, v8;
	v6 =	vld.idx.msk [tilespmem:v6+s14+$0x0], $0xffff;
	v3 =	vor.u32 v3, v2  }
0x218: {  	v62 =	vor.u32 v23, v1;
	v48 =	vor.u32 v25, v1;
	v36 =	vor.u32 v31, v1  }
0x219: {  	v47 =	vld [tilespmem:$0x1FFF0];
	v46 =	vor.u32 v24, v5;
	v50 =	vor.u32 v32, v5;
	[tilespmem:v34+s25+$0x0] =	vst.idx.msk $0xffff, v10  }
0x21a: {  	v49 =	vor.u32 v30, v5;
	v51 =	vor.u32 v28, v5;
	v34 =	vor.u32 v42, v4;
	v63 =	vld.idx.msk [tilespmem:v35+s14+$0x0], $0xffff  }
0x21b: {  	v5 =	vor.u32 v26, v5;
	v12 =	vor.u32 v45, v12;
	[tilespmem:v9+s25+$0x0] =	vst.idx.msk $0xffff, v61;
	v9 =	vand.u32 $0x3B8, v46  }
0x21c: {  	v9 =	vor.u32 v9, v13;
	[tilespmem:v3+s25+$0x0] =	vst.idx.msk $0xffff, v6;
	v3 =	vor.u32 v24, v7;
	v6 =	vld.idx.msk [tilespmem:v15+s14+$0x0], $0xffff  }
0x21d: {  	v5 =	vand.u32 $0x3C8, v5;
	v15 =	vor.u32 v25, v8;
	v3 =	vand.u32 $0x3B8, v3  }
0x21e: {  	v52 =	vand.u32 $0x3F8, v50;
	v5 =	vor.u32 v5, v13;
	v10 =	vld.idx.msk [tilespmem:v62+s14+$0x0], $0xffff;
	v3 =	vor.u32 v3, v2  }
0x21f: {  	v33 =	vor.u32 v52, v13;
	v53 =	vor.u32 v47, v4;
	[tilespmem:v34+s25+$0x0] =	vst.idx.msk $0xffff, v63  }
0x220: {  	v57 =	vor.u32 v29, v1;
	v11 =	vor.u32 v16, v4;
	v4 =	vor.u32 v17, v4;
	v12 =	vld.idx.msk [tilespmem:v12+s14+$0x0], $0xffff  }
0x221: {  	v34 =	vor.u32 v31, v8;
	v8 =	vor.u32 v29, v8;
	[tilespmem:v9+s25+$0x0] =	vst.idx.msk $0xffff, v6;
	v6 =	vand.u32 $0x3E8, v49  }
0x222: {  	v54 =	vld.idx.msk [tilespmem:v15+s14+$0x0], $0xffff;
	v15 =	vand.u32 $0x3D8, v51;
	v62 =	vor.u32 v6, v13;
	v6 =	vor.u32 v30, v7  }
0x223: {  	[tilespmem:v3+s25+$0x0] =	vst.idx.msk $0xffff, v10;
	v3 =	vor.u32 v26, v7;
	v9 =	vor.u32 v15, v13  }
0x224: {  	v13 =	vor.u32 v32, v7;
	v15 =	vor.u32 v27, v1;
	v7 =	vor.u32 v28, v7  }
0x225: {  	s17 =	sadd.s32 $0x5, s15;
	[tilespmem:v4+s25+$0x0] =	vst.idx.msk $0xffff, v12;
	v4 =	vand.u32 $0x3E8, v6;
	v3 =	vand.u32 $0x3C8, v3;
	v1 =	vand.u32 $0x3D8, v7  }
0x226: {  	v6 =	vand.u32 $0x3F8, v13;
	v7 =	vadd.s32 s17, v0;
	v50 =	vor.u32 v4, v2  }
0x227: {  	v55 =	vld.idx.msk [tilespmem:v48+s14+$0x0], $0xffff;
	v3 =	vor.u32 v3, v2;
	v35 =	vor.u32 v6, v2;
	v6 =	vand.u32 $0x3F, v7  }
0x228: {  	v4 =	vld.idx.msk [tilespmem:v37+s14+$0x0], $0xffff;
	v10 =	vor.u32 v1, v2;
	v37 =	vor.u32 v31, v6;
	v46 =	vor.u32 v27, v6  }
0x229: {  	v43 =	vor.u32 v29, v6;
	v48 =	vor.u32 v25, v6;
	v60 =	vor.u32 v21, v6  }
0x22a: {  	v52 =	vor.u32 v23, v6;
	v63 =	vor.u32 v19, v6;
	[tilespmem:v5+s25+$0x0] =	vst.idx.msk $0xffff, v54;
	v5 =	vshll.u32 v7, $0x7  }
0x22b: {  	v54 =	vor.u32 v14, v6;
	v42 =	vor.u32 v30, v5;
	v38 =	vor.u32 v32, v5  }
0x22c: {  	v47 =	vor.u32 v28, v5;
	v7 =	vld.idx.msk [tilespmem:v40+s14+$0x0], $0xffff;
	v51 =	vor.u32 v24, v5;
	[tilespmem:v3+s25+$0x0] =	vst.idx.msk $0xffff, v55  }
0x22d: {  	s6 =	sadd.s32 $0x4, s15;
	v49 =	vor.u32 v26, v5;
	v61 =	vor.u32 v22, v5;
	v1 =	vor.u32 v0, v5;
	v12 =	vld.idx.msk [tilespmem:v15+s14+$0x0], $0xffff  }
0x22e: {  	p2 =	slt.u32 s15, $0x38;
	v2 =	vor.u32 v20, v5;
	[tilespmem:v11+s25+$0x0] =	vst.idx.msk $0xffff, v4;
	v4 =	vand.u32 $0x1C00, v5;
	v3 =	vadd.s32 s6, v0  }
.Ltmp1:
0x22f: {  	v5 =	vand.u32 $0x388, v1;
	v56 =	vld.idx.msk [tilespmem:v39+s14+$0x0], $0xffff;
	v39 =	vor.u32 v18, v4;
	v44 =	vand.u32 $0x3F, v3;
	(pc) =	sbr.rel @p2 .LBB2_5-.Ltmp1, $4  }
0x230: {  	v40 =	vshll.u32 v3, $0x7;
	v3 =	vor.u32 v5, v39;
	v1 =	vor.u32 v19, v44  }
0x231: {  	s17 =	sadd.s32 $0x3, s15;
	v55 =	vor.u32 v14, v44;
	v4 =	vor.u32 v0, v40;
	v6 =	vand.u32 $0x1C00, v40;
	[tilespmem:v9+s25+$0x0] =	vst.idx.msk $0xffff, v7  }
0x232: {  	s6 =	sadd.s32 $0x2, s15;
	v7 =	vadd.s32 s17, v0;
	v4 =	vand.u32 $0x388, v4;
	v41 =	vor.u32 v18, v6;
	v5 =	vld.idx.msk [tilespmem:v8+s14+$0x0], $0xffff;
	[tilespmem:v10+s25+$0x0] =	vst.idx.msk $0xffff, v12  }
0x233: {  	s17 =	sadd.s32 $0x1, s15;
	v6 =	vadd.s32 s6, v0;
	s15 =	sadd.s32 $0x8, s15;
	v45 =	vand.u32 $0x3F, v7;
	v4 =	vor.u32 v4, v41;
	v57 =	vld.idx.msk [tilespmem:v57+s14+$0x0], $0xffff  }
0x234: {  	_ =	sdelay $0x1  }
0x235: {  	v8 =	vadd.s32 s17, v0  }
0x236: {  	v17 =	vand.u32 $0x3F, v6;
	v9 =	vor.u32 v14, v45;
	v58 =	vshll.u32 v7, $0x7  }
0x237: {  	[tilespmem:v53+s25+$0x0] =	vst.idx.msk $0xffff, v56;
	v53 =	vshll.u32 v6, $0x7;
	v2 =	vand.u32 $0x398, v2;
	v59 =	vand.u32 $0x3F, v8  }
0x238: {  	v13 =	vld.idx.msk [tilespmem:v54+s14+$0x0], $0xffff;
	v10 =	vor.u32 v14, v17;
	v11 =	vor.u32 v0, v58;
	v12 =	vand.u32 $0x1C00, v58  }
0x239: {  	v56 =	vshll.u32 v8, $0x7;
	v8 =	vand.u32 $0x1C00, v53;
	v2 =	vor.u32 v2, v39  }
0x23a: {  	v15 =	vld.idx.msk [tilespmem:v55+s14+$0x0], $0xffff;
	v7 =	vor.u32 v14, v59;
	v6 =	vand.u32 $0x388, v11;
	v16 =	vor.u32 v18, v12  }
0x23b: {  	v11 =	vor.u32 v0, v53;
	v12 =	vor.u32 v19, v45;
	v6 =	vor.u32 v6, v16  }
0x23c: {  	v54 =	vand.u32 $0x1C00, v56;
	[tilespmem:v62+s25+$0x0] =	vst.idx.msk $0xffff, v5;
	v5 =	vand.u32 $0x388, v11;
	v62 =	vor.u32 v18, v8;
	v9 =	vld.idx.msk [tilespmem:v9+s14+$0x0], $0xffff  }
0x23d: {  	v11 =	vor.u32 v0, v56;
	v5 =	vor.u32 v5, v62;
	[tilespmem:v3+s25+$0x0] =	vst.idx.msk $0xffff, v13;
	v10 =	vld.idx.msk [tilespmem:v10+s14+$0x0], $0xffff  }
0x23e: {  	v54 =	vor.u32 v18, v54;
	v8 =	vand.u32 $0x388, v11;
	v3 =	vor.u32 v19, v17;
	v13 =	vld.idx.msk [tilespmem:v63+s14+$0x0], $0xffff  }
0x23f: {  	v8 =	vor.u32 v8, v54;
	[tilespmem:v4+s25+$0x0] =	vst.idx.msk $0xffff, v15;
	v4 =	vor.u32 v20, v40;
	v7 =	vld.idx.msk [tilespmem:v7+s14+$0x0], $0xffff  }
0x240: {  	v11 =	vor.u32 v19, v59;
	v15 =	vor.u32 v20, v58;
	v4 =	vand.u32 $0x398, v4  }
0x241: {  	v55 =	vand.u32 $0x398, v15;
	v1 =	vld.idx.msk [tilespmem:v1+s14+$0x0], $0xffff;
	v4 =	vor.u32 v4, v41;
	[tilespmem:v6+s25+$0x0] =	vst.idx.msk $0xffff, v9  }
0x242: {  	v6 =	vor.u32 v21, v44;
	v9 =	vor.u32 v55, v16;
	[tilespmem:v5+s25+$0x0] =	vst.idx.msk $0xffff, v10;
	v10 =	vld.idx.msk [tilespmem:v12+s14+$0x0], $0xffff  }
0x243: {  	v5 =	vor.u32 v20, v53;
	[tilespmem:v2+s25+$0x0] =	vst.idx.msk $0xffff, v13;
	v2 =	vand.u32 $0x3A8, v61;
	v3 =	vld.idx.msk [tilespmem:v3+s14+$0x0], $0xffff  }
0x244: {  	[tilespmem:v8+s25+$0x0] =	vst.idx.msk $0xffff, v7;
	v5 =	vand.u32 $0x398, v5;
	v55 =	vld.idx.msk [tilespmem:v60+s14+$0x0], $0xffff;
	v2 =	vor.u32 v2, v39  }
0x245: {  	v7 =	vor.u32 v20, v56;
	v8 =	vld.idx.msk [tilespmem:v11+s14+$0x0], $0xffff;
	v5 =	vor.u32 v5, v62;
	v11 =	vor.u32 v21, v45  }
0x246: {  	v15 =	vor.u32 v22, v40;
	v7 =	vand.u32 $0x398, v7  }
0x247: {  	v12 =	vor.u32 v21, v17;
	[tilespmem:v4+s25+$0x0] =	vst.idx.msk $0xffff, v1;
	v7 =	vor.u32 v7, v54  }
0x248: {  	v13 =	vor.u32 v21, v59;
	v60 =	vor.u32 v22, v58;
	[tilespmem:v9+s25+$0x0] =	vst.idx.msk $0xffff, v10  }
0x249: {  	v1 =	vand.u32 $0x3A8, v15;
	v4 =	vor.u32 v23, v44;
	v6 =	vld.idx.msk [tilespmem:v6+s14+$0x0], $0xffff;
	[tilespmem:v2+s25+$0x0] =	vst.idx.msk $0xffff, v55  }
0x24a: {  	v63 =	vand.u32 $0x3A8, v60;
	v1 =	vor.u32 v1, v41;
	[tilespmem:v5+s25+$0x0] =	vst.idx.msk $0xffff, v3;
	v5 =	vld.idx.msk [tilespmem:v11+s14+$0x0], $0xffff  }
0x24b: {  	v9 =	vor.u32 v63, v16;
	v2 =	vand.u32 $0x3B8, v51;
	v3 =	vor.u32 v22, v53;
	v51 =	vld.idx.msk [tilespmem:v52+s14+$0x0], $0xffff  }
0x24c: {  	v2 =	vor.u32 v2, v39;
	[tilespmem:v7+s25+$0x0] =	vst.idx.msk $0xffff, v8;
	v7 =	vor.u32 v22, v56;
	v3 =	vand.u32 $0x3A8, v3  }
0x24d: {  	v61 =	vor.u32 v23, v45;
	v8 =	vld.idx.msk [tilespmem:v12+s14+$0x0], $0xffff;
	v7 =	vand.u32 $0x3A8, v7;
	v3 =	vor.u32 v3, v62  }
0x24e: {  	v15 =	vor.u32 v24, v40;
	v63 =	vor.u32 v24, v58;
	v60 =	vld.idx.msk [tilespmem:v13+s14+$0x0], $0xffff;
	v7 =	vor.u32 v7, v54  }
0x24f: {  	v12 =	vor.u32 v23, v17;
	v13 =	vor.u32 v23, v59;
	[tilespmem:v1+s25+$0x0] =	vst.idx.msk $0xffff, v6  }
0x250: {  	v1 =	vand.u32 $0x3B8, v15;
	v6 =	vor.u32 v25, v44;
	v4 =	vld.idx.msk [tilespmem:v4+s14+$0x0], $0xffff;
	[tilespmem:v9+s25+$0x0] =	vst.idx.msk $0xffff, v5;
	v5 =	vand.u32 $0x3B8, v63  }
0x251: {  	v1 =	vor.u32 v1, v41;
	[tilespmem:v2+s25+$0x0] =	vst.idx.msk $0xffff, v51;
	v2 =	vand.u32 $0x3C8, v49;
	v5 =	vor.u32 v5, v16  }
0x252: {  	v48 =	vld.idx.msk [tilespmem:v48+s14+$0x0], $0xffff;
	v2 =	vor.u32 v2, v39;
	[tilespmem:v3+s25+$0x0] =	vst.idx.msk $0xffff, v8;
	v3 =	vor.u32 v24, v53  }
0x253: {  	v8 =	vld.idx.msk [tilespmem:v61+s14+$0x0], $0xffff;
	[tilespmem:v7+s25+$0x0] =	vst.idx.msk $0xffff, v60;
	v7 =	vor.u32 v24, v56;
	v3 =	vand.u32 $0x3B8, v3  }
0x254: {  	v61 =	vor.u32 v25, v45;
	v60 =	vld.idx.msk [tilespmem:v12+s14+$0x0], $0xffff;
	v7 =	vand.u32 $0x3B8, v7;
	v3 =	vor.u32 v3, v62  }
0x255: {  	v15 =	vor.u32 v26, v40;
	v10 =	vld.idx.msk [tilespmem:v13+s14+$0x0], $0xffff;
	v7 =	vor.u32 v7, v54  }
0x256: {  	v63 =	vor.u32 v26, v58;
	v12 =	vor.u32 v25, v17;
	[tilespmem:v1+s25+$0x0] =	vst.idx.msk $0xffff, v4;
	v1 =	vand.u32 $0x3C8, v15  }
0x257: {  	v4 =	vor.u32 v27, v44;
	v13 =	vor.u32 v25, v59;
	v6 =	vld.idx.msk [tilespmem:v6+s14+$0x0], $0xffff;
	[tilespmem:v2+s25+$0x0] =	vst.idx.msk $0xffff, v48  }
0x258: {  	v1 =	vor.u32 v1, v41;
	v2 =	vand.u32 $0x3D8, v47;
	[tilespmem:v5+s25+$0x0] =	vst.idx.msk $0xffff, v8;
	v5 =	vand.u32 $0x3C8, v63;
	v46 =	vld.idx.msk [tilespmem:v46+s14+$0x0], $0xffff  }
0x259: {  	v2 =	vor.u32 v2, v39;
	v8 =	vld.idx.msk [tilespmem:v61+s14+$0x0], $0xffff;
	[tilespmem:v3+s25+$0x0] =	vst.idx.msk $0xffff, v60;
	v3 =	vor.u32 v26, v53  }
0x25a: {  	v5 =	vor.u32 v5, v16;
	[tilespmem:v7+s25+$0x0] =	vst.idx.msk $0xffff, v10;
	v7 =	vor.u32 v26, v56;
	v3 =	vand.u32 $0x3C8, v3  }
0x25b: {  	v52 =	vor.u32 v27, v45;
	v9 =	vld.idx.msk [tilespmem:v12+s14+$0x0], $0xffff;
	v7 =	vand.u32 $0x3C8, v7;
	v3 =	vor.u32 v3, v62  }
0x25c: {  	v15 =	vor.u32 v28, v40;
	v10 =	vld.idx.msk [tilespmem:v13+s14+$0x0], $0xffff;
	v7 =	vor.u32 v7, v54  }
0x25d: {  	v55 =	vor.u32 v28, v58;
	[tilespmem:v1+s25+$0x0] =	vst.idx.msk $0xffff, v6;
	v1 =	vand.u32 $0x3D8, v15;
	v12 =	vor.u32 v27, v17  }
0x25e: {  	v6 =	vor.u32 v29, v44;
	v4 =	vld.idx.msk [tilespmem:v4+s14+$0x0], $0xffff;
	v13 =	vor.u32 v27, v59;
	[tilespmem:v2+s25+$0x0] =	vst.idx.msk $0xffff, v46  }
0x25f: {  	v1 =	vor.u32 v1, v41;
	v2 =	vand.u32 $0x3E8, v42;
	[tilespmem:v5+s25+$0x0] =	vst.idx.msk $0xffff, v8;
	v5 =	vand.u32 $0x3D8, v55;
	v61 =	vld.idx.msk [tilespmem:v43+s14+$0x0], $0xffff  }
0x260: {  	v2 =	vor.u32 v2, v39;
	v8 =	vld.idx.msk [tilespmem:v52+s14+$0x0], $0xffff;
	[tilespmem:v3+s25+$0x0] =	vst.idx.msk $0xffff, v9;
	v3 =	vor.u32 v28, v53  }
0x261: {  	v5 =	vor.u32 v5, v16;
	[tilespmem:v7+s25+$0x0] =	vst.idx.msk $0xffff, v10;
	v7 =	vor.u32 v28, v56;
	v3 =	vand.u32 $0x3D8, v3  }
0x262: {  	v60 =	vor.u32 v29, v45;
	v9 =	vld.idx.msk [tilespmem:v12+s14+$0x0], $0xffff;
	v7 =	vand.u32 $0x3D8, v7;
	v3 =	vor.u32 v3, v62  }
0x263: {  	[tilespmem:v50+s25+$0x0] =	vst.idx.msk $0xffff, v57;
	v63 =	vor.u32 v30, v58;
	v10 =	vld.idx.msk [tilespmem:v13+s14+$0x0], $0xffff;
	v7 =	vor.u32 v7, v54  }
0x264: {  	v15 =	vor.u32 v30, v40;
	[tilespmem:v1+s25+$0x0] =	vst.idx.msk $0xffff, v4;
	v12 =	vor.u32 v29, v17  }
0x265: {  	v1 =	vand.u32 $0x3E8, v15;
	v6 =	vld.idx.msk [tilespmem:v6+s14+$0x0], $0xffff;
	v13 =	vor.u32 v29, v59;
	[tilespmem:v2+s25+$0x0] =	vst.idx.msk $0xffff, v61  }
0x266: {  	v4 =	vor.u32 v31, v44;
	v1 =	vor.u32 v1, v41;
	v2 =	vld.idx.msk [tilespmem:v36+s14+$0x0], $0xffff;
	[tilespmem:v5+s25+$0x0] =	vst.idx.msk $0xffff, v8  }
0x267: {  	v5 =	vand.u32 $0x3E8, v63;
	v8 =	vld.idx.msk [tilespmem:v60+s14+$0x0], $0xffff;
	[tilespmem:v3+s25+$0x0] =	vst.idx.msk $0xffff, v9;
	v3 =	vor.u32 v30, v53  }
0x268: {  	v5 =	vor.u32 v5, v16;
	[tilespmem:v7+s25+$0x0] =	vst.idx.msk $0xffff, v10;
	v7 =	vor.u32 v30, v56;
	v3 =	vand.u32 $0x3E8, v3  }
0x269: {  	v43 =	vor.u32 v31, v45;
	v9 =	vld.idx.msk [tilespmem:v12+s14+$0x0], $0xffff;
	v7 =	vand.u32 $0x3E8, v7;
	v3 =	vor.u32 v3, v62  }
0x26a: {  	v10 =	vld.idx.msk [tilespmem:v13+s14+$0x0], $0xffff;
	v7 =	vor.u32 v7, v54  }
0x26b: {  	v46 =	vor.u32 v32, v58;
	v15 =	vor.u32 v31, v17;
	[tilespmem:v1+s25+$0x0] =	vst.idx.msk $0xffff, v6;
	v1 =	vld.idx.msk [tilespmem:v37+s14+$0x0], $0xffff  }
0x26c: {  	v45 =	vor.u32 v32, v40;
	v44 =	vor.u32 v31, v59;
	v12 =	vand.u32 $0x3F8, v38;
	v13 =	vld.idx.msk [tilespmem:v34+s14+$0x0], $0xffff  }
0x26d: {  	v4 =	vld.idx.msk [tilespmem:v4+s14+$0x0], $0xffff;
	v6 =	vor.u32 v12, v39;
	v12 =	vand.u32 $0x3F8, v45;
	[tilespmem:v5+s25+$0x0] =	vst.idx.msk $0xffff, v8;
	v5 =	vand.u32 $0x3F8, v46  }
0x26e: {  	v8 =	vor.u32 v12, v41;
	v47 =	vld.idx.msk [tilespmem:v43+s14+$0x0], $0xffff;
	[tilespmem:v3+s25+$0x0] =	vst.idx.msk $0xffff, v9;
	v3 =	vor.u32 v32, v53  }
0x26f: {  	v5 =	vor.u32 v5, v16;
	[tilespmem:v7+s25+$0x0] =	vst.idx.msk $0xffff, v10;
	v7 =	vor.u32 v32, v56;
	v3 =	vand.u32 $0x3F8, v3  }
0x270: {  	[tilespmem:v35+s25+$0x0] =	vst.idx.msk $0xffff, v2;
	v48 =	vld.idx.msk [tilespmem:v15+s14+$0x0], $0xffff;
	v7 =	vand.u32 $0x3F8, v7;
	v3 =	vor.u32 v3, v62  }
0x271: {  	[tilespmem:v33+s25+$0x0] =	vst.idx.msk $0xffff, v13;
	v49 =	vld.idx.msk [tilespmem:v44+s14+$0x0], $0xffff;
	v7 =	vor.u32 v7, v54  }
0x272: {  	[tilespmem:v6+s25+$0x0] =	vst.idx.msk $0xffff, v1  }
0x273: {  	[tilespmem:v8+s25+$0x0] =	vst.idx.msk $0xffff, v4  }
0x274: {  	s3 =	sadd.s32 s7, s10;
	[tilespmem:v5+s25+$0x0] =	vst.idx.msk $0xffff, v47  }
0x275: {  	s3 =	sshrl.u32 s3, $0x3;
	[tilespmem:v3+s25+$0x0] =	vst.idx.msk $0xffff, v48  }
0x276: {  	s3 =	sadd.s32 s2, s3;
	[tilespmem:v7+s25+$0x0] =	vst.idx.msk $0xffff, v49  }
0x277: {  	[hbm4b:s3+s22] =	stream.strided.scatter [tilespmem:s25], [sflag:$0x7], $0x2000, s23, s22, $0x38;
	[tilespmem:$0x1A400] =	vst v63  }
0x278: {  	_ =	swait.ge [sflag:s26], $0x2000  }
0x279: {  	s6 =	simm.s32 @!p0 $0x80;
	[sflag:s26] =	ssyncset.done $0x0  }
0x27a: {  	s15 =	simm.s32 @!p0 $0x8400;
	s3 =	sadd.s32 @!p0 $0x300, s12;
	[sflag:s26] =	ssyncadd.s32 $0xFFFFE000  }
0x27b: {  	[tilespmem:s15], [sflag:$0x2] =	stream.indirect.gather @!p0 [hbm4b:s4+s6], $0x40, s3, s6, $0xb8;
	[tilespmem:$0x1A400] =	vst v63  }
0x27c: {  	s3 =	simm.s32 @p1 $0x8  }
0x27d: {  	_ =	swait.ge @p1 [sflag:s3], $0x2000  }
0x27e: {  	v3 =	vld [tilespmem:$0x1FF00];
	_ =	sdelay $0x1  }
0x27f: {  	s6 =	simm.s32 $0x0  }
0x280: {  	v1 =	vadd.s32 s6, v0  }
0x281: {  	v2 =	vand.u32 $0x38, v1  }
0x282: {  	v4 =	vld [tilespmem:$0x1FF10];
	v3 =	vor.u32 v3, v2;
	_ =	sdelay $0x2  }
0x283: {  	[sflag:s3] =	ssyncset.done @p1 $0x0;
	v1 =	vshll.u32 v1, $0x7  }
0x284: {  	[sflag:s3] =	ssyncadd.s32 @p1 $0xFFFFE000;
	v1 =	vand.u32 $0x1C00, v1  }
0x285: {  	v4 =	vor.u32 v4, v1;
	v3 =	vld.idx.msk [tilespmem:v3+s16+$0x0], $0xffff  }
0x286: {  	v5 =	vld [tilespmem:$0x1FF20];
	_ =	sdelay $0x2  }
0x287: {  	s15 =	simm.s32 $0x7  }
0x288: {  	v6 =	vadd.s32 s15, v0;
	[tilespmem:v4+s28+$0x0] =	vst.idx.msk $0xffff, v3  }
0x289: {  	v8 =	vand.u32 $0x3F, v6;
	v5 =	vor.u32 v5, v2;
	v4 =	vshll.u32 v6, $0x7;
	v6 =	vld [tilespmem:$0x1FF30];
	_ =	sdelay $0x4  }
0x28a: {  	v5 =	vld.idx.msk [tilespmem:v5+s16+$0x0], $0xffff;
	v6 =	vor.u32 v6, v1  }
0x28b: {  	v61 =	vld [tilespmem:$0x1FF40]  }
0x28c: {  	s17 =	simm.s32 $0x6  }
0x28d: {  	v7 =	vadd.s32 s17, v0  }
0x28e: {  	v50 =	vand.u32 $0x3F, v7;
	v60 =	vor.u32 v14, v8  }
0x28f: {  	v3 =	vor.u32 v14, v50;
	[tilespmem:v6+s28+$0x0] =	vst.idx.msk $0xffff, v5  }
0x290: {  	v7 =	vshll.u32 v7, $0x7;
	v11 =	vor.u32 v61, v2;
	v6 =	vld [tilespmem:$0x1FF50]  }
0x291: {  	v15 =	vor.u32 v0, v7;
	v12 =	vor.u32 v0, v4;
	v13 =	vand.u32 $0x1C00, v4  }
0x292: {  	v62 =	vand.u32 $0x1C00, v7;
	v12 =	vand.u32 $0x388, v12;
	v13 =	vor.u32 v18, v13  }
0x293: {  	v15 =	vand.u32 $0x388, v15;
	v37 =	vor.u32 v18, v62;
	v10 =	vld.idx.msk [tilespmem:v60+s16+$0x0], $0xffff;
	v12 =	vor.u32 v12, v13  }
0x294: {  	v15 =	vor.u32 v15, v37;
	v3 =	vld.idx.msk [tilespmem:v3+s16+$0x0], $0xffff  }
0x295: {  	v5 =	vld.idx.msk [tilespmem:v11+s16+$0x0], $0xffff;
	v6 =	vor.u32 v6, v1  }
0x296: {  	v16 =	vld [tilespmem:$0x1FF60];
	_ =	sdelay $0x1  }
0x297: {  	[tilespmem:v12+s28+$0x0] =	vst.idx.msk $0xffff, v10  }
0x298: {  	v63 =	vor.u32 v19, v8;
	[tilespmem:v15+s28+$0x0] =	vst.idx.msk $0xffff, v3  }
0x299: {  	v36 =	vor.u32 v19, v50;
	[tilespmem:v6+s28+$0x0] =	vst.idx.msk $0xffff, v5  }
0x29a: {  	v39 =	vor.u32 v16, v2;
	v6 =	vld [tilespmem:$0x1FF70]  }
0x29b: {  	v38 =	vor.u32 v20, v4  }
0x29c: {  	v40 =	vor.u32 v20, v7;
	v11 =	vand.u32 $0x398, v38  }
0x29d: {  	v10 =	vand.u32 $0x398, v40;
	v3 =	vld.idx.msk [tilespmem:v63+s16+$0x0], $0xffff;
	v11 =	vor.u32 v11, v13  }
0x29e: {  	v12 =	vld.idx.msk [tilespmem:v36+s16+$0x0], $0xffff;
	v10 =	vor.u32 v10, v37  }
0x29f: {  	v5 =	vld.idx.msk [tilespmem:v39+s16+$0x0], $0xffff;
	v6 =	vor.u32 v6, v1  }
0x2a0: {  	v16 =	vld [tilespmem:$0x1FF80];
	_ =	sdelay $0x1  }
0x2a1: {  	[tilespmem:v11+s28+$0x0] =	vst.idx.msk $0xffff, v3  }
0x2a2: {  	[tilespmem:v10+s28+$0x0] =	vst.idx.msk $0xffff, v12  }
0x2a3: {  	v15 =	vor.u32 v21, v8;
	[tilespmem:v6+s28+$0x0] =	vst.idx.msk $0xffff, v5  }
0x2a4: {  	v43 =	vor.u32 v16, v2;
	v16 =	vld [tilespmem:$0x1FF90]  }
0x2a5: {  	v41 =	vor.u32 v21, v50;
	_ =	sdelay $0x1  }
0x2a6: {  	v42 =	vor.u32 v22, v4  }
0x2a7: {  	v44 =	vand.u32 $0x3A8, v42;
	v3 =	vor.u32 v22, v7;
	v45 =	vld.idx.msk [tilespmem:v15+s16+$0x0], $0xffff  }
0x2a8: {  	v11 =	vor.u32 v44, v13;
	v3 =	vand.u32 $0x3A8, v3;
	v46 =	vor.u32 v16, v1;
	v16 =	vld [tilespmem:$0x1FFC0]  }
0x2a9: {  	v12 =	vld.idx.msk [tilespmem:v41+s16+$0x0], $0xffff;
	v3 =	vor.u32 v3, v37  }
0x2aa: {  	v15 =	vor.u32 v23, v8  }
0x2ab: {  	v5 =	vor.u32 v23, v50  }
0x2ac: {  	v6 =	vld.idx.msk [tilespmem:v43+s16+$0x0], $0xffff  }
0x2ad: {  	v55 =	vor.u32 v24, v4;
	v47 =	vor.u32 v16, v2;
	v16 =	vld [tilespmem:$0x1FFE0];
	[tilespmem:v11+s28+$0x0] =	vst.idx.msk $0xffff, v45  }
0x2ae: {  	v9 =	vor.u32 v29, v50;
	v10 =	vand.u32 $0x3B8, v55;
	v11 =	vld [tilespmem:$0x1FFA0];
	[tilespmem:v3+s28+$0x0] =	vst.idx.msk $0xffff, v12;
	v3 =	vor.u32 v24, v7  }
0x2af: {  	v34 =	vor.u32 v31, v8;
	v10 =	vor.u32 v10, v13;
	v56 =	vld.idx.msk [tilespmem:v15+s16+$0x0], $0xffff;
	v3 =	vand.u32 $0x3B8, v3  }
0x2b0: {  	v57 =	vor.u32 v30, v4;
	v15 =	vor.u32 v25, v8;
	v5 =	vld.idx.msk [tilespmem:v5+s16+$0x0], $0xffff;
	v3 =	vor.u32 v3, v37  }
0x2b1: {  	v58 =	vor.u32 v32, v4;
	v52 =	vor.u32 v28, v4;
	v4 =	vor.u32 v26, v4;
	v12 =	vld [tilespmem:$0x1FFF0]  }
0x2b2: {  	v40 =	vor.u32 v16, v2;
	v16 =	vld [tilespmem:$0x1FFD0];
	[tilespmem:v46+s28+$0x0] =	vst.idx.msk $0xffff, v6;
	v6 =	vor.u32 v25, v50  }
0x2b3: {  	v59 =	vor.u32 v27, v8;
	v4 =	vand.u32 $0x3C8, v4;
	v2 =	vor.u32 v11, v2;
	v17 =	vld [tilespmem:$0x1FFB0]  }
0x2b4: {  	v54 =	vand.u32 $0x3E8, v57;
	v57 =	vor.u32 v32, v7;
	v4 =	vor.u32 v4, v13;
	[tilespmem:v10+s28+$0x0] =	vst.idx.msk $0xffff, v56  }
0x2b5: {  	v62 =	vor.u32 v54, v13;
	v15 =	vld.idx.msk [tilespmem:v15+s16+$0x0], $0xffff;
	[tilespmem:v3+s28+$0x0] =	vst.idx.msk $0xffff, v5;
	v3 =	vor.u32 v26, v7  }
0x2b6: {  	s15 =	simm.s32 $0x5;
	v36 =	vor.u32 v31, v50;
	v55 =	vand.u32 $0x3F8, v58;
	v3 =	vand.u32 $0x3C8, v3  }
0x2b7: {  	v58 =	vadd.s32 s15, v0;
	v53 =	vor.u32 v12, v1;
	v6 =	vld.idx.msk [tilespmem:v6+s16+$0x0], $0xffff;
	v3 =	vor.u32 v3, v37  }
0x2b8: {  	v5 =	vand.u32 $0x3D8, v52;
	v12 =	vor.u32 v16, v1;
	v1 =	vor.u32 v17, v1;
	v2 =	vld.idx.msk [tilespmem:v2+s16+$0x0], $0xffff  }
0x2b9: {  	v33 =	vor.u32 v55, v13;
	v5 =	vor.u32 v5, v13;
	v13 =	vor.u32 v27, v50  }
0x2ba: {  	v8 =	vor.u32 v29, v8;
	v56 =	vor.u32 v30, v7;
	[tilespmem:v4+s28+$0x0] =	vst.idx.msk $0xffff, v15;
	v4 =	vshll.u32 v58, $0x7  }
0x2bb: {  	v7 =	vor.u32 v28, v7;
	v42 =	vor.u32 v30, v4;
	v38 =	vor.u32 v32, v4  }
0x2bc: {  	v51 =	vor.u32 v24, v4;
	v49 =	vor.u32 v26, v4;
	[tilespmem:v3+s28+$0x0] =	vst.idx.msk $0xffff, v6  }
0x2bd: {  	s17 =	simm.s32 $0x4;
	v61 =	vor.u32 v22, v4;
	v3 =	vor.u32 v0, v4;
	[tilespmem:v1+s28+$0x0] =	vst.idx.msk $0xffff, v2;
	v1 =	vand.u32 $0x3D8, v7  }
0x2be: {  	v2 =	vand.u32 $0x3E8, v56;
	v7 =	vand.u32 $0x3F8, v57;
	v11 =	vld.idx.msk [tilespmem:v13+s16+$0x0], $0xffff;
	v13 =	vadd.s32 s17, v0  }
0x2bf: {  	v3 =	vand.u32 $0x388, v3;
	v50 =	vor.u32 v2, v37;
	v6 =	vor.u32 v1, v37;
	v1 =	vld.idx.msk [tilespmem:v47+s16+$0x0], $0xffff  }
0x2c0: {  	v35 =	vor.u32 v7, v37;
	v7 =	vand.u32 $0x3F, v58;
	v47 =	vor.u32 v28, v4  }
0x2c1: {  	v10 =	vld.idx.msk [tilespmem:v59+s16+$0x0], $0xffff;
	v2 =	vor.u32 v20, v4;
	v4 =	vand.u32 $0x1C00, v4;
	v37 =	vor.u32 v31, v7  }
0x2c2: {  	v46 =	vor.u32 v27, v7;
	v43 =	vor.u32 v29, v7;
	v48 =	vor.u32 v25, v7  }
0x2c3: {  	v60 =	vor.u32 v21, v7;
	v52 =	vor.u32 v23, v7;
	v63 =	vor.u32 v19, v7  }
0x2c4: {  	s6 =	simm.s32 $0x3;
	v44 =	vand.u32 $0x3F, v13;
	v54 =	vor.u32 v14, v7;
	v39 =	vor.u32 v18, v4;
	[tilespmem:v12+s28+$0x0] =	vst.idx.msk $0xffff, v1  }
0x2c5: {  	v55 =	vor.u32 v14, v44;
	v7 =	vadd.s32 s6, v0;
	v56 =	vld.idx.msk [tilespmem:v40+s16+$0x0], $0xffff;
	v40 =	vshll.u32 v13, $0x7  }
0x2c6: {  	[tilespmem:v5+s28+$0x0] =	vst.idx.msk $0xffff, v10;
	v3 =	vor.u32 v3, v39;
	v4 =	vor.u32 v0, v40;
	v59 =	vand.u32 $0x1C00, v40  }
0x2c7: {  	s15 =	simm.s32 $0x2;
	v5 =	vld.idx.msk [tilespmem:v8+s16+$0x0], $0xffff;
	v45 =	vand.u32 $0x3F, v7;
	[tilespmem:v6+s28+$0x0] =	vst.idx.msk $0xffff, v11;
	v4 =	vand.u32 $0x388, v4;
	v41 =	vor.u32 v18, v59  }
0x2c8: {  	s17 =	simm.s32 $0x1;
	v1 =	vor.u32 v19, v44;
	v6 =	vadd.s32 s15, v0;
	s15 =	simm.s32 $0x8;
	v57 =	vld.idx.msk [tilespmem:v9+s16+$0x0], $0xffff;
	v4 =	vor.u32 v4, v41  }
.LBB2_7:
0x2c9: {  	v8 =	vadd.s32 s17, v0  }
0x2ca: {  	v59 =	vand.u32 $0x3F, v6;
	v9 =	vor.u32 v14, v45;
	v2 =	vand.u32 $0x398, v2  }
0x2cb: {  	v58 =	vand.u32 $0x3F, v8;
	v10 =	vor.u32 v14, v59;
	[tilespmem:v53+s28+$0x0] =	vst.idx.msk $0xffff, v56;
	v56 =	vshll.u32 v7, $0x7  }
0x2cc: {  	v7 =	vor.u32 v14, v58;
	v11 =	vor.u32 v0, v56;
	v12 =	vand.u32 $0x1C00, v56  }
0x2cd: {  	v13 =	vld.idx.msk [tilespmem:v54+s16+$0x0], $0xffff;
	v53 =	vshll.u32 v6, $0x7;
	v6 =	vand.u32 $0x388, v11;
	v54 =	vor.u32 v18, v12;
	[tilespmem:v62+s28+$0x0] =	vst.idx.msk $0xffff, v5  }
0x2ce: {  	v5 =	vor.u32 v0, v53;
	v11 =	vor.u32 v19, v45;
	v12 =	vld.idx.msk [tilespmem:v55+s16+$0x0], $0xffff;
	v55 =	vshll.u32 v8, $0x7  }
0x2cf: {  	v8 =	vand.u32 $0x1C00, v53;
	[tilespmem:v50+s28+$0x0] =	vst.idx.msk $0xffff, v57;
	v6 =	vor.u32 v6, v54;
	v5 =	vand.u32 $0x388, v5  }
0x2d0: {  	v9 =	vld.idx.msk [tilespmem:v9+s16+$0x0], $0xffff;
	v15 =	vor.u32 v0, v55;
	v62 =	vand.u32 $0x1C00, v55;
	v57 =	vor.u32 v18, v8  }
0x2d1: {  	v10 =	vld.idx.msk [tilespmem:v10+s16+$0x0], $0xffff;
	v8 =	vand.u32 $0x388, v15;
	v50 =	vor.u32 v18, v62;
	v5 =	vor.u32 v5, v57  }
0x2d2: {  	v2 =	vor.u32 v2, v39;
	v7 =	vld.idx.msk [tilespmem:v7+s16+$0x0], $0xffff;
	v8 =	vor.u32 v8, v50  }
0x2d3: {  	[tilespmem:v3+s28+$0x0] =	vst.idx.msk $0xffff, v13;
	v3 =	vor.u32 v19, v58;
	v15 =	vor.u32 v19, v59  }
0x2d4: {  	v13 =	vor.u32 v20, v40;
	v62 =	vld.idx.msk [tilespmem:v63+s16+$0x0], $0xffff;
	v63 =	vor.u32 v20, v56;
	[tilespmem:v4+s28+$0x0] =	vst.idx.msk $0xffff, v12  }
0x2d5: {  	v4 =	vand.u32 $0x398, v13;
	v12 =	vor.u32 v21, v44;
	[tilespmem:v6+s28+$0x0] =	vst.idx.msk $0xffff, v9;
	v6 =	vand.u32 $0x398, v63;
	v1 =	vld.idx.msk [tilespmem:v1+s16+$0x0], $0xffff  }
0x2d6: {  	v4 =	vor.u32 v4, v41;
	[tilespmem:v5+s28+$0x0] =	vst.idx.msk $0xffff, v10;
	v5 =	vor.u32 v20, v53;
	v9 =	vld.idx.msk [tilespmem:v11+s16+$0x0], $0xffff  }
0x2d7: {  	v6 =	vor.u32 v6, v54;
	[tilespmem:v8+s28+$0x0] =	vst.idx.msk $0xffff, v7;
	v7 =	vor.u32 v20, v55;
	v5 =	vand.u32 $0x398, v5  }
0x2d8: {  	v13 =	vor.u32 v21, v58;
	v8 =	vld.idx.msk [tilespmem:v15+s16+$0x0], $0xffff;
	v7 =	vand.u32 $0x398, v7;
	v5 =	vor.u32 v5, v57  }
0x2d9: {  	v10 =	vor.u32 v21, v45;
	v11 =	vor.u32 v21, v59;
	v3 =	vld.idx.msk [tilespmem:v3+s16+$0x0], $0xffff;
	v7 =	vor.u32 v7, v50  }
0x2da: {  	[tilespmem:v2+s28+$0x0] =	vst.idx.msk $0xffff, v62;
	v2 =	vand.u32 $0x3A8, v61;
	v61 =	vor.u32 v22, v56;
	v15 =	vor.u32 v22, v40  }
0x2db: {  	v60 =	vld.idx.msk [tilespmem:v60+s16+$0x0], $0xffff;
	v2 =	vor.u32 v2, v39;
	[tilespmem:v4+s28+$0x0] =	vst.idx.msk $0xffff, v1;
	v1 =	vand.u32 $0x3A8, v15  }
0x2dc: {  	v62 =	vor.u32 v24, v56;
	[tilespmem:v6+s28+$0x0] =	vst.idx.msk $0xffff, v9;
	v6 =	vand.u32 $0x3A8, v61;
	v1 =	vor.u32 v1, v41  }
0x2dd: {  	v63 =	vld.idx.msk [tilespmem:v12+s16+$0x0], $0xffff;
	v6 =	vor.u32 v6, v54;
	[tilespmem:v5+s28+$0x0] =	vst.idx.msk $0xffff, v8;
	v5 =	vor.u32 v22, v53  }
0x2de: {  	v8 =	vld.idx.msk [tilespmem:v10+s16+$0x0], $0xffff;
	[tilespmem:v7+s28+$0x0] =	vst.idx.msk $0xffff, v3;
	v3 =	vor.u32 v22, v55;
	v5 =	vand.u32 $0x3A8, v5  }
0x2df: {  	v4 =	vor.u32 v23, v44;
	v7 =	vld.idx.msk [tilespmem:v11+s16+$0x0], $0xffff;
	v3 =	vand.u32 $0x3A8, v3;
	v5 =	vor.u32 v5, v57  }
0x2e0: {  	[tilespmem:v2+s28+$0x0] =	vst.idx.msk $0xffff, v60;
	v11 =	vor.u32 v23, v45;
	v10 =	vld.idx.msk [tilespmem:v13+s16+$0x0], $0xffff;
	v3 =	vor.u32 v3, v50  }
0x2e1: {  	v15 =	vor.u32 v24, v40;
	v12 =	vor.u32 v23, v59;
	v2 =	vand.u32 $0x3B8, v51;
	v61 =	vld.idx.msk [tilespmem:v52+s16+$0x0], $0xffff  }
0x2e2: {  	v2 =	vor.u32 v2, v39;
	v13 =	vor.u32 v23, v58;
	[tilespmem:v1+s28+$0x0] =	vst.idx.msk $0xffff, v63;
	v1 =	vand.u32 $0x3B8, v15  }
0x2e3: {  	v63 =	vor.u32 v25, v44;
	v1 =	vor.u32 v1, v41;
	[tilespmem:v6+s28+$0x0] =	vst.idx.msk $0xffff, v8;
	v6 =	vand.u32 $0x3B8, v62  }
0x2e4: {  	v4 =	vld.idx.msk [tilespmem:v4+s16+$0x0], $0xffff;
	v6 =	vor.u32 v6, v54;
	[tilespmem:v5+s28+$0x0] =	vst.idx.msk $0xffff, v7;
	v5 =	vor.u32 v24, v53  }
0x2e5: {  	v7 =	vld.idx.msk [tilespmem:v11+s16+$0x0], $0xffff;
	[tilespmem:v3+s28+$0x0] =	vst.idx.msk $0xffff, v10;
	v3 =	vor.u32 v24, v55;
	v5 =	vand.u32 $0x3B8, v5  }
0x2e6: {  	v8 =	vld.idx.msk [tilespmem:v12+s16+$0x0], $0xffff;
	v3 =	vand.u32 $0x3B8, v3;
	v5 =	vor.u32 v5, v57  }
0x2e7: {  	[tilespmem:v2+s28+$0x0] =	vst.idx.msk $0xffff, v61;
	v10 =	vld.idx.msk [tilespmem:v13+s16+$0x0], $0xffff;
	v3 =	vor.u32 v3, v50  }
0x2e8: {  	v15 =	vor.u32 v26, v40;
	v2 =	vand.u32 $0x3C8, v49;
	v48 =	vld.idx.msk [tilespmem:v48+s16+$0x0], $0xffff;
	v12 =	vor.u32 v25, v59  }
0x2e9: {  	v2 =	vor.u32 v2, v39;
	v13 =	vor.u32 v25, v58;
	[tilespmem:v1+s28+$0x0] =	vst.idx.msk $0xffff, v4;
	v1 =	vand.u32 $0x3C8, v15  }
0x2ea: {  	v1 =	vor.u32 v1, v41;
	[tilespmem:v6+s28+$0x0] =	vst.idx.msk $0xffff, v7;
	v7 =	vld.idx.msk [tilespmem:v63+s16+$0x0], $0xffff  }
0x2eb: {  	v4 =	vor.u32 v27, v44;
	[tilespmem:v5+s28+$0x0] =	vst.idx.msk $0xffff, v8;
	v5 =	vor.u32 v26, v53  }
0x2ec: {  	v60 =	vor.u32 v25, v45;
	[tilespmem:v3+s28+$0x0] =	vst.idx.msk $0xffff, v10;
	v3 =	vor.u32 v26, v55;
	v5 =	vand.u32 $0x3C8, v5  }
0x2ed: {  	v61 =	vor.u32 v26, v56;
	v62 =	vld.idx.msk [tilespmem:v12+s16+$0x0], $0xffff;
	v3 =	vand.u32 $0x3C8, v3;
	v5 =	vor.u32 v5, v57  }
0x2ee: {  	v15 =	vor.u32 v28, v40;
	[tilespmem:v2+s28+$0x0] =	vst.idx.msk $0xffff, v48;
	v10 =	vld.idx.msk [tilespmem:v13+s16+$0x0], $0xffff;
	v3 =	vor.u32 v3, v50  }
0x2ef: {  	v2 =	vand.u32 $0x3D8, v47;
	v12 =	vor.u32 v27, v59;
	[tilespmem:v1+s28+$0x0] =	vst.idx.msk $0xffff, v7;
	v1 =	vand.u32 $0x3D8, v15  }
0x2f0: {  	v6 =	vand.u32 $0x3C8, v61;
	v13 =	vor.u32 v27, v58;
	v4 =	vld.idx.msk [tilespmem:v4+s16+$0x0], $0xffff;
	v1 =	vor.u32 v1, v41  }
0x2f1: {  	v63 =	vor.u32 v27, v45;
	v46 =	vld.idx.msk [tilespmem:v46+s16+$0x0], $0xffff;
	v2 =	vor.u32 v2, v39;
	v7 =	vor.u32 v29, v44  }
0x2f2: {  	v6 =	vor.u32 v6, v54;
	[tilespmem:v5+s28+$0x0] =	vst.idx.msk $0xffff, v62;
	v5 =	vor.u32 v28, v53  }
0x2f3: {  	v8 =	vld.idx.msk [tilespmem:v60+s16+$0x0], $0xffff;
	[tilespmem:v3+s28+$0x0] =	vst.idx.msk $0xffff, v10;
	v3 =	vor.u32 v28, v55;
	v5 =	vand.u32 $0x3D8, v5  }
0x2f4: {  	v15 =	vor.u32 v30, v40;
	v9 =	vld.idx.msk [tilespmem:v12+s16+$0x0], $0xffff;
	v3 =	vand.u32 $0x3D8, v3;
	v5 =	vor.u32 v5, v57  }
0x2f5: {  	v10 =	vld.idx.msk [tilespmem:v13+s16+$0x0], $0xffff;
	[tilespmem:v1+s28+$0x0] =	vst.idx.msk $0xffff, v4;
	v1 =	vand.u32 $0x3E8, v15;
	v3 =	vor.u32 v3, v50  }
0x2f6: {  	[tilespmem:v2+s28+$0x0] =	vst.idx.msk $0xffff, v46;
	v12 =	vor.u32 v29, v59;
	v7 =	vld.idx.msk [tilespmem:v7+s16+$0x0], $0xffff;
	v1 =	vor.u32 v1, v41  }
0x2f7: {  	v51 =	vor.u32 v29, v45;
	v49 =	vor.u32 v28, v56;
	v52 =	vld.idx.msk [tilespmem:v43+s16+$0x0], $0xffff;
	v4 =	vor.u32 v31, v44  }
0x2f8: {  	v43 =	vor.u32 v32, v40;
	[tilespmem:v6+s28+$0x0] =	vst.idx.msk $0xffff, v8;
	v6 =	vand.u32 $0x3D8, v49;
	v13 =	vor.u32 v29, v58  }
0x2f9: {  	v8 =	vld.idx.msk [tilespmem:v63+s16+$0x0], $0xffff;
	v6 =	vor.u32 v6, v54;
	[tilespmem:v5+s28+$0x0] =	vst.idx.msk $0xffff, v9;
	v5 =	vor.u32 v30, v53  }
0x2fa: {  	v15 =	vld.idx.msk [tilespmem:v34+s16+$0x0], $0xffff;
	[tilespmem:v3+s28+$0x0] =	vst.idx.msk $0xffff, v10;
	v3 =	vor.u32 v30, v55;
	v5 =	vand.u32 $0x3E8, v5  }
0x2fb: {  	v9 =	vld.idx.msk [tilespmem:v12+s16+$0x0], $0xffff;
	[tilespmem:v1+s28+$0x0] =	vst.idx.msk $0xffff, v7;
	v1 =	vand.u32 $0x3F8, v43;
	v5 =	vor.u32 v5, v57  }
0x2fc: {  	v3 =	vand.u32 $0x3E8, v3;
	v4 =	vld.idx.msk [tilespmem:v4+s16+$0x0], $0xffff;
	v1 =	vor.u32 v1, v41  }
0x2fd: {  	v62 =	vld.idx.msk [tilespmem:v13+s16+$0x0], $0xffff;
	v13 =	vor.u32 v31, v59;
	v3 =	vor.u32 v3, v50  }
0x2fe: {  	[tilespmem:v6+s28+$0x0] =	vst.idx.msk $0xffff, v8  }
0x2ff: {  	v60 =	vor.u32 v30, v56;
	v63 =	vor.u32 v31, v58;
	[tilespmem:v33+s28+$0x0] =	vst.idx.msk $0xffff, v15  }
0x300: {  	v6 =	vand.u32 $0x3E8, v60;
	v8 =	vld.idx.msk [tilespmem:v51+s16+$0x0], $0xffff;
	[tilespmem:v5+s28+$0x0] =	vst.idx.msk $0xffff, v9  }
0x301: {  	v6 =	vor.u32 v6, v54;
	v15 =	vld [tilespmem:$0x1FF00];
	v12 =	vor.u32 v31, v45;
	v45 =	vadd.s32 s15, v0;
	[tilespmem:v1+s28+$0x0] =	vst.idx.msk $0xffff, v4  }
0x302: {  	v2 =	vand.u32 $0x3E8, v42;
	v1 =	vshll.u32 v45, $0x7;
	[tilespmem:v3+s28+$0x0] =	vst.idx.msk $0xffff, v62;
	v3 =	vor.u32 v32, v55;
	v46 =	vld.idx.msk [tilespmem:v13+s16+$0x0], $0xffff  }
0x303: {  	v2 =	vor.u32 v2, v39;
	v4 =	vand.u32 $0x1C00, v1;
	v1 =	vld [tilespmem:$0x1FF10];
	v3 =	vand.u32 $0x3F8, v3  }
0x304: {  	v13 =	vld.idx.msk [tilespmem:v63+s16+$0x0], $0xffff;
	v3 =	vor.u32 v3, v50;
	_ =	sdelay $0x1  }
0x305: {  	[tilespmem:v6+s28+$0x0] =	vst.idx.msk $0xffff, v8  }
0x306: {  	v8 =	vld.idx.msk [tilespmem:v12+s16+$0x0], $0xffff;
	v12 =	vand.u32 $0x38, v45;
	v5 =	vor.u32 v32, v53  }
0x307: {  	[tilespmem:v2+s28+$0x0] =	vst.idx.msk $0xffff, v52;
	v2 =	vld.idx.msk [tilespmem:v36+s16+$0x0], $0xffff;
	v15 =	vor.u32 v15, v12;
	v5 =	vand.u32 $0x3F8, v5  }
0x308: {  	v5 =	vor.u32 v5, v57;
	[tilespmem:v3+s28+$0x0] =	vst.idx.msk $0xffff, v13;
	v3 =	vor.u32 v1, v4;
	v1 =	vld [tilespmem:$0x1FF20];
	_ =	sdelay $0x2  }
0x309: {  	v44 =	vor.u32 v32, v56  }
0x30a: {  	[tilespmem:v35+s28+$0x0] =	vst.idx.msk $0xffff, v2;
	v6 =	vand.u32 $0x3F8, v44;
	v2 =	vld.idx.msk [tilespmem:v15+s16+$0x0], $0xffff  }
0x30b: {  	v6 =	vor.u32 v6, v54;
	[tilespmem:v5+s28+$0x0] =	vst.idx.msk $0xffff, v46;
	v5 =	vor.u32 v1, v12  }
0x30c: {  	v61 =	vand.u32 $0x3F8, v38  }
0x30d: {  	v10 =	vor.u32 v61, v39;
	v7 =	vld.idx.msk [tilespmem:v37+s16+$0x0], $0xffff;
	_ =	sdelay $0x1  }
0x30e: {  	s3 =	sadd.s32 $0x7, s15;
	v48 =	vld [tilespmem:$0x1FF40];
	[tilespmem:v3+s28+$0x0] =	vst.idx.msk $0xffff, v2  }
0x30f: {  	[tilespmem:v6+s28+$0x0] =	vst.idx.msk $0xffff, v8;
	v6 =	vadd.s32 s3, v0;
	v3 =	vld.idx.msk [tilespmem:v5+s16+$0x0], $0xffff  }
0x310: {  	s6 =	sadd.s32 $0x6, s15;
	v8 =	vand.u32 $0x3F, v6;
	v5 =	vshll.u32 v6, $0x7;
	v6 =	vld [tilespmem:$0x1FF30]  }
0x311: {  	[tilespmem:v10+s28+$0x0] =	vst.idx.msk $0xffff, v7;
	v7 =	vadd.s32 s6, v0  }
0x312: {  	v47 =	vor.u32 v14, v8;
	v1 =	vand.u32 $0x3F, v7  }
0x313: {  	v2 =	vor.u32 v14, v1;
	_ =	sdelay $0x1  }
0x314: {  	v54 =	vld [tilespmem:$0x1FF60];
	v10 =	vor.u32 v48, v12;
	v7 =	vshll.u32 v7, $0x7;
	v6 =	vor.u32 v6, v4  }
0x315: {  	v53 =	vld [tilespmem:$0x1FF50];
	v15 =	vor.u32 v0, v7;
	v49 =	vor.u32 v0, v5;
	v13 =	vand.u32 $0x1C00, v5  }
0x316: {  	v9 =	vld.idx.msk [tilespmem:v47+s16+$0x0], $0xffff;
	v50 =	vand.u32 $0x1C00, v7;
	v11 =	vand.u32 $0x388, v49;
	v13 =	vor.u32 v18, v13  }
0x317: {  	v15 =	vand.u32 $0x388, v15;
	v51 =	vld.idx.msk [tilespmem:v2+s16+$0x0], $0xffff;
	v2 =	vor.u32 v18, v50;
	v11 =	vor.u32 v11, v13  }
0x318: {  	v52 =	vor.u32 v19, v8;
	v15 =	vor.u32 v15, v2  }
0x319: {  	v58 =	vld [tilespmem:$0x1FF70];
	[tilespmem:v6+s28+$0x0] =	vst.idx.msk $0xffff, v3;
	v3 =	vor.u32 v19, v1  }
0x31a: {  	v43 =	vld [tilespmem:$0x1FFC0]  }
0x31b: {  	v55 =	vor.u32 v20, v5;
	v6 =	vld.idx.msk [tilespmem:v10+s16+$0x0], $0xffff;
	v10 =	vor.u32 v53, v4  }
0x31c: {  	v59 =	vld [tilespmem:$0x1FF80];
	v35 =	vor.u32 v54, v12;
	v56 =	vor.u32 v20, v7;
	[tilespmem:v11+s28+$0x0] =	vst.idx.msk $0xffff, v9;
	v9 =	vand.u32 $0x398, v55  }
0x31d: {  	[tilespmem:v15+s28+$0x0] =	vst.idx.msk $0xffff, v51;
	v11 =	vand.u32 $0x398, v56;
	v15 =	vld.idx.msk [tilespmem:v52+s16+$0x0], $0xffff;
	v9 =	vor.u32 v9, v13  }
0x31e: {  	v11 =	vor.u32 v11, v2;
	v3 =	vld.idx.msk [tilespmem:v3+s16+$0x0], $0xffff  }
0x31f: {  	v44 =	vld [tilespmem:$0x1FFE0];
	v57 =	vor.u32 v21, v8  }
0x320: {  	[tilespmem:v10+s28+$0x0] =	vst.idx.msk $0xffff, v6;
	v6 =	vor.u32 v21, v1  }
0x321: {  	v42 =	vld [tilespmem:$0x1FF90];
	v37 =	vor.u32 v43, v12  }
0x322: {  	v34 =	vor.u32 v58, v4;
	v60 =	vor.u32 v22, v5;
	[tilespmem:v9+s28+$0x0] =	vst.idx.msk $0xffff, v15;
	v10 =	vld.idx.msk [tilespmem:v35+s16+$0x0], $0xffff  }
0x323: {  	v45 =	vld [tilespmem:$0x1FFA0];
	v9 =	vand.u32 $0x3A8, v60;
	v35 =	vor.u32 v59, v12;
	[tilespmem:v11+s28+$0x0] =	vst.idx.msk $0xffff, v3;
	v3 =	vor.u32 v22, v7  }
0x324: {  	v39 =	vor.u32 v44, v12;
	v61 =	vld.idx.msk [tilespmem:v57+s16+$0x0], $0xffff;
	v9 =	vor.u32 v9, v13;
	v3 =	vand.u32 $0x3A8, v3  }
0x325: {  	v40 =	vor.u32 v27, v8;
	v15 =	vor.u32 v23, v8;
	v6 =	vld.idx.msk [tilespmem:v6+s16+$0x0], $0xffff;
	v3 =	vor.u32 v3, v2  }
0x326: {  	v62 =	vor.u32 v23, v1;
	v48 =	vor.u32 v25, v1;
	v36 =	vor.u32 v31, v1  }
0x327: {  	v47 =	vld [tilespmem:$0x1FFF0];
	v46 =	vor.u32 v24, v5;
	v50 =	vor.u32 v32, v5;
	[tilespmem:v34+s28+$0x0] =	vst.idx.msk $0xffff, v10  }
0x328: {  	v49 =	vor.u32 v30, v5;
	v51 =	vor.u32 v28, v5;
	v34 =	vor.u32 v42, v4;
	v63 =	vld.idx.msk [tilespmem:v35+s16+$0x0], $0xffff  }
0x329: {  	v5 =	vor.u32 v26, v5;
	v12 =	vor.u32 v45, v12;
	[tilespmem:v9+s28+$0x0] =	vst.idx.msk $0xffff, v61;
	v9 =	vand.u32 $0x3B8, v46  }
0x32a: {  	v9 =	vor.u32 v9, v13;
	[tilespmem:v3+s28+$0x0] =	vst.idx.msk $0xffff, v6;
	v3 =	vor.u32 v24, v7;
	v6 =	vld.idx.msk [tilespmem:v15+s16+$0x0], $0xffff  }
0x32b: {  	v5 =	vand.u32 $0x3C8, v5;
	v15 =	vor.u32 v25, v8;
	v3 =	vand.u32 $0x3B8, v3  }
0x32c: {  	v52 =	vand.u32 $0x3F8, v50;
	v5 =	vor.u32 v5, v13;
	v10 =	vld.idx.msk [tilespmem:v62+s16+$0x0], $0xffff;
	v3 =	vor.u32 v3, v2  }
0x32d: {  	v33 =	vor.u32 v52, v13;
	v53 =	vor.u32 v47, v4;
	[tilespmem:v34+s28+$0x0] =	vst.idx.msk $0xffff, v63  }
0x32e: {  	v57 =	vor.u32 v29, v1;
	v11 =	vor.u32 v16, v4;
	v4 =	vor.u32 v17, v4;
	v12 =	vld.idx.msk [tilespmem:v12+s16+$0x0], $0xffff  }
0x32f: {  	v34 =	vor.u32 v31, v8;
	v8 =	vor.u32 v29, v8;
	[tilespmem:v9+s28+$0x0] =	vst.idx.msk $0xffff, v6;
	v6 =	vand.u32 $0x3E8, v49  }
0x330: {  	v54 =	vld.idx.msk [tilespmem:v15+s16+$0x0], $0xffff;
	v15 =	vand.u32 $0x3D8, v51;
	v62 =	vor.u32 v6, v13;
	v6 =	vor.u32 v30, v7  }
0x331: {  	[tilespmem:v3+s28+$0x0] =	vst.idx.msk $0xffff, v10;
	v3 =	vor.u32 v26, v7;
	v9 =	vor.u32 v15, v13  }
0x332: {  	v13 =	vor.u32 v32, v7;
	v15 =	vor.u32 v27, v1;
	v7 =	vor.u32 v28, v7  }
0x333: {  	s17 =	sadd.s32 $0x5, s15;
	[tilespmem:v4+s28+$0x0] =	vst.idx.msk $0xffff, v12;
	v4 =	vand.u32 $0x3E8, v6;
	v3 =	vand.u32 $0x3C8, v3;
	v1 =	vand.u32 $0x3D8, v7  }
0x334: {  	v6 =	vand.u32 $0x3F8, v13;
	v7 =	vadd.s32 s17, v0;
	v50 =	vor.u32 v4, v2  }
0x335: {  	v55 =	vld.idx.msk [tilespmem:v48+s16+$0x0], $0xffff;
	v3 =	vor.u32 v3, v2;
	v35 =	vor.u32 v6, v2;
	v6 =	vand.u32 $0x3F, v7  }
0x336: {  	v4 =	vld.idx.msk [tilespmem:v37+s16+$0x0], $0xffff;
	v10 =	vor.u32 v1, v2;
	v37 =	vor.u32 v31, v6;
	v46 =	vor.u32 v27, v6  }
0x337: {  	v43 =	vor.u32 v29, v6;
	v48 =	vor.u32 v25, v6;
	v60 =	vor.u32 v21, v6  }
0x338: {  	v52 =	vor.u32 v23, v6;
	v63 =	vor.u32 v19, v6;
	[tilespmem:v5+s28+$0x0] =	vst.idx.msk $0xffff, v54;
	v5 =	vshll.u32 v7, $0x7  }
0x339: {  	v54 =	vor.u32 v14, v6;
	v42 =	vor.u32 v30, v5;
	v38 =	vor.u32 v32, v5  }
0x33a: {  	v47 =	vor.u32 v28, v5;
	v7 =	vld.idx.msk [tilespmem:v40+s16+$0x0], $0xffff;
	v51 =	vor.u32 v24, v5;
	[tilespmem:v3+s28+$0x0] =	vst.idx.msk $0xffff, v55  }
0x33b: {  	s6 =	sadd.s32 $0x4, s15;
	v49 =	vor.u32 v26, v5;
	v61 =	vor.u32 v22, v5;
	v1 =	vor.u32 v0, v5;
	v12 =	vld.idx.msk [tilespmem:v15+s16+$0x0], $0xffff  }
0x33c: {  	p2 =	slt.u32 s15, $0x38;
	v2 =	vor.u32 v20, v5;
	[tilespmem:v11+s28+$0x0] =	vst.idx.msk $0xffff, v4;
	v4 =	vand.u32 $0x1C00, v5;
	v3 =	vadd.s32 s6, v0  }
.Ltmp2:
0x33d: {  	v5 =	vand.u32 $0x388, v1;
	v56 =	vld.idx.msk [tilespmem:v39+s16+$0x0], $0xffff;
	v39 =	vor.u32 v18, v4;
	v44 =	vand.u32 $0x3F, v3;
	(pc) =	sbr.rel @p2 .LBB2_7-.Ltmp2, $4  }
0x33e: {  	v40 =	vshll.u32 v3, $0x7;
	v3 =	vor.u32 v5, v39;
	v1 =	vor.u32 v19, v44  }
0x33f: {  	s17 =	sadd.s32 $0x3, s15;
	v55 =	vor.u32 v14, v44;
	v4 =	vor.u32 v0, v40;
	v6 =	vand.u32 $0x1C00, v40;
	[tilespmem:v9+s28+$0x0] =	vst.idx.msk $0xffff, v7  }
0x340: {  	s6 =	sadd.s32 $0x2, s15;
	v7 =	vadd.s32 s17, v0;
	v4 =	vand.u32 $0x388, v4;
	v41 =	vor.u32 v18, v6;
	v5 =	vld.idx.msk [tilespmem:v8+s16+$0x0], $0xffff;
	[tilespmem:v10+s28+$0x0] =	vst.idx.msk $0xffff, v12  }
0x341: {  	s17 =	sadd.s32 $0x1, s15;
	v6 =	vadd.s32 s6, v0;
	s15 =	sadd.s32 $0x8, s15;
	v45 =	vand.u32 $0x3F, v7;
	v4 =	vor.u32 v4, v41;
	v57 =	vld.idx.msk [tilespmem:v57+s16+$0x0], $0xffff  }
0x342: {  	_ =	sdelay $0x1  }
0x343: {  	v8 =	vadd.s32 s17, v0  }
0x344: {  	v17 =	vand.u32 $0x3F, v6;
	v9 =	vor.u32 v14, v45;
	v58 =	vshll.u32 v7, $0x7  }
0x345: {  	[tilespmem:v53+s28+$0x0] =	vst.idx.msk $0xffff, v56;
	v53 =	vshll.u32 v6, $0x7;
	v2 =	vand.u32 $0x398, v2;
	v59 =	vand.u32 $0x3F, v8  }
0x346: {  	v13 =	vld.idx.msk [tilespmem:v54+s16+$0x0], $0xffff;
	v10 =	vor.u32 v14, v17;
	v11 =	vor.u32 v0, v58;
	v12 =	vand.u32 $0x1C00, v58  }
0x347: {  	v56 =	vshll.u32 v8, $0x7;
	v8 =	vand.u32 $0x1C00, v53;
	v2 =	vor.u32 v2, v39  }
0x348: {  	v15 =	vld.idx.msk [tilespmem:v55+s16+$0x0], $0xffff;
	v7 =	vor.u32 v14, v59;
	v6 =	vand.u32 $0x388, v11;
	v16 =	vor.u32 v18, v12  }
0x349: {  	v11 =	vor.u32 v0, v53;
	v12 =	vor.u32 v19, v45;
	v6 =	vor.u32 v6, v16  }
0x34a: {  	v54 =	vand.u32 $0x1C00, v56;
	[tilespmem:v62+s28+$0x0] =	vst.idx.msk $0xffff, v5;
	v5 =	vand.u32 $0x388, v11;
	v62 =	vor.u32 v18, v8;
	v9 =	vld.idx.msk [tilespmem:v9+s16+$0x0], $0xffff  }
0x34b: {  	v11 =	vor.u32 v0, v56;
	v5 =	vor.u32 v5, v62;
	[tilespmem:v3+s28+$0x0] =	vst.idx.msk $0xffff, v13;
	v10 =	vld.idx.msk [tilespmem:v10+s16+$0x0], $0xffff  }
0x34c: {  	v54 =	vor.u32 v18, v54;
	v8 =	vand.u32 $0x388, v11;
	v3 =	vor.u32 v19, v17;
	v13 =	vld.idx.msk [tilespmem:v63+s16+$0x0], $0xffff  }
0x34d: {  	v8 =	vor.u32 v8, v54;
	[tilespmem:v4+s28+$0x0] =	vst.idx.msk $0xffff, v15;
	v4 =	vor.u32 v20, v40;
	v7 =	vld.idx.msk [tilespmem:v7+s16+$0x0], $0xffff  }
0x34e: {  	v11 =	vor.u32 v19, v59;
	v15 =	vor.u32 v20, v58;
	v4 =	vand.u32 $0x398, v4  }
0x34f: {  	v55 =	vand.u32 $0x398, v15;
	v1 =	vld.idx.msk [tilespmem:v1+s16+$0x0], $0xffff;
	v4 =	vor.u32 v4, v41;
	[tilespmem:v6+s28+$0x0] =	vst.idx.msk $0xffff, v9  }
0x350: {  	v6 =	vor.u32 v21, v44;
	v9 =	vor.u32 v55, v16;
	[tilespmem:v5+s28+$0x0] =	vst.idx.msk $0xffff, v10;
	v10 =	vld.idx.msk [tilespmem:v12+s16+$0x0], $0xffff  }
0x351: {  	v5 =	vor.u32 v20, v53;
	[tilespmem:v2+s28+$0x0] =	vst.idx.msk $0xffff, v13;
	v2 =	vand.u32 $0x3A8, v61;
	v3 =	vld.idx.msk [tilespmem:v3+s16+$0x0], $0xffff  }
0x352: {  	[tilespmem:v8+s28+$0x0] =	vst.idx.msk $0xffff, v7;
	v5 =	vand.u32 $0x398, v5;
	v55 =	vld.idx.msk [tilespmem:v60+s16+$0x0], $0xffff;
	v2 =	vor.u32 v2, v39  }
0x353: {  	v7 =	vor.u32 v20, v56;
	v8 =	vld.idx.msk [tilespmem:v11+s16+$0x0], $0xffff;
	v5 =	vor.u32 v5, v62;
	v11 =	vor.u32 v21, v45  }
0x354: {  	v15 =	vor.u32 v22, v40;
	v7 =	vand.u32 $0x398, v7  }
0x355: {  	v12 =	vor.u32 v21, v17;
	[tilespmem:v4+s28+$0x0] =	vst.idx.msk $0xffff, v1;
	v7 =	vor.u32 v7, v54  }
0x356: {  	v13 =	vor.u32 v21, v59;
	v60 =	vor.u32 v22, v58;
	[tilespmem:v9+s28+$0x0] =	vst.idx.msk $0xffff, v10  }
0x357: {  	v1 =	vand.u32 $0x3A8, v15;
	v4 =	vor.u32 v23, v44;
	v6 =	vld.idx.msk [tilespmem:v6+s16+$0x0], $0xffff;
	[tilespmem:v2+s28+$0x0] =	vst.idx.msk $0xffff, v55  }
0x358: {  	v63 =	vand.u32 $0x3A8, v60;
	v1 =	vor.u32 v1, v41;
	[tilespmem:v5+s28+$0x0] =	vst.idx.msk $0xffff, v3;
	v5 =	vld.idx.msk [tilespmem:v11+s16+$0x0], $0xffff  }
0x359: {  	v9 =	vor.u32 v63, v16;
	v2 =	vand.u32 $0x3B8, v51;
	v3 =	vor.u32 v22, v53;
	v51 =	vld.idx.msk [tilespmem:v52+s16+$0x0], $0xffff  }
0x35a: {  	v2 =	vor.u32 v2, v39;
	[tilespmem:v7+s28+$0x0] =	vst.idx.msk $0xffff, v8;
	v7 =	vor.u32 v22, v56;
	v3 =	vand.u32 $0x3A8, v3  }
0x35b: {  	v61 =	vor.u32 v23, v45;
	v8 =	vld.idx.msk [tilespmem:v12+s16+$0x0], $0xffff;
	v7 =	vand.u32 $0x3A8, v7;
	v3 =	vor.u32 v3, v62  }
0x35c: {  	v15 =	vor.u32 v24, v40;
	v63 =	vor.u32 v24, v58;
	v60 =	vld.idx.msk [tilespmem:v13+s16+$0x0], $0xffff;
	v7 =	vor.u32 v7, v54  }
0x35d: {  	v12 =	vor.u32 v23, v17;
	v13 =	vor.u32 v23, v59;
	[tilespmem:v1+s28+$0x0] =	vst.idx.msk $0xffff, v6  }
0x35e: {  	v1 =	vand.u32 $0x3B8, v15;
	v6 =	vor.u32 v25, v44;
	v4 =	vld.idx.msk [tilespmem:v4+s16+$0x0], $0xffff;
	[tilespmem:v9+s28+$0x0] =	vst.idx.msk $0xffff, v5;
	v5 =	vand.u32 $0x3B8, v63  }
0x35f: {  	v1 =	vor.u32 v1, v41;
	[tilespmem:v2+s28+$0x0] =	vst.idx.msk $0xffff, v51;
	v2 =	vand.u32 $0x3C8, v49;
	v5 =	vor.u32 v5, v16  }
0x360: {  	v48 =	vld.idx.msk [tilespmem:v48+s16+$0x0], $0xffff;
	v2 =	vor.u32 v2, v39;
	[tilespmem:v3+s28+$0x0] =	vst.idx.msk $0xffff, v8;
	v3 =	vor.u32 v24, v53  }
0x361: {  	v8 =	vld.idx.msk [tilespmem:v61+s16+$0x0], $0xffff;
	[tilespmem:v7+s28+$0x0] =	vst.idx.msk $0xffff, v60;
	v7 =	vor.u32 v24, v56;
	v3 =	vand.u32 $0x3B8, v3  }
0x362: {  	v61 =	vor.u32 v25, v45;
	v60 =	vld.idx.msk [tilespmem:v12+s16+$0x0], $0xffff;
	v7 =	vand.u32 $0x3B8, v7;
	v3 =	vor.u32 v3, v62  }
0x363: {  	v15 =	vor.u32 v26, v40;
	v10 =	vld.idx.msk [tilespmem:v13+s16+$0x0], $0xffff;
	v7 =	vor.u32 v7, v54  }
0x364: {  	v63 =	vor.u32 v26, v58;
	v12 =	vor.u32 v25, v17;
	[tilespmem:v1+s28+$0x0] =	vst.idx.msk $0xffff, v4;
	v1 =	vand.u32 $0x3C8, v15  }
0x365: {  	v4 =	vor.u32 v27, v44;
	v13 =	vor.u32 v25, v59;
	v6 =	vld.idx.msk [tilespmem:v6+s16+$0x0], $0xffff;
	[tilespmem:v2+s28+$0x0] =	vst.idx.msk $0xffff, v48  }
0x366: {  	v1 =	vor.u32 v1, v41;
	v2 =	vand.u32 $0x3D8, v47;
	[tilespmem:v5+s28+$0x0] =	vst.idx.msk $0xffff, v8;
	v5 =	vand.u32 $0x3C8, v63;
	v46 =	vld.idx.msk [tilespmem:v46+s16+$0x0], $0xffff  }
0x367: {  	v2 =	vor.u32 v2, v39;
	v8 =	vld.idx.msk [tilespmem:v61+s16+$0x0], $0xffff;
	[tilespmem:v3+s28+$0x0] =	vst.idx.msk $0xffff, v60;
	v3 =	vor.u32 v26, v53  }
0x368: {  	v5 =	vor.u32 v5, v16;
	[tilespmem:v7+s28+$0x0] =	vst.idx.msk $0xffff, v10;
	v7 =	vor.u32 v26, v56;
	v3 =	vand.u32 $0x3C8, v3  }
0x369: {  	v52 =	vor.u32 v27, v45;
	v9 =	vld.idx.msk [tilespmem:v12+s16+$0x0], $0xffff;
	v7 =	vand.u32 $0x3C8, v7;
	v3 =	vor.u32 v3, v62  }
0x36a: {  	v15 =	vor.u32 v28, v40;
	v10 =	vld.idx.msk [tilespmem:v13+s16+$0x0], $0xffff;
	v7 =	vor.u32 v7, v54  }
0x36b: {  	v55 =	vor.u32 v28, v58;
	[tilespmem:v1+s28+$0x0] =	vst.idx.msk $0xffff, v6;
	v1 =	vand.u32 $0x3D8, v15;
	v12 =	vor.u32 v27, v17  }
0x36c: {  	v6 =	vor.u32 v29, v44;
	v4 =	vld.idx.msk [tilespmem:v4+s16+$0x0], $0xffff;
	v13 =	vor.u32 v27, v59;
	[tilespmem:v2+s28+$0x0] =	vst.idx.msk $0xffff, v46  }
0x36d: {  	v1 =	vor.u32 v1, v41;
	v2 =	vand.u32 $0x3E8, v42;
	[tilespmem:v5+s28+$0x0] =	vst.idx.msk $0xffff, v8;
	v5 =	vand.u32 $0x3D8, v55;
	v61 =	vld.idx.msk [tilespmem:v43+s16+$0x0], $0xffff  }
0x36e: {  	v2 =	vor.u32 v2, v39;
	v8 =	vld.idx.msk [tilespmem:v52+s16+$0x0], $0xffff;
	[tilespmem:v3+s28+$0x0] =	vst.idx.msk $0xffff, v9;
	v3 =	vor.u32 v28, v53  }
0x36f: {  	v5 =	vor.u32 v5, v16;
	[tilespmem:v7+s28+$0x0] =	vst.idx.msk $0xffff, v10;
	v7 =	vor.u32 v28, v56;
	v3 =	vand.u32 $0x3D8, v3  }
0x370: {  	v60 =	vor.u32 v29, v45;
	v9 =	vld.idx.msk [tilespmem:v12+s16+$0x0], $0xffff;
	v7 =	vand.u32 $0x3D8, v7;
	v3 =	vor.u32 v3, v62  }
0x371: {  	[tilespmem:v50+s28+$0x0] =	vst.idx.msk $0xffff, v57;
	v63 =	vor.u32 v30, v58;
	v10 =	vld.idx.msk [tilespmem:v13+s16+$0x0], $0xffff;
	v7 =	vor.u32 v7, v54  }
0x372: {  	v15 =	vor.u32 v30, v40;
	[tilespmem:v1+s28+$0x0] =	vst.idx.msk $0xffff, v4;
	v12 =	vor.u32 v29, v17  }
0x373: {  	v1 =	vand.u32 $0x3E8, v15;
	v6 =	vld.idx.msk [tilespmem:v6+s16+$0x0], $0xffff;
	v13 =	vor.u32 v29, v59;
	[tilespmem:v2+s28+$0x0] =	vst.idx.msk $0xffff, v61  }
0x374: {  	v4 =	vor.u32 v31, v44;
	v1 =	vor.u32 v1, v41;
	v2 =	vld.idx.msk [tilespmem:v36+s16+$0x0], $0xffff;
	[tilespmem:v5+s28+$0x0] =	vst.idx.msk $0xffff, v8  }
0x375: {  	v5 =	vand.u32 $0x3E8, v63;
	v8 =	vld.idx.msk [tilespmem:v60+s16+$0x0], $0xffff;
	[tilespmem:v3+s28+$0x0] =	vst.idx.msk $0xffff, v9;
	v3 =	vor.u32 v30, v53  }
0x376: {  	v5 =	vor.u32 v5, v16;
	[tilespmem:v7+s28+$0x0] =	vst.idx.msk $0xffff, v10;
	v7 =	vor.u32 v30, v56;
	v3 =	vand.u32 $0x3E8, v3  }
0x377: {  	v43 =	vor.u32 v31, v45;
	v9 =	vld.idx.msk [tilespmem:v12+s16+$0x0], $0xffff;
	v7 =	vand.u32 $0x3E8, v7;
	v3 =	vor.u32 v3, v62  }
0x378: {  	v10 =	vld.idx.msk [tilespmem:v13+s16+$0x0], $0xffff;
	v7 =	vor.u32 v7, v54  }
0x379: {  	v46 =	vor.u32 v32, v58;
	v15 =	vor.u32 v31, v17;
	[tilespmem:v1+s28+$0x0] =	vst.idx.msk $0xffff, v6;
	v1 =	vld.idx.msk [tilespmem:v37+s16+$0x0], $0xffff  }
0x37a: {  	v45 =	vor.u32 v32, v40;
	v44 =	vor.u32 v31, v59;
	v12 =	vand.u32 $0x3F8, v38;
	v13 =	vld.idx.msk [tilespmem:v34+s16+$0x0], $0xffff  }
0x37b: {  	v4 =	vld.idx.msk [tilespmem:v4+s16+$0x0], $0xffff;
	v6 =	vor.u32 v12, v39;
	v12 =	vand.u32 $0x3F8, v45;
	[tilespmem:v5+s28+$0x0] =	vst.idx.msk $0xffff, v8;
	v5 =	vand.u32 $0x3F8, v46  }
0x37c: {  	v8 =	vor.u32 v12, v41;
	v47 =	vld.idx.msk [tilespmem:v43+s16+$0x0], $0xffff;
	[tilespmem:v3+s28+$0x0] =	vst.idx.msk $0xffff, v9;
	v3 =	vor.u32 v32, v53  }
0x37d: {  	v5 =	vor.u32 v5, v16;
	[tilespmem:v7+s28+$0x0] =	vst.idx.msk $0xffff, v10;
	v7 =	vor.u32 v32, v56;
	v3 =	vand.u32 $0x3F8, v3  }
0x37e: {  	[tilespmem:v35+s28+$0x0] =	vst.idx.msk $0xffff, v2;
	v48 =	vld.idx.msk [tilespmem:v15+s16+$0x0], $0xffff;
	v7 =	vand.u32 $0x3F8, v7;
	v3 =	vor.u32 v3, v62  }
0x37f: {  	[tilespmem:v33+s28+$0x0] =	vst.idx.msk $0xffff, v13;
	v49 =	vld.idx.msk [tilespmem:v44+s16+$0x0], $0xffff;
	v7 =	vor.u32 v7, v54  }
0x380: {  	[tilespmem:v6+s28+$0x0] =	vst.idx.msk $0xffff, v1  }
0x381: {  	[tilespmem:v8+s28+$0x0] =	vst.idx.msk $0xffff, v4  }
0x382: {  	s3 =	sadd.s32 s8, s10;
	[tilespmem:v5+s28+$0x0] =	vst.idx.msk $0xffff, v47  }
0x383: {  	s3 =	sshrl.u32 s3, $0x3;
	[tilespmem:v3+s28+$0x0] =	vst.idx.msk $0xffff, v48  }
0x384: {  	s3 =	sadd.s32 s2, s3;
	[tilespmem:v7+s28+$0x0] =	vst.idx.msk $0xffff, v49  }
0x385: {  	[hbm4b:s3+s22] =	stream.strided.scatter [tilespmem:s28], [sflag:$0x8], $0x2000, s23, s22, $0x38;
	[tilespmem:$0x1A400] =	vst v63  }
0x386: {  	_ =	swait.ge [sflag:s29], $0x2000  }
0x387: {  	s6 =	simm.s32 @!p0 $0x80;
	[sflag:s29] =	ssyncset.done $0x0  }
0x388: {  	s15 =	simm.s32 @!p0 $0xA400;
	s3 =	sadd.s32 @!p0 $0x380, s12;
	[sflag:s29] =	ssyncadd.s32 $0xFFFFE000  }
0x389: {  	[tilespmem:s15], [sflag:$0x3] =	stream.indirect.gather @!p0 [hbm4b:s4+s6], $0x40, s3, s6, $0xb8;
	[tilespmem:$0x1A400] =	vst v63  }
0x38a: {  	s3 =	simm.s32 @p1 $0x9  }
0x38b: {  	_ =	swait.ge @p1 [sflag:s3], $0x2000  }
0x38c: {  	v3 =	vld [tilespmem:$0x1FF00];
	_ =	sdelay $0x1  }
0x38d: {  	s6 =	simm.s32 $0x0  }
0x38e: {  	v1 =	vadd.s32 s6, v0  }
0x38f: {  	v2 =	vand.u32 $0x38, v1  }
0x390: {  	v4 =	vld [tilespmem:$0x1FF10];
	v3 =	vor.u32 v3, v2;
	_ =	sdelay $0x2  }
0x391: {  	[sflag:s3] =	ssyncset.done @p1 $0x0;
	v1 =	vshll.u32 v1, $0x7  }
0x392: {  	[sflag:s3] =	ssyncadd.s32 @p1 $0xFFFFE000;
	v1 =	vand.u32 $0x1C00, v1  }
0x393: {  	v4 =	vor.u32 v4, v1;
	v3 =	vld.idx.msk [tilespmem:v3+s18+$0x0], $0xffff  }
0x394: {  	v5 =	vld [tilespmem:$0x1FF20];
	_ =	sdelay $0x2  }
0x395: {  	s15 =	simm.s32 $0x7  }
0x396: {  	v6 =	vadd.s32 s15, v0;
	[tilespmem:v4+s30+$0x0] =	vst.idx.msk $0xffff, v3  }
0x397: {  	v8 =	vand.u32 $0x3F, v6;
	v5 =	vor.u32 v5, v2;
	v4 =	vshll.u32 v6, $0x7;
	v6 =	vld [tilespmem:$0x1FF30];
	_ =	sdelay $0x4  }
0x398: {  	v5 =	vld.idx.msk [tilespmem:v5+s18+$0x0], $0xffff;
	v6 =	vor.u32 v6, v1  }
0x399: {  	v61 =	vld [tilespmem:$0x1FF40]  }
0x39a: {  	s17 =	simm.s32 $0x6  }
0x39b: {  	v7 =	vadd.s32 s17, v0  }
0x39c: {  	v50 =	vand.u32 $0x3F, v7;
	v60 =	vor.u32 v14, v8  }
0x39d: {  	v3 =	vor.u32 v14, v50;
	[tilespmem:v6+s30+$0x0] =	vst.idx.msk $0xffff, v5  }
0x39e: {  	v7 =	vshll.u32 v7, $0x7;
	v11 =	vor.u32 v61, v2;
	v6 =	vld [tilespmem:$0x1FF50]  }
0x39f: {  	v15 =	vor.u32 v0, v7;
	v12 =	vor.u32 v0, v4;
	v13 =	vand.u32 $0x1C00, v4  }
0x3a0: {  	v62 =	vand.u32 $0x1C00, v7;
	v12 =	vand.u32 $0x388, v12;
	v13 =	vor.u32 v18, v13  }
0x3a1: {  	v15 =	vand.u32 $0x388, v15;
	v37 =	vor.u32 v18, v62;
	v10 =	vld.idx.msk [tilespmem:v60+s18+$0x0], $0xffff;
	v12 =	vor.u32 v12, v13  }
0x3a2: {  	v15 =	vor.u32 v15, v37;
	v3 =	vld.idx.msk [tilespmem:v3+s18+$0x0], $0xffff  }
0x3a3: {  	v5 =	vld.idx.msk [tilespmem:v11+s18+$0x0], $0xffff;
	v6 =	vor.u32 v6, v1  }
0x3a4: {  	v16 =	vld [tilespmem:$0x1FF60];
	_ =	sdelay $0x1  }
0x3a5: {  	[tilespmem:v12+s30+$0x0] =	vst.idx.msk $0xffff, v10  }
0x3a6: {  	v63 =	vor.u32 v19, v8;
	[tilespmem:v15+s30+$0x0] =	vst.idx.msk $0xffff, v3  }
0x3a7: {  	v36 =	vor.u32 v19, v50;
	[tilespmem:v6+s30+$0x0] =	vst.idx.msk $0xffff, v5  }
0x3a8: {  	v39 =	vor.u32 v16, v2;
	v6 =	vld [tilespmem:$0x1FF70]  }
0x3a9: {  	v38 =	vor.u32 v20, v4  }
0x3aa: {  	v40 =	vor.u32 v20, v7;
	v11 =	vand.u32 $0x398, v38  }
0x3ab: {  	v10 =	vand.u32 $0x398, v40;
	v3 =	vld.idx.msk [tilespmem:v63+s18+$0x0], $0xffff;
	v11 =	vor.u32 v11, v13  }
0x3ac: {  	v12 =	vld.idx.msk [tilespmem:v36+s18+$0x0], $0xffff;
	v10 =	vor.u32 v10, v37  }
0x3ad: {  	v5 =	vld.idx.msk [tilespmem:v39+s18+$0x0], $0xffff;
	v6 =	vor.u32 v6, v1  }
0x3ae: {  	v16 =	vld [tilespmem:$0x1FF80];
	_ =	sdelay $0x1  }
0x3af: {  	[tilespmem:v11+s30+$0x0] =	vst.idx.msk $0xffff, v3  }
0x3b0: {  	[tilespmem:v10+s30+$0x0] =	vst.idx.msk $0xffff, v12  }
0x3b1: {  	v15 =	vor.u32 v21, v8;
	[tilespmem:v6+s30+$0x0] =	vst.idx.msk $0xffff, v5  }
0x3b2: {  	v43 =	vor.u32 v16, v2;
	v16 =	vld [tilespmem:$0x1FF90]  }
0x3b3: {  	v41 =	vor.u32 v21, v50;
	_ =	sdelay $0x1  }
0x3b4: {  	v42 =	vor.u32 v22, v4  }
0x3b5: {  	v44 =	vand.u32 $0x3A8, v42;
	v3 =	vor.u32 v22, v7;
	v45 =	vld.idx.msk [tilespmem:v15+s18+$0x0], $0xffff  }
0x3b6: {  	v11 =	vor.u32 v44, v13;
	v3 =	vand.u32 $0x3A8, v3;
	v46 =	vor.u32 v16, v1;
	v16 =	vld [tilespmem:$0x1FFC0]  }
0x3b7: {  	v12 =	vld.idx.msk [tilespmem:v41+s18+$0x0], $0xffff;
	v3 =	vor.u32 v3, v37  }
0x3b8: {  	v15 =	vor.u32 v23, v8  }
0x3b9: {  	v5 =	vor.u32 v23, v50  }
0x3ba: {  	v6 =	vld.idx.msk [tilespmem:v43+s18+$0x0], $0xffff  }
0x3bb: {  	v55 =	vor.u32 v24, v4;
	v47 =	vor.u32 v16, v2;
	v16 =	vld [tilespmem:$0x1FFE0];
	[tilespmem:v11+s30+$0x0] =	vst.idx.msk $0xffff, v45  }
0x3bc: {  	v9 =	vor.u32 v29, v50;
	v10 =	vand.u32 $0x3B8, v55;
	v11 =	vld [tilespmem:$0x1FFA0];
	[tilespmem:v3+s30+$0x0] =	vst.idx.msk $0xffff, v12;
	v3 =	vor.u32 v24, v7  }
0x3bd: {  	v34 =	vor.u32 v31, v8;
	v10 =	vor.u32 v10, v13;
	v56 =	vld.idx.msk [tilespmem:v15+s18+$0x0], $0xffff;
	v3 =	vand.u32 $0x3B8, v3  }
0x3be: {  	v57 =	vor.u32 v30, v4;
	v15 =	vor.u32 v25, v8;
	v5 =	vld.idx.msk [tilespmem:v5+s18+$0x0], $0xffff;
	v3 =	vor.u32 v3, v37  }
0x3bf: {  	v58 =	vor.u32 v32, v4;
	v52 =	vor.u32 v28, v4;
	v4 =	vor.u32 v26, v4;
	v12 =	vld [tilespmem:$0x1FFF0]  }
0x3c0: {  	v40 =	vor.u32 v16, v2;
	v16 =	vld [tilespmem:$0x1FFD0];
	[tilespmem:v46+s30+$0x0] =	vst.idx.msk $0xffff, v6;
	v6 =	vor.u32 v25, v50  }
0x3c1: {  	v59 =	vor.u32 v27, v8;
	v4 =	vand.u32 $0x3C8, v4;
	v2 =	vor.u32 v11, v2;
	v17 =	vld [tilespmem:$0x1FFB0]  }
0x3c2: {  	v54 =	vand.u32 $0x3E8, v57;
	v57 =	vor.u32 v32, v7;
	v4 =	vor.u32 v4, v13;
	[tilespmem:v10+s30+$0x0] =	vst.idx.msk $0xffff, v56  }
0x3c3: {  	v62 =	vor.u32 v54, v13;
	v15 =	vld.idx.msk [tilespmem:v15+s18+$0x0], $0xffff;
	[tilespmem:v3+s30+$0x0] =	vst.idx.msk $0xffff, v5;
	v3 =	vor.u32 v26, v7  }
0x3c4: {  	s15 =	simm.s32 $0x5;
	v36 =	vor.u32 v31, v50;
	v55 =	vand.u32 $0x3F8, v58;
	v3 =	vand.u32 $0x3C8, v3  }
0x3c5: {  	v58 =	vadd.s32 s15, v0;
	v53 =	vor.u32 v12, v1;
	v6 =	vld.idx.msk [tilespmem:v6+s18+$0x0], $0xffff;
	v3 =	vor.u32 v3, v37  }
0x3c6: {  	v5 =	vand.u32 $0x3D8, v52;
	v12 =	vor.u32 v16, v1;
	v1 =	vor.u32 v17, v1;
	v2 =	vld.idx.msk [tilespmem:v2+s18+$0x0], $0xffff  }
0x3c7: {  	v33 =	vor.u32 v55, v13;
	v5 =	vor.u32 v5, v13;
	v13 =	vor.u32 v27, v50  }
0x3c8: {  	v8 =	vor.u32 v29, v8;
	v56 =	vor.u32 v30, v7;
	[tilespmem:v4+s30+$0x0] =	vst.idx.msk $0xffff, v15;
	v4 =	vshll.u32 v58, $0x7  }
0x3c9: {  	v7 =	vor.u32 v28, v7;
	v42 =	vor.u32 v30, v4;
	v38 =	vor.u32 v32, v4  }
0x3ca: {  	v51 =	vor.u32 v24, v4;
	v49 =	vor.u32 v26, v4;
	[tilespmem:v3+s30+$0x0] =	vst.idx.msk $0xffff, v6  }
0x3cb: {  	s17 =	simm.s32 $0x4;
	v61 =	vor.u32 v22, v4;
	v3 =	vor.u32 v0, v4;
	[tilespmem:v1+s30+$0x0] =	vst.idx.msk $0xffff, v2;
	v1 =	vand.u32 $0x3D8, v7  }
0x3cc: {  	v2 =	vand.u32 $0x3E8, v56;
	v7 =	vand.u32 $0x3F8, v57;
	v11 =	vld.idx.msk [tilespmem:v13+s18+$0x0], $0xffff;
	v13 =	vadd.s32 s17, v0  }
0x3cd: {  	v3 =	vand.u32 $0x388, v3;
	v50 =	vor.u32 v2, v37;
	v6 =	vor.u32 v1, v37;
	v1 =	vld.idx.msk [tilespmem:v47+s18+$0x0], $0xffff  }
0x3ce: {  	v35 =	vor.u32 v7, v37;
	v7 =	vand.u32 $0x3F, v58;
	v47 =	vor.u32 v28, v4  }
0x3cf: {  	v10 =	vld.idx.msk [tilespmem:v59+s18+$0x0], $0xffff;
	v2 =	vor.u32 v20, v4;
	v4 =	vand.u32 $0x1C00, v4;
	v37 =	vor.u32 v31, v7  }
0x3d0: {  	v46 =	vor.u32 v27, v7;
	v43 =	vor.u32 v29, v7;
	v48 =	vor.u32 v25, v7  }
0x3d1: {  	v60 =	vor.u32 v21, v7;
	v52 =	vor.u32 v23, v7;
	v63 =	vor.u32 v19, v7  }
0x3d2: {  	s6 =	simm.s32 $0x3;
	v44 =	vand.u32 $0x3F, v13;
	v54 =	vor.u32 v14, v7;
	v39 =	vor.u32 v18, v4;
	[tilespmem:v12+s30+$0x0] =	vst.idx.msk $0xffff, v1  }
0x3d3: {  	v55 =	vor.u32 v14, v44;
	v7 =	vadd.s32 s6, v0;
	v56 =	vld.idx.msk [tilespmem:v40+s18+$0x0], $0xffff;
	v40 =	vshll.u32 v13, $0x7  }
0x3d4: {  	[tilespmem:v5+s30+$0x0] =	vst.idx.msk $0xffff, v10;
	v3 =	vor.u32 v3, v39;
	v4 =	vor.u32 v0, v40;
	v59 =	vand.u32 $0x1C00, v40  }
0x3d5: {  	s15 =	simm.s32 $0x2;
	v5 =	vld.idx.msk [tilespmem:v8+s18+$0x0], $0xffff;
	v45 =	vand.u32 $0x3F, v7;
	[tilespmem:v6+s30+$0x0] =	vst.idx.msk $0xffff, v11;
	v4 =	vand.u32 $0x388, v4;
	v41 =	vor.u32 v18, v59  }
0x3d6: {  	s17 =	simm.s32 $0x1;
	v1 =	vor.u32 v19, v44;
	v6 =	vadd.s32 s15, v0;
	s15 =	simm.s32 $0x8;
	v57 =	vld.idx.msk [tilespmem:v9+s18+$0x0], $0xffff;
	v4 =	vor.u32 v4, v41  }
.LBB2_9:
0x3d7: {  	v8 =	vadd.s32 s17, v0  }
0x3d8: {  	v59 =	vand.u32 $0x3F, v6;
	v9 =	vor.u32 v14, v45;
	v2 =	vand.u32 $0x398, v2  }
0x3d9: {  	v58 =	vand.u32 $0x3F, v8;
	v10 =	vor.u32 v14, v59;
	[tilespmem:v53+s30+$0x0] =	vst.idx.msk $0xffff, v56;
	v56 =	vshll.u32 v7, $0x7  }
0x3da: {  	v7 =	vor.u32 v14, v58;
	v11 =	vor.u32 v0, v56;
	v12 =	vand.u32 $0x1C00, v56  }
0x3db: {  	v13 =	vld.idx.msk [tilespmem:v54+s18+$0x0], $0xffff;
	v53 =	vshll.u32 v6, $0x7;
	v6 =	vand.u32 $0x388, v11;
	v54 =	vor.u32 v18, v12;
	[tilespmem:v62+s30+$0x0] =	vst.idx.msk $0xffff, v5  }
0x3dc: {  	v5 =	vor.u32 v0, v53;
	v11 =	vor.u32 v19, v45;
	v12 =	vld.idx.msk [tilespmem:v55+s18+$0x0], $0xffff;
	v55 =	vshll.u32 v8, $0x7  }
0x3dd: {  	v8 =	vand.u32 $0x1C00, v53;
	[tilespmem:v50+s30+$0x0] =	vst.idx.msk $0xffff, v57;
	v6 =	vor.u32 v6, v54;
	v5 =	vand.u32 $0x388, v5  }
0x3de: {  	v9 =	vld.idx.msk [tilespmem:v9+s18+$0x0], $0xffff;
	v15 =	vor.u32 v0, v55;
	v62 =	vand.u32 $0x1C00, v55;
	v57 =	vor.u32 v18, v8  }
0x3df: {  	v10 =	vld.idx.msk [tilespmem:v10+s18+$0x0], $0xffff;
	v8 =	vand.u32 $0x388, v15;
	v50 =	vor.u32 v18, v62;
	v5 =	vor.u32 v5, v57  }
0x3e0: {  	v2 =	vor.u32 v2, v39;
	v7 =	vld.idx.msk [tilespmem:v7+s18+$0x0], $0xffff;
	v8 =	vor.u32 v8, v50  }
0x3e1: {  	[tilespmem:v3+s30+$0x0] =	vst.idx.msk $0xffff, v13;
	v3 =	vor.u32 v19, v58;
	v15 =	vor.u32 v19, v59  }
0x3e2: {  	v13 =	vor.u32 v20, v40;
	v62 =	vld.idx.msk [tilespmem:v63+s18+$0x0], $0xffff;
	v63 =	vor.u32 v20, v56;
	[tilespmem:v4+s30+$0x0] =	vst.idx.msk $0xffff, v12  }
0x3e3: {  	v4 =	vand.u32 $0x398, v13;
	v12 =	vor.u32 v21, v44;
	[tilespmem:v6+s30+$0x0] =	vst.idx.msk $0xffff, v9;
	v6 =	vand.u32 $0x398, v63;
	v1 =	vld.idx.msk [tilespmem:v1+s18+$0x0], $0xffff  }
0x3e4: {  	v4 =	vor.u32 v4, v41;
	[tilespmem:v5+s30+$0x0] =	vst.idx.msk $0xffff, v10;
	v5 =	vor.u32 v20, v53;
	v9 =	vld.idx.msk [tilespmem:v11+s18+$0x0], $0xffff  }
0x3e5: {  	v6 =	vor.u32 v6, v54;
	[tilespmem:v8+s30+$0x0] =	vst.idx.msk $0xffff, v7;
	v7 =	vor.u32 v20, v55;
	v5 =	vand.u32 $0x398, v5  }
0x3e6: {  	v13 =	vor.u32 v21, v58;
	v8 =	vld.idx.msk [tilespmem:v15+s18+$0x0], $0xffff;
	v7 =	vand.u32 $0x398, v7;
	v5 =	vor.u32 v5, v57  }
0x3e7: {  	v10 =	vor.u32 v21, v45;
	v11 =	vor.u32 v21, v59;
	v3 =	vld.idx.msk [tilespmem:v3+s18+$0x0], $0xffff;
	v7 =	vor.u32 v7, v50  }
0x3e8: {  	[tilespmem:v2+s30+$0x0] =	vst.idx.msk $0xffff, v62;
	v2 =	vand.u32 $0x3A8, v61;
	v61 =	vor.u32 v22, v56;
	v15 =	vor.u32 v22, v40  }
0x3e9: {  	v60 =	vld.idx.msk [tilespmem:v60+s18+$0x0], $0xffff;
	v2 =	vor.u32 v2, v39;
	[tilespmem:v4+s30+$0x0] =	vst.idx.msk $0xffff, v1;
	v1 =	vand.u32 $0x3A8, v15  }
0x3ea: {  	v62 =	vor.u32 v24, v56;
	[tilespmem:v6+s30+$0x0] =	vst.idx.msk $0xffff, v9;
	v6 =	vand.u32 $0x3A8, v61;
	v1 =	vor.u32 v1, v41  }
0x3eb: {  	v63 =	vld.idx.msk [tilespmem:v12+s18+$0x0], $0xffff;
	v6 =	vor.u32 v6, v54;
	[tilespmem:v5+s30+$0x0] =	vst.idx.msk $0xffff, v8;
	v5 =	vor.u32 v22, v53  }
0x3ec: {  	v8 =	vld.idx.msk [tilespmem:v10+s18+$0x0], $0xffff;
	[tilespmem:v7+s30+$0x0] =	vst.idx.msk $0xffff, v3;
	v3 =	vor.u32 v22, v55;
	v5 =	vand.u32 $0x3A8, v5  }
0x3ed: {  	v4 =	vor.u32 v23, v44;
	v7 =	vld.idx.msk [tilespmem:v11+s18+$0x0], $0xffff;
	v3 =	vand.u32 $0x3A8, v3;
	v5 =	vor.u32 v5, v57  }
0x3ee: {  	[tilespmem:v2+s30+$0x0] =	vst.idx.msk $0xffff, v60;
	v11 =	vor.u32 v23, v45;
	v10 =	vld.idx.msk [tilespmem:v13+s18+$0x0], $0xffff;
	v3 =	vor.u32 v3, v50  }
0x3ef: {  	v15 =	vor.u32 v24, v40;
	v12 =	vor.u32 v23, v59;
	v2 =	vand.u32 $0x3B8, v51;
	v61 =	vld.idx.msk [tilespmem:v52+s18+$0x0], $0xffff  }
0x3f0: {  	v2 =	vor.u32 v2, v39;
	v13 =	vor.u32 v23, v58;
	[tilespmem:v1+s30+$0x0] =	vst.idx.msk $0xffff, v63;
	v1 =	vand.u32 $0x3B8, v15  }
0x3f1: {  	v63 =	vor.u32 v25, v44;
	v1 =	vor.u32 v1, v41;
	[tilespmem:v6+s30+$0x0] =	vst.idx.msk $0xffff, v8;
	v6 =	vand.u32 $0x3B8, v62  }
0x3f2: {  	v4 =	vld.idx.msk [tilespmem:v4+s18+$0x0], $0xffff;
	v6 =	vor.u32 v6, v54;
	[tilespmem:v5+s30+$0x0] =	vst.idx.msk $0xffff, v7;
	v5 =	vor.u32 v24, v53  }
0x3f3: {  	v7 =	vld.idx.msk [tilespmem:v11+s18+$0x0], $0xffff;
	[tilespmem:v3+s30+$0x0] =	vst.idx.msk $0xffff, v10;
	v3 =	vor.u32 v24, v55;
	v5 =	vand.u32 $0x3B8, v5  }
0x3f4: {  	v8 =	vld.idx.msk [tilespmem:v12+s18+$0x0], $0xffff;
	v3 =	vand.u32 $0x3B8, v3;
	v5 =	vor.u32 v5, v57  }
0x3f5: {  	[tilespmem:v2+s30+$0x0] =	vst.idx.msk $0xffff, v61;
	v10 =	vld.idx.msk [tilespmem:v13+s18+$0x0], $0xffff;
	v3 =	vor.u32 v3, v50  }
0x3f6: {  	v15 =	vor.u32 v26, v40;
	v2 =	vand.u32 $0x3C8, v49;
	v48 =	vld.idx.msk [tilespmem:v48+s18+$0x0], $0xffff;
	v12 =	vor.u32 v25, v59  }
0x3f7: {  	v2 =	vor.u32 v2, v39;
	v13 =	vor.u32 v25, v58;
	[tilespmem:v1+s30+$0x0] =	vst.idx.msk $0xffff, v4;
	v1 =	vand.u32 $0x3C8, v15  }
0x3f8: {  	v1 =	vor.u32 v1, v41;
	[tilespmem:v6+s30+$0x0] =	vst.idx.msk $0xffff, v7;
	v7 =	vld.idx.msk [tilespmem:v63+s18+$0x0], $0xffff  }
0x3f9: {  	v4 =	vor.u32 v27, v44;
	[tilespmem:v5+s30+$0x0] =	vst.idx.msk $0xffff, v8;
	v5 =	vor.u32 v26, v53  }
0x3fa: {  	v60 =	vor.u32 v25, v45;
	[tilespmem:v3+s30+$0x0] =	vst.idx.msk $0xffff, v10;
	v3 =	vor.u32 v26, v55;
	v5 =	vand.u32 $0x3C8, v5  }
0x3fb: {  	v61 =	vor.u32 v26, v56;
	v62 =	vld.idx.msk [tilespmem:v12+s18+$0x0], $0xffff;
	v3 =	vand.u32 $0x3C8, v3;
	v5 =	vor.u32 v5, v57  }
0x3fc: {  	v15 =	vor.u32 v28, v40;
	[tilespmem:v2+s30+$0x0] =	vst.idx.msk $0xffff, v48;
	v10 =	vld.idx.msk [tilespmem:v13+s18+$0x0], $0xffff;
	v3 =	vor.u32 v3, v50  }
0x3fd: {  	v2 =	vand.u32 $0x3D8, v47;
	v12 =	vor.u32 v27, v59;
	[tilespmem:v1+s30+$0x0] =	vst.idx.msk $0xffff, v7;
	v1 =	vand.u32 $0x3D8, v15  }
0x3fe: {  	v6 =	vand.u32 $0x3C8, v61;
	v13 =	vor.u32 v27, v58;
	v4 =	vld.idx.msk [tilespmem:v4+s18+$0x0], $0xffff;
	v1 =	vor.u32 v1, v41  }
0x3ff: {  	v63 =	vor.u32 v27, v45;
	v46 =	vld.idx.msk [tilespmem:v46+s18+$0x0], $0xffff;
	v2 =	vor.u32 v2, v39;
	v7 =	vor.u32 v29, v44  }
0x400: {  	v6 =	vor.u32 v6, v54;
	[tilespmem:v5+s30+$0x0] =	vst.idx.msk $0xffff, v62;
	v5 =	vor.u32 v28, v53  }
0x401: {  	v8 =	vld.idx.msk [tilespmem:v60+s18+$0x0], $0xffff;
	[tilespmem:v3+s30+$0x0] =	vst.idx.msk $0xffff, v10;
	v3 =	vor.u32 v28, v55;
	v5 =	vand.u32 $0x3D8, v5  }
0x402: {  	v15 =	vor.u32 v30, v40;
	v9 =	vld.idx.msk [tilespmem:v12+s18+$0x0], $0xffff;
	v3 =	vand.u32 $0x3D8, v3;
	v5 =	vor.u32 v5, v57  }
0x403: {  	v10 =	vld.idx.msk [tilespmem:v13+s18+$0x0], $0xffff;
	[tilespmem:v1+s30+$0x0] =	vst.idx.msk $0xffff, v4;
	v1 =	vand.u32 $0x3E8, v15;
	v3 =	vor.u32 v3, v50  }
0x404: {  	[tilespmem:v2+s30+$0x0] =	vst.idx.msk $0xffff, v46;
	v12 =	vor.u32 v29, v59;
	v7 =	vld.idx.msk [tilespmem:v7+s18+$0x0], $0xffff;
	v1 =	vor.u32 v1, v41  }
0x405: {  	v51 =	vor.u32 v29, v45;
	v49 =	vor.u32 v28, v56;
	v52 =	vld.idx.msk [tilespmem:v43+s18+$0x0], $0xffff;
	v4 =	vor.u32 v31, v44  }
0x406: {  	v43 =	vor.u32 v32, v40;
	[tilespmem:v6+s30+$0x0] =	vst.idx.msk $0xffff, v8;
	v6 =	vand.u32 $0x3D8, v49;
	v13 =	vor.u32 v29, v58  }
0x407: {  	v8 =	vld.idx.msk [tilespmem:v63+s18+$0x0], $0xffff;
	v6 =	vor.u32 v6, v54;
	[tilespmem:v5+s30+$0x0] =	vst.idx.msk $0xffff, v9;
	v5 =	vor.u32 v30, v53  }
0x408: {  	v15 =	vld.idx.msk [tilespmem:v34+s18+$0x0], $0xffff;
	[tilespmem:v3+s30+$0x0] =	vst.idx.msk $0xffff, v10;
	v3 =	vor.u32 v30, v55;
	v5 =	vand.u32 $0x3E8, v5  }
0x409: {  	v9 =	vld.idx.msk [tilespmem:v12+s18+$0x0], $0xffff;
	[tilespmem:v1+s30+$0x0] =	vst.idx.msk $0xffff, v7;
	v1 =	vand.u32 $0x3F8, v43;
	v5 =	vor.u32 v5, v57  }
0x40a: {  	v3 =	vand.u32 $0x3E8, v3;
	v4 =	vld.idx.msk [tilespmem:v4+s18+$0x0], $0xffff;
	v1 =	vor.u32 v1, v41  }
0x40b: {  	v62 =	vld.idx.msk [tilespmem:v13+s18+$0x0], $0xffff;
	v13 =	vor.u32 v31, v59;
	v3 =	vor.u32 v3, v50  }
0x40c: {  	[tilespmem:v6+s30+$0x0] =	vst.idx.msk $0xffff, v8  }
0x40d: {  	v60 =	vor.u32 v30, v56;
	v63 =	vor.u32 v31, v58;
	[tilespmem:v33+s30+$0x0] =	vst.idx.msk $0xffff, v15  }
0x40e: {  	v6 =	vand.u32 $0x3E8, v60;
	v8 =	vld.idx.msk [tilespmem:v51+s18+$0x0], $0xffff;
	[tilespmem:v5+s30+$0x0] =	vst.idx.msk $0xffff, v9  }
0x40f: {  	v6 =	vor.u32 v6, v54;
	v15 =	vld [tilespmem:$0x1FF00];
	v12 =	vor.u32 v31, v45;
	v45 =	vadd.s32 s15, v0;
	[tilespmem:v1+s30+$0x0] =	vst.idx.msk $0xffff, v4  }
0x410: {  	v2 =	vand.u32 $0x3E8, v42;
	v1 =	vshll.u32 v45, $0x7;
	[tilespmem:v3+s30+$0x0] =	vst.idx.msk $0xffff, v62;
	v3 =	vor.u32 v32, v55;
	v46 =	vld.idx.msk [tilespmem:v13+s18+$0x0], $0xffff  }
0x411: {  	v2 =	vor.u32 v2, v39;
	v4 =	vand.u32 $0x1C00, v1;
	v1 =	vld [tilespmem:$0x1FF10];
	v3 =	vand.u32 $0x3F8, v3  }
0x412: {  	v13 =	vld.idx.msk [tilespmem:v63+s18+$0x0], $0xffff;
	v3 =	vor.u32 v3, v50;
	_ =	sdelay $0x1  }
0x413: {  	[tilespmem:v6+s30+$0x0] =	vst.idx.msk $0xffff, v8  }
0x414: {  	v8 =	vld.idx.msk [tilespmem:v12+s18+$0x0], $0xffff;
	v12 =	vand.u32 $0x38, v45;
	v5 =	vor.u32 v32, v53  }
0x415: {  	[tilespmem:v2+s30+$0x0] =	vst.idx.msk $0xffff, v52;
	v2 =	vld.idx.msk [tilespmem:v36+s18+$0x0], $0xffff;
	v15 =	vor.u32 v15, v12;
	v5 =	vand.u32 $0x3F8, v5  }
0x416: {  	v5 =	vor.u32 v5, v57;
	[tilespmem:v3+s30+$0x0] =	vst.idx.msk $0xffff, v13;
	v3 =	vor.u32 v1, v4;
	v1 =	vld [tilespmem:$0x1FF20];
	_ =	sdelay $0x2  }
0x417: {  	v44 =	vor.u32 v32, v56  }
0x418: {  	[tilespmem:v35+s30+$0x0] =	vst.idx.msk $0xffff, v2;
	v6 =	vand.u32 $0x3F8, v44;
	v2 =	vld.idx.msk [tilespmem:v15+s18+$0x0], $0xffff  }
0x419: {  	v6 =	vor.u32 v6, v54;
	[tilespmem:v5+s30+$0x0] =	vst.idx.msk $0xffff, v46;
	v5 =	vor.u32 v1, v12  }
0x41a: {  	v61 =	vand.u32 $0x3F8, v38  }
0x41b: {  	v10 =	vor.u32 v61, v39;
	v7 =	vld.idx.msk [tilespmem:v37+s18+$0x0], $0xffff;
	_ =	sdelay $0x1  }
0x41c: {  	s3 =	sadd.s32 $0x7, s15;
	v48 =	vld [tilespmem:$0x1FF40];
	[tilespmem:v3+s30+$0x0] =	vst.idx.msk $0xffff, v2  }
0x41d: {  	[tilespmem:v6+s30+$0x0] =	vst.idx.msk $0xffff, v8;
	v6 =	vadd.s32 s3, v0;
	v3 =	vld.idx.msk [tilespmem:v5+s18+$0x0], $0xffff  }
0x41e: {  	s6 =	sadd.s32 $0x6, s15;
	v8 =	vand.u32 $0x3F, v6;
	v5 =	vshll.u32 v6, $0x7;
	v6 =	vld [tilespmem:$0x1FF30]  }
0x41f: {  	[tilespmem:v10+s30+$0x0] =	vst.idx.msk $0xffff, v7;
	v7 =	vadd.s32 s6, v0  }
0x420: {  	v47 =	vor.u32 v14, v8;
	v1 =	vand.u32 $0x3F, v7  }
0x421: {  	v2 =	vor.u32 v14, v1;
	_ =	sdelay $0x1  }
0x422: {  	v54 =	vld [tilespmem:$0x1FF60];
	v10 =	vor.u32 v48, v12;
	v7 =	vshll.u32 v7, $0x7;
	v6 =	vor.u32 v6, v4  }
0x423: {  	v53 =	vld [tilespmem:$0x1FF50];
	v15 =	vor.u32 v0, v7;
	v49 =	vor.u32 v0, v5;
	v13 =	vand.u32 $0x1C00, v5  }
0x424: {  	v9 =	vld.idx.msk [tilespmem:v47+s18+$0x0], $0xffff;
	v50 =	vand.u32 $0x1C00, v7;
	v11 =	vand.u32 $0x388, v49;
	v13 =	vor.u32 v18, v13  }
0x425: {  	v15 =	vand.u32 $0x388, v15;
	v51 =	vld.idx.msk [tilespmem:v2+s18+$0x0], $0xffff;
	v2 =	vor.u32 v18, v50;
	v11 =	vor.u32 v11, v13  }
0x426: {  	v52 =	vor.u32 v19, v8;
	v15 =	vor.u32 v15, v2  }
0x427: {  	v58 =	vld [tilespmem:$0x1FF70];
	[tilespmem:v6+s30+$0x0] =	vst.idx.msk $0xffff, v3;
	v3 =	vor.u32 v19, v1  }
0x428: {  	v43 =	vld [tilespmem:$0x1FFC0]  }
0x429: {  	v55 =	vor.u32 v20, v5;
	v6 =	vld.idx.msk [tilespmem:v10+s18+$0x0], $0xffff;
	v10 =	vor.u32 v53, v4  }
0x42a: {  	v59 =	vld [tilespmem:$0x1FF80];
	v35 =	vor.u32 v54, v12;
	v56 =	vor.u32 v20, v7;
	[tilespmem:v11+s30+$0x0] =	vst.idx.msk $0xffff, v9;
	v9 =	vand.u32 $0x398, v55  }
0x42b: {  	[tilespmem:v15+s30+$0x0] =	vst.idx.msk $0xffff, v51;
	v11 =	vand.u32 $0x398, v56;
	v15 =	vld.idx.msk [tilespmem:v52+s18+$0x0], $0xffff;
	v9 =	vor.u32 v9, v13  }
0x42c: {  	v11 =	vor.u32 v11, v2;
	v3 =	vld.idx.msk [tilespmem:v3+s18+$0x0], $0xffff  }
0x42d: {  	v44 =	vld [tilespmem:$0x1FFE0];
	v57 =	vor.u32 v21, v8  }
0x42e: {  	[tilespmem:v10+s30+$0x0] =	vst.idx.msk $0xffff, v6;
	v6 =	vor.u32 v21, v1  }
0x42f: {  	v42 =	vld [tilespmem:$0x1FF90];
	v37 =	vor.u32 v43, v12  }
0x430: {  	v34 =	vor.u32 v58, v4;
	v60 =	vor.u32 v22, v5;
	[tilespmem:v9+s30+$0x0] =	vst.idx.msk $0xffff, v15;
	v10 =	vld.idx.msk [tilespmem:v35+s18+$0x0], $0xffff  }
0x431: {  	v45 =	vld [tilespmem:$0x1FFA0];
	v9 =	vand.u32 $0x3A8, v60;
	v35 =	vor.u32 v59, v12;
	[tilespmem:v11+s30+$0x0] =	vst.idx.msk $0xffff, v3;
	v3 =	vor.u32 v22, v7  }
0x432: {  	v39 =	vor.u32 v44, v12;
	v61 =	vld.idx.msk [tilespmem:v57+s18+$0x0], $0xffff;
	v9 =	vor.u32 v9, v13;
	v3 =	vand.u32 $0x3A8, v3  }
0x433: {  	v40 =	vor.u32 v27, v8;
	v15 =	vor.u32 v23, v8;
	v6 =	vld.idx.msk [tilespmem:v6+s18+$0x0], $0xffff;
	v3 =	vor.u32 v3, v2  }
0x434: {  	v62 =	vor.u32 v23, v1;
	v48 =	vor.u32 v25, v1;
	v36 =	vor.u32 v31, v1  }
0x435: {  	v47 =	vld [tilespmem:$0x1FFF0];
	v46 =	vor.u32 v24, v5;
	v50 =	vor.u32 v32, v5;
	[tilespmem:v34+s30+$0x0] =	vst.idx.msk $0xffff, v10  }
0x436: {  	v49 =	vor.u32 v30, v5;
	v51 =	vor.u32 v28, v5;
	v34 =	vor.u32 v42, v4;
	v63 =	vld.idx.msk [tilespmem:v35+s18+$0x0], $0xffff  }
0x437: {  	v5 =	vor.u32 v26, v5;
	v12 =	vor.u32 v45, v12;
	[tilespmem:v9+s30+$0x0] =	vst.idx.msk $0xffff, v61;
	v9 =	vand.u32 $0x3B8, v46  }
0x438: {  	v9 =	vor.u32 v9, v13;
	[tilespmem:v3+s30+$0x0] =	vst.idx.msk $0xffff, v6;
	v3 =	vor.u32 v24, v7;
	v6 =	vld.idx.msk [tilespmem:v15+s18+$0x0], $0xffff  }
0x439: {  	v5 =	vand.u32 $0x3C8, v5;
	v15 =	vor.u32 v25, v8;
	v3 =	vand.u32 $0x3B8, v3  }
0x43a: {  	v52 =	vand.u32 $0x3F8, v50;
	v5 =	vor.u32 v5, v13;
	v10 =	vld.idx.msk [tilespmem:v62+s18+$0x0], $0xffff;
	v3 =	vor.u32 v3, v2  }
0x43b: {  	v33 =	vor.u32 v52, v13;
	v53 =	vor.u32 v47, v4;
	[tilespmem:v34+s30+$0x0] =	vst.idx.msk $0xffff, v63  }
0x43c: {  	v57 =	vor.u32 v29, v1;
	v11 =	vor.u32 v16, v4;
	v4 =	vor.u32 v17, v4;
	v12 =	vld.idx.msk [tilespmem:v12+s18+$0x0], $0xffff  }
0x43d: {  	v34 =	vor.u32 v31, v8;
	v8 =	vor.u32 v29, v8;
	[tilespmem:v9+s30+$0x0] =	vst.idx.msk $0xffff, v6;
	v6 =	vand.u32 $0x3E8, v49  }
0x43e: {  	v54 =	vld.idx.msk [tilespmem:v15+s18+$0x0], $0xffff;
	v15 =	vand.u32 $0x3D8, v51;
	v62 =	vor.u32 v6, v13;
	v6 =	vor.u32 v30, v7  }
0x43f: {  	[tilespmem:v3+s30+$0x0] =	vst.idx.msk $0xffff, v10;
	v3 =	vor.u32 v26, v7;
	v9 =	vor.u32 v15, v13  }
0x440: {  	v13 =	vor.u32 v32, v7;
	v15 =	vor.u32 v27, v1;
	v7 =	vor.u32 v28, v7  }
0x441: {  	s17 =	sadd.s32 $0x5, s15;
	[tilespmem:v4+s30+$0x0] =	vst.idx.msk $0xffff, v12;
	v4 =	vand.u32 $0x3E8, v6;
	v3 =	vand.u32 $0x3C8, v3;
	v1 =	vand.u32 $0x3D8, v7  }
0x442: {  	v6 =	vand.u32 $0x3F8, v13;
	v7 =	vadd.s32 s17, v0;
	v50 =	vor.u32 v4, v2  }
0x443: {  	v55 =	vld.idx.msk [tilespmem:v48+s18+$0x0], $0xffff;
	v3 =	vor.u32 v3, v2;
	v35 =	vor.u32 v6, v2;
	v6 =	vand.u32 $0x3F, v7  }
0x444: {  	v4 =	vld.idx.msk [tilespmem:v37+s18+$0x0], $0xffff;
	v10 =	vor.u32 v1, v2;
	v37 =	vor.u32 v31, v6;
	v46 =	vor.u32 v27, v6  }
0x445: {  	v43 =	vor.u32 v29, v6;
	v48 =	vor.u32 v25, v6;
	v60 =	vor.u32 v21, v6  }
0x446: {  	v52 =	vor.u32 v23, v6;
	v63 =	vor.u32 v19, v6;
	[tilespmem:v5+s30+$0x0] =	vst.idx.msk $0xffff, v54;
	v5 =	vshll.u32 v7, $0x7  }
0x447: {  	v54 =	vor.u32 v14, v6;
	v42 =	vor.u32 v30, v5;
	v38 =	vor.u32 v32, v5  }
0x448: {  	v47 =	vor.u32 v28, v5;
	v7 =	vld.idx.msk [tilespmem:v40+s18+$0x0], $0xffff;
	v51 =	vor.u32 v24, v5;
	[tilespmem:v3+s30+$0x0] =	vst.idx.msk $0xffff, v55  }
0x449: {  	s6 =	sadd.s32 $0x4, s15;
	v49 =	vor.u32 v26, v5;
	v61 =	vor.u32 v22, v5;
	v1 =	vor.u32 v0, v5;
	v12 =	vld.idx.msk [tilespmem:v15+s18+$0x0], $0xffff  }
0x44a: {  	p2 =	slt.u32 s15, $0x38;
	v2 =	vor.u32 v20, v5;
	[tilespmem:v11+s30+$0x0] =	vst.idx.msk $0xffff, v4;
	v4 =	vand.u32 $0x1C00, v5;
	v3 =	vadd.s32 s6, v0  }
.Ltmp3:
0x44b: {  	v5 =	vand.u32 $0x388, v1;
	v56 =	vld.idx.msk [tilespmem:v39+s18+$0x0], $0xffff;
	v39 =	vor.u32 v18, v4;
	v44 =	vand.u32 $0x3F, v3;
	(pc) =	sbr.rel @p2 .LBB2_9-.Ltmp3, $4  }
0x44c: {  	v40 =	vshll.u32 v3, $0x7;
	v3 =	vor.u32 v5, v39;
	v1 =	vor.u32 v19, v44  }
0x44d: {  	s17 =	sadd.s32 $0x3, s15;
	v55 =	vor.u32 v14, v44;
	v4 =	vor.u32 v0, v40;
	v6 =	vand.u32 $0x1C00, v40;
	[tilespmem:v9+s30+$0x0] =	vst.idx.msk $0xffff, v7  }
0x44e: {  	s6 =	sadd.s32 $0x2, s15;
	v7 =	vadd.s32 s17, v0;
	v4 =	vand.u32 $0x388, v4;
	v41 =	vor.u32 v18, v6;
	v5 =	vld.idx.msk [tilespmem:v8+s18+$0x0], $0xffff;
	[tilespmem:v10+s30+$0x0] =	vst.idx.msk $0xffff, v12  }
0x44f: {  	s17 =	sadd.s32 $0x1, s15;
	v6 =	vadd.s32 s6, v0;
	s15 =	sadd.s32 $0x8, s15;
	v45 =	vand.u32 $0x3F, v7;
	v4 =	vor.u32 v4, v41;
	v57 =	vld.idx.msk [tilespmem:v57+s18+$0x0], $0xffff  }
0x450: {  	_ =	sdelay $0x1  }
0x451: {  	v8 =	vadd.s32 s17, v0  }
0x452: {  	v17 =	vand.u32 $0x3F, v6;
	v9 =	vor.u32 v14, v45;
	v58 =	vshll.u32 v7, $0x7  }
0x453: {  	[tilespmem:v53+s30+$0x0] =	vst.idx.msk $0xffff, v56;
	v53 =	vshll.u32 v6, $0x7;
	v2 =	vand.u32 $0x398, v2;
	v59 =	vand.u32 $0x3F, v8  }
0x454: {  	v13 =	vld.idx.msk [tilespmem:v54+s18+$0x0], $0xffff;
	v10 =	vor.u32 v14, v17;
	v11 =	vor.u32 v0, v58;
	v12 =	vand.u32 $0x1C00, v58  }
0x455: {  	v56 =	vshll.u32 v8, $0x7;
	v8 =	vand.u32 $0x1C00, v53;
	v2 =	vor.u32 v2, v39  }
0x456: {  	v15 =	vld.idx.msk [tilespmem:v55+s18+$0x0], $0xffff;
	v7 =	vor.u32 v14, v59;
	v6 =	vand.u32 $0x388, v11;
	v16 =	vor.u32 v18, v12  }
0x457: {  	v11 =	vor.u32 v0, v53;
	v12 =	vor.u32 v19, v45;
	v6 =	vor.u32 v6, v16  }
0x458: {  	v54 =	vand.u32 $0x1C00, v56;
	[tilespmem:v62+s30+$0x0] =	vst.idx.msk $0xffff, v5;
	v5 =	vand.u32 $0x388, v11;
	v62 =	vor.u32 v18, v8;
	v9 =	vld.idx.msk [tilespmem:v9+s18+$0x0], $0xffff  }
0x459: {  	v11 =	vor.u32 v0, v56;
	v5 =	vor.u32 v5, v62;
	[tilespmem:v3+s30+$0x0] =	vst.idx.msk $0xffff, v13;
	v10 =	vld.idx.msk [tilespmem:v10+s18+$0x0], $0xffff  }
0x45a: {  	v54 =	vor.u32 v18, v54;
	v8 =	vand.u32 $0x388, v11;
	v3 =	vor.u32 v19, v17;
	v13 =	vld.idx.msk [tilespmem:v63+s18+$0x0], $0xffff  }
0x45b: {  	v8 =	vor.u32 v8, v54;
	[tilespmem:v4+s30+$0x0] =	vst.idx.msk $0xffff, v15;
	v4 =	vor.u32 v20, v40;
	v7 =	vld.idx.msk [tilespmem:v7+s18+$0x0], $0xffff  }
0x45c: {  	v11 =	vor.u32 v19, v59;
	v15 =	vor.u32 v20, v58;
	v4 =	vand.u32 $0x398, v4  }
0x45d: {  	v55 =	vand.u32 $0x398, v15;
	v1 =	vld.idx.msk [tilespmem:v1+s18+$0x0], $0xffff;
	v4 =	vor.u32 v4, v41;
	[tilespmem:v6+s30+$0x0] =	vst.idx.msk $0xffff, v9  }
0x45e: {  	v6 =	vor.u32 v21, v44;
	v9 =	vor.u32 v55, v16;
	[tilespmem:v5+s30+$0x0] =	vst.idx.msk $0xffff, v10;
	v10 =	vld.idx.msk [tilespmem:v12+s18+$0x0], $0xffff  }
0x45f: {  	v5 =	vor.u32 v20, v53;
	[tilespmem:v2+s30+$0x0] =	vst.idx.msk $0xffff, v13;
	v2 =	vand.u32 $0x3A8, v61;
	v3 =	vld.idx.msk [tilespmem:v3+s18+$0x0], $0xffff  }
0x460: {  	[tilespmem:v8+s30+$0x0] =	vst.idx.msk $0xffff, v7;
	v5 =	vand.u32 $0x398, v5;
	v55 =	vld.idx.msk [tilespmem:v60+s18+$0x0], $0xffff;
	v2 =	vor.u32 v2, v39  }
0x461: {  	v7 =	vor.u32 v20, v56;
	v8 =	vld.idx.msk [tilespmem:v11+s18+$0x0], $0xffff;
	v5 =	vor.u32 v5, v62;
	v11 =	vor.u32 v21, v45  }
0x462: {  	v15 =	vor.u32 v22, v40;
	v7 =	vand.u32 $0x398, v7  }
0x463: {  	v12 =	vor.u32 v21, v17;
	[tilespmem:v4+s30+$0x0] =	vst.idx.msk $0xffff, v1;
	v7 =	vor.u32 v7, v54  }
0x464: {  	v13 =	vor.u32 v21, v59;
	v60 =	vor.u32 v22, v58;
	[tilespmem:v9+s30+$0x0] =	vst.idx.msk $0xffff, v10  }
0x465: {  	v1 =	vand.u32 $0x3A8, v15;
	v4 =	vor.u32 v23, v44;
	v6 =	vld.idx.msk [tilespmem:v6+s18+$0x0], $0xffff;
	[tilespmem:v2+s30+$0x0] =	vst.idx.msk $0xffff, v55  }
0x466: {  	v63 =	vand.u32 $0x3A8, v60;
	v1 =	vor.u32 v1, v41;
	[tilespmem:v5+s30+$0x0] =	vst.idx.msk $0xffff, v3;
	v5 =	vld.idx.msk [tilespmem:v11+s18+$0x0], $0xffff  }
0x467: {  	v9 =	vor.u32 v63, v16;
	v2 =	vand.u32 $0x3B8, v51;
	v3 =	vor.u32 v22, v53;
	v51 =	vld.idx.msk [tilespmem:v52+s18+$0x0], $0xffff  }
0x468: {  	v2 =	vor.u32 v2, v39;
	[tilespmem:v7+s30+$0x0] =	vst.idx.msk $0xffff, v8;
	v7 =	vor.u32 v22, v56;
	v3 =	vand.u32 $0x3A8, v3  }
0x469: {  	v61 =	vor.u32 v23, v45;
	v8 =	vld.idx.msk [tilespmem:v12+s18+$0x0], $0xffff;
	v7 =	vand.u32 $0x3A8, v7;
	v3 =	vor.u32 v3, v62  }
0x46a: {  	v15 =	vor.u32 v24, v40;
	v63 =	vor.u32 v24, v58;
	v60 =	vld.idx.msk [tilespmem:v13+s18+$0x0], $0xffff;
	v7 =	vor.u32 v7, v54  }
0x46b: {  	v12 =	vor.u32 v23, v17;
	v13 =	vor.u32 v23, v59;
	[tilespmem:v1+s30+$0x0] =	vst.idx.msk $0xffff, v6  }
0x46c: {  	v1 =	vand.u32 $0x3B8, v15;
	v6 =	vor.u32 v25, v44;
	v4 =	vld.idx.msk [tilespmem:v4+s18+$0x0], $0xffff;
	[tilespmem:v9+s30+$0x0] =	vst.idx.msk $0xffff, v5;
	v5 =	vand.u32 $0x3B8, v63  }
0x46d: {  	v1 =	vor.u32 v1, v41;
	[tilespmem:v2+s30+$0x0] =	vst.idx.msk $0xffff, v51;
	v2 =	vand.u32 $0x3C8, v49;
	v5 =	vor.u32 v5, v16  }
0x46e: {  	v48 =	vld.idx.msk [tilespmem:v48+s18+$0x0], $0xffff;
	v2 =	vor.u32 v2, v39;
	[tilespmem:v3+s30+$0x0] =	vst.idx.msk $0xffff, v8;
	v3 =	vor.u32 v24, v53  }
0x46f: {  	v8 =	vld.idx.msk [tilespmem:v61+s18+$0x0], $0xffff;
	[tilespmem:v7+s30+$0x0] =	vst.idx.msk $0xffff, v60;
	v7 =	vor.u32 v24, v56;
	v3 =	vand.u32 $0x3B8, v3  }
0x470: {  	v61 =	vor.u32 v25, v45;
	v60 =	vld.idx.msk [tilespmem:v12+s18+$0x0], $0xffff;
	v7 =	vand.u32 $0x3B8, v7;
	v3 =	vor.u32 v3, v62  }
0x471: {  	v15 =	vor.u32 v26, v40;
	v10 =	vld.idx.msk [tilespmem:v13+s18+$0x0], $0xffff;
	v7 =	vor.u32 v7, v54  }
0x472: {  	v63 =	vor.u32 v26, v58;
	v12 =	vor.u32 v25, v17;
	[tilespmem:v1+s30+$0x0] =	vst.idx.msk $0xffff, v4;
	v1 =	vand.u32 $0x3C8, v15  }
0x473: {  	v4 =	vor.u32 v27, v44;
	v13 =	vor.u32 v25, v59;
	v6 =	vld.idx.msk [tilespmem:v6+s18+$0x0], $0xffff;
	[tilespmem:v2+s30+$0x0] =	vst.idx.msk $0xffff, v48  }
0x474: {  	v1 =	vor.u32 v1, v41;
	v2 =	vand.u32 $0x3D8, v47;
	[tilespmem:v5+s30+$0x0] =	vst.idx.msk $0xffff, v8;
	v5 =	vand.u32 $0x3C8, v63;
	v46 =	vld.idx.msk [tilespmem:v46+s18+$0x0], $0xffff  }
0x475: {  	v2 =	vor.u32 v2, v39;
	v8 =	vld.idx.msk [tilespmem:v61+s18+$0x0], $0xffff;
	[tilespmem:v3+s30+$0x0] =	vst.idx.msk $0xffff, v60;
	v3 =	vor.u32 v26, v53  }
0x476: {  	v5 =	vor.u32 v5, v16;
	[tilespmem:v7+s30+$0x0] =	vst.idx.msk $0xffff, v10;
	v7 =	vor.u32 v26, v56;
	v3 =	vand.u32 $0x3C8, v3  }
0x477: {  	v52 =	vor.u32 v27, v45;
	v9 =	vld.idx.msk [tilespmem:v12+s18+$0x0], $0xffff;
	v7 =	vand.u32 $0x3C8, v7;
	v3 =	vor.u32 v3, v62  }
0x478: {  	v15 =	vor.u32 v28, v40;
	v10 =	vld.idx.msk [tilespmem:v13+s18+$0x0], $0xffff;
	v7 =	vor.u32 v7, v54  }
0x479: {  	v55 =	vor.u32 v28, v58;
	[tilespmem:v1+s30+$0x0] =	vst.idx.msk $0xffff, v6;
	v1 =	vand.u32 $0x3D8, v15;
	v12 =	vor.u32 v27, v17  }
0x47a: {  	v6 =	vor.u32 v29, v44;
	v4 =	vld.idx.msk [tilespmem:v4+s18+$0x0], $0xffff;
	v13 =	vor.u32 v27, v59;
	[tilespmem:v2+s30+$0x0] =	vst.idx.msk $0xffff, v46  }
0x47b: {  	v1 =	vor.u32 v1, v41;
	v2 =	vand.u32 $0x3E8, v42;
	[tilespmem:v5+s30+$0x0] =	vst.idx.msk $0xffff, v8;
	v5 =	vand.u32 $0x3D8, v55;
	v61 =	vld.idx.msk [tilespmem:v43+s18+$0x0], $0xffff  }
0x47c: {  	v2 =	vor.u32 v2, v39;
	v8 =	vld.idx.msk [tilespmem:v52+s18+$0x0], $0xffff;
	[tilespmem:v3+s30+$0x0] =	vst.idx.msk $0xffff, v9;
	v3 =	vor.u32 v28, v53  }
0x47d: {  	v5 =	vor.u32 v5, v16;
	[tilespmem:v7+s30+$0x0] =	vst.idx.msk $0xffff, v10;
	v7 =	vor.u32 v28, v56;
	v3 =	vand.u32 $0x3D8, v3  }
0x47e: {  	v60 =	vor.u32 v29, v45;
	v9 =	vld.idx.msk [tilespmem:v12+s18+$0x0], $0xffff;
	v7 =	vand.u32 $0x3D8, v7;
	v3 =	vor.u32 v3, v62  }
0x47f: {  	[tilespmem:v50+s30+$0x0] =	vst.idx.msk $0xffff, v57;
	v63 =	vor.u32 v30, v58;
	v10 =	vld.idx.msk [tilespmem:v13+s18+$0x0], $0xffff;
	v7 =	vor.u32 v7, v54  }
0x480: {  	v15 =	vor.u32 v30, v40;
	[tilespmem:v1+s30+$0x0] =	vst.idx.msk $0xffff, v4;
	v12 =	vor.u32 v29, v17  }
0x481: {  	v1 =	vand.u32 $0x3E8, v15;
	v6 =	vld.idx.msk [tilespmem:v6+s18+$0x0], $0xffff;
	v13 =	vor.u32 v29, v59;
	[tilespmem:v2+s30+$0x0] =	vst.idx.msk $0xffff, v61  }
0x482: {  	v4 =	vor.u32 v31, v44;
	v1 =	vor.u32 v1, v41;
	v2 =	vld.idx.msk [tilespmem:v36+s18+$0x0], $0xffff;
	[tilespmem:v5+s30+$0x0] =	vst.idx.msk $0xffff, v8  }
0x483: {  	v5 =	vand.u32 $0x3E8, v63;
	v8 =	vld.idx.msk [tilespmem:v60+s18+$0x0], $0xffff;
	[tilespmem:v3+s30+$0x0] =	vst.idx.msk $0xffff, v9;
	v3 =	vor.u32 v30, v53  }
0x484: {  	v5 =	vor.u32 v5, v16;
	[tilespmem:v7+s30+$0x0] =	vst.idx.msk $0xffff, v10;
	v7 =	vor.u32 v30, v56;
	v3 =	vand.u32 $0x3E8, v3  }
0x485: {  	v43 =	vor.u32 v31, v45;
	v9 =	vld.idx.msk [tilespmem:v12+s18+$0x0], $0xffff;
	v7 =	vand.u32 $0x3E8, v7;
	v3 =	vor.u32 v3, v62  }
0x486: {  	v10 =	vld.idx.msk [tilespmem:v13+s18+$0x0], $0xffff;
	v7 =	vor.u32 v7, v54  }
0x487: {  	v46 =	vor.u32 v32, v58;
	v15 =	vor.u32 v31, v17;
	[tilespmem:v1+s30+$0x0] =	vst.idx.msk $0xffff, v6;
	v1 =	vld.idx.msk [tilespmem:v37+s18+$0x0], $0xffff  }
0x488: {  	v45 =	vor.u32 v32, v40;
	v44 =	vor.u32 v31, v59;
	v12 =	vand.u32 $0x3F8, v38;
	v13 =	vld.idx.msk [tilespmem:v34+s18+$0x0], $0xffff  }
0x489: {  	v4 =	vld.idx.msk [tilespmem:v4+s18+$0x0], $0xffff;
	v6 =	vor.u32 v12, v39;
	v12 =	vand.u32 $0x3F8, v45;
	[tilespmem:v5+s30+$0x0] =	vst.idx.msk $0xffff, v8;
	v5 =	vand.u32 $0x3F8, v46  }
0x48a: {  	v8 =	vor.u32 v12, v41;
	v47 =	vld.idx.msk [tilespmem:v43+s18+$0x0], $0xffff;
	[tilespmem:v3+s30+$0x0] =	vst.idx.msk $0xffff, v9;
	v3 =	vor.u32 v32, v53  }
0x48b: {  	v5 =	vor.u32 v5, v16;
	[tilespmem:v7+s30+$0x0] =	vst.idx.msk $0xffff, v10;
	v7 =	vor.u32 v32, v56;
	v3 =	vand.u32 $0x3F8, v3  }
0x48c: {  	[tilespmem:v35+s30+$0x0] =	vst.idx.msk $0xffff, v2;
	v48 =	vld.idx.msk [tilespmem:v15+s18+$0x0], $0xffff;
	v7 =	vand.u32 $0x3F8, v7;
	v3 =	vor.u32 v3, v62  }
0x48d: {  	[tilespmem:v33+s30+$0x0] =	vst.idx.msk $0xffff, v13;
	v49 =	vld.idx.msk [tilespmem:v44+s18+$0x0], $0xffff;
	v7 =	vor.u32 v7, v54  }
0x48e: {  	[tilespmem:v6+s30+$0x0] =	vst.idx.msk $0xffff, v1  }
0x48f: {  	[tilespmem:v8+s30+$0x0] =	vst.idx.msk $0xffff, v4  }
0x490: {  	s3 =	sadd.s32 s9, s10;
	[tilespmem:v5+s30+$0x0] =	vst.idx.msk $0xffff, v47  }
0x491: {  	s3 =	sshrl.u32 s3, $0x3;
	[tilespmem:v3+s30+$0x0] =	vst.idx.msk $0xffff, v48  }
0x492: {  	s3 =	sadd.s32 s2, s3;
	[tilespmem:v7+s30+$0x0] =	vst.idx.msk $0xffff, v49  }
0x493: {  	[hbm4b:s3+s22] =	stream.strided.scatter [tilespmem:s30], [sflag:$0x9], $0x2000, s23, s22, $0x38;
	[tilespmem:$0x1A400] =	vst v63  }
0x494: {  	_ =	swait.ge [sflag:s31], $0x2000  }
0x495: {  	s6 =	simm.s32 @!p0 $0x80;
	[sflag:s31] =	ssyncset.done $0x0  }
0x496: {  	s10 =	simm.s32 @!p0 $0xC400;
	s3 =	sadd.s32 @!p0 $0x400, s12;
	[sflag:s31] =	ssyncadd.s32 $0xFFFFE000  }
0x497: {  	[tilespmem:s10], [sflag:$0x4] =	stream.indirect.gather @!p0 [hbm4b:s4+s6], $0x40, s3, s6, $0xb8;
	[tilespmem:$0x1A400] =	vst v63  }
0x498: {  	s3 =	simm.s32 @p1 $0xA  }
0x499: {  	_ =	swait.ge @p1 [sflag:s3], $0x2000  }
0x49a: {  	v3 =	vld [tilespmem:$0x1FF00];
	_ =	sdelay $0x1  }
0x49b: {  	s12 =	simm.s32 $0x0  }
0x49c: {  	v1 =	vadd.s32 s12, v0  }
0x49d: {  	v2 =	vand.u32 $0x38, v1  }
0x49e: {  	v4 =	vld [tilespmem:$0x1FF10];
	v3 =	vor.u32 v3, v2;
	_ =	sdelay $0x2  }
0x49f: {  	v1 =	vshll.u32 v1, $0x7;
	[sflag:s3] =	ssyncset.done @p1 $0x0  }
0x4a0: {  	v1 =	vand.u32 $0x1C00, v1;
	[sflag:s3] =	ssyncadd.s32 @p1 $0xFFFFE000  }
0x4a1: {  	v4 =	vor.u32 v4, v1;
	v3 =	vld.idx.msk [tilespmem:v3+s20+$0x0], $0xffff  }
0x4a2: {  	v5 =	vld [tilespmem:$0x1FF20];
	_ =	sdelay $0x2  }
0x4a3: {  	s15 =	simm.s32 $0x7  }
0x4a4: {  	v6 =	vadd.s32 s15, v0;
	[tilespmem:v4+s1+$0x0] =	vst.idx.msk $0xffff, v3  }
0x4a5: {  	v8 =	vand.u32 $0x3F, v6;
	v5 =	vor.u32 v5, v2;
	v4 =	vshll.u32 v6, $0x7;
	v6 =	vld [tilespmem:$0x1FF30];
	_ =	sdelay $0x4  }
0x4a6: {  	v5 =	vld.idx.msk [tilespmem:v5+s20+$0x0], $0xffff;
	v6 =	vor.u32 v6, v1  }
0x4a7: {  	v61 =	vld [tilespmem:$0x1FF40]  }
0x4a8: {  	s17 =	simm.s32 $0x6  }
0x4a9: {  	v7 =	vadd.s32 s17, v0  }
0x4aa: {  	v60 =	vor.u32 v14, v8;
	v50 =	vand.u32 $0x3F, v7  }
0x4ab: {  	v3 =	vor.u32 v14, v50;
	[tilespmem:v6+s1+$0x0] =	vst.idx.msk $0xffff, v5  }
0x4ac: {  	v7 =	vshll.u32 v7, $0x7;
	v11 =	vor.u32 v61, v2;
	v6 =	vld [tilespmem:$0x1FF50]  }
0x4ad: {  	v15 =	vor.u32 v0, v7;
	v12 =	vor.u32 v0, v4;
	v13 =	vand.u32 $0x1C00, v4  }
0x4ae: {  	v62 =	vand.u32 $0x1C00, v7;
	v12 =	vand.u32 $0x388, v12;
	v13 =	vor.u32 v18, v13  }
0x4af: {  	v15 =	vand.u32 $0x388, v15;
	v37 =	vor.u32 v18, v62;
	v10 =	vld.idx.msk [tilespmem:v60+s20+$0x0], $0xffff;
	v12 =	vor.u32 v12, v13  }
0x4b0: {  	v15 =	vor.u32 v15, v37;
	v3 =	vld.idx.msk [tilespmem:v3+s20+$0x0], $0xffff  }
0x4b1: {  	v5 =	vld.idx.msk [tilespmem:v11+s20+$0x0], $0xffff;
	v6 =	vor.u32 v6, v1  }
0x4b2: {  	v16 =	vld [tilespmem:$0x1FF60];
	_ =	sdelay $0x1  }
0x4b3: {  	[tilespmem:v12+s1+$0x0] =	vst.idx.msk $0xffff, v10  }
0x4b4: {  	v63 =	vor.u32 v19, v8;
	[tilespmem:v15+s1+$0x0] =	vst.idx.msk $0xffff, v3  }
0x4b5: {  	v36 =	vor.u32 v19, v50;
	[tilespmem:v6+s1+$0x0] =	vst.idx.msk $0xffff, v5  }
0x4b6: {  	v39 =	vor.u32 v16, v2;
	v6 =	vld [tilespmem:$0x1FF70]  }
0x4b7: {  	v38 =	vor.u32 v20, v4  }
0x4b8: {  	v40 =	vor.u32 v20, v7;
	v11 =	vand.u32 $0x398, v38  }
0x4b9: {  	v10 =	vand.u32 $0x398, v40;
	v3 =	vld.idx.msk [tilespmem:v63+s20+$0x0], $0xffff;
	v11 =	vor.u32 v11, v13  }
0x4ba: {  	v12 =	vld.idx.msk [tilespmem:v36+s20+$0x0], $0xffff;
	v10 =	vor.u32 v10, v37  }
0x4bb: {  	v5 =	vld.idx.msk [tilespmem:v39+s20+$0x0], $0xffff;
	v6 =	vor.u32 v6, v1  }
0x4bc: {  	v16 =	vld [tilespmem:$0x1FF80];
	_ =	sdelay $0x1  }
0x4bd: {  	[tilespmem:v11+s1+$0x0] =	vst.idx.msk $0xffff, v3  }
0x4be: {  	[tilespmem:v10+s1+$0x0] =	vst.idx.msk $0xffff, v12  }
0x4bf: {  	v15 =	vor.u32 v21, v8;
	[tilespmem:v6+s1+$0x0] =	vst.idx.msk $0xffff, v5  }
0x4c0: {  	v43 =	vor.u32 v16, v2;
	v16 =	vld [tilespmem:$0x1FF90]  }
0x4c1: {  	v41 =	vor.u32 v21, v50;
	_ =	sdelay $0x1  }
0x4c2: {  	v42 =	vor.u32 v22, v4  }
0x4c3: {  	v44 =	vand.u32 $0x3A8, v42;
	v3 =	vor.u32 v22, v7;
	v45 =	vld.idx.msk [tilespmem:v15+s20+$0x0], $0xffff  }
0x4c4: {  	v11 =	vor.u32 v44, v13;
	v3 =	vand.u32 $0x3A8, v3;
	v46 =	vor.u32 v16, v1;
	v16 =	vld [tilespmem:$0x1FFC0]  }
0x4c5: {  	v12 =	vld.idx.msk [tilespmem:v41+s20+$0x0], $0xffff;
	v3 =	vor.u32 v3, v37  }
0x4c6: {  	v15 =	vor.u32 v23, v8  }
0x4c7: {  	v5 =	vor.u32 v23, v50  }
0x4c8: {  	v6 =	vld.idx.msk [tilespmem:v43+s20+$0x0], $0xffff  }
0x4c9: {  	v55 =	vor.u32 v24, v4;
	v47 =	vor.u32 v16, v2;
	v16 =	vld [tilespmem:$0x1FFE0];
	[tilespmem:v11+s1+$0x0] =	vst.idx.msk $0xffff, v45  }
0x4ca: {  	v34 =	vor.u32 v31, v8;
	v10 =	vand.u32 $0x3B8, v55;
	v11 =	vld [tilespmem:$0x1FFA0];
	[tilespmem:v3+s1+$0x0] =	vst.idx.msk $0xffff, v12;
	v3 =	vor.u32 v24, v7  }
0x4cb: {  	v59 =	vor.u32 v27, v8;
	v10 =	vor.u32 v10, v13;
	v56 =	vld.idx.msk [tilespmem:v15+s20+$0x0], $0xffff;
	v3 =	vand.u32 $0x3B8, v3  }
0x4cc: {  	v9 =	vor.u32 v29, v50;
	v15 =	vor.u32 v25, v8;
	v5 =	vld.idx.msk [tilespmem:v5+s20+$0x0], $0xffff;
	v3 =	vor.u32 v3, v37  }
0x4cd: {  	v57 =	vor.u32 v30, v4;
	v58 =	vor.u32 v32, v4;
	v52 =	vor.u32 v28, v4;
	v12 =	vld [tilespmem:$0x1FFF0]  }
0x4ce: {  	v4 =	vor.u32 v26, v4;
	v17 =	vld [tilespmem:$0x1FFD0];
	[tilespmem:v46+s1+$0x0] =	vst.idx.msk $0xffff, v6;
	v6 =	vor.u32 v25, v50  }
0x4cf: {  	v4 =	vand.u32 $0x3C8, v4;
	v40 =	vor.u32 v16, v2;
	v16 =	vld [tilespmem:$0x1FFB0];
	v2 =	vor.u32 v11, v2  }
0x4d0: {  	v54 =	vand.u32 $0x3E8, v57;
	v57 =	vor.u32 v32, v7;
	v4 =	vor.u32 v4, v13;
	[tilespmem:v10+s1+$0x0] =	vst.idx.msk $0xffff, v56  }
0x4d1: {  	v62 =	vor.u32 v54, v13;
	v15 =	vld.idx.msk [tilespmem:v15+s20+$0x0], $0xffff;
	[tilespmem:v3+s1+$0x0] =	vst.idx.msk $0xffff, v5;
	v3 =	vor.u32 v26, v7  }
0x4d2: {  	s10 =	simm.s32 $0x5;
	v36 =	vor.u32 v31, v50;
	v55 =	vand.u32 $0x3F8, v58;
	v3 =	vand.u32 $0x3C8, v3  }
0x4d3: {  	v58 =	vadd.s32 s10, v0;
	v53 =	vor.u32 v12, v1;
	v6 =	vld.idx.msk [tilespmem:v6+s20+$0x0], $0xffff;
	v3 =	vor.u32 v3, v37  }
0x4d4: {  	v12 =	vor.u32 v17, v1;
	v5 =	vand.u32 $0x3D8, v52;
	v1 =	vor.u32 v16, v1;
	v2 =	vld.idx.msk [tilespmem:v2+s20+$0x0], $0xffff  }
0x4d5: {  	v33 =	vor.u32 v55, v13;
	v5 =	vor.u32 v5, v13;
	v13 =	vor.u32 v27, v50  }
0x4d6: {  	v8 =	vor.u32 v29, v8;
	v56 =	vor.u32 v30, v7;
	[tilespmem:v4+s1+$0x0] =	vst.idx.msk $0xffff, v15;
	v4 =	vshll.u32 v58, $0x7  }
0x4d7: {  	v7 =	vor.u32 v28, v7;
	v42 =	vor.u32 v30, v4;
	v38 =	vor.u32 v32, v4  }
0x4d8: {  	v51 =	vor.u32 v24, v4;
	v49 =	vor.u32 v26, v4;
	[tilespmem:v3+s1+$0x0] =	vst.idx.msk $0xffff, v6  }
0x4d9: {  	s12 =	simm.s32 $0x4;
	v61 =	vor.u32 v22, v4;
	v3 =	vor.u32 v0, v4;
	[tilespmem:v1+s1+$0x0] =	vst.idx.msk $0xffff, v2;
	v1 =	vand.u32 $0x3D8, v7  }
0x4da: {  	v2 =	vand.u32 $0x3E8, v56;
	v7 =	vand.u32 $0x3F8, v57;
	v11 =	vld.idx.msk [tilespmem:v13+s20+$0x0], $0xffff;
	v13 =	vadd.s32 s12, v0  }
0x4db: {  	v3 =	vand.u32 $0x388, v3;
	v50 =	vor.u32 v2, v37;
	v6 =	vor.u32 v1, v37;
	v1 =	vld.idx.msk [tilespmem:v47+s20+$0x0], $0xffff  }
0x4dc: {  	v35 =	vor.u32 v7, v37;
	v7 =	vand.u32 $0x3F, v58;
	v47 =	vor.u32 v28, v4  }
0x4dd: {  	v10 =	vld.idx.msk [tilespmem:v59+s20+$0x0], $0xffff;
	v2 =	vor.u32 v20, v4;
	v4 =	vand.u32 $0x1C00, v4;
	v37 =	vor.u32 v31, v7  }
0x4de: {  	v46 =	vor.u32 v27, v7;
	v43 =	vor.u32 v29, v7;
	v48 =	vor.u32 v25, v7  }
0x4df: {  	v60 =	vor.u32 v21, v7;
	v52 =	vor.u32 v23, v7;
	v63 =	vor.u32 v19, v7  }
0x4e0: {  	s15 =	simm.s32 $0x3;
	v44 =	vand.u32 $0x3F, v13;
	v54 =	vor.u32 v14, v7;
	v39 =	vor.u32 v18, v4;
	[tilespmem:v12+s1+$0x0] =	vst.idx.msk $0xffff, v1  }
0x4e1: {  	v55 =	vor.u32 v14, v44;
	v7 =	vadd.s32 s15, v0;
	v56 =	vld.idx.msk [tilespmem:v40+s20+$0x0], $0xffff;
	v40 =	vshll.u32 v13, $0x7  }
0x4e2: {  	[tilespmem:v5+s1+$0x0] =	vst.idx.msk $0xffff, v10;
	v3 =	vor.u32 v3, v39;
	v4 =	vor.u32 v0, v40;
	v59 =	vand.u32 $0x1C00, v40  }
0x4e3: {  	s17 =	simm.s32 $0x2;
	v5 =	vld.idx.msk [tilespmem:v8+s20+$0x0], $0xffff;
	v45 =	vand.u32 $0x3F, v7;
	[tilespmem:v6+s1+$0x0] =	vst.idx.msk $0xffff, v11;
	v4 =	vand.u32 $0x388, v4;
	v41 =	vor.u32 v18, v59  }
0x4e4: {  	s10 =	simm.s32 $0x8;
	s12 =	simm.s32 $0x1;
	v1 =	vor.u32 v19, v44;
	v6 =	vadd.s32 s17, v0;
	v57 =	vld.idx.msk [tilespmem:v9+s20+$0x0], $0xffff;
	v4 =	vor.u32 v4, v41  }
.LBB2_11:
0x4e5: {  	v8 =	vadd.s32 s12, v0  }
0x4e6: {  	v59 =	vand.u32 $0x3F, v6;
	v9 =	vor.u32 v14, v45;
	v2 =	vand.u32 $0x398, v2  }
0x4e7: {  	v58 =	vand.u32 $0x3F, v8;
	v10 =	vor.u32 v14, v59;
	[tilespmem:v53+s1+$0x0] =	vst.idx.msk $0xffff, v56;
	v56 =	vshll.u32 v7, $0x7  }
0x4e8: {  	v7 =	vor.u32 v14, v58;
	v11 =	vor.u32 v0, v56;
	v12 =	vand.u32 $0x1C00, v56  }
0x4e9: {  	v13 =	vld.idx.msk [tilespmem:v54+s20+$0x0], $0xffff;
	v53 =	vshll.u32 v6, $0x7;
	v6 =	vand.u32 $0x388, v11;
	v54 =	vor.u32 v18, v12;
	[tilespmem:v62+s1+$0x0] =	vst.idx.msk $0xffff, v5  }
0x4ea: {  	v5 =	vor.u32 v0, v53;
	v11 =	vor.u32 v19, v45;
	v12 =	vld.idx.msk [tilespmem:v55+s20+$0x0], $0xffff;
	v55 =	vshll.u32 v8, $0x7  }
0x4eb: {  	v8 =	vand.u32 $0x1C00, v53;
	[tilespmem:v50+s1+$0x0] =	vst.idx.msk $0xffff, v57;
	v6 =	vor.u32 v6, v54;
	v5 =	vand.u32 $0x388, v5  }
0x4ec: {  	v9 =	vld.idx.msk [tilespmem:v9+s20+$0x0], $0xffff;
	v15 =	vor.u32 v0, v55;
	v62 =	vand.u32 $0x1C00, v55;
	v57 =	vor.u32 v18, v8  }
0x4ed: {  	v10 =	vld.idx.msk [tilespmem:v10+s20+$0x0], $0xffff;
	v8 =	vand.u32 $0x388, v15;
	v50 =	vor.u32 v18, v62;
	v5 =	vor.u32 v5, v57  }
0x4ee: {  	v2 =	vor.u32 v2, v39;
	v7 =	vld.idx.msk [tilespmem:v7+s20+$0x0], $0xffff;
	v8 =	vor.u32 v8, v50  }
0x4ef: {  	[tilespmem:v3+s1+$0x0] =	vst.idx.msk $0xffff, v13;
	v3 =	vor.u32 v19, v58;
	v15 =	vor.u32 v19, v59  }
0x4f0: {  	v13 =	vor.u32 v20, v40;
	v62 =	vld.idx.msk [tilespmem:v63+s20+$0x0], $0xffff;
	v63 =	vor.u32 v20, v56;
	[tilespmem:v4+s1+$0x0] =	vst.idx.msk $0xffff, v12  }
0x4f1: {  	v4 =	vand.u32 $0x398, v13;
	v12 =	vor.u32 v21, v44;
	[tilespmem:v6+s1+$0x0] =	vst.idx.msk $0xffff, v9;
	v6 =	vand.u32 $0x398, v63;
	v1 =	vld.idx.msk [tilespmem:v1+s20+$0x0], $0xffff  }
0x4f2: {  	v4 =	vor.u32 v4, v41;
	[tilespmem:v5+s1+$0x0] =	vst.idx.msk $0xffff, v10;
	v5 =	vor.u32 v20, v53;
	v9 =	vld.idx.msk [tilespmem:v11+s20+$0x0], $0xffff  }
0x4f3: {  	v6 =	vor.u32 v6, v54;
	[tilespmem:v8+s1+$0x0] =	vst.idx.msk $0xffff, v7;
	v7 =	vor.u32 v20, v55;
	v5 =	vand.u32 $0x398, v5  }
0x4f4: {  	v13 =	vor.u32 v21, v58;
	v8 =	vld.idx.msk [tilespmem:v15+s20+$0x0], $0xffff;
	v7 =	vand.u32 $0x398, v7;
	v5 =	vor.u32 v5, v57  }
0x4f5: {  	v10 =	vor.u32 v21, v45;
	v11 =	vor.u32 v21, v59;
	v3 =	vld.idx.msk [tilespmem:v3+s20+$0x0], $0xffff;
	v7 =	vor.u32 v7, v50  }
0x4f6: {  	[tilespmem:v2+s1+$0x0] =	vst.idx.msk $0xffff, v62;
	v2 =	vand.u32 $0x3A8, v61;
	v61 =	vor.u32 v22, v56;
	v15 =	vor.u32 v22, v40  }
0x4f7: {  	v60 =	vld.idx.msk [tilespmem:v60+s20+$0x0], $0xffff;
	v2 =	vor.u32 v2, v39;
	[tilespmem:v4+s1+$0x0] =	vst.idx.msk $0xffff, v1;
	v1 =	vand.u32 $0x3A8, v15  }
0x4f8: {  	v62 =	vor.u32 v24, v56;
	[tilespmem:v6+s1+$0x0] =	vst.idx.msk $0xffff, v9;
	v6 =	vand.u32 $0x3A8, v61;
	v1 =	vor.u32 v1, v41  }
0x4f9: {  	v63 =	vld.idx.msk [tilespmem:v12+s20+$0x0], $0xffff;
	v6 =	vor.u32 v6, v54;
	[tilespmem:v5+s1+$0x0] =	vst.idx.msk $0xffff, v8;
	v5 =	vor.u32 v22, v53  }
0x4fa: {  	v8 =	vld.idx.msk [tilespmem:v10+s20+$0x0], $0xffff;
	[tilespmem:v7+s1+$0x0] =	vst.idx.msk $0xffff, v3;
	v3 =	vor.u32 v22, v55;
	v5 =	vand.u32 $0x3A8, v5  }
0x4fb: {  	v4 =	vor.u32 v23, v44;
	v7 =	vld.idx.msk [tilespmem:v11+s20+$0x0], $0xffff;
	v3 =	vand.u32 $0x3A8, v3;
	v5 =	vor.u32 v5, v57  }
0x4fc: {  	[tilespmem:v2+s1+$0x0] =	vst.idx.msk $0xffff, v60;
	v11 =	vor.u32 v23, v45;
	v10 =	vld.idx.msk [tilespmem:v13+s20+$0x0], $0xffff;
	v3 =	vor.u32 v3, v50  }
0x4fd: {  	v15 =	vor.u32 v24, v40;
	v12 =	vor.u32 v23, v59;
	v2 =	vand.u32 $0x3B8, v51;
	v61 =	vld.idx.msk [tilespmem:v52+s20+$0x0], $0xffff  }
0x4fe: {  	v2 =	vor.u32 v2, v39;
	v13 =	vor.u32 v23, v58;
	[tilespmem:v1+s1+$0x0] =	vst.idx.msk $0xffff, v63;
	v1 =	vand.u32 $0x3B8, v15  }
0x4ff: {  	v63 =	vor.u32 v25, v44;
	v1 =	vor.u32 v1, v41;
	[tilespmem:v6+s1+$0x0] =	vst.idx.msk $0xffff, v8;
	v6 =	vand.u32 $0x3B8, v62  }
0x500: {  	v4 =	vld.idx.msk [tilespmem:v4+s20+$0x0], $0xffff;
	v6 =	vor.u32 v6, v54;
	[tilespmem:v5+s1+$0x0] =	vst.idx.msk $0xffff, v7;
	v5 =	vor.u32 v24, v53  }
0x501: {  	v7 =	vld.idx.msk [tilespmem:v11+s20+$0x0], $0xffff;
	[tilespmem:v3+s1+$0x0] =	vst.idx.msk $0xffff, v10;
	v3 =	vor.u32 v24, v55;
	v5 =	vand.u32 $0x3B8, v5  }
0x502: {  	v8 =	vld.idx.msk [tilespmem:v12+s20+$0x0], $0xffff;
	v3 =	vand.u32 $0x3B8, v3;
	v5 =	vor.u32 v5, v57  }
0x503: {  	[tilespmem:v2+s1+$0x0] =	vst.idx.msk $0xffff, v61;
	v10 =	vld.idx.msk [tilespmem:v13+s20+$0x0], $0xffff;
	v3 =	vor.u32 v3, v50  }
0x504: {  	v15 =	vor.u32 v26, v40;
	v2 =	vand.u32 $0x3C8, v49;
	v48 =	vld.idx.msk [tilespmem:v48+s20+$0x0], $0xffff;
	v12 =	vor.u32 v25, v59  }
0x505: {  	v2 =	vor.u32 v2, v39;
	v13 =	vor.u32 v25, v58;
	[tilespmem:v1+s1+$0x0] =	vst.idx.msk $0xffff, v4;
	v1 =	vand.u32 $0x3C8, v15  }
0x506: {  	v1 =	vor.u32 v1, v41;
	[tilespmem:v6+s1+$0x0] =	vst.idx.msk $0xffff, v7;
	v7 =	vld.idx.msk [tilespmem:v63+s20+$0x0], $0xffff  }
0x507: {  	v4 =	vor.u32 v27, v44;
	[tilespmem:v5+s1+$0x0] =	vst.idx.msk $0xffff, v8;
	v5 =	vor.u32 v26, v53  }
0x508: {  	v60 =	vor.u32 v25, v45;
	[tilespmem:v3+s1+$0x0] =	vst.idx.msk $0xffff, v10;
	v3 =	vor.u32 v26, v55;
	v5 =	vand.u32 $0x3C8, v5  }
0x509: {  	v61 =	vor.u32 v26, v56;
	v62 =	vld.idx.msk [tilespmem:v12+s20+$0x0], $0xffff;
	v3 =	vand.u32 $0x3C8, v3;
	v5 =	vor.u32 v5, v57  }
0x50a: {  	v15 =	vor.u32 v28, v40;
	[tilespmem:v2+s1+$0x0] =	vst.idx.msk $0xffff, v48;
	v10 =	vld.idx.msk [tilespmem:v13+s20+$0x0], $0xffff;
	v3 =	vor.u32 v3, v50  }
0x50b: {  	v2 =	vand.u32 $0x3D8, v47;
	v12 =	vor.u32 v27, v59;
	[tilespmem:v1+s1+$0x0] =	vst.idx.msk $0xffff, v7;
	v1 =	vand.u32 $0x3D8, v15  }
0x50c: {  	v6 =	vand.u32 $0x3C8, v61;
	v13 =	vor.u32 v27, v58;
	v4 =	vld.idx.msk [tilespmem:v4+s20+$0x0], $0xffff;
	v1 =	vor.u32 v1, v41  }
0x50d: {  	v63 =	vor.u32 v27, v45;
	v46 =	vld.idx.msk [tilespmem:v46+s20+$0x0], $0xffff;
	v2 =	vor.u32 v2, v39;
	v7 =	vor.u32 v29, v44  }
0x50e: {  	v6 =	vor.u32 v6, v54;
	[tilespmem:v5+s1+$0x0] =	vst.idx.msk $0xffff, v62;
	v5 =	vor.u32 v28, v53  }
0x50f: {  	v8 =	vld.idx.msk [tilespmem:v60+s20+$0x0], $0xffff;
	[tilespmem:v3+s1+$0x0] =	vst.idx.msk $0xffff, v10;
	v3 =	vor.u32 v28, v55;
	v5 =	vand.u32 $0x3D8, v5  }
0x510: {  	v15 =	vor.u32 v30, v40;
	v9 =	vld.idx.msk [tilespmem:v12+s20+$0x0], $0xffff;
	v3 =	vand.u32 $0x3D8, v3;
	v5 =	vor.u32 v5, v57  }
0x511: {  	v10 =	vld.idx.msk [tilespmem:v13+s20+$0x0], $0xffff;
	[tilespmem:v1+s1+$0x0] =	vst.idx.msk $0xffff, v4;
	v1 =	vand.u32 $0x3E8, v15;
	v3 =	vor.u32 v3, v50  }
0x512: {  	[tilespmem:v2+s1+$0x0] =	vst.idx.msk $0xffff, v46;
	v12 =	vor.u32 v29, v59;
	v7 =	vld.idx.msk [tilespmem:v7+s20+$0x0], $0xffff;
	v1 =	vor.u32 v1, v41  }
0x513: {  	v51 =	vor.u32 v29, v45;
	v49 =	vor.u32 v28, v56;
	v52 =	vld.idx.msk [tilespmem:v43+s20+$0x0], $0xffff;
	v4 =	vor.u32 v31, v44  }
0x514: {  	v43 =	vor.u32 v32, v40;
	[tilespmem:v6+s1+$0x0] =	vst.idx.msk $0xffff, v8;
	v6 =	vand.u32 $0x3D8, v49;
	v13 =	vor.u32 v29, v58  }
0x515: {  	v8 =	vld.idx.msk [tilespmem:v63+s20+$0x0], $0xffff;
	v6 =	vor.u32 v6, v54;
	[tilespmem:v5+s1+$0x0] =	vst.idx.msk $0xffff, v9;
	v5 =	vor.u32 v30, v53  }
0x516: {  	v15 =	vld.idx.msk [tilespmem:v34+s20+$0x0], $0xffff;
	[tilespmem:v3+s1+$0x0] =	vst.idx.msk $0xffff, v10;
	v3 =	vor.u32 v30, v55;
	v5 =	vand.u32 $0x3E8, v5  }
0x517: {  	v9 =	vld.idx.msk [tilespmem:v12+s20+$0x0], $0xffff;
	[tilespmem:v1+s1+$0x0] =	vst.idx.msk $0xffff, v7;
	v1 =	vand.u32 $0x3F8, v43;
	v5 =	vor.u32 v5, v57  }
0x518: {  	v3 =	vand.u32 $0x3E8, v3;
	v4 =	vld.idx.msk [tilespmem:v4+s20+$0x0], $0xffff;
	v1 =	vor.u32 v1, v41  }
0x519: {  	v62 =	vld.idx.msk [tilespmem:v13+s20+$0x0], $0xffff;
	v13 =	vor.u32 v31, v59;
	v3 =	vor.u32 v3, v50  }
0x51a: {  	[tilespmem:v6+s1+$0x0] =	vst.idx.msk $0xffff, v8  }
0x51b: {  	v60 =	vor.u32 v30, v56;
	v63 =	vor.u32 v31, v58;
	[tilespmem:v33+s1+$0x0] =	vst.idx.msk $0xffff, v15  }
0x51c: {  	v6 =	vand.u32 $0x3E8, v60;
	v8 =	vld.idx.msk [tilespmem:v51+s20+$0x0], $0xffff;
	[tilespmem:v5+s1+$0x0] =	vst.idx.msk $0xffff, v9  }
0x51d: {  	v6 =	vor.u32 v6, v54;
	v15 =	vld [tilespmem:$0x1FF00];
	v12 =	vor.u32 v31, v45;
	v45 =	vadd.s32 s10, v0;
	[tilespmem:v1+s1+$0x0] =	vst.idx.msk $0xffff, v4  }
0x51e: {  	v2 =	vand.u32 $0x3E8, v42;
	v1 =	vshll.u32 v45, $0x7;
	[tilespmem:v3+s1+$0x0] =	vst.idx.msk $0xffff, v62;
	v3 =	vor.u32 v32, v55;
	v46 =	vld.idx.msk [tilespmem:v13+s20+$0x0], $0xffff  }
0x51f: {  	v2 =	vor.u32 v2, v39;
	v4 =	vand.u32 $0x1C00, v1;
	v1 =	vld [tilespmem:$0x1FF10];
	v3 =	vand.u32 $0x3F8, v3  }
0x520: {  	v13 =	vld.idx.msk [tilespmem:v63+s20+$0x0], $0xffff;
	v3 =	vor.u32 v3, v50;
	_ =	sdelay $0x1  }
0x521: {  	[tilespmem:v6+s1+$0x0] =	vst.idx.msk $0xffff, v8  }
0x522: {  	v8 =	vld.idx.msk [tilespmem:v12+s20+$0x0], $0xffff;
	v12 =	vand.u32 $0x38, v45;
	v5 =	vor.u32 v32, v53  }
0x523: {  	[tilespmem:v2+s1+$0x0] =	vst.idx.msk $0xffff, v52;
	v2 =	vld.idx.msk [tilespmem:v36+s20+$0x0], $0xffff;
	v15 =	vor.u32 v15, v12;
	v5 =	vand.u32 $0x3F8, v5  }
0x524: {  	v5 =	vor.u32 v5, v57;
	[tilespmem:v3+s1+$0x0] =	vst.idx.msk $0xffff, v13;
	v3 =	vor.u32 v1, v4;
	v1 =	vld [tilespmem:$0x1FF20];
	_ =	sdelay $0x2  }
0x525: {  	v44 =	vor.u32 v32, v56  }
0x526: {  	[tilespmem:v35+s1+$0x0] =	vst.idx.msk $0xffff, v2;
	v6 =	vand.u32 $0x3F8, v44;
	v2 =	vld.idx.msk [tilespmem:v15+s20+$0x0], $0xffff  }
0x527: {  	v6 =	vor.u32 v6, v54;
	[tilespmem:v5+s1+$0x0] =	vst.idx.msk $0xffff, v46;
	v5 =	vor.u32 v1, v12  }
0x528: {  	v61 =	vand.u32 $0x3F8, v38  }
0x529: {  	v10 =	vor.u32 v61, v39;
	v7 =	vld.idx.msk [tilespmem:v37+s20+$0x0], $0xffff;
	_ =	sdelay $0x1  }
0x52a: {  	s3 =	sadd.s32 $0x7, s10;
	v48 =	vld [tilespmem:$0x1FF40];
	[tilespmem:v3+s1+$0x0] =	vst.idx.msk $0xffff, v2  }
0x52b: {  	[tilespmem:v6+s1+$0x0] =	vst.idx.msk $0xffff, v8;
	v6 =	vadd.s32 s3, v0;
	v3 =	vld.idx.msk [tilespmem:v5+s20+$0x0], $0xffff  }
0x52c: {  	s6 =	sadd.s32 $0x6, s10;
	v8 =	vand.u32 $0x3F, v6;
	v5 =	vshll.u32 v6, $0x7;
	v6 =	vld [tilespmem:$0x1FF30]  }
0x52d: {  	[tilespmem:v10+s1+$0x0] =	vst.idx.msk $0xffff, v7;
	v7 =	vadd.s32 s6, v0  }
0x52e: {  	v47 =	vor.u32 v14, v8;
	v1 =	vand.u32 $0x3F, v7  }
0x52f: {  	v2 =	vor.u32 v14, v1;
	_ =	sdelay $0x1  }
0x530: {  	v54 =	vld [tilespmem:$0x1FF60];
	v10 =	vor.u32 v48, v12;
	v7 =	vshll.u32 v7, $0x7;
	v6 =	vor.u32 v6, v4  }
0x531: {  	v53 =	vld [tilespmem:$0x1FF50];
	v15 =	vor.u32 v0, v7;
	v49 =	vor.u32 v0, v5;
	v13 =	vand.u32 $0x1C00, v5  }
0x532: {  	v9 =	vld.idx.msk [tilespmem:v47+s20+$0x0], $0xffff;
	v50 =	vand.u32 $0x1C00, v7;
	v11 =	vand.u32 $0x388, v49;
	v13 =	vor.u32 v18, v13  }
0x533: {  	v15 =	vand.u32 $0x388, v15;
	v51 =	vld.idx.msk [tilespmem:v2+s20+$0x0], $0xffff;
	v2 =	vor.u32 v18, v50;
	v11 =	vor.u32 v11, v13  }
0x534: {  	v52 =	vor.u32 v19, v8;
	v15 =	vor.u32 v15, v2  }
0x535: {  	v58 =	vld [tilespmem:$0x1FF70];
	[tilespmem:v6+s1+$0x0] =	vst.idx.msk $0xffff, v3;
	v3 =	vor.u32 v19, v1  }
0x536: {  	v43 =	vld [tilespmem:$0x1FFC0]  }
0x537: {  	v55 =	vor.u32 v20, v5;
	v6 =	vld.idx.msk [tilespmem:v10+s20+$0x0], $0xffff;
	v10 =	vor.u32 v53, v4  }
0x538: {  	v59 =	vld [tilespmem:$0x1FF80];
	v35 =	vor.u32 v54, v12;
	v56 =	vor.u32 v20, v7;
	[tilespmem:v11+s1+$0x0] =	vst.idx.msk $0xffff, v9;
	v9 =	vand.u32 $0x398, v55  }
0x539: {  	[tilespmem:v15+s1+$0x0] =	vst.idx.msk $0xffff, v51;
	v11 =	vand.u32 $0x398, v56;
	v15 =	vld.idx.msk [tilespmem:v52+s20+$0x0], $0xffff;
	v9 =	vor.u32 v9, v13  }
0x53a: {  	v11 =	vor.u32 v11, v2;
	v3 =	vld.idx.msk [tilespmem:v3+s20+$0x0], $0xffff  }
0x53b: {  	v44 =	vld [tilespmem:$0x1FFE0];
	v57 =	vor.u32 v21, v8  }
0x53c: {  	[tilespmem:v10+s1+$0x0] =	vst.idx.msk $0xffff, v6;
	v6 =	vor.u32 v21, v1  }
0x53d: {  	v42 =	vld [tilespmem:$0x1FF90];
	v37 =	vor.u32 v43, v12  }
0x53e: {  	v34 =	vor.u32 v58, v4;
	v60 =	vor.u32 v22, v5;
	[tilespmem:v9+s1+$0x0] =	vst.idx.msk $0xffff, v15;
	v10 =	vld.idx.msk [tilespmem:v35+s20+$0x0], $0xffff  }
0x53f: {  	v45 =	vld [tilespmem:$0x1FFA0];
	v9 =	vand.u32 $0x3A8, v60;
	v35 =	vor.u32 v59, v12;
	[tilespmem:v11+s1+$0x0] =	vst.idx.msk $0xffff, v3;
	v3 =	vor.u32 v22, v7  }
0x540: {  	v39 =	vor.u32 v44, v12;
	v61 =	vld.idx.msk [tilespmem:v57+s20+$0x0], $0xffff;
	v9 =	vor.u32 v9, v13;
	v3 =	vand.u32 $0x3A8, v3  }
0x541: {  	v40 =	vor.u32 v27, v8;
	v15 =	vor.u32 v23, v8;
	v6 =	vld.idx.msk [tilespmem:v6+s20+$0x0], $0xffff;
	v3 =	vor.u32 v3, v2  }
0x542: {  	v62 =	vor.u32 v23, v1;
	v48 =	vor.u32 v25, v1;
	v36 =	vor.u32 v31, v1  }
0x543: {  	v47 =	vld [tilespmem:$0x1FFF0];
	v46 =	vor.u32 v24, v5;
	v50 =	vor.u32 v32, v5;
	[tilespmem:v34+s1+$0x0] =	vst.idx.msk $0xffff, v10  }
0x544: {  	v49 =	vor.u32 v30, v5;
	v51 =	vor.u32 v28, v5;
	v34 =	vor.u32 v42, v4;
	v63 =	vld.idx.msk [tilespmem:v35+s20+$0x0], $0xffff  }
0x545: {  	v5 =	vor.u32 v26, v5;
	v12 =	vor.u32 v45, v12;
	[tilespmem:v9+s1+$0x0] =	vst.idx.msk $0xffff, v61;
	v9 =	vand.u32 $0x3B8, v46  }
0x546: {  	v9 =	vor.u32 v9, v13;
	[tilespmem:v3+s1+$0x0] =	vst.idx.msk $0xffff, v6;
	v3 =	vor.u32 v24, v7;
	v6 =	vld.idx.msk [tilespmem:v15+s20+$0x0], $0xffff  }
0x547: {  	v5 =	vand.u32 $0x3C8, v5;
	v15 =	vor.u32 v25, v8;
	v3 =	vand.u32 $0x3B8, v3  }
0x548: {  	v52 =	vand.u32 $0x3F8, v50;
	v5 =	vor.u32 v5, v13;
	v10 =	vld.idx.msk [tilespmem:v62+s20+$0x0], $0xffff;
	v3 =	vor.u32 v3, v2  }
0x549: {  	v33 =	vor.u32 v52, v13;
	v53 =	vor.u32 v47, v4;
	[tilespmem:v34+s1+$0x0] =	vst.idx.msk $0xffff, v63  }
0x54a: {  	v57 =	vor.u32 v29, v1;
	v11 =	vor.u32 v17, v4;
	v4 =	vor.u32 v16, v4;
	v12 =	vld.idx.msk [tilespmem:v12+s20+$0x0], $0xffff  }
0x54b: {  	v34 =	vor.u32 v31, v8;
	v8 =	vor.u32 v29, v8;
	[tilespmem:v9+s1+$0x0] =	vst.idx.msk $0xffff, v6;
	v6 =	vand.u32 $0x3E8, v49  }
0x54c: {  	v54 =	vld.idx.msk [tilespmem:v15+s20+$0x0], $0xffff;
	v15 =	vand.u32 $0x3D8, v51;
	v62 =	vor.u32 v6, v13;
	v6 =	vor.u32 v30, v7  }
0x54d: {  	[tilespmem:v3+s1+$0x0] =	vst.idx.msk $0xffff, v10;
	v3 =	vor.u32 v26, v7;
	v9 =	vor.u32 v15, v13  }
0x54e: {  	v13 =	vor.u32 v32, v7;
	v15 =	vor.u32 v27, v1;
	v7 =	vor.u32 v28, v7  }
0x54f: {  	s6 =	sadd.s32 $0x5, s10;
	[tilespmem:v4+s1+$0x0] =	vst.idx.msk $0xffff, v12;
	v4 =	vand.u32 $0x3E8, v6;
	v3 =	vand.u32 $0x3C8, v3;
	v1 =	vand.u32 $0x3D8, v7  }
0x550: {  	v6 =	vand.u32 $0x3F8, v13;
	v7 =	vadd.s32 s6, v0;
	v50 =	vor.u32 v4, v2  }
0x551: {  	v55 =	vld.idx.msk [tilespmem:v48+s20+$0x0], $0xffff;
	v3 =	vor.u32 v3, v2;
	v35 =	vor.u32 v6, v2;
	v6 =	vand.u32 $0x3F, v7  }
0x552: {  	v4 =	vld.idx.msk [tilespmem:v37+s20+$0x0], $0xffff;
	v10 =	vor.u32 v1, v2;
	v37 =	vor.u32 v31, v6;
	v46 =	vor.u32 v27, v6  }
0x553: {  	v43 =	vor.u32 v29, v6;
	v48 =	vor.u32 v25, v6;
	v60 =	vor.u32 v21, v6  }
0x554: {  	v52 =	vor.u32 v23, v6;
	v63 =	vor.u32 v19, v6;
	[tilespmem:v5+s1+$0x0] =	vst.idx.msk $0xffff, v54;
	v5 =	vshll.u32 v7, $0x7  }
0x555: {  	v54 =	vor.u32 v14, v6;
	v42 =	vor.u32 v30, v5;
	v38 =	vor.u32 v32, v5  }
0x556: {  	v47 =	vor.u32 v28, v5;
	v7 =	vld.idx.msk [tilespmem:v40+s20+$0x0], $0xffff;
	v51 =	vor.u32 v24, v5;
	[tilespmem:v3+s1+$0x0] =	vst.idx.msk $0xffff, v55  }
0x557: {  	s12 =	sadd.s32 $0x4, s10;
	v49 =	vor.u32 v26, v5;
	v61 =	vor.u32 v22, v5;
	v1 =	vor.u32 v0, v5;
	v12 =	vld.idx.msk [tilespmem:v15+s20+$0x0], $0xffff  }
0x558: {  	p0 =	slt.u32 s10, $0x38;
	v2 =	vor.u32 v20, v5;
	[tilespmem:v11+s1+$0x0] =	vst.idx.msk $0xffff, v4;
	v4 =	vand.u32 $0x1C00, v5;
	v3 =	vadd.s32 s12, v0  }
.Ltmp4:
0x559: {  	v5 =	vand.u32 $0x388, v1;
	v56 =	vld.idx.msk [tilespmem:v39+s20+$0x0], $0xffff;
	v39 =	vor.u32 v18, v4;
	v44 =	vand.u32 $0x3F, v3;
	(pc) =	sbr.rel @p0 .LBB2_11-.Ltmp4, $4  }
0x55a: {  	v40 =	vshll.u32 v3, $0x7;
	v3 =	vor.u32 v5, v39;
	v1 =	vor.u32 v19, v44  }
0x55b: {  	s15 =	sadd.s32 $0x3, s10;
	v55 =	vor.u32 v14, v44;
	v4 =	vor.u32 v0, v40;
	v6 =	vand.u32 $0x1C00, v40;
	[tilespmem:v9+s1+$0x0] =	vst.idx.msk $0xffff, v7  }
0x55c: {  	s17 =	sadd.s32 $0x2, s10;
	v7 =	vadd.s32 s15, v0;
	v4 =	vand.u32 $0x388, v4;
	v41 =	vor.u32 v18, v6;
	v5 =	vld.idx.msk [tilespmem:v8+s20+$0x0], $0xffff;
	[tilespmem:v10+s1+$0x0] =	vst.idx.msk $0xffff, v12  }
0x55d: {  	s12 =	sadd.s32 $0x1, s10;
	s10 =	sadd.s32 $0x8, s10;
	v6 =	vadd.s32 s17, v0;
	v45 =	vand.u32 $0x3F, v7;
	v4 =	vor.u32 v4, v41;
	v57 =	vld.idx.msk [tilespmem:v57+s20+$0x0], $0xffff  }
0x55e: {  	_ = 	snop  }
0x55f: {  	v8 =	vadd.s32 s12, v0;
	v10 =	vand.u32 $0x3F, v6  }
0x560: {  	v9 =	vor.u32 v14, v45;
	v58 =	vshll.u32 v7, $0x7;
	v59 =	vand.u32 $0x3F, v8  }
0x561: {  	[tilespmem:$0x1FEF0] =	vst v10;
	v10 =	vor.u32 v14, v10;
	v11 =	vor.u32 v0, v58;
	v12 =	vand.u32 $0x1C00, v58  }
0x562: {  	v7 =	vor.u32 v14, v59;
	[tilespmem:v53+s1+$0x0] =	vst.idx.msk $0xffff, v56;
	v13 =	vld.idx.msk [tilespmem:v54+s20+$0x0], $0xffff;
	v12 =	vor.u32 v18, v12  }
0x563: {  	v53 =	vshll.u32 v6, $0x7;
	v6 =	vand.u32 $0x388, v11;
	v56 =	vshll.u32 v8, $0x7;
	[tilespmem:$0x1FEE0] =	vst v12  }
0x564: {  	v11 =	vor.u32 v0, v53;
	v6 =	vor.u32 v6, v12;
	v8 =	vand.u32 $0x1C00, v53;
	v15 =	vld.idx.msk [tilespmem:v55+s20+$0x0], $0xffff  }
0x565: {  	[tilespmem:v62+s1+$0x0] =	vst.idx.msk $0xffff, v5;
	v5 =	vand.u32 $0x388, v11;
	v62 =	vor.u32 v18, v8;
	v9 =	vld.idx.msk [tilespmem:v9+s20+$0x0], $0xffff  }
0x566: {  	v5 =	vor.u32 v5, v62;
	v10 =	vld.idx.msk [tilespmem:v10+s20+$0x0], $0xffff  }
0x567: {  	v54 =	vand.u32 $0x1C00, v56;
	v11 =	vor.u32 v0, v56;
	[tilespmem:v3+s1+$0x0] =	vst.idx.msk $0xffff, v13  }
0x568: {  	v54 =	vor.u32 v18, v54;
	v8 =	vand.u32 $0x388, v11;
	v55 =	vld [tilespmem:$0x1FEF0]  }
0x569: {  	v8 =	vor.u32 v8, v54;
	v7 =	vld.idx.msk [tilespmem:v7+s20+$0x0], $0xffff;
	[tilespmem:v4+s1+$0x0] =	vst.idx.msk $0xffff, v15  }
0x56a: {  	[tilespmem:v6+s1+$0x0] =	vst.idx.msk $0xffff, v9  }
0x56b: {  	v11 =	vor.u32 v19, v59;
	v13 =	vld.idx.msk [tilespmem:v63+s20+$0x0], $0xffff;
	[tilespmem:v5+s1+$0x0] =	vst.idx.msk $0xffff, v10  }
0x56c: {  	v12 =	vor.u32 v19, v45;
	v63 =	vld [tilespmem:$0x1FEE0]  }
0x56d: {  	v2 =	vand.u32 $0x398, v2;
	v4 =	vor.u32 v20, v40;
	v3 =	vor.u32 v19, v55  }
0x56e: {  	v2 =	vor.u32 v2, v39;
	v4 =	vand.u32 $0x398, v4;
	[tilespmem:v8+s1+$0x0] =	vst.idx.msk $0xffff, v7;
	v7 =	vor.u32 v20, v56  }
0x56f: {  	v15 =	vor.u32 v20, v58;
	v1 =	vld.idx.msk [tilespmem:v1+s20+$0x0], $0xffff;
	v4 =	vor.u32 v4, v41;
	v7 =	vand.u32 $0x398, v7  }
0x570: {  	v9 =	vand.u32 $0x398, v15;
	v5 =	vor.u32 v20, v53;
	v8 =	vld.idx.msk [tilespmem:v11+s20+$0x0], $0xffff;
	v7 =	vor.u32 v7, v54  }
0x571: {  	v10 =	vld.idx.msk [tilespmem:v12+s20+$0x0], $0xffff;
	v5 =	vand.u32 $0x398, v5;
	v9 =	vor.u32 v9, v63  }
0x572: {  	v6 =	vor.u32 v21, v44;
	v5 =	vor.u32 v5, v62;
	v3 =	vld.idx.msk [tilespmem:v3+s20+$0x0], $0xffff  }
0x573: {  	v15 =	vor.u32 v22, v40;
	[tilespmem:v2+s1+$0x0] =	vst.idx.msk $0xffff, v13  }
0x574: {  	v11 =	vor.u32 v21, v45;
	v13 =	vor.u32 v21, v59;
	[tilespmem:v4+s1+$0x0] =	vst.idx.msk $0xffff, v1  }
0x575: {  	v12 =	vor.u32 v21, v55;
	v2 =	vand.u32 $0x3A8, v61;
	v55 =	vld.idx.msk [tilespmem:v60+s20+$0x0], $0xffff;
	[tilespmem:v7+s1+$0x0] =	vst.idx.msk $0xffff, v8  }
0x576: {  	v2 =	vor.u32 v2, v39;
	v60 =	vor.u32 v22, v58;
	v1 =	vand.u32 $0x3A8, v15;
	[tilespmem:v9+s1+$0x0] =	vst.idx.msk $0xffff, v10  }
0x577: {  	v6 =	vld.idx.msk [tilespmem:v6+s20+$0x0], $0xffff;
	v1 =	vor.u32 v1, v41;
	v7 =	vor.u32 v22, v56;
	[tilespmem:v5+s1+$0x0] =	vst.idx.msk $0xffff, v3  }
0x578: {  	v4 =	vor.u32 v23, v44;
	v15 =	vor.u32 v24, v40;
	v7 =	vand.u32 $0x3A8, v7;
	v61 =	vld [tilespmem:$0x1FEF0]  }
0x579: {  	v7 =	vor.u32 v7, v54;
	v9 =	vand.u32 $0x3A8, v60;
	v10 =	vld.idx.msk [tilespmem:v13+s20+$0x0], $0xffff;
	v3 =	vor.u32 v22, v53  }
0x57a: {  	v13 =	vor.u32 v23, v59;
	v5 =	vld.idx.msk [tilespmem:v11+s20+$0x0], $0xffff;
	v9 =	vor.u32 v9, v63;
	v3 =	vand.u32 $0x3A8, v3  }
0x57b: {  	v60 =	vor.u32 v24, v58;
	v8 =	vld.idx.msk [tilespmem:v12+s20+$0x0], $0xffff;
	[tilespmem:v2+s1+$0x0] =	vst.idx.msk $0xffff, v55;
	v3 =	vor.u32 v3, v62  }
0x57c: {  	v11 =	vor.u32 v23, v45;
	v2 =	vand.u32 $0x3B8, v51;
	[tilespmem:v1+s1+$0x0] =	vst.idx.msk $0xffff, v6;
	v1 =	vand.u32 $0x3B8, v15  }
0x57d: {  	v6 =	vor.u32 v25, v44;
	v51 =	vld.idx.msk [tilespmem:v52+s20+$0x0], $0xffff;
	v2 =	vor.u32 v2, v39;
	v12 =	vor.u32 v23, v61  }
0x57e: {  	v4 =	vld.idx.msk [tilespmem:v4+s20+$0x0], $0xffff;
	v1 =	vor.u32 v1, v41;
	[tilespmem:v7+s1+$0x0] =	vst.idx.msk $0xffff, v10;
	v7 =	vor.u32 v24, v56  }
0x57f: {  	v15 =	vor.u32 v26, v40;
	[tilespmem:v9+s1+$0x0] =	vst.idx.msk $0xffff, v5;
	v5 =	vand.u32 $0x3B8, v60;
	v7 =	vand.u32 $0x3B8, v7  }
0x580: {  	v10 =	vld.idx.msk [tilespmem:v13+s20+$0x0], $0xffff;
	v7 =	vor.u32 v7, v54;
	[tilespmem:v3+s1+$0x0] =	vst.idx.msk $0xffff, v8;
	v3 =	vor.u32 v24, v53  }
0x581: {  	[tilespmem:v50+s1+$0x0] =	vst.idx.msk $0xffff, v57;
	v5 =	vor.u32 v5, v63;
	v8 =	vld.idx.msk [tilespmem:v11+s20+$0x0], $0xffff;
	v3 =	vand.u32 $0x3B8, v3  }
0x582: {  	v11 =	vor.u32 v25, v45;
	[tilespmem:v2+s1+$0x0] =	vst.idx.msk $0xffff, v51;
	v3 =	vor.u32 v3, v62;
	v9 =	vld.idx.msk [tilespmem:v12+s20+$0x0], $0xffff  }
0x583: {  	v13 =	vor.u32 v25, v59;
	v60 =	vor.u32 v26, v58;
	v2 =	vand.u32 $0x3C8, v49;
	[tilespmem:v1+s1+$0x0] =	vst.idx.msk $0xffff, v4  }
0x584: {  	v1 =	vand.u32 $0x3C8, v15;
	v48 =	vld.idx.msk [tilespmem:v48+s20+$0x0], $0xffff;
	v2 =	vor.u32 v2, v39;
	v12 =	vor.u32 v25, v61  }
0x585: {  	v6 =	vld.idx.msk [tilespmem:v6+s20+$0x0], $0xffff;
	v1 =	vor.u32 v1, v41;
	[tilespmem:v7+s1+$0x0] =	vst.idx.msk $0xffff, v10;
	v7 =	vor.u32 v26, v56  }
0x586: {  	v4 =	vor.u32 v27, v44;
	[tilespmem:v5+s1+$0x0] =	vst.idx.msk $0xffff, v8;
	v5 =	vand.u32 $0x3C8, v60;
	v7 =	vand.u32 $0x3C8, v7  }
0x587: {  	v8 =	vld.idx.msk [tilespmem:v11+s20+$0x0], $0xffff;
	v5 =	vor.u32 v5, v63;
	[tilespmem:v3+s1+$0x0] =	vst.idx.msk $0xffff, v9;
	v3 =	vor.u32 v26, v53  }
0x588: {  	v10 =	vld.idx.msk [tilespmem:v13+s20+$0x0], $0xffff;
	v11 =	vor.u32 v27, v45;
	v7 =	vor.u32 v7, v54;
	v3 =	vand.u32 $0x3C8, v3  }
0x589: {  	v15 =	vor.u32 v28, v40;
	[tilespmem:v2+s1+$0x0] =	vst.idx.msk $0xffff, v48;
	v9 =	vld.idx.msk [tilespmem:v12+s20+$0x0], $0xffff;
	v3 =	vor.u32 v3, v62  }
0x58a: {  	v51 =	vor.u32 v28, v58;
	v13 =	vor.u32 v27, v59;
	v2 =	vand.u32 $0x3D8, v47;
	[tilespmem:v1+s1+$0x0] =	vst.idx.msk $0xffff, v6  }
0x58b: {  	v1 =	vand.u32 $0x3D8, v15;
	v46 =	vld.idx.msk [tilespmem:v46+s20+$0x0], $0xffff;
	v2 =	vor.u32 v2, v39;
	v12 =	vor.u32 v27, v61  }
0x58c: {  	v6 =	vor.u32 v29, v44;
	v4 =	vld.idx.msk [tilespmem:v4+s20+$0x0], $0xffff;
	v1 =	vor.u32 v1, v41;
	[tilespmem:v5+s1+$0x0] =	vst.idx.msk $0xffff, v8  }
0x58d: {  	v5 =	vand.u32 $0x3D8, v51;
	[tilespmem:v7+s1+$0x0] =	vst.idx.msk $0xffff, v10;
	v7 =	vor.u32 v28, v56;
	v8 =	vld.idx.msk [tilespmem:v11+s20+$0x0], $0xffff  }
0x58e: {  	v5 =	vor.u32 v5, v63;
	v7 =	vand.u32 $0x3D8, v7;
	[tilespmem:v3+s1+$0x0] =	vst.idx.msk $0xffff, v9;
	v3 =	vor.u32 v28, v53  }
0x58f: {  	v10 =	vld.idx.msk [tilespmem:v13+s20+$0x0], $0xffff;
	v11 =	vor.u32 v29, v45;
	v7 =	vor.u32 v7, v54;
	v3 =	vand.u32 $0x3D8, v3  }
0x590: {  	v55 =	vor.u32 v30, v58;
	[tilespmem:v2+s1+$0x0] =	vst.idx.msk $0xffff, v46;
	v9 =	vld.idx.msk [tilespmem:v12+s20+$0x0], $0xffff;
	v3 =	vor.u32 v3, v62  }
0x591: {  	v15 =	vor.u32 v30, v40;
	v2 =	vand.u32 $0x3E8, v42;
	v13 =	vor.u32 v29, v59;
	[tilespmem:v1+s1+$0x0] =	vst.idx.msk $0xffff, v4  }
0x592: {  	v1 =	vand.u32 $0x3E8, v15;
	v52 =	vld.idx.msk [tilespmem:v43+s20+$0x0], $0xffff;
	v2 =	vor.u32 v2, v39;
	v12 =	vor.u32 v29, v61  }
0x593: {  	v6 =	vld.idx.msk [tilespmem:v6+s20+$0x0], $0xffff;
	v1 =	vor.u32 v1, v41;
	[tilespmem:v5+s1+$0x0] =	vst.idx.msk $0xffff, v8;
	v5 =	vand.u32 $0x3E8, v55  }
0x594: {  	v8 =	vld.idx.msk [tilespmem:v11+s20+$0x0], $0xffff;
	v5 =	vor.u32 v5, v63;
	[tilespmem:v7+s1+$0x0] =	vst.idx.msk $0xffff, v10;
	v7 =	vor.u32 v30, v56  }
0x595: {  	v4 =	vor.u32 v31, v44;
	v7 =	vand.u32 $0x3E8, v7;
	[tilespmem:v3+s1+$0x0] =	vst.idx.msk $0xffff, v9;
	v3 =	vor.u32 v30, v53  }
0x596: {  	v15 =	vor.u32 v31, v61;
	v10 =	vld.idx.msk [tilespmem:v13+s20+$0x0], $0xffff;
	v7 =	vor.u32 v7, v54;
	v3 =	vand.u32 $0x3E8, v3  }
0x597: {  	v11 =	vor.u32 v31, v45;
	[tilespmem:v2+s1+$0x0] =	vst.idx.msk $0xffff, v52;
	v9 =	vld.idx.msk [tilespmem:v12+s20+$0x0], $0xffff;
	v3 =	vor.u32 v3, v62  }
0x598: {  	v59 =	vor.u32 v31, v59;
	v61 =	vor.u32 v32, v58;
	v2 =	vld.idx.msk [tilespmem:v36+s20+$0x0], $0xffff;
	[tilespmem:v1+s1+$0x0] =	vst.idx.msk $0xffff, v6  }
0x599: {  	v60 =	vor.u32 v32, v40;
	v13 =	vld.idx.msk [tilespmem:v34+s20+$0x0], $0xffff;
	[tilespmem:v5+s1+$0x0] =	vst.idx.msk $0xffff, v8;
	v5 =	vand.u32 $0x3F8, v61;
	v12 =	vand.u32 $0x3F8, v38  }
0x59a: {  	v1 =	vld.idx.msk [tilespmem:v37+s20+$0x0], $0xffff;
	v5 =	vor.u32 v5, v63;
	v6 =	vor.u32 v12, v39;
	v12 =	vand.u32 $0x3F8, v60  }
0x59b: {  	v4 =	vld.idx.msk [tilespmem:v4+s20+$0x0], $0xffff;
	[tilespmem:v7+s1+$0x0] =	vst.idx.msk $0xffff, v10;
	v7 =	vor.u32 v32, v56;
	v8 =	vor.u32 v12, v41  }
0x59c: {  	v7 =	vand.u32 $0x3F8, v7;
	[tilespmem:v3+s1+$0x0] =	vst.idx.msk $0xffff, v9;
	v3 =	vor.u32 v32, v53;
	v9 =	vld.idx.msk [tilespmem:v11+s20+$0x0], $0xffff  }
0x59d: {  	[tilespmem:v35+s1+$0x0] =	vst.idx.msk $0xffff, v2;
	v7 =	vor.u32 v7, v54;
	v11 =	vld.idx.msk [tilespmem:v59+s20+$0x0], $0xffff;
	v3 =	vand.u32 $0x3F8, v3  }
0x59e: {  	[tilespmem:v33+s1+$0x0] =	vst.idx.msk $0xffff, v13;
	v10 =	vld.idx.msk [tilespmem:v15+s20+$0x0], $0xffff;
	v3 =	vor.u32 v3, v62  }
0x59f: {  	[tilespmem:v6+s1+$0x0] =	vst.idx.msk $0xffff, v1  }
0x5a0: {  	[tilespmem:v8+s1+$0x0] =	vst.idx.msk $0xffff, v4  }
0x5a1: {  	[tilespmem:v5+s1+$0x0] =	vst.idx.msk $0xffff, v9  }
0x5a2: {  	[tilespmem:v7+s1+$0x0] =	vst.idx.msk $0xffff, v11  }
0x5a3: {  	[tilespmem:v3+s1+$0x0] =	vst.idx.msk $0xffff, v10  }
0x5a4: {  	v4 =	vld [tilespmem:$0x1FF00]  }
0x5a5: {  	v5 =	vld [tilespmem:$0x1FF10]  }
0x5a6: {  	v6 =	vld [tilespmem:$0x1FF20]  }
0x5a7: {  	v36 =	vld [tilespmem:$0x1FF30]  }
0x5a8: {  	v10 =	vld [tilespmem:$0x1FF40]  }
0x5a9: {  	v9 =	vld [tilespmem:$0x1FF50]  }
0x5aa: {  	v11 =	vld [tilespmem:$0x1FF60]  }
0x5ab: {  	s11 =	sadd.s32 $0x1, s11;
	v12 =	vld [tilespmem:$0x1FF70]  }
0x5ac: {  	p0 =	sne.s32 s11, $0x28;
	v13 =	vld [tilespmem:$0x1FF80]  }
.Ltmp5:
0x5ad: {  	s0 =	sshll.u32 s0, $0x12;
	v15 =	vld [tilespmem:$0x1FF90];
	(pc) =	sbr.rel @p0 .LBB2_2-.Ltmp5, $4  }
0x5ae: {  	s0 =	sor.u32 s5, s0;
	v8 =	vld [tilespmem:$0x1FFA0]  }
0x5af: {  	s0 =	sshrl.u32 s0, $0x3;
	v44 =	vld [tilespmem:$0x1FFC0]  }
0x5b0: {  	s0 =	sadd.s32 s2, s0;
	v45 =	vld [tilespmem:$0x1FFE0]  }
0x5b1: {  	[hbm4b:s0+s22] =	stream.strided.scatter [tilespmem:s1], [sflag:$0xA], $0x2000, s23, s22, $0x38;
	v46 =	vld [tilespmem:$0x1FFF0]  }
0x5b2: {  	s0 =	simm.s32 $0x6  }
0x5b3: {  	_ =	swait.ge [sflag:s0], $0x2000  }
0x5b4: {  	[sflag:s0] =	ssyncset.done $0x0  }
0x5b5: {  	s11 =	simm.s32 $0x7;
	[sflag:s0] =	ssyncadd.s32 $0xFFFFE000  }
0x5b6: {  	_ =	swait.ge [sflag:s11], $0x2000  }
0x5b7: {  	[sflag:s11] =	ssyncset.done $0x0  }
0x5b8: {  	s12 =	simm.s32 $0x8;
	[sflag:s11] =	ssyncadd.s32 $0xFFFFE000  }
0x5b9: {  	_ =	swait.ge [sflag:s12], $0x2000  }
0x5ba: {  	[sflag:s12] =	ssyncset.done $0x0  }
0x5bb: {  	s15 =	simm.s32 $0x9;
	[sflag:s12] =	ssyncadd.s32 $0xFFFFE000  }
0x5bc: {  	_ =	swait.ge [sflag:s15], $0x2000  }
0x5bd: {  	[sflag:s15] =	ssyncset.done $0x0  }
0x5be: {  	s3 =	simm.s32 $0xA;
	[sflag:s15] =	ssyncadd.s32 $0xFFFFE000  }
0x5bf: {  	_ =	swait.ge [sflag:s3], $0x2000  }
0x5c0: {  	s6 =	rddreg [dreg:$0x5]  }
0x5c1: {  	s17 =	rddreg [dreg:$0x4];
	s6 =	sadd.s32 $0x1, s6  }
0x5c2: {  	p0 =	sne.s32 s6, s17  }
.Ltmp6:
0x5c3: {  	_ = 	snop;
	(pc) =	sbr.rel @p0 .LBB2_1-.Ltmp6, $3  }
0x5c4: {  	_ =	sdelay $0x1  }
0x5c5: {  	[sflag:s3] =	ssyncset.done $0x0  }
0x5c6: {  	[sflag:s3] =	ssyncadd.s32 $0xFFFFE000  }
0x5c7: {  	_ =	sfence.sel $0x180000  }
0x5c8: {  	[bflag:$0x0] =	sbarrier.arrive $0xFFFF  }
0x5c9: {  	_ =	strace $0x90000047  }
0x5ca: {  	s0 =	stileid.u32;
	[bflag:$0x2] =	sbarrier.arrive $0xFFFF  }
0x5cb: {  	p0 =	sne.s32 s0, $0x0;
	s0 =	rddreg [dreg:$0x2]  }
0x5cc: {  	s0 =	sadd.s32 @!p0 $0x100000, s0  }
0x5cd: {  	[sflag:s0] =	ssyncadd.tile.s32 @!p0 $0x1;
	_ =	shalt  }
.Lfunc_end2:
_tile_overlayer_lowered:
.L_overlay_start_2:
0x5ce: {  	(tag) =	ssettag $0x2  }
0x5cf: {  	s0 =	rddreg [dreg:$0x0];
	s2 =	stileid.u32  }
0x5d0: {  	s1 =	rddreg [dreg:$0x1];
	p0 =	sne.s32 s2, $0x0  }
0x5d1: {  	s3 =	rddreg [dreg:$0x2];
	[bflag:$0x3] =	sbarrier.arrive $0xFFFF;
	s2 =	simm.s32 @!p0 $0x1C0B  }
0x5d2: {  	[timem:s3], [sflag:s2] =	dma.local @!p0 [hbm:s0], s1  }
0x5d3: {  	s0 =	simm.s32 @!p0 $0xB  }
0x5d4: {  	_ =	swait.ge @!p0 [sflag:s0], s1  }
0x5d5: {  	s1 =	ssub.s32 @!p0 $0x0, s1;
	[sflag:s0] =	ssyncset.done @!p0 $0x0  }
0x5d6: {  	[sflag:s0] =	ssyncadd.s32 @!p0 s1  }
0x5d7: {  	[bflag:$0x3] =	sbarrier.arrive $0xFFFF  }
0x5d8: {  	_ =	shalt  }

</sc_bundles>
